<compile_context>
chip_gen: v7x
topology: tpu7x:2x2x1
jax: 0.10.2.dev20260603
libtpu: 0.0.44.dev20260713+nightly
codegen_flags: <defaults>
</compile_context>

<pallas_src>
import functools

import jax
import jax.numpy as jnp
from jax import lax
from jax.experimental import pallas as pl
from jax.experimental.pallas import tpu as pltpu
from jax.experimental.pallas import tpu_sc as plsc

N, H, W = 4, 512, 512
NP = N * H * W
V = 25000
F = 200000
NWORK = 32

CF = 1024
CHUNKS_F = 7
FPAD = NWORK * CHUNKS_F * CF
BP = 2048
CHUNKS_P = NP // (NWORK * BP)

_mesh = plsc.VectorSubcoreMesh(core_axis_name="c", subcore_axis_name="s")
_params = pltpu.CompilerParams(needs_layout_passes=False,
                               use_tc_tiling_on_sc=False)


def _wid():
    return lax.axis_index("s") * 2 + lax.axis_index("c")


NIR_F = 3 * CF // 128
FROWS = FPAD // 128

_BUILD_SCRATCH = [
    pltpu.VMEM((2 * NIR_F, 128), jnp.int32),
    pltpu.VMEM((2 * 3 * CF, 8), jnp.float32),
    pltpu.VMEM((2 * CF, 16), jnp.float32),
    pltpu.SemaphoreType.DMA((2,)),
    pltpu.SemaphoreType.DMA((2,)),
]


def _build_table_body(faces_hbm, verts_hbm, table_hbm, vidx_v, g_v, row_v,
                      gsem, osem):
    wid = _wid()
    iota = lax.iota(jnp.int32, 16)

    def prefetch(k, d):
        c = wid * CHUNKS_F + k
        for v in range(3):
            pltpu.sync_copy(
                faces_hbm.at[pl.ds(v * FROWS + c * (CF // 128), CF // 128)],
                vidx_v.at[pl.ds(d * NIR_F + v * (CF // 128), CF // 128)])
        for t in range(NIR_F):
            pltpu.async_copy(verts_hbm.at[vidx_v.at[d * NIR_F + t]],
                             g_v.at[pl.ds(d * 3 * CF + t * 128, 128)],
                             gsem.at[d])

    prefetch(0, 0)

    def chunk_body(k, carry):
        d = k & 1

        @pl.when(k < CHUNKS_F - 1)
        def _():
            prefetch(k + 1, 1 - d)

        pltpu.make_async_copy(verts_hbm.at[pl.ds(0, 3 * CF)],
                              g_v.at[pl.ds(d * 3 * CF, 3 * CF)],
                              gsem.at[d]).wait()

        @pl.when(k >= 2)
        def _():
            c2 = wid * CHUNKS_F + (k - 2)
            pltpu.make_async_copy(row_v.at[pl.ds(d * CF, CF)],
                                  table_hbm.at[pl.ds(c2 * CF, CF)],
                                  osem.at[d]).wait()

        def vec_body(i, carry2):
            fl = i * 16 + iota
            for v in range(3):
                r = d * 3 * CF + v * CF + fl
                for ch in range(3):
                    col = plsc.load_gather(
                        g_v, [r, jnp.full((16,), ch, jnp.int32)])
                    plsc.store_scatter(
                        row_v,
                        [d * CF + fl, jnp.full((16,), 3 * v + ch, jnp.int32)],
                        col)
            return carry2

        lax.fori_loop(0, CF // 16, vec_body, 0)
        c = wid * CHUNKS_F + k
        pltpu.async_copy(row_v.at[pl.ds(d * CF, CF)],
                         table_hbm.at[pl.ds(c * CF, CF)], osem.at[d])
        return carry

    lax.fori_loop(0, CHUNKS_F, chunk_body, 0)
    for k in (CHUNKS_F - 2, CHUNKS_F - 1):
        c = wid * CHUNKS_F + k
        pltpu.make_async_copy(row_v.at[pl.ds((k & 1) * CF, CF)],
                              table_hbm.at[pl.ds(c * CF, CF)],
                              osem.at[k & 1]).wait()


ROWS_C = BP // W
NIR = BP // 128

_INTERP_SCRATCH = [
    pltpu.VMEM((2 * NIR, 128), jnp.int32),
    pltpu.VMEM((2 * BP, 16), jnp.float32),
    pltpu.VMEM((2 * 3 * ROWS_C, W), jnp.float32),
    pltpu.VMEM((2 * 3 * ROWS_C, W), jnp.float32),
    pltpu.SemaphoreType.DMA((2,)),
    pltpu.SemaphoreType.DMA((2,)),
]


def _interp_body(pidx_hbm, bary_hbm, table_hbm, out_hbm, idx_v, rows_v, bary_v,
                 out_v, gsem, osem):
    wid = _wid()
    iota = lax.iota(jnp.int32, 16)
    gs = jnp.float32(2.0 / 511.0)

    def prefetch(k, d):
        ck = wid * CHUNKS_P + k
        pltpu.sync_copy(pidx_hbm.at[pl.ds(ck * NIR, NIR)],
                        idx_v.at[pl.ds(d * NIR, NIR)])
        for j in range(NIR):
            pltpu.async_copy(table_hbm.at[idx_v.at[d * NIR + j]],
                             rows_v.at[pl.ds(d * BP + j * 128, 128)],
                             gsem.at[d])
        pltpu.sync_copy(bary_hbm.at[pl.ds(ck * 3 * ROWS_C, 3 * ROWS_C)],
                        bary_v.at[pl.ds(d * 3 * ROWS_C, 3 * ROWS_C)])

    def drain_gathers(d):
        pltpu.make_async_copy(table_hbm.at[pl.ds(0, BP)],
                              rows_v.at[pl.ds(d * BP, BP)],
                              gsem.at[d]).wait()

    def out_copy(k, d, do_wait):
        ck = wid * CHUNKS_P + k
        n = ck >> 7
        h0 = (ck & 127) * ROWS_C
        for ch in range(3):
            src = out_v.at[pl.ds((d * 3 + ch) * ROWS_C, ROWS_C)]
            dst = out_hbm.at[pl.ds((n * 3 + ch) * H + h0, ROWS_C)]
            if do_wait:
                pltpu.make_async_copy(src, dst, osem.at[d]).wait()
            else:
                pltpu.async_copy(src, dst, osem.at[d])

    prefetch(0, 0)

    def chunk_body(k, carry):
        d = k & 1

        @pl.when(k < CHUNKS_P - 1)
        def _():
            prefetch(k + 1, 1 - d)

        drain_gathers(d)

        @pl.when(k >= 2)
        def _():
            out_copy(k - 2, d, True)

        ck = wid * CHUNKS_P + k
        base = ck * BP

        def vec_body(i, carry2):
            rl = i >> 5
            w0 = (i & 31) * 16
            q = i * 16 + iota
            b = [bary_v[d * 3 * ROWS_C + 3 * rl + v, pl.ds(w0, 16)]
                 for v in range(3)]
            wf = lax.convert_element_type(w0 + iota, jnp.float32)
            hrow = (ck * ROWS_C + rl) & 511
            hf = lax.convert_element_type(hrow, jnp.float32)
            grid = (wf * gs - 1.0, hf * gs - 1.0, None)
            qd = d * BP + q
            for ch in range(3):
                acc = b[0] * plsc.load_gather(
                    rows_v, [qd, jnp.full((16,), ch, jnp.int32)])
                acc = acc + b[1] * plsc.load_gather(
                    rows_v, [qd, jnp.full((16,), 3 + ch, jnp.int32)])
                acc = acc + b[2] * plsc.load_gather(
                    rows_v, [qd, jnp.full((16,), 6 + ch, jnp.int32)])
                if grid[ch] is not None:
                    acc = acc + grid[ch]
                out_v[(d * 3 + ch) * ROWS_C + rl, pl.ds(w0, 16)] = acc
            return carry2

        lax.fori_loop(0, BP // 16, vec_body, 0)
        out_copy(k, d, False)
        return carry

    lax.fori_loop(0, CHUNKS_P, chunk_body, 0)
    out_copy(CHUNKS_P - 2, 0, True)
    out_copy(CHUNKS_P - 1, 1, True)


_build_table = pl.kernel(
    _build_table_body,
    out_type=jax.ShapeDtypeStruct((FPAD, 16), jnp.float32),
    mesh=_mesh,
    scratch_types=_BUILD_SCRATCH,
    compiler_params=_params,
)

_interp = pl.kernel(
    _interp_body,
    out_type=jax.ShapeDtypeStruct((N * 3 * H, W), jnp.float32),
    mesh=_mesh,
    scratch_types=_INTERP_SCRATCH,
    compiler_params=_params,
)


@jax.jit
def kernel(pix_to_face, bary_coords, faces, verts_scene_flow):
    verts_packed = jnp.pad(verts_scene_flow.reshape(-1, 3), ((0, 0), (0, 5)))
    faces_planes = jnp.pad(jnp.transpose(faces), ((0, 0), (0, FPAD - F)))
    faces2d = faces_planes.reshape(-1, 128)
    pidx2d = pix_to_face.reshape(-1, 128)
    bary_t = jnp.transpose(bary_coords, (0, 1, 4, 3, 2)).reshape(N * H * 3, W)
    table = _build_table(faces2d, verts_packed)
    out = _interp(pidx2d, bary_t, table)
    return jnp.transpose(out.reshape(N, 3, H, W), (0, 2, 3, 1))

# --- scband reference (transcript-rebuilt; emitter-appended) ---
"""Pipeline reference for scband-optical-flow-shader-3418793968176 (READ-ONLY COPY).

The authoritative reference and input builder live on the scoring server;
editing this copy changes nothing except your own understanding.
"""

import jax, jax.numpy as jnp
import numpy as np

N, H, W, K = 4, 512, 512, 1
V = 25000
F = 200000


def setup_inputs(seed: int = 0) -> dict:
    key = jax.random.key(seed)
    k1, k2, k3, k4 = jax.random.split(key, 4)
    pix_to_face = jax.random.randint(k1, (N, H, W, K), 0, F, dtype=jnp.int32)
    bary = jax.random.uniform(k2, (N, H, W, K, 3), dtype=jnp.float32)
    bary = bary / jnp.sum(bary, axis=-1, keepdims=True)
    faces = jax.random.randint(k3, (F, 3), 0, N * V, dtype=jnp.int32)
    verts_scene_flow = jax.random.normal(k4, (N, V, 3), dtype=jnp.float32) * 0.01
    return {
        "pix_to_face": pix_to_face,
        "bary_coords": bary,
        "faces": faces,
        "verts_scene_flow": verts_scene_flow,
    }


def gen_mesh_grid(Hh, Ww, Nn=1):
    h_grid = jnp.broadcast_to(jnp.linspace(-1.0, 1.0, Hh)[:, None], (Hh, Ww))
    v_grid = jnp.broadcast_to(jnp.linspace(-1.0, 1.0, Ww)[None, :], (Hh, Ww))
    mesh_grid = jnp.concatenate([v_grid[..., None], h_grid[..., None]], axis=2)
    mesh_grid = jnp.broadcast_to(mesh_grid[None], (Nn, Hh, Ww, 2))
    mesh_grid = jnp.concatenate([mesh_grid, jnp.zeros((Nn, Hh, Ww, 1), dtype=mesh_grid.dtype)], axis=-1)
    return mesh_grid


def reference(pix_to_face, bary_coords, faces, verts_scene_flow):
    # padded_to_packed: [N, V, 3] -> [N*V, 3]
    verts_packed = verts_scene_flow.reshape(-1, 3)
    # faces_flow: [F, 3, 3] gather of per-vertex flow for each face
    faces_flow = jnp.take(verts_packed, faces, axis=0)
    # interpolate_face_attributes
    mask = pix_to_face >= 0
    safe_idx = jnp.where(mask, pix_to_face, 0)
    # [N, H, W, K, 3(verts), 3(chan)]
    pixel_face_attrs = jnp.take(faces_flow, safe_idx, axis=0)
    pixel_flow = jnp.sum(bary_coords[..., None] * pixel_face_attrs, axis=-2)
    pixel_flow = jnp.where(mask[..., None], pixel_flow, 0.0)
    Nn, Hh, Ww, _, _ = pixel_flow.shape
    mesh_grid = gen_mesh_grid(Hh, Ww, Nn)
    pixel_flow = jnp.squeeze(pixel_flow, axis=-2) + mesh_grid
    return pixel_flow

if __name__ == "__main__":
    import jax
    _d = setup_inputs()
    print(jax.jit(kernel)(*tuple(_d.values())))

</pallas_src>

<mosaic_0001>
#map = affine_map<(d0, d1) -> (0, 0)>
module attributes {stable_mosaic.version = 14 : i64} {
  func.func @_build_table_body(%arg0: i32, %arg1: i32, %arg2: memref<5376x128xi32, #tpu.memory_space<hbm>>, %arg3: memref<100000x8xf32, #tpu.memory_space<hbm>>, %arg4: memref<229376x16xf32, #tpu.memory_space<hbm>>, %arg5: memref<48x128xi32, #tpu.memory_space<vmem>>, %arg6: memref<6144x8xf32, #tpu.memory_space<vmem>>, %arg7: memref<2048x16xf32, #tpu.memory_space<vmem>>, %arg8: memref<2x!tpu.dma_semaphore, #tpu.memory_space<semaphore_mem>>, %arg9: memref<2x!tpu.dma_semaphore, #tpu.memory_space<semaphore_mem>>) attributes {dimension_semantics = [#tpu.dimension_semantics<core_parallel>, #tpu.dimension_semantics<subcore_parallel>], iteration_bounds = array<i64: 2, 16>, scalar_prefetch = 0 : i64, scratch_operands = 5 : i64, tpu.core_type = #tpu.core_type<sc_vector_subcore>, window_params = [{transform_indices = #map}, {transform_indices = #map}, {transform_indices = #map}]} {
    %mul3A = arith.constant 2 : i32
    %mul3A_0 = arith.muli %arg1, %mul3A : i32
    %add3A = arith.addi %mul3A_0, %arg0 : i32
    %iota3A = tpu.iota {dimensions = array<i32: 0>} : vector<16xi32>
    %mul3A_1 = arith.constant 7 : i32
    %mul3A_2 = arith.muli %add3A, %mul3A_1 : i32
    %add3A_3 = arith.constant 0 : i32
    %add3A_4 = arith.addi %mul3A_2, %add3A_3 : i32
    %mul3A_5 = arith.constant 8 : i32
    %mul3A_6 = arith.muli %add3A_4, %mul3A_5 : i32
    %add3A_7 = arith.constant 0 : i32
    %add3A_8 = arith.addi %add3A_7, %mul3A_6 : i32
    "tpu.region"() ({
      %run_scoped3A = tpu.sem_alloc : memref<!tpu.dma_semaphore, #tpu.memory_space<semaphore_mem>>
      %dma_start3A_370 = arith.constant 0 : i32
      %dma_start3A_371 = arith.constant 0 : i32
      %dma_start3A_372 = tpu.memref_slice %arg5[%dma_start3A_370, %dma_start3A_371] : memref<48x128xi32, #tpu.memory_space<vmem>> -> memref<8x128xi32, #tpu.memory_space<vmem>>
      %dma_start3A_373 = arith.constant 0 : i32
      %dma_start3A_374 = tpu.memref_slice %arg2[%add3A_8, %dma_start3A_373] : memref<5376x128xi32, #tpu.memory_space<hbm>> -> memref<8x128xi32, #tpu.memory_space<hbm>>
      %dma_start3A_375 = arith.constant 0 : i32
      %dma_start3A_376 = arith.constant 0 : i32
      %dma_start3A_377 = tpu.memref_slice %arg5[%dma_start3A_375, %dma_start3A_376] : memref<48x128xi32, #tpu.memory_space<vmem>> -> memref<8x128xi32, #tpu.memory_space<vmem>>
      %dma_start3A_378 = arith.constant 0 : i32
      %dma_start3A_379 = tpu.memref_slice %arg2[%add3A_8, %dma_start3A_378] : memref<5376x128xi32, #tpu.memory_space<hbm>> -> memref<8x128xi32, #tpu.memory_space<hbm>>
      tpu.enqueue_dma source(%dma_start3A_379 : memref<8x128xi32, #tpu.memory_space<hbm>>) target(%dma_start3A_377 : memref<8x128xi32, #tpu.memory_space<vmem>>) target_semaphore(%run_scoped3A : memref<!tpu.dma_semaphore, #tpu.memory_space<semaphore_mem>>)
      %dma_wait3A_380 = arith.constant 0 : i32
      %dma_wait3A_381 = arith.constant 0 : i32
      %dma_wait3A_382 = tpu.memref_slice %arg5[%dma_wait3A_380, %dma_wait3A_381] : memref<48x128xi32, #tpu.memory_space<vmem>> -> memref<8x128xi32, #tpu.memory_space<vmem>>
      %dma_wait3A_383 = arith.constant 0 : i32
      %dma_wait3A_384 = tpu.memref_slice %arg2[%add3A_8, %dma_wait3A_383] : memref<5376x128xi32, #tpu.memory_space<hbm>> -> memref<8x128xi32, #tpu.memory_space<hbm>>
      %dma_wait3A_385 = arith.constant 0 : i32
      %dma_wait3A_386 = arith.constant 0 : i32
      %dma_wait3A_387 = tpu.memref_slice %arg5[%dma_wait3A_385, %dma_wait3A_386] : memref<48x128xi32, #tpu.memory_space<vmem>> -> memref<8x128xi32, #tpu.memory_space<vmem>>
      %dma_wait3A_388 = arith.constant 0 : i32
      %dma_wait3A_389 = tpu.memref_slice %arg2[%add3A_8, %dma_wait3A_388] : memref<5376x128xi32, #tpu.memory_space<hbm>> -> memref<8x128xi32, #tpu.memory_space<hbm>>
      tpu.wait_dma2 semaphore(%run_scoped3A : memref<!tpu.dma_semaphore, #tpu.memory_space<semaphore_mem>>) src(%dma_wait3A_389 : memref<8x128xi32, #tpu.memory_space<hbm>>) dst(%dma_wait3A_387 : memref<8x128xi32, #tpu.memory_space<vmem>>)
      tpu.yield
    }) : () -> ()
    %mul3A_9 = arith.constant 8 : i32
    %mul3A_10 = arith.muli %add3A_4, %mul3A_9 : i32
    %add3A_11 = arith.constant 1792 : i32
    %add3A_12 = arith.addi %add3A_11, %mul3A_10 : i32
    "tpu.region"() ({
      %run_scoped3A = tpu.sem_alloc : memref<!tpu.dma_semaphore, #tpu.memory_space<semaphore_mem>>
      %dma_start3A_370 = arith.constant 8 : i32
      %dma_start3A_371 = arith.constant 0 : i32
      %dma_start3A_372 = tpu.memref_slice %arg5[%dma_start3A_370, %dma_start3A_371] : memref<48x128xi32, #tpu.memory_space<vmem>> -> memref<8x128xi32, #tpu.memory_space<vmem>>
      %dma_start3A_373 = arith.constant 0 : i32
      %dma_start3A_374 = tpu.memref_slice %arg2[%add3A_12, %dma_start3A_373] : memref<5376x128xi32, #tpu.memory_space<hbm>> -> memref<8x128xi32, #tpu.memory_space<hbm>>
      %dma_start3A_375 = arith.constant 8 : i32
      %dma_start3A_376 = arith.constant 0 : i32
      %dma_start3A_377 = tpu.memref_slice %arg5[%dma_start3A_375, %dma_start3A_376] : memref<48x128xi32, #tpu.memory_space<vmem>> -> memref<8x128xi32, #tpu.memory_space<vmem>>
      %dma_start3A_378 = arith.constant 0 : i32
      %dma_start3A_379 = tpu.memref_slice %arg2[%add3A_12, %dma_start3A_378] : memref<5376x128xi32, #tpu.memory_space<hbm>> -> memref<8x128xi32, #tpu.memory_space<hbm>>
      tpu.enqueue_dma source(%dma_start3A_379 : memref<8x128xi32, #tpu.memory_space<hbm>>) target(%dma_start3A_377 : memref<8x128xi32, #tpu.memory_space<vmem>>) target_semaphore(%run_scoped3A : memref<!tpu.dma_semaphore, #tpu.memory_space<semaphore_mem>>)
      %dma_wait3A_380 = arith.constant 8 : i32
      %dma_wait3A_381 = arith.constant 0 : i32
      %dma_wait3A_382 = tpu.memref_slice %arg5[%dma_wait3A_380, %dma_wait3A_381] : memref<48x128xi32, #tpu.memory_space<vmem>> -> memref<8x128xi32, #tpu.memory_space<vmem>>
      %dma_wait3A_383 = arith.constant 0 : i32
      %dma_wait3A_384 = tpu.memref_slice %arg2[%add3A_12, %dma_wait3A_383] : memref<5376x128xi32, #tpu.memory_space<hbm>> -> memref<8x128xi32, #tpu.memory_space<hbm>>
      %dma_wait3A_385 = arith.constant 8 : i32
      %dma_wait3A_386 = arith.constant 0 : i32
      %dma_wait3A_387 = tpu.memref_slice %arg5[%dma_wait3A_385, %dma_wait3A_386] : memref<48x128xi32, #tpu.memory_space<vmem>> -> memref<8x128xi32, #tpu.memory_space<vmem>>
      %dma_wait3A_388 = arith.constant 0 : i32
      %dma_wait3A_389 = tpu.memref_slice %arg2[%add3A_12, %dma_wait3A_388] : memref<5376x128xi32, #tpu.memory_space<hbm>> -> memref<8x128xi32, #tpu.memory_space<hbm>>
      tpu.wait_dma2 semaphore(%run_scoped3A : memref<!tpu.dma_semaphore, #tpu.memory_space<semaphore_mem>>) src(%dma_wait3A_389 : memref<8x128xi32, #tpu.memory_space<hbm>>) dst(%dma_wait3A_387 : memref<8x128xi32, #tpu.memory_space<vmem>>)
      tpu.yield
    }) : () -> ()
    %mul3A_13 = arith.constant 8 : i32
    %mul3A_14 = arith.muli %add3A_4, %mul3A_13 : i32
    %add3A_15 = arith.constant 3584 : i32
    %add3A_16 = arith.addi %add3A_15, %mul3A_14 : i32
    "tpu.region"() ({
      %run_scoped3A = tpu.sem_alloc : memref<!tpu.dma_semaphore, #tpu.memory_space<semaphore_mem>>
      %dma_start3A_370 = arith.constant 16 : i32
      %dma_start3A_371 = arith.constant 0 : i32
      %dma_start3A_372 = tpu.memref_slice %arg5[%dma_start3A_370, %dma_start3A_371] : memref<48x128xi32, #tpu.memory_space<vmem>> -> memref<8x128xi32, #tpu.memory_space<vmem>>
      %dma_start3A_373 = arith.constant 0 : i32
      %dma_start3A_374 = tpu.memref_slice %arg2[%add3A_16, %dma_start3A_373] : memref<5376x128xi32, #tpu.memory_space<hbm>> -> memref<8x128xi32, #tpu.memory_space<hbm>>
      %dma_start3A_375 = arith.constant 16 : i32
      %dma_start3A_376 = arith.constant 0 : i32
      %dma_start3A_377 = tpu.memref_slice %arg5[%dma_start3A_375, %dma_start3A_376] : memref<48x128xi32, #tpu.memory_space<vmem>> -> memref<8x128xi32, #tpu.memory_space<vmem>>
      %dma_start3A_378 = arith.constant 0 : i32
      %dma_start3A_379 = tpu.memref_slice %arg2[%add3A_16, %dma_start3A_378] : memref<5376x128xi32, #tpu.memory_space<hbm>> -> memref<8x128xi32, #tpu.memory_space<hbm>>
      tpu.enqueue_dma source(%dma_start3A_379 : memref<8x128xi32, #tpu.memory_space<hbm>>) target(%dma_start3A_377 : memref<8x128xi32, #tpu.memory_space<vmem>>) target_semaphore(%run_scoped3A : memref<!tpu.dma_semaphore, #tpu.memory_space<semaphore_mem>>)
      %dma_wait3A_380 = arith.constant 16 : i32
      %dma_wait3A_381 = arith.constant 0 : i32
      %dma_wait3A_382 = tpu.memref_slice %arg5[%dma_wait3A_380, %dma_wait3A_381] : memref<48x128xi32, #tpu.memory_space<vmem>> -> memref<8x128xi32, #tpu.memory_space<vmem>>
      %dma_wait3A_383 = arith.constant 0 : i32
      %dma_wait3A_384 = tpu.memref_slice %arg2[%add3A_16, %dma_wait3A_383] : memref<5376x128xi32, #tpu.memory_space<hbm>> -> memref<8x128xi32, #tpu.memory_space<hbm>>
      %dma_wait3A_385 = arith.constant 16 : i32
      %dma_wait3A_386 = arith.constant 0 : i32
      %dma_wait3A_387 = tpu.memref_slice %arg5[%dma_wait3A_385, %dma_wait3A_386] : memref<48x128xi32, #tpu.memory_space<vmem>> -> memref<8x128xi32, #tpu.memory_space<vmem>>
      %dma_wait3A_388 = arith.constant 0 : i32
      %dma_wait3A_389 = tpu.memref_slice %arg2[%add3A_16, %dma_wait3A_388] : memref<5376x128xi32, #tpu.memory_space<hbm>> -> memref<8x128xi32, #tpu.memory_space<hbm>>
      tpu.wait_dma2 semaphore(%run_scoped3A : memref<!tpu.dma_semaphore, #tpu.memory_space<semaphore_mem>>) src(%dma_wait3A_389 : memref<8x128xi32, #tpu.memory_space<hbm>>) dst(%dma_wait3A_387 : memref<8x128xi32, #tpu.memory_space<vmem>>)
      tpu.yield
    }) : () -> ()
    %dma_start3A = arith.constant 0 : i32
    %dma_start3A_17 = arith.constant 0 : i32
    %dma_start3A_18 = arith.constant 0 : i32
    %dma_start3A_19 = arith.constant 0 : i32
    %dma_start3A_20 = tpu.memref_slice %arg6[%dma_start3A_18, %dma_start3A_19] : memref<6144x8xf32, #tpu.memory_space<vmem>> -> memref<128x8xf32, #tpu.memory_space<vmem>>
    %dma_start3A_21 = arith.constant 0 : i32
    %dma_start3A_22 = tpu.memref_slice %arg5[%dma_start3A, %dma_start3A_21] : memref<48x128xi32, #tpu.memory_space<vmem>> -> memref<1x128xi32, #tpu.memory_space<vmem>>
    %dma_start3A_23 = tpu.memref_squeeze %dma_start3A_22 : memref<1x128xi32, #tpu.memory_space<vmem>> -> memref<128xi32, #tpu.memory_space<vmem>>
    %dma_start3A_24 = arith.constant 0 : i32
    %dma_start3A_25 = arith.constant 0 : i32
    %dma_start3A_26 = tpu.memref_slice %arg3[%dma_start3A_24, %dma_start3A_25] : memref<100000x8xf32, #tpu.memory_space<hbm>> -> memref<100000x8xf32, #tpu.memory_space<hbm>>
    %dma_start3A_27 = tpu.memref_slice %arg8[%dma_start3A_17] : memref<2x!tpu.dma_semaphore, #tpu.memory_space<semaphore_mem>> -> memref<1x!tpu.dma_semaphore, #tpu.memory_space<semaphore_mem>>
    %dma_start3A_28 = tpu.memref_squeeze %dma_start3A_27 : memref<1x!tpu.dma_semaphore, #tpu.memory_space<semaphore_mem>> -> memref<!tpu.dma_semaphore, #tpu.memory_space<semaphore_mem>>
    tpu.enqueue_indirect_dma source(%dma_start3A_26 : memref<100000x8xf32, #tpu.memory_space<hbm>>) target(%dma_start3A_20 : memref<128x8xf32, #tpu.memory_space<vmem>>) offsets(%dma_start3A_23 : memref<128xi32, #tpu.memory_space<vmem>>) semaphore(%dma_start3A_28 : memref<!tpu.dma_semaphore, #tpu.memory_space<semaphore_mem>>)
    %dma_start3A_29 = arith.constant 1 : i32
    %dma_start3A_30 = arith.constant 0 : i32
    %dma_start3A_31 = arith.constant 128 : i32
    %dma_start3A_32 = arith.constant 0 : i32
    %dma_start3A_33 = tpu.memref_slice %arg6[%dma_start3A_31, %dma_start3A_32] : memref<6144x8xf32, #tpu.memory_space<vmem>> -> memref<128x8xf32, #tpu.memory_space<vmem>>
    %dma_start3A_34 = arith.constant 0 : i32
    %dma_start3A_35 = tpu.memref_slice %arg5[%dma_start3A_29, %dma_start3A_34] : memref<48x128xi32, #tpu.memory_space<vmem>> -> memref<1x128xi32, #tpu.memory_space<vmem>>
    %dma_start3A_36 = tpu.memref_squeeze %dma_start3A_35 : memref<1x128xi32, #tpu.memory_space<vmem>> -> memref<128xi32, #tpu.memory_space<vmem>>
    %dma_start3A_37 = arith.constant 0 : i32
    %dma_start3A_38 = arith.constant 0 : i32
    %dma_start3A_39 = tpu.memref_slice %arg3[%dma_start3A_37, %dma_start3A_38] : memref<100000x8xf32, #tpu.memory_space<hbm>> -> memref<100000x8xf32, #tpu.memory_space<hbm>>
    %dma_start3A_40 = tpu.memref_slice %arg8[%dma_start3A_30] : memref<2x!tpu.dma_semaphore, #tpu.memory_space<semaphore_mem>> -> memref<1x!tpu.dma_semaphore, #tpu.memory_space<semaphore_mem>>
    %dma_start3A_41 = tpu.memref_squeeze %dma_start3A_40 : memref<1x!tpu.dma_semaphore, #tpu.memory_space<semaphore_mem>> -> memref<!tpu.dma_semaphore, #tpu.memory_space<semaphore_mem>>
    tpu.enqueue_indirect_dma source(%dma_start3A_39 : memref<100000x8xf32, #tpu.memory_space<hbm>>) target(%dma_start3A_33 : memref<128x8xf32, #tpu.memory_space<vmem>>) offsets(%dma_start3A_36 : memref<128xi32, #tpu.memory_space<vmem>>) semaphore(%dma_start3A_41 : memref<!tpu.dma_semaphore, #tpu.memory_space<semaphore_mem>>)
    %dma_start3A_42 = arith.constant 2 : i32
    %dma_start3A_43 = arith.constant 0 : i32
    %dma_start3A_44 = arith.constant 256 : i32
    %dma_start3A_45 = arith.constant 0 : i32
    %dma_start3A_46 = tpu.memref_slice %arg6[%dma_start3A_44, %dma_start3A_45] : memref<6144x8xf32, #tpu.memory_space<vmem>> -> memref<128x8xf32, #tpu.memory_space<vmem>>
    %dma_start3A_47 = arith.constant 0 : i32
    %dma_start3A_48 = tpu.memref_slice %arg5[%dma_start3A_42, %dma_start3A_47] : memref<48x128xi32, #tpu.memory_space<vmem>> -> memref<1x128xi32, #tpu.memory_space<vmem>>
    %dma_start3A_49 = tpu.memref_squeeze %dma_start3A_48 : memref<1x128xi32, #tpu.memory_space<vmem>> -> memref<128xi32, #tpu.memory_space<vmem>>
    %dma_start3A_50 = arith.constant 0 : i32
    %dma_start3A_51 = arith.constant 0 : i32
    %dma_start3A_52 = tpu.memref_slice %arg3[%dma_start3A_50, %dma_start3A_51] : memref<100000x8xf32, #tpu.memory_space<hbm>> -> memref<100000x8xf32, #tpu.memory_space<hbm>>
    %dma_start3A_53 = tpu.memref_slice %arg8[%dma_start3A_43] : memref<2x!tpu.dma_semaphore, #tpu.memory_space<semaphore_mem>> -> memref<1x!tpu.dma_semaphore, #tpu.memory_space<semaphore_mem>>
    %dma_start3A_54 = tpu.memref_squeeze %dma_start3A_53 : memref<1x!tpu.dma_semaphore, #tpu.memory_space<semaphore_mem>> -> memref<!tpu.dma_semaphore, #tpu.memory_space<semaphore_mem>>
    tpu.enqueue_indirect_dma source(%dma_start3A_52 : memref<100000x8xf32, #tpu.memory_space<hbm>>) target(%dma_start3A_46 : memref<128x8xf32, #tpu.memory_space<vmem>>) offsets(%dma_start3A_49 : memref<128xi32, #tpu.memory_space<vmem>>) semaphore(%dma_start3A_54 : memref<!tpu.dma_semaphore, #tpu.memory_space<semaphore_mem>>)
    %dma_start3A_55 = arith.constant 3 : i32
    %dma_start3A_56 = arith.constant 0 : i32
    %dma_start3A_57 = arith.constant 384 : i32
    %dma_start3A_58 = arith.constant 0 : i32
    %dma_start3A_59 = tpu.memref_slice %arg6[%dma_start3A_57, %dma_start3A_58] : memref<6144x8xf32, #tpu.memory_space<vmem>> -> memref<128x8xf32, #tpu.memory_space<vmem>>
    %dma_start3A_60 = arith.constant 0 : i32
    %dma_start3A_61 = tpu.memref_slice %arg5[%dma_start3A_55, %dma_start3A_60] : memref<48x128xi32, #tpu.memory_space<vmem>> -> memref<1x128xi32, #tpu.memory_space<vmem>>
    %dma_start3A_62 = tpu.memref_squeeze %dma_start3A_61 : memref<1x128xi32, #tpu.memory_space<vmem>> -> memref<128xi32, #tpu.memory_space<vmem>>
    %dma_start3A_63 = arith.constant 0 : i32
    %dma_start3A_64 = arith.constant 0 : i32
    %dma_start3A_65 = tpu.memref_slice %arg3[%dma_start3A_63, %dma_start3A_64] : memref<100000x8xf32, #tpu.memory_space<hbm>> -> memref<100000x8xf32, #tpu.memory_space<hbm>>
    %dma_start3A_66 = tpu.memref_slice %arg8[%dma_start3A_56] : memref<2x!tpu.dma_semaphore, #tpu.memory_space<semaphore_mem>> -> memref<1x!tpu.dma_semaphore, #tpu.memory_space<semaphore_mem>>
    %dma_start3A_67 = tpu.memref_squeeze %dma_start3A_66 : memref<1x!tpu.dma_semaphore, #tpu.memory_space<semaphore_mem>> -> memref<!tpu.dma_semaphore, #tpu.memory_space<semaphore_mem>>
    tpu.enqueue_indirect_dma source(%dma_start3A_65 : memref<100000x8xf32, #tpu.memory_space<hbm>>) target(%dma_start3A_59 : memref<128x8xf32, #tpu.memory_space<vmem>>) offsets(%dma_start3A_62 : memref<128xi32, #tpu.memory_space<vmem>>) semaphore(%dma_start3A_67 : memref<!tpu.dma_semaphore, #tpu.memory_space<semaphore_mem>>)
    %dma_start3A_68 = arith.constant 4 : i32
    %dma_start3A_69 = arith.constant 0 : i32
    %dma_start3A_70 = arith.constant 512 : i32
    %dma_start3A_71 = arith.constant 0 : i32
    %dma_start3A_72 = tpu.memref_slice %arg6[%dma_start3A_70, %dma_start3A_71] : memref<6144x8xf32, #tpu.memory_space<vmem>> -> memref<128x8xf32, #tpu.memory_space<vmem>>
    %dma_start3A_73 = arith.constant 0 : i32
    %dma_start3A_74 = tpu.memref_slice %arg5[%dma_start3A_68, %dma_start3A_73] : memref<48x128xi32, #tpu.memory_space<vmem>> -> memref<1x128xi32, #tpu.memory_space<vmem>>
    %dma_start3A_75 = tpu.memref_squeeze %dma_start3A_74 : memref<1x128xi32, #tpu.memory_space<vmem>> -> memref<128xi32, #tpu.memory_space<vmem>>
    %dma_start3A_76 = arith.constant 0 : i32
    %dma_start3A_77 = arith.constant 0 : i32
    %dma_start3A_78 = tpu.memref_slice %arg3[%dma_start3A_76, %dma_start3A_77] : memref<100000x8xf32, #tpu.memory_space<hbm>> -> memref<100000x8xf32, #tpu.memory_space<hbm>>
    %dma_start3A_79 = tpu.memref_slice %arg8[%dma_start3A_69] : memref<2x!tpu.dma_semaphore, #tpu.memory_space<semaphore_mem>> -> memref<1x!tpu.dma_semaphore, #tpu.memory_space<semaphore_mem>>
    %dma_start3A_80 = tpu.memref_squeeze %dma_start3A_79 : memref<1x!tpu.dma_semaphore, #tpu.memory_space<semaphore_mem>> -> memref<!tpu.dma_semaphore, #tpu.memory_space<semaphore_mem>>
    tpu.enqueue_indirect_dma source(%dma_start3A_78 : memref<100000x8xf32, #tpu.memory_space<hbm>>) target(%dma_start3A_72 : memref<128x8xf32, #tpu.memory_space<vmem>>) offsets(%dma_start3A_75 : memref<128xi32, #tpu.memory_space<vmem>>) semaphore(%dma_start3A_80 : memref<!tpu.dma_semaphore, #tpu.memory_space<semaphore_mem>>)
    %dma_start3A_81 = arith.constant 5 : i32
    %dma_start3A_82 = arith.constant 0 : i32
    %dma_start3A_83 = arith.constant 640 : i32
    %dma_start3A_84 = arith.constant 0 : i32
    %dma_start3A_85 = tpu.memref_slice %arg6[%dma_start3A_83, %dma_start3A_84] : memref<6144x8xf32, #tpu.memory_space<vmem>> -> memref<128x8xf32, #tpu.memory_space<vmem>>
    %dma_start3A_86 = arith.constant 0 : i32
    %dma_start3A_87 = tpu.memref_slice %arg5[%dma_start3A_81, %dma_start3A_86] : memref<48x128xi32, #tpu.memory_space<vmem>> -> memref<1x128xi32, #tpu.memory_space<vmem>>
    %dma_start3A_88 = tpu.memref_squeeze %dma_start3A_87 : memref<1x128xi32, #tpu.memory_space<vmem>> -> memref<128xi32, #tpu.memory_space<vmem>>
    %dma_start3A_89 = arith.constant 0 : i32
    %dma_start3A_90 = arith.constant 0 : i32
    %dma_start3A_91 = tpu.memref_slice %arg3[%dma_start3A_89, %dma_start3A_90] : memref<100000x8xf32, #tpu.memory_space<hbm>> -> memref<100000x8xf32, #tpu.memory_space<hbm>>
    %dma_start3A_92 = tpu.memref_slice %arg8[%dma_start3A_82] : memref<2x!tpu.dma_semaphore, #tpu.memory_space<semaphore_mem>> -> memref<1x!tpu.dma_semaphore, #tpu.memory_space<semaphore_mem>>
    %dma_start3A_93 = tpu.memref_squeeze %dma_start3A_92 : memref<1x!tpu.dma_semaphore, #tpu.memory_space<semaphore_mem>> -> memref<!tpu.dma_semaphore, #tpu.memory_space<semaphore_mem>>
    tpu.enqueue_indirect_dma source(%dma_start3A_91 : memref<100000x8xf32, #tpu.memory_space<hbm>>) target(%dma_start3A_85 : memref<128x8xf32, #tpu.memory_space<vmem>>) offsets(%dma_start3A_88 : memref<128xi32, #tpu.memory_space<vmem>>) semaphore(%dma_start3A_93 : memref<!tpu.dma_semaphore, #tpu.memory_space<semaphore_mem>>)
    %dma_start3A_94 = arith.constant 6 : i32
    %dma_start3A_95 = arith.constant 0 : i32
    %dma_start3A_96 = arith.constant 768 : i32
    %dma_start3A_97 = arith.constant 0 : i32
    %dma_start3A_98 = tpu.memref_slice %arg6[%dma_start3A_96, %dma_start3A_97] : memref<6144x8xf32, #tpu.memory_space<vmem>> -> memref<128x8xf32, #tpu.memory_space<vmem>>
    %dma_start3A_99 = arith.constant 0 : i32
    %dma_start3A_100 = tpu.memref_slice %arg5[%dma_start3A_94, %dma_start3A_99] : memref<48x128xi32, #tpu.memory_space<vmem>> -> memref<1x128xi32, #tpu.memory_space<vmem>>
    %dma_start3A_101 = tpu.memref_squeeze %dma_start3A_100 : memref<1x128xi32, #tpu.memory_space<vmem>> -> memref<128xi32, #tpu.memory_space<vmem>>
    %dma_start3A_102 = arith.constant 0 : i32
    %dma_start3A_103 = arith.constant 0 : i32
    %dma_start3A_104 = tpu.memref_slice %arg3[%dma_start3A_102, %dma_start3A_103] : memref<100000x8xf32, #tpu.memory_space<hbm>> -> memref<100000x8xf32, #tpu.memory_space<hbm>>
    %dma_start3A_105 = tpu.memref_slice %arg8[%dma_start3A_95] : memref<2x!tpu.dma_semaphore, #tpu.memory_space<semaphore_mem>> -> memref<1x!tpu.dma_semaphore, #tpu.memory_space<semaphore_mem>>
    %dma_start3A_106 = tpu.memref_squeeze %dma_start3A_105 : memref<1x!tpu.dma_semaphore, #tpu.memory_space<semaphore_mem>> -> memref<!tpu.dma_semaphore, #tpu.memory_space<semaphore_mem>>
    tpu.enqueue_indirect_dma source(%dma_start3A_104 : memref<100000x8xf32, #tpu.memory_space<hbm>>) target(%dma_start3A_98 : memref<128x8xf32, #tpu.memory_space<vmem>>) offsets(%dma_start3A_101 : memref<128xi32, #tpu.memory_space<vmem>>) semaphore(%dma_start3A_106 : memref<!tpu.dma_semaphore, #tpu.memory_space<semaphore_mem>>)
    %dma_start3A_107 = arith.constant 7 : i32
    %dma_start3A_108 = arith.constant 0 : i32
    %dma_start3A_109 = arith.constant 896 : i32
    %dma_start3A_110 = arith.constant 0 : i32
    %dma_start3A_111 = tpu.memref_slice %arg6[%dma_start3A_109, %dma_start3A_110] : memref<6144x8xf32, #tpu.memory_space<vmem>> -> memref<128x8xf32, #tpu.memory_space<vmem>>
    %dma_start3A_112 = arith.constant 0 : i32
    %dma_start3A_113 = tpu.memref_slice %arg5[%dma_start3A_107, %dma_start3A_112] : memref<48x128xi32, #tpu.memory_space<vmem>> -> memref<1x128xi32, #tpu.memory_space<vmem>>
    %dma_start3A_114 = tpu.memref_squeeze %dma_start3A_113 : memref<1x128xi32, #tpu.memory_space<vmem>> -> memref<128xi32, #tpu.memory_space<vmem>>
    %dma_start3A_115 = arith.constant 0 : i32
    %dma_start3A_116 = arith.constant 0 : i32
    %dma_start3A_117 = tpu.memref_slice %arg3[%dma_start3A_115, %dma_start3A_116] : memref<100000x8xf32, #tpu.memory_space<hbm>> -> memref<100000x8xf32, #tpu.memory_space<hbm>>
    %dma_start3A_118 = tpu.memref_slice %arg8[%dma_start3A_108] : memref<2x!tpu.dma_semaphore, #tpu.memory_space<semaphore_mem>> -> memref<1x!tpu.dma_semaphore, #tpu.memory_space<semaphore_mem>>
    %dma_start3A_119 = tpu.memref_squeeze %dma_start3A_118 : memref<1x!tpu.dma_semaphore, #tpu.memory_space<semaphore_mem>> -> memref<!tpu.dma_semaphore, #tpu.memory_space<semaphore_mem>>
    tpu.enqueue_indirect_dma source(%dma_start3A_117 : memref<100000x8xf32, #tpu.memory_space<hbm>>) target(%dma_start3A_111 : memref<128x8xf32, #tpu.memory_space<vmem>>) offsets(%dma_start3A_114 : memref<128xi32, #tpu.memory_space<vmem>>) semaphore(%dma_start3A_119 : memref<!tpu.dma_semaphore, #tpu.memory_space<semaphore_mem>>)
    %dma_start3A_120 = arith.constant 8 : i32
    %dma_start3A_121 = arith.constant 0 : i32
    %dma_start3A_122 = arith.constant 1024 : i32
    %dma_start3A_123 = arith.constant 0 : i32
    %dma_start3A_124 = tpu.memref_slice %arg6[%dma_start3A_122, %dma_start3A_123] : memref<6144x8xf32, #tpu.memory_space<vmem>> -> memref<128x8xf32, #tpu.memory_space<vmem>>
    %dma_start3A_125 = arith.constant 0 : i32
    %dma_start3A_126 = tpu.memref_slice %arg5[%dma_start3A_120, %dma_start3A_125] : memref<48x128xi32, #tpu.memory_space<vmem>> -> memref<1x128xi32, #tpu.memory_space<vmem>>
    %dma_start3A_127 = tpu.memref_squeeze %dma_start3A_126 : memref<1x128xi32, #tpu.memory_space<vmem>> -> memref<128xi32, #tpu.memory_space<vmem>>
    %dma_start3A_128 = arith.constant 0 : i32
    %dma_start3A_129 = arith.constant 0 : i32
    %dma_start3A_130 = tpu.memref_slice %arg3[%dma_start3A_128, %dma_start3A_129] : memref<100000x8xf32, #tpu.memory_space<hbm>> -> memref<100000x8xf32, #tpu.memory_space<hbm>>
    %dma_start3A_131 = tpu.memref_slice %arg8[%dma_start3A_121] : memref<2x!tpu.dma_semaphore, #tpu.memory_space<semaphore_mem>> -> memref<1x!tpu.dma_semaphore, #tpu.memory_space<semaphore_mem>>
    %dma_start3A_132 = tpu.memref_squeeze %dma_start3A_131 : memref<1x!tpu.dma_semaphore, #tpu.memory_space<semaphore_mem>> -> memref<!tpu.dma_semaphore, #tpu.memory_space<semaphore_mem>>
    tpu.enqueue_indirect_dma source(%dma_start3A_130 : memref<100000x8xf32, #tpu.memory_space<hbm>>) target(%dma_start3A_124 : memref<128x8xf32, #tpu.memory_space<vmem>>) offsets(%dma_start3A_127 : memref<128xi32, #tpu.memory_space<vmem>>) semaphore(%dma_start3A_132 : memref<!tpu.dma_semaphore, #tpu.memory_space<semaphore_mem>>)
    %dma_start3A_133 = arith.constant 9 : i32
    %dma_start3A_134 = arith.constant 0 : i32
    %dma_start3A_135 = arith.constant 1152 : i32
    %dma_start3A_136 = arith.constant 0 : i32
    %dma_start3A_137 = tpu.memref_slice %arg6[%dma_start3A_135, %dma_start3A_136] : memref<6144x8xf32, #tpu.memory_space<vmem>> -> memref<128x8xf32, #tpu.memory_space<vmem>>
    %dma_start3A_138 = arith.constant 0 : i32
    %dma_start3A_139 = tpu.memref_slice %arg5[%dma_start3A_133, %dma_start3A_138] : memref<48x128xi32, #tpu.memory_space<vmem>> -> memref<1x128xi32, #tpu.memory_space<vmem>>
    %dma_start3A_140 = tpu.memref_squeeze %dma_start3A_139 : memref<1x128xi32, #tpu.memory_space<vmem>> -> memref<128xi32, #tpu.memory_space<vmem>>
    %dma_start3A_141 = arith.constant 0 : i32
    %dma_start3A_142 = arith.constant 0 : i32
    %dma_start3A_143 = tpu.memref_slice %arg3[%dma_start3A_141, %dma_start3A_142] : memref<100000x8xf32, #tpu.memory_space<hbm>> -> memref<100000x8xf32, #tpu.memory_space<hbm>>
    %dma_start3A_144 = tpu.memref_slice %arg8[%dma_start3A_134] : memref<2x!tpu.dma_semaphore, #tpu.memory_space<semaphore_mem>> -> memref<1x!tpu.dma_semaphore, #tpu.memory_space<semaphore_mem>>
    %dma_start3A_145 = tpu.memref_squeeze %dma_start3A_144 : memref<1x!tpu.dma_semaphore, #tpu.memory_space<semaphore_mem>> -> memref<!tpu.dma_semaphore, #tpu.memory_space<semaphore_mem>>
    tpu.enqueue_indirect_dma source(%dma_start3A_143 : memref<100000x8xf32, #tpu.memory_space<hbm>>) target(%dma_start3A_137 : memref<128x8xf32, #tpu.memory_space<vmem>>) offsets(%dma_start3A_140 : memref<128xi32, #tpu.memory_space<vmem>>) semaphore(%dma_start3A_145 : memref<!tpu.dma_semaphore, #tpu.memory_space<semaphore_mem>>)
    %dma_start3A_146 = arith.constant 10 : i32
    %dma_start3A_147 = arith.constant 0 : i32
    %dma_start3A_148 = arith.constant 1280 : i32
    %dma_start3A_149 = arith.constant 0 : i32
    %dma_start3A_150 = tpu.memref_slice %arg6[%dma_start3A_148, %dma_start3A_149] : memref<6144x8xf32, #tpu.memory_space<vmem>> -> memref<128x8xf32, #tpu.memory_space<vmem>>
    %dma_start3A_151 = arith.constant 0 : i32
    %dma_start3A_152 = tpu.memref_slice %arg5[%dma_start3A_146, %dma_start3A_151] : memref<48x128xi32, #tpu.memory_space<vmem>> -> memref<1x128xi32, #tpu.memory_space<vmem>>
    %dma_start3A_153 = tpu.memref_squeeze %dma_start3A_152 : memref<1x128xi32, #tpu.memory_space<vmem>> -> memref<128xi32, #tpu.memory_space<vmem>>
    %dma_start3A_154 = arith.constant 0 : i32
    %dma_start3A_155 = arith.constant 0 : i32
    %dma_start3A_156 = tpu.memref_slice %arg3[%dma_start3A_154, %dma_start3A_155] : memref<100000x8xf32, #tpu.memory_space<hbm>> -> memref<100000x8xf32, #tpu.memory_space<hbm>>
    %dma_start3A_157 = tpu.memref_slice %arg8[%dma_start3A_147] : memref<2x!tpu.dma_semaphore, #tpu.memory_space<semaphore_mem>> -> memref<1x!tpu.dma_semaphore, #tpu.memory_space<semaphore_mem>>
    %dma_start3A_158 = tpu.memref_squeeze %dma_start3A_157 : memref<1x!tpu.dma_semaphore, #tpu.memory_space<semaphore_mem>> -> memref<!tpu.dma_semaphore, #tpu.memory_space<semaphore_mem>>
    tpu.enqueue_indirect_dma source(%dma_start3A_156 : memref<100000x8xf32, #tpu.memory_space<hbm>>) target(%dma_start3A_150 : memref<128x8xf32, #tpu.memory_space<vmem>>) offsets(%dma_start3A_153 : memref<128xi32, #tpu.memory_space<vmem>>) semaphore(%dma_start3A_158 : memref<!tpu.dma_semaphore, #tpu.memory_space<semaphore_mem>>)
    %dma_start3A_159 = arith.constant 11 : i32
    %dma_start3A_160 = arith.constant 0 : i32
    %dma_start3A_161 = arith.constant 1408 : i32
    %dma_start3A_162 = arith.constant 0 : i32
    %dma_start3A_163 = tpu.memref_slice %arg6[%dma_start3A_161, %dma_start3A_162] : memref<6144x8xf32, #tpu.memory_space<vmem>> -> memref<128x8xf32, #tpu.memory_space<vmem>>
    %dma_start3A_164 = arith.constant 0 : i32
    %dma_start3A_165 = tpu.memref_slice %arg5[%dma_start3A_159, %dma_start3A_164] : memref<48x128xi32, #tpu.memory_space<vmem>> -> memref<1x128xi32, #tpu.memory_space<vmem>>
    %dma_start3A_166 = tpu.memref_squeeze %dma_start3A_165 : memref<1x128xi32, #tpu.memory_space<vmem>> -> memref<128xi32, #tpu.memory_space<vmem>>
    %dma_start3A_167 = arith.constant 0 : i32
    %dma_start3A_168 = arith.constant 0 : i32
    %dma_start3A_169 = tpu.memref_slice %arg3[%dma_start3A_167, %dma_start3A_168] : memref<100000x8xf32, #tpu.memory_space<hbm>> -> memref<100000x8xf32, #tpu.memory_space<hbm>>
    %dma_start3A_170 = tpu.memref_slice %arg8[%dma_start3A_160] : memref<2x!tpu.dma_semaphore, #tpu.memory_space<semaphore_mem>> -> memref<1x!tpu.dma_semaphore, #tpu.memory_space<semaphore_mem>>
    %dma_start3A_171 = tpu.memref_squeeze %dma_start3A_170 : memref<1x!tpu.dma_semaphore, #tpu.memory_space<semaphore_mem>> -> memref<!tpu.dma_semaphore, #tpu.memory_space<semaphore_mem>>
    tpu.enqueue_indirect_dma source(%dma_start3A_169 : memref<100000x8xf32, #tpu.memory_space<hbm>>) target(%dma_start3A_163 : memref<128x8xf32, #tpu.memory_space<vmem>>) offsets(%dma_start3A_166 : memref<128xi32, #tpu.memory_space<vmem>>) semaphore(%dma_start3A_171 : memref<!tpu.dma_semaphore, #tpu.memory_space<semaphore_mem>>)
    %dma_start3A_172 = arith.constant 12 : i32
    %dma_start3A_173 = arith.constant 0 : i32
    %dma_start3A_174 = arith.constant 1536 : i32
    %dma_start3A_175 = arith.constant 0 : i32
    %dma_start3A_176 = tpu.memref_slice %arg6[%dma_start3A_174, %dma_start3A_175] : memref<6144x8xf32, #tpu.memory_space<vmem>> -> memref<128x8xf32, #tpu.memory_space<vmem>>
    %dma_start3A_177 = arith.constant 0 : i32
    %dma_start3A_178 = tpu.memref_slice %arg5[%dma_start3A_172, %dma_start3A_177] : memref<48x128xi32, #tpu.memory_space<vmem>> -> memref<1x128xi32, #tpu.memory_space<vmem>>
    %dma_start3A_179 = tpu.memref_squeeze %dma_start3A_178 : memref<1x128xi32, #tpu.memory_space<vmem>> -> memref<128xi32, #tpu.memory_space<vmem>>
    %dma_start3A_180 = arith.constant 0 : i32
    %dma_start3A_181 = arith.constant 0 : i32
    %dma_start3A_182 = tpu.memref_slice %arg3[%dma_start3A_180, %dma_start3A_181] : memref<100000x8xf32, #tpu.memory_space<hbm>> -> memref<100000x8xf32, #tpu.memory_space<hbm>>
    %dma_start3A_183 = tpu.memref_slice %arg8[%dma_start3A_173] : memref<2x!tpu.dma_semaphore, #tpu.memory_space<semaphore_mem>> -> memref<1x!tpu.dma_semaphore, #tpu.memory_space<semaphore_mem>>
    %dma_start3A_184 = tpu.memref_squeeze %dma_start3A_183 : memref<1x!tpu.dma_semaphore, #tpu.memory_space<semaphore_mem>> -> memref<!tpu.dma_semaphore, #tpu.memory_space<semaphore_mem>>
    tpu.enqueue_indirect_dma source(%dma_start3A_182 : memref<100000x8xf32, #tpu.memory_space<hbm>>) target(%dma_start3A_176 : memref<128x8xf32, #tpu.memory_space<vmem>>) offsets(%dma_start3A_179 : memref<128xi32, #tpu.memory_space<vmem>>) semaphore(%dma_start3A_184 : memref<!tpu.dma_semaphore, #tpu.memory_space<semaphore_mem>>)
    %dma_start3A_185 = arith.constant 13 : i32
    %dma_start3A_186 = arith.constant 0 : i32
    %dma_start3A_187 = arith.constant 1664 : i32
    %dma_start3A_188 = arith.constant 0 : i32
    %dma_start3A_189 = tpu.memref_slice %arg6[%dma_start3A_187, %dma_start3A_188] : memref<6144x8xf32, #tpu.memory_space<vmem>> -> memref<128x8xf32, #tpu.memory_space<vmem>>
    %dma_start3A_190 = arith.constant 0 : i32
    %dma_start3A_191 = tpu.memref_slice %arg5[%dma_start3A_185, %dma_start3A_190] : memref<48x128xi32, #tpu.memory_space<vmem>> -> memref<1x128xi32, #tpu.memory_space<vmem>>
    %dma_start3A_192 = tpu.memref_squeeze %dma_start3A_191 : memref<1x128xi32, #tpu.memory_space<vmem>> -> memref<128xi32, #tpu.memory_space<vmem>>
    %dma_start3A_193 = arith.constant 0 : i32
    %dma_start3A_194 = arith.constant 0 : i32
    %dma_start3A_195 = tpu.memref_slice %arg3[%dma_start3A_193, %dma_start3A_194] : memref<100000x8xf32, #tpu.memory_space<hbm>> -> memref<100000x8xf32, #tpu.memory_space<hbm>>
    %dma_start3A_196 = tpu.memref_slice %arg8[%dma_start3A_186] : memref<2x!tpu.dma_semaphore, #tpu.memory_space<semaphore_mem>> -> memref<1x!tpu.dma_semaphore, #tpu.memory_space<semaphore_mem>>
    %dma_start3A_197 = tpu.memref_squeeze %dma_start3A_196 : memref<1x!tpu.dma_semaphore, #tpu.memory_space<semaphore_mem>> -> memref<!tpu.dma_semaphore, #tpu.memory_space<semaphore_mem>>
    tpu.enqueue_indirect_dma source(%dma_start3A_195 : memref<100000x8xf32, #tpu.memory_space<hbm>>) target(%dma_start3A_189 : memref<128x8xf32, #tpu.memory_space<vmem>>) offsets(%dma_start3A_192 : memref<128xi32, #tpu.memory_space<vmem>>) semaphore(%dma_start3A_197 : memref<!tpu.dma_semaphore, #tpu.memory_space<semaphore_mem>>)
    %dma_start3A_198 = arith.constant 14 : i32
    %dma_start3A_199 = arith.constant 0 : i32
    %dma_start3A_200 = arith.constant 1792 : i32
    %dma_start3A_201 = arith.constant 0 : i32
    %dma_start3A_202 = tpu.memref_slice %arg6[%dma_start3A_200, %dma_start3A_201] : memref<6144x8xf32, #tpu.memory_space<vmem>> -> memref<128x8xf32, #tpu.memory_space<vmem>>
    %dma_start3A_203 = arith.constant 0 : i32
    %dma_start3A_204 = tpu.memref_slice %arg5[%dma_start3A_198, %dma_start3A_203] : memref<48x128xi32, #tpu.memory_space<vmem>> -> memref<1x128xi32, #tpu.memory_space<vmem>>
    %dma_start3A_205 = tpu.memref_squeeze %dma_start3A_204 : memref<1x128xi32, #tpu.memory_space<vmem>> -> memref<128xi32, #tpu.memory_space<vmem>>
    %dma_start3A_206 = arith.constant 0 : i32
    %dma_start3A_207 = arith.constant 0 : i32
    %dma_start3A_208 = tpu.memref_slice %arg3[%dma_start3A_206, %dma_start3A_207] : memref<100000x8xf32, #tpu.memory_space<hbm>> -> memref<100000x8xf32, #tpu.memory_space<hbm>>
    %dma_start3A_209 = tpu.memref_slice %arg8[%dma_start3A_199] : memref<2x!tpu.dma_semaphore, #tpu.memory_space<semaphore_mem>> -> memref<1x!tpu.dma_semaphore, #tpu.memory_space<semaphore_mem>>
    %dma_start3A_210 = tpu.memref_squeeze %dma_start3A_209 : memref<1x!tpu.dma_semaphore, #tpu.memory_space<semaphore_mem>> -> memref<!tpu.dma_semaphore, #tpu.memory_space<semaphore_mem>>
    tpu.enqueue_indirect_dma source(%dma_start3A_208 : memref<100000x8xf32, #tpu.memory_space<hbm>>) target(%dma_start3A_202 : memref<128x8xf32, #tpu.memory_space<vmem>>) offsets(%dma_start3A_205 : memref<128xi32, #tpu.memory_space<vmem>>) semaphore(%dma_start3A_210 : memref<!tpu.dma_semaphore, #tpu.memory_space<semaphore_mem>>)
    %dma_start3A_211 = arith.constant 15 : i32
    %dma_start3A_212 = arith.constant 0 : i32
    %dma_start3A_213 = arith.constant 1920 : i32
    %dma_start3A_214 = arith.constant 0 : i32
    %dma_start3A_215 = tpu.memref_slice %arg6[%dma_start3A_213, %dma_start3A_214] : memref<6144x8xf32, #tpu.memory_space<vmem>> -> memref<128x8xf32, #tpu.memory_space<vmem>>
    %dma_start3A_216 = arith.constant 0 : i32
    %dma_start3A_217 = tpu.memref_slice %arg5[%dma_start3A_211, %dma_start3A_216] : memref<48x128xi32, #tpu.memory_space<vmem>> -> memref<1x128xi32, #tpu.memory_space<vmem>>
    %dma_start3A_218 = tpu.memref_squeeze %dma_start3A_217 : memref<1x128xi32, #tpu.memory_space<vmem>> -> memref<128xi32, #tpu.memory_space<vmem>>
    %dma_start3A_219 = arith.constant 0 : i32
    %dma_start3A_220 = arith.constant 0 : i32
    %dma_start3A_221 = tpu.memref_slice %arg3[%dma_start3A_219, %dma_start3A_220] : memref<100000x8xf32, #tpu.memory_space<hbm>> -> memref<100000x8xf32, #tpu.memory_space<hbm>>
    %dma_start3A_222 = tpu.memref_slice %arg8[%dma_start3A_212] : memref<2x!tpu.dma_semaphore, #tpu.memory_space<semaphore_mem>> -> memref<1x!tpu.dma_semaphore, #tpu.memory_space<semaphore_mem>>
    %dma_start3A_223 = tpu.memref_squeeze %dma_start3A_222 : memref<1x!tpu.dma_semaphore, #tpu.memory_space<semaphore_mem>> -> memref<!tpu.dma_semaphore, #tpu.memory_space<semaphore_mem>>
    tpu.enqueue_indirect_dma source(%dma_start3A_221 : memref<100000x8xf32, #tpu.memory_space<hbm>>) target(%dma_start3A_215 : memref<128x8xf32, #tpu.memory_space<vmem>>) offsets(%dma_start3A_218 : memref<128xi32, #tpu.memory_space<vmem>>) semaphore(%dma_start3A_223 : memref<!tpu.dma_semaphore, #tpu.memory_space<semaphore_mem>>)
    %dma_start3A_224 = arith.constant 16 : i32
    %dma_start3A_225 = arith.constant 0 : i32
    %dma_start3A_226 = arith.constant 2048 : i32
    %dma_start3A_227 = arith.constant 0 : i32
    %dma_start3A_228 = tpu.memref_slice %arg6[%dma_start3A_226, %dma_start3A_227] : memref<6144x8xf32, #tpu.memory_space<vmem>> -> memref<128x8xf32, #tpu.memory_space<vmem>>
    %dma_start3A_229 = arith.constant 0 : i32
    %dma_start3A_230 = tpu.memref_slice %arg5[%dma_start3A_224, %dma_start3A_229] : memref<48x128xi32, #tpu.memory_space<vmem>> -> memref<1x128xi32, #tpu.memory_space<vmem>>
    %dma_start3A_231 = tpu.memref_squeeze %dma_start3A_230 : memref<1x128xi32, #tpu.memory_space<vmem>> -> memref<128xi32, #tpu.memory_space<vmem>>
    %dma_start3A_232 = arith.constant 0 : i32
    %dma_start3A_233 = arith.constant 0 : i32
    %dma_start3A_234 = tpu.memref_slice %arg3[%dma_start3A_232, %dma_start3A_233] : memref<100000x8xf32, #tpu.memory_space<hbm>> -> memref<100000x8xf32, #tpu.memory_space<hbm>>
    %dma_start3A_235 = tpu.memref_slice %arg8[%dma_start3A_225] : memref<2x!tpu.dma_semaphore, #tpu.memory_space<semaphore_mem>> -> memref<1x!tpu.dma_semaphore, #tpu.memory_space<semaphore_mem>>
    %dma_start3A_236 = tpu.memref_squeeze %dma_start3A_235 : memref<1x!tpu.dma_semaphore, #tpu.memory_space<semaphore_mem>> -> memref<!tpu.dma_semaphore, #tpu.memory_space<semaphore_mem>>
    tpu.enqueue_indirect_dma source(%dma_start3A_234 : memref<100000x8xf32, #tpu.memory_space<hbm>>) target(%dma_start3A_228 : memref<128x8xf32, #tpu.memory_space<vmem>>) offsets(%dma_start3A_231 : memref<128xi32, #tpu.memory_space<vmem>>) semaphore(%dma_start3A_236 : memref<!tpu.dma_semaphore, #tpu.memory_space<semaphore_mem>>)
    %dma_start3A_237 = arith.constant 17 : i32
    %dma_start3A_238 = arith.constant 0 : i32
    %dma_start3A_239 = arith.constant 2176 : i32
    %dma_start3A_240 = arith.constant 0 : i32
    %dma_start3A_241 = tpu.memref_slice %arg6[%dma_start3A_239, %dma_start3A_240] : memref<6144x8xf32, #tpu.memory_space<vmem>> -> memref<128x8xf32, #tpu.memory_space<vmem>>
    %dma_start3A_242 = arith.constant 0 : i32
    %dma_start3A_243 = tpu.memref_slice %arg5[%dma_start3A_237, %dma_start3A_242] : memref<48x128xi32, #tpu.memory_space<vmem>> -> memref<1x128xi32, #tpu.memory_space<vmem>>
    %dma_start3A_244 = tpu.memref_squeeze %dma_start3A_243 : memref<1x128xi32, #tpu.memory_space<vmem>> -> memref<128xi32, #tpu.memory_space<vmem>>
    %dma_start3A_245 = arith.constant 0 : i32
    %dma_start3A_246 = arith.constant 0 : i32
    %dma_start3A_247 = tpu.memref_slice %arg3[%dma_start3A_245, %dma_start3A_246] : memref<100000x8xf32, #tpu.memory_space<hbm>> -> memref<100000x8xf32, #tpu.memory_space<hbm>>
    %dma_start3A_248 = tpu.memref_slice %arg8[%dma_start3A_238] : memref<2x!tpu.dma_semaphore, #tpu.memory_space<semaphore_mem>> -> memref<1x!tpu.dma_semaphore, #tpu.memory_space<semaphore_mem>>
    %dma_start3A_249 = tpu.memref_squeeze %dma_start3A_248 : memref<1x!tpu.dma_semaphore, #tpu.memory_space<semaphore_mem>> -> memref<!tpu.dma_semaphore, #tpu.memory_space<semaphore_mem>>
    tpu.enqueue_indirect_dma source(%dma_start3A_247 : memref<100000x8xf32, #tpu.memory_space<hbm>>) target(%dma_start3A_241 : memref<128x8xf32, #tpu.memory_space<vmem>>) offsets(%dma_start3A_244 : memref<128xi32, #tpu.memory_space<vmem>>) semaphore(%dma_start3A_249 : memref<!tpu.dma_semaphore, #tpu.memory_space<semaphore_mem>>)
    %dma_start3A_250 = arith.constant 18 : i32
    %dma_start3A_251 = arith.constant 0 : i32
    %dma_start3A_252 = arith.constant 2304 : i32
    %dma_start3A_253 = arith.constant 0 : i32
    %dma_start3A_254 = tpu.memref_slice %arg6[%dma_start3A_252, %dma_start3A_253] : memref<6144x8xf32, #tpu.memory_space<vmem>> -> memref<128x8xf32, #tpu.memory_space<vmem>>
    %dma_start3A_255 = arith.constant 0 : i32
    %dma_start3A_256 = tpu.memref_slice %arg5[%dma_start3A_250, %dma_start3A_255] : memref<48x128xi32, #tpu.memory_space<vmem>> -> memref<1x128xi32, #tpu.memory_space<vmem>>
    %dma_start3A_257 = tpu.memref_squeeze %dma_start3A_256 : memref<1x128xi32, #tpu.memory_space<vmem>> -> memref<128xi32, #tpu.memory_space<vmem>>
    %dma_start3A_258 = arith.constant 0 : i32
    %dma_start3A_259 = arith.constant 0 : i32
    %dma_start3A_260 = tpu.memref_slice %arg3[%dma_start3A_258, %dma_start3A_259] : memref<100000x8xf32, #tpu.memory_space<hbm>> -> memref<100000x8xf32, #tpu.memory_space<hbm>>
    %dma_start3A_261 = tpu.memref_slice %arg8[%dma_start3A_251] : memref<2x!tpu.dma_semaphore, #tpu.memory_space<semaphore_mem>> -> memref<1x!tpu.dma_semaphore, #tpu.memory_space<semaphore_mem>>
    %dma_start3A_262 = tpu.memref_squeeze %dma_start3A_261 : memref<1x!tpu.dma_semaphore, #tpu.memory_space<semaphore_mem>> -> memref<!tpu.dma_semaphore, #tpu.memory_space<semaphore_mem>>
    tpu.enqueue_indirect_dma source(%dma_start3A_260 : memref<100000x8xf32, #tpu.memory_space<hbm>>) target(%dma_start3A_254 : memref<128x8xf32, #tpu.memory_space<vmem>>) offsets(%dma_start3A_257 : memref<128xi32, #tpu.memory_space<vmem>>) semaphore(%dma_start3A_262 : memref<!tpu.dma_semaphore, #tpu.memory_space<semaphore_mem>>)
    %dma_start3A_263 = arith.constant 19 : i32
    %dma_start3A_264 = arith.constant 0 : i32
    %dma_start3A_265 = arith.constant 2432 : i32
    %dma_start3A_266 = arith.constant 0 : i32
    %dma_start3A_267 = tpu.memref_slice %arg6[%dma_start3A_265, %dma_start3A_266] : memref<6144x8xf32, #tpu.memory_space<vmem>> -> memref<128x8xf32, #tpu.memory_space<vmem>>
    %dma_start3A_268 = arith.constant 0 : i32
    %dma_start3A_269 = tpu.memref_slice %arg5[%dma_start3A_263, %dma_start3A_268] : memref<48x128xi32, #tpu.memory_space<vmem>> -> memref<1x128xi32, #tpu.memory_space<vmem>>
    %dma_start3A_270 = tpu.memref_squeeze %dma_start3A_269 : memref<1x128xi32, #tpu.memory_space<vmem>> -> memref<128xi32, #tpu.memory_space<vmem>>
    %dma_start3A_271 = arith.constant 0 : i32
    %dma_start3A_272 = arith.constant 0 : i32
    %dma_start3A_273 = tpu.memref_slice %arg3[%dma_start3A_271, %dma_start3A_272] : memref<100000x8xf32, #tpu.memory_space<hbm>> -> memref<100000x8xf32, #tpu.memory_space<hbm>>
    %dma_start3A_274 = tpu.memref_slice %arg8[%dma_start3A_264] : memref<2x!tpu.dma_semaphore, #tpu.memory_space<semaphore_mem>> -> memref<1x!tpu.dma_semaphore, #tpu.memory_space<semaphore_mem>>
    %dma_start3A_275 = tpu.memref_squeeze %dma_start3A_274 : memref<1x!tpu.dma_semaphore, #tpu.memory_space<semaphore_mem>> -> memref<!tpu.dma_semaphore, #tpu.memory_space<semaphore_mem>>
    tpu.enqueue_indirect_dma source(%dma_start3A_273 : memref<100000x8xf32, #tpu.memory_space<hbm>>) target(%dma_start3A_267 : memref<128x8xf32, #tpu.memory_space<vmem>>) offsets(%dma_start3A_270 : memref<128xi32, #tpu.memory_space<vmem>>) semaphore(%dma_start3A_275 : memref<!tpu.dma_semaphore, #tpu.memory_space<semaphore_mem>>)
    %dma_start3A_276 = arith.constant 20 : i32
    %dma_start3A_277 = arith.constant 0 : i32
    %dma_start3A_278 = arith.constant 2560 : i32
    %dma_start3A_279 = arith.constant 0 : i32
    %dma_start3A_280 = tpu.memref_slice %arg6[%dma_start3A_278, %dma_start3A_279] : memref<6144x8xf32, #tpu.memory_space<vmem>> -> memref<128x8xf32, #tpu.memory_space<vmem>>
    %dma_start3A_281 = arith.constant 0 : i32
    %dma_start3A_282 = tpu.memref_slice %arg5[%dma_start3A_276, %dma_start3A_281] : memref<48x128xi32, #tpu.memory_space<vmem>> -> memref<1x128xi32, #tpu.memory_space<vmem>>
    %dma_start3A_283 = tpu.memref_squeeze %dma_start3A_282 : memref<1x128xi32, #tpu.memory_space<vmem>> -> memref<128xi32, #tpu.memory_space<vmem>>
    %dma_start3A_284 = arith.constant 0 : i32
    %dma_start3A_285 = arith.constant 0 : i32
    %dma_start3A_286 = tpu.memref_slice %arg3[%dma_start3A_284, %dma_start3A_285] : memref<100000x8xf32, #tpu.memory_space<hbm>> -> memref<100000x8xf32, #tpu.memory_space<hbm>>
    %dma_start3A_287 = tpu.memref_slice %arg8[%dma_start3A_277] : memref<2x!tpu.dma_semaphore, #tpu.memory_space<semaphore_mem>> -> memref<1x!tpu.dma_semaphore, #tpu.memory_space<semaphore_mem>>
    %dma_start3A_288 = tpu.memref_squeeze %dma_start3A_287 : memref<1x!tpu.dma_semaphore, #tpu.memory_space<semaphore_mem>> -> memref<!tpu.dma_semaphore, #tpu.memory_space<semaphore_mem>>
    tpu.enqueue_indirect_dma source(%dma_start3A_286 : memref<100000x8xf32, #tpu.memory_space<hbm>>) target(%dma_start3A_280 : memref<128x8xf32, #tpu.memory_space<vmem>>) offsets(%dma_start3A_283 : memref<128xi32, #tpu.memory_space<vmem>>) semaphore(%dma_start3A_288 : memref<!tpu.dma_semaphore, #tpu.memory_space<semaphore_mem>>)
    %dma_start3A_289 = arith.constant 21 : i32
    %dma_start3A_290 = arith.constant 0 : i32
    %dma_start3A_291 = arith.constant 2688 : i32
    %dma_start3A_292 = arith.constant 0 : i32
    %dma_start3A_293 = tpu.memref_slice %arg6[%dma_start3A_291, %dma_start3A_292] : memref<6144x8xf32, #tpu.memory_space<vmem>> -> memref<128x8xf32, #tpu.memory_space<vmem>>
    %dma_start3A_294 = arith.constant 0 : i32
    %dma_start3A_295 = tpu.memref_slice %arg5[%dma_start3A_289, %dma_start3A_294] : memref<48x128xi32, #tpu.memory_space<vmem>> -> memref<1x128xi32, #tpu.memory_space<vmem>>
    %dma_start3A_296 = tpu.memref_squeeze %dma_start3A_295 : memref<1x128xi32, #tpu.memory_space<vmem>> -> memref<128xi32, #tpu.memory_space<vmem>>
    %dma_start3A_297 = arith.constant 0 : i32
    %dma_start3A_298 = arith.constant 0 : i32
    %dma_start3A_299 = tpu.memref_slice %arg3[%dma_start3A_297, %dma_start3A_298] : memref<100000x8xf32, #tpu.memory_space<hbm>> -> memref<100000x8xf32, #tpu.memory_space<hbm>>
    %dma_start3A_300 = tpu.memref_slice %arg8[%dma_start3A_290] : memref<2x!tpu.dma_semaphore, #tpu.memory_space<semaphore_mem>> -> memref<1x!tpu.dma_semaphore, #tpu.memory_space<semaphore_mem>>
    %dma_start3A_301 = tpu.memref_squeeze %dma_start3A_300 : memref<1x!tpu.dma_semaphore, #tpu.memory_space<semaphore_mem>> -> memref<!tpu.dma_semaphore, #tpu.memory_space<semaphore_mem>>
    tpu.enqueue_indirect_dma source(%dma_start3A_299 : memref<100000x8xf32, #tpu.memory_space<hbm>>) target(%dma_start3A_293 : memref<128x8xf32, #tpu.memory_space<vmem>>) offsets(%dma_start3A_296 : memref<128xi32, #tpu.memory_space<vmem>>) semaphore(%dma_start3A_301 : memref<!tpu.dma_semaphore, #tpu.memory_space<semaphore_mem>>)
    %dma_start3A_302 = arith.constant 22 : i32
    %dma_start3A_303 = arith.constant 0 : i32
    %dma_start3A_304 = arith.constant 2816 : i32
    %dma_start3A_305 = arith.constant 0 : i32
    %dma_start3A_306 = tpu.memref_slice %arg6[%dma_start3A_304, %dma_start3A_305] : memref<6144x8xf32, #tpu.memory_space<vmem>> -> memref<128x8xf32, #tpu.memory_space<vmem>>
    %dma_start3A_307 = arith.constant 0 : i32
    %dma_start3A_308 = tpu.memref_slice %arg5[%dma_start3A_302, %dma_start3A_307] : memref<48x128xi32, #tpu.memory_space<vmem>> -> memref<1x128xi32, #tpu.memory_space<vmem>>
    %dma_start3A_309 = tpu.memref_squeeze %dma_start3A_308 : memref<1x128xi32, #tpu.memory_space<vmem>> -> memref<128xi32, #tpu.memory_space<vmem>>
    %dma_start3A_310 = arith.constant 0 : i32
    %dma_start3A_311 = arith.constant 0 : i32
    %dma_start3A_312 = tpu.memref_slice %arg3[%dma_start3A_310, %dma_start3A_311] : memref<100000x8xf32, #tpu.memory_space<hbm>> -> memref<100000x8xf32, #tpu.memory_space<hbm>>
    %dma_start3A_313 = tpu.memref_slice %arg8[%dma_start3A_303] : memref<2x!tpu.dma_semaphore, #tpu.memory_space<semaphore_mem>> -> memref<1x!tpu.dma_semaphore, #tpu.memory_space<semaphore_mem>>
    %dma_start3A_314 = tpu.memref_squeeze %dma_start3A_313 : memref<1x!tpu.dma_semaphore, #tpu.memory_space<semaphore_mem>> -> memref<!tpu.dma_semaphore, #tpu.memory_space<semaphore_mem>>
    tpu.enqueue_indirect_dma source(%dma_start3A_312 : memref<100000x8xf32, #tpu.memory_space<hbm>>) target(%dma_start3A_306 : memref<128x8xf32, #tpu.memory_space<vmem>>) offsets(%dma_start3A_309 : memref<128xi32, #tpu.memory_space<vmem>>) semaphore(%dma_start3A_314 : memref<!tpu.dma_semaphore, #tpu.memory_space<semaphore_mem>>)
    %dma_start3A_315 = arith.constant 23 : i32
    %dma_start3A_316 = arith.constant 0 : i32
    %dma_start3A_317 = arith.constant 2944 : i32
    %dma_start3A_318 = arith.constant 0 : i32
    %dma_start3A_319 = tpu.memref_slice %arg6[%dma_start3A_317, %dma_start3A_318] : memref<6144x8xf32, #tpu.memory_space<vmem>> -> memref<128x8xf32, #tpu.memory_space<vmem>>
    %dma_start3A_320 = arith.constant 0 : i32
    %dma_start3A_321 = tpu.memref_slice %arg5[%dma_start3A_315, %dma_start3A_320] : memref<48x128xi32, #tpu.memory_space<vmem>> -> memref<1x128xi32, #tpu.memory_space<vmem>>
    %dma_start3A_322 = tpu.memref_squeeze %dma_start3A_321 : memref<1x128xi32, #tpu.memory_space<vmem>> -> memref<128xi32, #tpu.memory_space<vmem>>
    %dma_start3A_323 = arith.constant 0 : i32
    %dma_start3A_324 = arith.constant 0 : i32
    %dma_start3A_325 = tpu.memref_slice %arg3[%dma_start3A_323, %dma_start3A_324] : memref<100000x8xf32, #tpu.memory_space<hbm>> -> memref<100000x8xf32, #tpu.memory_space<hbm>>
    %dma_start3A_326 = tpu.memref_slice %arg8[%dma_start3A_316] : memref<2x!tpu.dma_semaphore, #tpu.memory_space<semaphore_mem>> -> memref<1x!tpu.dma_semaphore, #tpu.memory_space<semaphore_mem>>
    %dma_start3A_327 = tpu.memref_squeeze %dma_start3A_326 : memref<1x!tpu.dma_semaphore, #tpu.memory_space<semaphore_mem>> -> memref<!tpu.dma_semaphore, #tpu.memory_space<semaphore_mem>>
    tpu.enqueue_indirect_dma source(%dma_start3A_325 : memref<100000x8xf32, #tpu.memory_space<hbm>>) target(%dma_start3A_319 : memref<128x8xf32, #tpu.memory_space<vmem>>) offsets(%dma_start3A_322 : memref<128xi32, #tpu.memory_space<vmem>>) semaphore(%dma_start3A_327 : memref<!tpu.dma_semaphore, #tpu.memory_space<semaphore_mem>>)
    %scan3A = arith.constant 0 : i32
    %scan3A_328 = arith.constant 0 : i32
    %scan3A_329 = arith.constant 7 : i32
    %scan3A_330 = arith.addi %scan3A_328, %scan3A_329 : i32
    %scan3A_331 = arith.constant 1 : i32
    scf.for %scan3A_370 = %scan3A_328 to %scan3A_330 step %scan3A_331  : i32 {
      %and3A = arith.constant 1 : i32
      %and3A_371 = arith.andi %scan3A_370, %and3A : i32
      %lt3A = arith.constant 6 : i32
      %lt3A_372 = arith.cmpi slt, %scan3A_370, %lt3A : i32
      %convert_element_type3A = arith.extui %lt3A_372 : i1 to i32
      %cond3A = arith.constant 0 : i32
      %cond3A_373 = arith.cmpi ne, %convert_element_type3A, %cond3A : i32
      scf.if %cond3A_373 {
        %add3A_417 = arith.constant 1 : i32
        %add3A_418 = arith.addi %scan3A_370, %add3A_417 : i32
        %sub3A = arith.constant 1 : i32
        %sub3A_419 = arith.subi %sub3A, %and3A_371 : i32
        %mul3A_420 = arith.constant 7 : i32
        %mul3A_421 = arith.muli %add3A, %mul3A_420 : i32
        %add3A_422 = arith.addi %mul3A_421, %add3A_418 : i32
        %mul3A_423 = arith.constant 8 : i32
        %mul3A_424 = arith.muli %add3A_422, %mul3A_423 : i32
        %add3A_425 = arith.constant 0 : i32
        %add3A_426 = arith.addi %add3A_425, %mul3A_424 : i32
        %mul3A_427 = arith.constant 24 : i32
        %mul3A_428 = arith.muli %sub3A_419, %mul3A_427 : i32
        %add3A_429 = arith.constant 0 : i32
        %add3A_430 = arith.addi %mul3A_428, %add3A_429 : i32
        "tpu.region"() ({
          %run_scoped3A = tpu.sem_alloc : memref<!tpu.dma_semaphore, #tpu.memory_space<semaphore_mem>>
          %dma_start3A_927 = arith.constant 0 : i32
          %dma_start3A_928 = tpu.memref_slice %arg5[%add3A_430, %dma_start3A_927] : memref<48x128xi32, #tpu.memory_space<vmem>> -> memref<8x128xi32, #tpu.memory_space<vmem>>
          %dma_start3A_929 = arith.constant 0 : i32
          %dma_start3A_930 = tpu.memref_slice %arg2[%add3A_426, %dma_start3A_929] : memref<5376x128xi32, #tpu.memory_space<hbm>> -> memref<8x128xi32, #tpu.memory_space<hbm>>
          %dma_start3A_931 = arith.constant 0 : i32
          %dma_start3A_932 = tpu.memref_slice %arg5[%add3A_430, %dma_start3A_931] : memref<48x128xi32, #tpu.memory_space<vmem>> -> memref<8x128xi32, #tpu.memory_space<vmem>>
          %dma_start3A_933 = arith.constant 0 : i32
          %dma_start3A_934 = tpu.memref_slice %arg2[%add3A_426, %dma_start3A_933] : memref<5376x128xi32, #tpu.memory_space<hbm>> -> memref<8x128xi32, #tpu.memory_space<hbm>>
          tpu.enqueue_dma source(%dma_start3A_934 : memref<8x128xi32, #tpu.memory_space<hbm>>) target(%dma_start3A_932 : memref<8x128xi32, #tpu.memory_space<vmem>>) target_semaphore(%run_scoped3A : memref<!tpu.dma_semaphore, #tpu.memory_space<semaphore_mem>>)
          %dma_wait3A_935 = arith.constant 0 : i32
          %dma_wait3A_936 = tpu.memref_slice %arg5[%add3A_430, %dma_wait3A_935] : memref<48x128xi32, #tpu.memory_space<vmem>> -> memref<8x128xi32, #tpu.memory_space<vmem>>
          %dma_wait3A_937 = arith.constant 0 : i32
          %dma_wait3A_938 = tpu.memref_slice %arg2[%add3A_426, %dma_wait3A_937] : memref<5376x128xi32, #tpu.memory_space<hbm>> -> memref<8x128xi32, #tpu.memory_space<hbm>>
          %dma_wait3A_939 = arith.constant 0 : i32
          %dma_wait3A_940 = tpu.memref_slice %arg5[%add3A_430, %dma_wait3A_939] : memref<48x128xi32, #tpu.memory_space<vmem>> -> memref<8x128xi32, #tpu.memory_space<vmem>>
          %dma_wait3A_941 = arith.constant 0 : i32
          %dma_wait3A_942 = tpu.memref_slice %arg2[%add3A_426, %dma_wait3A_941] : memref<5376x128xi32, #tpu.memory_space<hbm>> -> memref<8x128xi32, #tpu.memory_space<hbm>>
          tpu.wait_dma2 semaphore(%run_scoped3A : memref<!tpu.dma_semaphore, #tpu.memory_space<semaphore_mem>>) src(%dma_wait3A_942 : memref<8x128xi32, #tpu.memory_space<hbm>>) dst(%dma_wait3A_940 : memref<8x128xi32, #tpu.memory_space<vmem>>)
          tpu.yield
        }) : () -> ()
        %mul3A_431 = arith.constant 8 : i32
        %mul3A_432 = arith.muli %add3A_422, %mul3A_431 : i32
        %add3A_433 = arith.constant 1792 : i32
        %add3A_434 = arith.addi %add3A_433, %mul3A_432 : i32
        %mul3A_435 = arith.constant 24 : i32
        %mul3A_436 = arith.muli %sub3A_419, %mul3A_435 : i32
        %add3A_437 = arith.constant 8 : i32
        %add3A_438 = arith.addi %mul3A_436, %add3A_437 : i32
        "tpu.region"() ({
          %run_scoped3A = tpu.sem_alloc : memref<!tpu.dma_semaphore, #tpu.memory_space<semaphore_mem>>
          %dma_start3A_927 = arith.constant 0 : i32
          %dma_start3A_928 = tpu.memref_slice %arg5[%add3A_438, %dma_start3A_927] : memref<48x128xi32, #tpu.memory_space<vmem>> -> memref<8x128xi32, #tpu.memory_space<vmem>>
          %dma_start3A_929 = arith.constant 0 : i32
          %dma_start3A_930 = tpu.memref_slice %arg2[%add3A_434, %dma_start3A_929] : memref<5376x128xi32, #tpu.memory_space<hbm>> -> memref<8x128xi32, #tpu.memory_space<hbm>>
          %dma_start3A_931 = arith.constant 0 : i32
          %dma_start3A_932 = tpu.memref_slice %arg5[%add3A_438, %dma_start3A_931] : memref<48x128xi32, #tpu.memory_space<vmem>> -> memref<8x128xi32, #tpu.memory_space<vmem>>
          %dma_start3A_933 = arith.constant 0 : i32
          %dma_start3A_934 = tpu.memref_slice %arg2[%add3A_434, %dma_start3A_933] : memref<5376x128xi32, #tpu.memory_space<hbm>> -> memref<8x128xi32, #tpu.memory_space<hbm>>
          tpu.enqueue_dma source(%dma_start3A_934 : memref<8x128xi32, #tpu.memory_space<hbm>>) target(%dma_start3A_932 : memref<8x128xi32, #tpu.memory_space<vmem>>) target_semaphore(%run_scoped3A : memref<!tpu.dma_semaphore, #tpu.memory_space<semaphore_mem>>)
          %dma_wait3A_935 = arith.constant 0 : i32
          %dma_wait3A_936 = tpu.memref_slice %arg5[%add3A_438, %dma_wait3A_935] : memref<48x128xi32, #tpu.memory_space<vmem>> -> memref<8x128xi32, #tpu.memory_space<vmem>>
          %dma_wait3A_937 = arith.constant 0 : i32
          %dma_wait3A_938 = tpu.memref_slice %arg2[%add3A_434, %dma_wait3A_937] : memref<5376x128xi32, #tpu.memory_space<hbm>> -> memref<8x128xi32, #tpu.memory_space<hbm>>
          %dma_wait3A_939 = arith.constant 0 : i32
          %dma_wait3A_940 = tpu.memref_slice %arg5[%add3A_438, %dma_wait3A_939] : memref<48x128xi32, #tpu.memory_space<vmem>> -> memref<8x128xi32, #tpu.memory_space<vmem>>
          %dma_wait3A_941 = arith.constant 0 : i32
          %dma_wait3A_942 = tpu.memref_slice %arg2[%add3A_434, %dma_wait3A_941] : memref<5376x128xi32, #tpu.memory_space<hbm>> -> memref<8x128xi32, #tpu.memory_space<hbm>>
          tpu.wait_dma2 semaphore(%run_scoped3A : memref<!tpu.dma_semaphore, #tpu.memory_space<semaphore_mem>>) src(%dma_wait3A_942 : memref<8x128xi32, #tpu.memory_space<hbm>>) dst(%dma_wait3A_940 : memref<8x128xi32, #tpu.memory_space<vmem>>)
          tpu.yield
        }) : () -> ()
        %mul3A_439 = arith.constant 8 : i32
        %mul3A_440 = arith.muli %add3A_422, %mul3A_439 : i32
        %add3A_441 = arith.constant 3584 : i32
        %add3A_442 = arith.addi %add3A_441, %mul3A_440 : i32
        %mul3A_443 = arith.constant 24 : i32
        %mul3A_444 = arith.muli %sub3A_419, %mul3A_443 : i32
        %add3A_445 = arith.constant 16 : i32
        %add3A_446 = arith.addi %mul3A_444, %add3A_445 : i32
        "tpu.region"() ({
          %run_scoped3A = tpu.sem_alloc : memref<!tpu.dma_semaphore, #tpu.memory_space<semaphore_mem>>
          %dma_start3A_927 = arith.constant 0 : i32
          %dma_start3A_928 = tpu.memref_slice %arg5[%add3A_446, %dma_start3A_927] : memref<48x128xi32, #tpu.memory_space<vmem>> -> memref<8x128xi32, #tpu.memory_space<vmem>>
          %dma_start3A_929 = arith.constant 0 : i32
          %dma_start3A_930 = tpu.memref_slice %arg2[%add3A_442, %dma_start3A_929] : memref<5376x128xi32, #tpu.memory_space<hbm>> -> memref<8x128xi32, #tpu.memory_space<hbm>>
          %dma_start3A_931 = arith.constant 0 : i32
          %dma_start3A_932 = tpu.memref_slice %arg5[%add3A_446, %dma_start3A_931] : memref<48x128xi32, #tpu.memory_space<vmem>> -> memref<8x128xi32, #tpu.memory_space<vmem>>
          %dma_start3A_933 = arith.constant 0 : i32
          %dma_start3A_934 = tpu.memref_slice %arg2[%add3A_442, %dma_start3A_933] : memref<5376x128xi32, #tpu.memory_space<hbm>> -> memref<8x128xi32, #tpu.memory_space<hbm>>
          tpu.enqueue_dma source(%dma_start3A_934 : memref<8x128xi32, #tpu.memory_space<hbm>>) target(%dma_start3A_932 : memref<8x128xi32, #tpu.memory_space<vmem>>) target_semaphore(%run_scoped3A : memref<!tpu.dma_semaphore, #tpu.memory_space<semaphore_mem>>)
          %dma_wait3A_935 = arith.constant 0 : i32
          %dma_wait3A_936 = tpu.memref_slice %arg5[%add3A_446, %dma_wait3A_935] : memref<48x128xi32, #tpu.memory_space<vmem>> -> memref<8x128xi32, #tpu.memory_space<vmem>>
          %dma_wait3A_937 = arith.constant 0 : i32
          %dma_wait3A_938 = tpu.memref_slice %arg2[%add3A_442, %dma_wait3A_937] : memref<5376x128xi32, #tpu.memory_space<hbm>> -> memref<8x128xi32, #tpu.memory_space<hbm>>
          %dma_wait3A_939 = arith.constant 0 : i32
          %dma_wait3A_940 = tpu.memref_slice %arg5[%add3A_446, %dma_wait3A_939] : memref<48x128xi32, #tpu.memory_space<vmem>> -> memref<8x128xi32, #tpu.memory_space<vmem>>
          %dma_wait3A_941 = arith.constant 0 : i32
          %dma_wait3A_942 = tpu.memref_slice %arg2[%add3A_442, %dma_wait3A_941] : memref<5376x128xi32, #tpu.memory_space<hbm>> -> memref<8x128xi32, #tpu.memory_space<hbm>>
          tpu.wait_dma2 semaphore(%run_scoped3A : memref<!tpu.dma_semaphore, #tpu.memory_space<semaphore_mem>>) src(%dma_wait3A_942 : memref<8x128xi32, #tpu.memory_space<hbm>>) dst(%dma_wait3A_940 : memref<8x128xi32, #tpu.memory_space<vmem>>)
          tpu.yield
        }) : () -> ()
        %mul3A_447 = arith.constant 24 : i32
        %mul3A_448 = arith.muli %sub3A_419, %mul3A_447 : i32
        %add3A_449 = arith.constant 0 : i32
        %add3A_450 = arith.addi %mul3A_448, %add3A_449 : i32
        %mul3A_451 = arith.constant 3 : i32
        %mul3A_452 = arith.muli %sub3A_419, %mul3A_451 : i32
        %mul3A_453 = arith.constant 1024 : i32
        %mul3A_454 = arith.muli %mul3A_452, %mul3A_453 : i32
        %add3A_455 = arith.constant 0 : i32
        %add3A_456 = arith.addi %mul3A_454, %add3A_455 : i32
        %dma_start3A_457 = arith.constant 0 : i32
        %dma_start3A_458 = tpu.memref_slice %arg6[%add3A_456, %dma_start3A_457] : memref<6144x8xf32, #tpu.memory_space<vmem>> -> memref<128x8xf32, #tpu.memory_space<vmem>>
        %dma_start3A_459 = arith.constant 0 : i32
        %dma_start3A_460 = tpu.memref_slice %arg5[%add3A_450, %dma_start3A_459] : memref<48x128xi32, #tpu.memory_space<vmem>> -> memref<1x128xi32, #tpu.memory_space<vmem>>
        %dma_start3A_461 = tpu.memref_squeeze %dma_start3A_460 : memref<1x128xi32, #tpu.memory_space<vmem>> -> memref<128xi32, #tpu.memory_space<vmem>>
        %dma_start3A_462 = arith.constant 0 : i32
        %dma_start3A_463 = arith.constant 0 : i32
        %dma_start3A_464 = tpu.memref_slice %arg3[%dma_start3A_462, %dma_start3A_463] : memref<100000x8xf32, #tpu.memory_space<hbm>> -> memref<100000x8xf32, #tpu.memory_space<hbm>>
        %dma_start3A_465 = tpu.memref_slice %arg8[%sub3A_419] : memref<2x!tpu.dma_semaphore, #tpu.memory_space<semaphore_mem>> -> memref<1x!tpu.dma_semaphore, #tpu.memory_space<semaphore_mem>>
        %dma_start3A_466 = tpu.memref_squeeze %dma_start3A_465 : memref<1x!tpu.dma_semaphore, #tpu.memory_space<semaphore_mem>> -> memref<!tpu.dma_semaphore, #tpu.memory_space<semaphore_mem>>
        tpu.enqueue_indirect_dma source(%dma_start3A_464 : memref<100000x8xf32, #tpu.memory_space<hbm>>) target(%dma_start3A_458 : memref<128x8xf32, #tpu.memory_space<vmem>>) offsets(%dma_start3A_461 : memref<128xi32, #tpu.memory_space<vmem>>) semaphore(%dma_start3A_466 : memref<!tpu.dma_semaphore, #tpu.memory_space<semaphore_mem>>)
        %mul3A_467 = arith.constant 24 : i32
        %mul3A_468 = arith.muli %sub3A_419, %mul3A_467 : i32
        %add3A_469 = arith.constant 1 : i32
        %add3A_470 = arith.addi %mul3A_468, %add3A_469 : i32
        %mul3A_471 = arith.constant 3 : i32
        %mul3A_472 = arith.muli %sub3A_419, %mul3A_471 : i32
        %mul3A_473 = arith.constant 1024 : i32
        %mul3A_474 = arith.muli %mul3A_472, %mul3A_473 : i32
        %add3A_475 = arith.constant 128 : i32
        %add3A_476 = arith.addi %mul3A_474, %add3A_475 : i32
        %dma_start3A_477 = arith.constant 0 : i32
        %dma_start3A_478 = tpu.memref_slice %arg6[%add3A_476, %dma_start3A_477] : memref<6144x8xf32, #tpu.memory_space<vmem>> -> memref<128x8xf32, #tpu.memory_space<vmem>>
        %dma_start3A_479 = arith.constant 0 : i32
        %dma_start3A_480 = tpu.memref_slice %arg5[%add3A_470, %dma_start3A_479] : memref<48x128xi32, #tpu.memory_space<vmem>> -> memref<1x128xi32, #tpu.memory_space<vmem>>
        %dma_start3A_481 = tpu.memref_squeeze %dma_start3A_480 : memref<1x128xi32, #tpu.memory_space<vmem>> -> memref<128xi32, #tpu.memory_space<vmem>>
        %dma_start3A_482 = arith.constant 0 : i32
        %dma_start3A_483 = arith.constant 0 : i32
        %dma_start3A_484 = tpu.memref_slice %arg3[%dma_start3A_482, %dma_start3A_483] : memref<100000x8xf32, #tpu.memory_space<hbm>> -> memref<100000x8xf32, #tpu.memory_space<hbm>>
        %dma_start3A_485 = tpu.memref_slice %arg8[%sub3A_419] : memref<2x!tpu.dma_semaphore, #tpu.memory_space<semaphore_mem>> -> memref<1x!tpu.dma_semaphore, #tpu.memory_space<semaphore_mem>>
        %dma_start3A_486 = tpu.memref_squeeze %dma_start3A_485 : memref<1x!tpu.dma_semaphore, #tpu.memory_space<semaphore_mem>> -> memref<!tpu.dma_semaphore, #tpu.memory_space<semaphore_mem>>
        tpu.enqueue_indirect_dma source(%dma_start3A_484 : memref<100000x8xf32, #tpu.memory_space<hbm>>) target(%dma_start3A_478 : memref<128x8xf32, #tpu.memory_space<vmem>>) offsets(%dma_start3A_481 : memref<128xi32, #tpu.memory_space<vmem>>) semaphore(%dma_start3A_486 : memref<!tpu.dma_semaphore, #tpu.memory_space<semaphore_mem>>)
        %mul3A_487 = arith.constant 24 : i32
        %mul3A_488 = arith.muli %sub3A_419, %mul3A_487 : i32
        %add3A_489 = arith.constant 2 : i32
        %add3A_490 = arith.addi %mul3A_488, %add3A_489 : i32
        %mul3A_491 = arith.constant 3 : i32
        %mul3A_492 = arith.muli %sub3A_419, %mul3A_491 : i32
        %mul3A_493 = arith.constant 1024 : i32
        %mul3A_494 = arith.muli %mul3A_492, %mul3A_493 : i32
        %add3A_495 = arith.constant 256 : i32
        %add3A_496 = arith.addi %mul3A_494, %add3A_495 : i32
        %dma_start3A_497 = arith.constant 0 : i32
        %dma_start3A_498 = tpu.memref_slice %arg6[%add3A_496, %dma_start3A_497] : memref<6144x8xf32, #tpu.memory_space<vmem>> -> memref<128x8xf32, #tpu.memory_space<vmem>>
        %dma_start3A_499 = arith.constant 0 : i32
        %dma_start3A_500 = tpu.memref_slice %arg5[%add3A_490, %dma_start3A_499] : memref<48x128xi32, #tpu.memory_space<vmem>> -> memref<1x128xi32, #tpu.memory_space<vmem>>
        %dma_start3A_501 = tpu.memref_squeeze %dma_start3A_500 : memref<1x128xi32, #tpu.memory_space<vmem>> -> memref<128xi32, #tpu.memory_space<vmem>>
        %dma_start3A_502 = arith.constant 0 : i32
        %dma_start3A_503 = arith.constant 0 : i32
        %dma_start3A_504 = tpu.memref_slice %arg3[%dma_start3A_502, %dma_start3A_503] : memref<100000x8xf32, #tpu.memory_space<hbm>> -> memref<100000x8xf32, #tpu.memory_space<hbm>>
        %dma_start3A_505 = tpu.memref_slice %arg8[%sub3A_419] : memref<2x!tpu.dma_semaphore, #tpu.memory_space<semaphore_mem>> -> memref<1x!tpu.dma_semaphore, #tpu.memory_space<semaphore_mem>>
        %dma_start3A_506 = tpu.memref_squeeze %dma_start3A_505 : memref<1x!tpu.dma_semaphore, #tpu.memory_space<semaphore_mem>> -> memref<!tpu.dma_semaphore, #tpu.memory_space<semaphore_mem>>
        tpu.enqueue_indirect_dma source(%dma_start3A_504 : memref<100000x8xf32, #tpu.memory_space<hbm>>) target(%dma_start3A_498 : memref<128x8xf32, #tpu.memory_space<vmem>>) offsets(%dma_start3A_501 : memref<128xi32, #tpu.memory_space<vmem>>) semaphore(%dma_start3A_506 : memref<!tpu.dma_semaphore, #tpu.memory_space<semaphore_mem>>)
        %mul3A_507 = arith.constant 24 : i32
        %mul3A_508 = arith.muli %sub3A_419, %mul3A_507 : i32
        %add3A_509 = arith.constant 3 : i32
        %add3A_510 = arith.addi %mul3A_508, %add3A_509 : i32
        %mul3A_511 = arith.constant 3 : i32
        %mul3A_512 = arith.muli %sub3A_419, %mul3A_511 : i32
        %mul3A_513 = arith.constant 1024 : i32
        %mul3A_514 = arith.muli %mul3A_512, %mul3A_513 : i32
        %add3A_515 = arith.constant 384 : i32
        %add3A_516 = arith.addi %mul3A_514, %add3A_515 : i32
        %dma_start3A_517 = arith.constant 0 : i32
        %dma_start3A_518 = tpu.memref_slice %arg6[%add3A_516, %dma_start3A_517] : memref<6144x8xf32, #tpu.memory_space<vmem>> -> memref<128x8xf32, #tpu.memory_space<vmem>>
        %dma_start3A_519 = arith.constant 0 : i32
        %dma_start3A_520 = tpu.memref_slice %arg5[%add3A_510, %dma_start3A_519] : memref<48x128xi32, #tpu.memory_space<vmem>> -> memref<1x128xi32, #tpu.memory_space<vmem>>
        %dma_start3A_521 = tpu.memref_squeeze %dma_start3A_520 : memref<1x128xi32, #tpu.memory_space<vmem>> -> memref<128xi32, #tpu.memory_space<vmem>>
        %dma_start3A_522 = arith.constant 0 : i32
        %dma_start3A_523 = arith.constant 0 : i32
        %dma_start3A_524 = tpu.memref_slice %arg3[%dma_start3A_522, %dma_start3A_523] : memref<100000x8xf32, #tpu.memory_space<hbm>> -> memref<100000x8xf32, #tpu.memory_space<hbm>>
        %dma_start3A_525 = tpu.memref_slice %arg8[%sub3A_419] : memref<2x!tpu.dma_semaphore, #tpu.memory_space<semaphore_mem>> -> memref<1x!tpu.dma_semaphore, #tpu.memory_space<semaphore_mem>>
        %dma_start3A_526 = tpu.memref_squeeze %dma_start3A_525 : memref<1x!tpu.dma_semaphore, #tpu.memory_space<semaphore_mem>> -> memref<!tpu.dma_semaphore, #tpu.memory_space<semaphore_mem>>
        tpu.enqueue_indirect_dma source(%dma_start3A_524 : memref<100000x8xf32, #tpu.memory_space<hbm>>) target(%dma_start3A_518 : memref<128x8xf32, #tpu.memory_space<vmem>>) offsets(%dma_start3A_521 : memref<128xi32, #tpu.memory_space<vmem>>) semaphore(%dma_start3A_526 : memref<!tpu.dma_semaphore, #tpu.memory_space<semaphore_mem>>)
        %mul3A_527 = arith.constant 24 : i32
        %mul3A_528 = arith.muli %sub3A_419, %mul3A_527 : i32
        %add3A_529 = arith.constant 4 : i32
        %add3A_530 = arith.addi %mul3A_528, %add3A_529 : i32
        %mul3A_531 = arith.constant 3 : i32
        %mul3A_532 = arith.muli %sub3A_419, %mul3A_531 : i32
        %mul3A_533 = arith.constant 1024 : i32
        %mul3A_534 = arith.muli %mul3A_532, %mul3A_533 : i32
        %add3A_535 = arith.constant 512 : i32
        %add3A_536 = arith.addi %mul3A_534, %add3A_535 : i32
        %dma_start3A_537 = arith.constant 0 : i32
        %dma_start3A_538 = tpu.memref_slice %arg6[%add3A_536, %dma_start3A_537] : memref<6144x8xf32, #tpu.memory_space<vmem>> -> memref<128x8xf32, #tpu.memory_space<vmem>>
        %dma_start3A_539 = arith.constant 0 : i32
        %dma_start3A_540 = tpu.memref_slice %arg5[%add3A_530, %dma_start3A_539] : memref<48x128xi32, #tpu.memory_space<vmem>> -> memref<1x128xi32, #tpu.memory_space<vmem>>
        %dma_start3A_541 = tpu.memref_squeeze %dma_start3A_540 : memref<1x128xi32, #tpu.memory_space<vmem>> -> memref<128xi32, #tpu.memory_space<vmem>>
        %dma_start3A_542 = arith.constant 0 : i32
        %dma_start3A_543 = arith.constant 0 : i32
        %dma_start3A_544 = tpu.memref_slice %arg3[%dma_start3A_542, %dma_start3A_543] : memref<100000x8xf32, #tpu.memory_space<hbm>> -> memref<100000x8xf32, #tpu.memory_space<hbm>>
        %dma_start3A_545 = tpu.memref_slice %arg8[%sub3A_419] : memref<2x!tpu.dma_semaphore, #tpu.memory_space<semaphore_mem>> -> memref<1x!tpu.dma_semaphore, #tpu.memory_space<semaphore_mem>>
        %dma_start3A_546 = tpu.memref_squeeze %dma_start3A_545 : memref<1x!tpu.dma_semaphore, #tpu.memory_space<semaphore_mem>> -> memref<!tpu.dma_semaphore, #tpu.memory_space<semaphore_mem>>
        tpu.enqueue_indirect_dma source(%dma_start3A_544 : memref<100000x8xf32, #tpu.memory_space<hbm>>) target(%dma_start3A_538 : memref<128x8xf32, #tpu.memory_space<vmem>>) offsets(%dma_start3A_541 : memref<128xi32, #tpu.memory_space<vmem>>) semaphore(%dma_start3A_546 : memref<!tpu.dma_semaphore, #tpu.memory_space<semaphore_mem>>)
        %mul3A_547 = arith.constant 24 : i32
        %mul3A_548 = arith.muli %sub3A_419, %mul3A_547 : i32
        %add3A_549 = arith.constant 5 : i32
        %add3A_550 = arith.addi %mul3A_548, %add3A_549 : i32
        %mul3A_551 = arith.constant 3 : i32
        %mul3A_552 = arith.muli %sub3A_419, %mul3A_551 : i32
        %mul3A_553 = arith.constant 1024 : i32
        %mul3A_554 = arith.muli %mul3A_552, %mul3A_553 : i32
        %add3A_555 = arith.constant 640 : i32
        %add3A_556 = arith.addi %mul3A_554, %add3A_555 : i32
        %dma_start3A_557 = arith.constant 0 : i32
        %dma_start3A_558 = tpu.memref_slice %arg6[%add3A_556, %dma_start3A_557] : memref<6144x8xf32, #tpu.memory_space<vmem>> -> memref<128x8xf32, #tpu.memory_space<vmem>>
        %dma_start3A_559 = arith.constant 0 : i32
        %dma_start3A_560 = tpu.memref_slice %arg5[%add3A_550, %dma_start3A_559] : memref<48x128xi32, #tpu.memory_space<vmem>> -> memref<1x128xi32, #tpu.memory_space<vmem>>
        %dma_start3A_561 = tpu.memref_squeeze %dma_start3A_560 : memref<1x128xi32, #tpu.memory_space<vmem>> -> memref<128xi32, #tpu.memory_space<vmem>>
        %dma_start3A_562 = arith.constant 0 : i32
        %dma_start3A_563 = arith.constant 0 : i32
        %dma_start3A_564 = tpu.memref_slice %arg3[%dma_start3A_562, %dma_start3A_563] : memref<100000x8xf32, #tpu.memory_space<hbm>> -> memref<100000x8xf32, #tpu.memory_space<hbm>>
        %dma_start3A_565 = tpu.memref_slice %arg8[%sub3A_419] : memref<2x!tpu.dma_semaphore, #tpu.memory_space<semaphore_mem>> -> memref<1x!tpu.dma_semaphore, #tpu.memory_space<semaphore_mem>>
        %dma_start3A_566 = tpu.memref_squeeze %dma_start3A_565 : memref<1x!tpu.dma_semaphore, #tpu.memory_space<semaphore_mem>> -> memref<!tpu.dma_semaphore, #tpu.memory_space<semaphore_mem>>
        tpu.enqueue_indirect_dma source(%dma_start3A_564 : memref<100000x8xf32, #tpu.memory_space<hbm>>) target(%dma_start3A_558 : memref<128x8xf32, #tpu.memory_space<vmem>>) offsets(%dma_start3A_561 : memref<128xi32, #tpu.memory_space<vmem>>) semaphore(%dma_start3A_566 : memref<!tpu.dma_semaphore, #tpu.memory_space<semaphore_mem>>)
        %mul3A_567 = arith.constant 24 : i32
        %mul3A_568 = arith.muli %sub3A_419, %mul3A_567 : i32
        %add3A_569 = arith.constant 6 : i32
        %add3A_570 = arith.addi %mul3A_568, %add3A_569 : i32
        %mul3A_571 = arith.constant 3 : i32
        %mul3A_572 = arith.muli %sub3A_419, %mul3A_571 : i32
        %mul3A_573 = arith.constant 1024 : i32
        %mul3A_574 = arith.muli %mul3A_572, %mul3A_573 : i32
        %add3A_575 = arith.constant 768 : i32
        %add3A_576 = arith.addi %mul3A_574, %add3A_575 : i32
        %dma_start3A_577 = arith.constant 0 : i32
        %dma_start3A_578 = tpu.memref_slice %arg6[%add3A_576, %dma_start3A_577] : memref<6144x8xf32, #tpu.memory_space<vmem>> -> memref<128x8xf32, #tpu.memory_space<vmem>>
        %dma_start3A_579 = arith.constant 0 : i32
        %dma_start3A_580 = tpu.memref_slice %arg5[%add3A_570, %dma_start3A_579] : memref<48x128xi32, #tpu.memory_space<vmem>> -> memref<1x128xi32, #tpu.memory_space<vmem>>
        %dma_start3A_581 = tpu.memref_squeeze %dma_start3A_580 : memref<1x128xi32, #tpu.memory_space<vmem>> -> memref<128xi32, #tpu.memory_space<vmem>>
        %dma_start3A_582 = arith.constant 0 : i32
        %dma_start3A_583 = arith.constant 0 : i32
        %dma_start3A_584 = tpu.memref_slice %arg3[%dma_start3A_582, %dma_start3A_583] : memref<100000x8xf32, #tpu.memory_space<hbm>> -> memref<100000x8xf32, #tpu.memory_space<hbm>>
        %dma_start3A_585 = tpu.memref_slice %arg8[%sub3A_419] : memref<2x!tpu.dma_semaphore, #tpu.memory_space<semaphore_mem>> -> memref<1x!tpu.dma_semaphore, #tpu.memory_space<semaphore_mem>>
        %dma_start3A_586 = tpu.memref_squeeze %dma_start3A_585 : memref<1x!tpu.dma_semaphore, #tpu.memory_space<semaphore_mem>> -> memref<!tpu.dma_semaphore, #tpu.memory_space<semaphore_mem>>
        tpu.enqueue_indirect_dma source(%dma_start3A_584 : memref<100000x8xf32, #tpu.memory_space<hbm>>) target(%dma_start3A_578 : memref<128x8xf32, #tpu.memory_space<vmem>>) offsets(%dma_start3A_581 : memref<128xi32, #tpu.memory_space<vmem>>) semaphore(%dma_start3A_586 : memref<!tpu.dma_semaphore, #tpu.memory_space<semaphore_mem>>)
        %mul3A_587 = arith.constant 24 : i32
        %mul3A_588 = arith.muli %sub3A_419, %mul3A_587 : i32
        %add3A_589 = arith.constant 7 : i32
        %add3A_590 = arith.addi %mul3A_588, %add3A_589 : i32
        %mul3A_591 = arith.constant 3 : i32
        %mul3A_592 = arith.muli %sub3A_419, %mul3A_591 : i32
        %mul3A_593 = arith.constant 1024 : i32
        %mul3A_594 = arith.muli %mul3A_592, %mul3A_593 : i32
        %add3A_595 = arith.constant 896 : i32
        %add3A_596 = arith.addi %mul3A_594, %add3A_595 : i32
        %dma_start3A_597 = arith.constant 0 : i32
        %dma_start3A_598 = tpu.memref_slice %arg6[%add3A_596, %dma_start3A_597] : memref<6144x8xf32, #tpu.memory_space<vmem>> -> memref<128x8xf32, #tpu.memory_space<vmem>>
        %dma_start3A_599 = arith.constant 0 : i32
        %dma_start3A_600 = tpu.memref_slice %arg5[%add3A_590, %dma_start3A_599] : memref<48x128xi32, #tpu.memory_space<vmem>> -> memref<1x128xi32, #tpu.memory_space<vmem>>
        %dma_start3A_601 = tpu.memref_squeeze %dma_start3A_600 : memref<1x128xi32, #tpu.memory_space<vmem>> -> memref<128xi32, #tpu.memory_space<vmem>>
        %dma_start3A_602 = arith.constant 0 : i32
        %dma_start3A_603 = arith.constant 0 : i32
        %dma_start3A_604 = tpu.memref_slice %arg3[%dma_start3A_602, %dma_start3A_603] : memref<100000x8xf32, #tpu.memory_space<hbm>> -> memref<100000x8xf32, #tpu.memory_space<hbm>>
        %dma_start3A_605 = tpu.memref_slice %arg8[%sub3A_419] : memref<2x!tpu.dma_semaphore, #tpu.memory_space<semaphore_mem>> -> memref<1x!tpu.dma_semaphore, #tpu.memory_space<semaphore_mem>>
        %dma_start3A_606 = tpu.memref_squeeze %dma_start3A_605 : memref<1x!tpu.dma_semaphore, #tpu.memory_space<semaphore_mem>> -> memref<!tpu.dma_semaphore, #tpu.memory_space<semaphore_mem>>
        tpu.enqueue_indirect_dma source(%dma_start3A_604 : memref<100000x8xf32, #tpu.memory_space<hbm>>) target(%dma_start3A_598 : memref<128x8xf32, #tpu.memory_space<vmem>>) offsets(%dma_start3A_601 : memref<128xi32, #tpu.memory_space<vmem>>) semaphore(%dma_start3A_606 : memref<!tpu.dma_semaphore, #tpu.memory_space<semaphore_mem>>)
        %mul3A_607 = arith.constant 24 : i32
        %mul3A_608 = arith.muli %sub3A_419, %mul3A_607 : i32
        %add3A_609 = arith.constant 8 : i32
        %add3A_610 = arith.addi %mul3A_608, %add3A_609 : i32
        %mul3A_611 = arith.constant 3 : i32
        %mul3A_612 = arith.muli %sub3A_419, %mul3A_611 : i32
        %mul3A_613 = arith.constant 1024 : i32
        %mul3A_614 = arith.muli %mul3A_612, %mul3A_613 : i32
        %add3A_615 = arith.constant 1024 : i32
        %add3A_616 = arith.addi %mul3A_614, %add3A_615 : i32
        %dma_start3A_617 = arith.constant 0 : i32
        %dma_start3A_618 = tpu.memref_slice %arg6[%add3A_616, %dma_start3A_617] : memref<6144x8xf32, #tpu.memory_space<vmem>> -> memref<128x8xf32, #tpu.memory_space<vmem>>
        %dma_start3A_619 = arith.constant 0 : i32
        %dma_start3A_620 = tpu.memref_slice %arg5[%add3A_610, %dma_start3A_619] : memref<48x128xi32, #tpu.memory_space<vmem>> -> memref<1x128xi32, #tpu.memory_space<vmem>>
        %dma_start3A_621 = tpu.memref_squeeze %dma_start3A_620 : memref<1x128xi32, #tpu.memory_space<vmem>> -> memref<128xi32, #tpu.memory_space<vmem>>
        %dma_start3A_622 = arith.constant 0 : i32
        %dma_start3A_623 = arith.constant 0 : i32
        %dma_start3A_624 = tpu.memref_slice %arg3[%dma_start3A_622, %dma_start3A_623] : memref<100000x8xf32, #tpu.memory_space<hbm>> -> memref<100000x8xf32, #tpu.memory_space<hbm>>
        %dma_start3A_625 = tpu.memref_slice %arg8[%sub3A_419] : memref<2x!tpu.dma_semaphore, #tpu.memory_space<semaphore_mem>> -> memref<1x!tpu.dma_semaphore, #tpu.memory_space<semaphore_mem>>
        %dma_start3A_626 = tpu.memref_squeeze %dma_start3A_625 : memref<1x!tpu.dma_semaphore, #tpu.memory_space<semaphore_mem>> -> memref<!tpu.dma_semaphore, #tpu.memory_space<semaphore_mem>>
        tpu.enqueue_indirect_dma source(%dma_start3A_624 : memref<100000x8xf32, #tpu.memory_space<hbm>>) target(%dma_start3A_618 : memref<128x8xf32, #tpu.memory_space<vmem>>) offsets(%dma_start3A_621 : memref<128xi32, #tpu.memory_space<vmem>>) semaphore(%dma_start3A_626 : memref<!tpu.dma_semaphore, #tpu.memory_space<semaphore_mem>>)
        %mul3A_627 = arith.constant 24 : i32
        %mul3A_628 = arith.muli %sub3A_419, %mul3A_627 : i32
        %add3A_629 = arith.constant 9 : i32
        %add3A_630 = arith.addi %mul3A_628, %add3A_629 : i32
        %mul3A_631 = arith.constant 3 : i32
        %mul3A_632 = arith.muli %sub3A_419, %mul3A_631 : i32
        %mul3A_633 = arith.constant 1024 : i32
        %mul3A_634 = arith.muli %mul3A_632, %mul3A_633 : i32
        %add3A_635 = arith.constant 1152 : i32
        %add3A_636 = arith.addi %mul3A_634, %add3A_635 : i32
        %dma_start3A_637 = arith.constant 0 : i32
        %dma_start3A_638 = tpu.memref_slice %arg6[%add3A_636, %dma_start3A_637] : memref<6144x8xf32, #tpu.memory_space<vmem>> -> memref<128x8xf32, #tpu.memory_space<vmem>>
        %dma_start3A_639 = arith.constant 0 : i32
        %dma_start3A_640 = tpu.memref_slice %arg5[%add3A_630, %dma_start3A_639] : memref<48x128xi32, #tpu.memory_space<vmem>> -> memref<1x128xi32, #tpu.memory_space<vmem>>
        %dma_start3A_641 = tpu.memref_squeeze %dma_start3A_640 : memref<1x128xi32, #tpu.memory_space<vmem>> -> memref<128xi32, #tpu.memory_space<vmem>>
        %dma_start3A_642 = arith.constant 0 : i32
        %dma_start3A_643 = arith.constant 0 : i32
        %dma_start3A_644 = tpu.memref_slice %arg3[%dma_start3A_642, %dma_start3A_643] : memref<100000x8xf32, #tpu.memory_space<hbm>> -> memref<100000x8xf32, #tpu.memory_space<hbm>>
        %dma_start3A_645 = tpu.memref_slice %arg8[%sub3A_419] : memref<2x!tpu.dma_semaphore, #tpu.memory_space<semaphore_mem>> -> memref<1x!tpu.dma_semaphore, #tpu.memory_space<semaphore_mem>>
        %dma_start3A_646 = tpu.memref_squeeze %dma_start3A_645 : memref<1x!tpu.dma_semaphore, #tpu.memory_space<semaphore_mem>> -> memref<!tpu.dma_semaphore, #tpu.memory_space<semaphore_mem>>
        tpu.enqueue_indirect_dma source(%dma_start3A_644 : memref<100000x8xf32, #tpu.memory_space<hbm>>) target(%dma_start3A_638 : memref<128x8xf32, #tpu.memory_space<vmem>>) offsets(%dma_start3A_641 : memref<128xi32, #tpu.memory_space<vmem>>) semaphore(%dma_start3A_646 : memref<!tpu.dma_semaphore, #tpu.memory_space<semaphore_mem>>)
        %mul3A_647 = arith.constant 24 : i32
        %mul3A_648 = arith.muli %sub3A_419, %mul3A_647 : i32
        %add3A_649 = arith.constant 10 : i32
        %add3A_650 = arith.addi %mul3A_648, %add3A_649 : i32
        %mul3A_651 = arith.constant 3 : i32
        %mul3A_652 = arith.muli %sub3A_419, %mul3A_651 : i32
        %mul3A_653 = arith.constant 1024 : i32
        %mul3A_654 = arith.muli %mul3A_652, %mul3A_653 : i32
        %add3A_655 = arith.constant 1280 : i32
        %add3A_656 = arith.addi %mul3A_654, %add3A_655 : i32
        %dma_start3A_657 = arith.constant 0 : i32
        %dma_start3A_658 = tpu.memref_slice %arg6[%add3A_656, %dma_start3A_657] : memref<6144x8xf32, #tpu.memory_space<vmem>> -> memref<128x8xf32, #tpu.memory_space<vmem>>
        %dma_start3A_659 = arith.constant 0 : i32
        %dma_start3A_660 = tpu.memref_slice %arg5[%add3A_650, %dma_start3A_659] : memref<48x128xi32, #tpu.memory_space<vmem>> -> memref<1x128xi32, #tpu.memory_space<vmem>>
        %dma_start3A_661 = tpu.memref_squeeze %dma_start3A_660 : memref<1x128xi32, #tpu.memory_space<vmem>> -> memref<128xi32, #tpu.memory_space<vmem>>
        %dma_start3A_662 = arith.constant 0 : i32
        %dma_start3A_663 = arith.constant 0 : i32
        %dma_start3A_664 = tpu.memref_slice %arg3[%dma_start3A_662, %dma_start3A_663] : memref<100000x8xf32, #tpu.memory_space<hbm>> -> memref<100000x8xf32, #tpu.memory_space<hbm>>
        %dma_start3A_665 = tpu.memref_slice %arg8[%sub3A_419] : memref<2x!tpu.dma_semaphore, #tpu.memory_space<semaphore_mem>> -> memref<1x!tpu.dma_semaphore, #tpu.memory_space<semaphore_mem>>
        %dma_start3A_666 = tpu.memref_squeeze %dma_start3A_665 : memref<1x!tpu.dma_semaphore, #tpu.memory_space<semaphore_mem>> -> memref<!tpu.dma_semaphore, #tpu.memory_space<semaphore_mem>>
        tpu.enqueue_indirect_dma source(%dma_start3A_664 : memref<100000x8xf32, #tpu.memory_space<hbm>>) target(%dma_start3A_658 : memref<128x8xf32, #tpu.memory_space<vmem>>) offsets(%dma_start3A_661 : memref<128xi32, #tpu.memory_space<vmem>>) semaphore(%dma_start3A_666 : memref<!tpu.dma_semaphore, #tpu.memory_space<semaphore_mem>>)
        %mul3A_667 = arith.constant 24 : i32
        %mul3A_668 = arith.muli %sub3A_419, %mul3A_667 : i32
        %add3A_669 = arith.constant 11 : i32
        %add3A_670 = arith.addi %mul3A_668, %add3A_669 : i32
        %mul3A_671 = arith.constant 3 : i32
        %mul3A_672 = arith.muli %sub3A_419, %mul3A_671 : i32
        %mul3A_673 = arith.constant 1024 : i32
        %mul3A_674 = arith.muli %mul3A_672, %mul3A_673 : i32
        %add3A_675 = arith.constant 1408 : i32
        %add3A_676 = arith.addi %mul3A_674, %add3A_675 : i32
        %dma_start3A_677 = arith.constant 0 : i32
        %dma_start3A_678 = tpu.memref_slice %arg6[%add3A_676, %dma_start3A_677] : memref<6144x8xf32, #tpu.memory_space<vmem>> -> memref<128x8xf32, #tpu.memory_space<vmem>>
        %dma_start3A_679 = arith.constant 0 : i32
        %dma_start3A_680 = tpu.memref_slice %arg5[%add3A_670, %dma_start3A_679] : memref<48x128xi32, #tpu.memory_space<vmem>> -> memref<1x128xi32, #tpu.memory_space<vmem>>
        %dma_start3A_681 = tpu.memref_squeeze %dma_start3A_680 : memref<1x128xi32, #tpu.memory_space<vmem>> -> memref<128xi32, #tpu.memory_space<vmem>>
        %dma_start3A_682 = arith.constant 0 : i32
        %dma_start3A_683 = arith.constant 0 : i32
        %dma_start3A_684 = tpu.memref_slice %arg3[%dma_start3A_682, %dma_start3A_683] : memref<100000x8xf32, #tpu.memory_space<hbm>> -> memref<100000x8xf32, #tpu.memory_space<hbm>>
        %dma_start3A_685 = tpu.memref_slice %arg8[%sub3A_419] : memref<2x!tpu.dma_semaphore, #tpu.memory_space<semaphore_mem>> -> memref<1x!tpu.dma_semaphore, #tpu.memory_space<semaphore_mem>>
        %dma_start3A_686 = tpu.memref_squeeze %dma_start3A_685 : memref<1x!tpu.dma_semaphore, #tpu.memory_space<semaphore_mem>> -> memref<!tpu.dma_semaphore, #tpu.memory_space<semaphore_mem>>
        tpu.enqueue_indirect_dma source(%dma_start3A_684 : memref<100000x8xf32, #tpu.memory_space<hbm>>) target(%dma_start3A_678 : memref<128x8xf32, #tpu.memory_space<vmem>>) offsets(%dma_start3A_681 : memref<128xi32, #tpu.memory_space<vmem>>) semaphore(%dma_start3A_686 : memref<!tpu.dma_semaphore, #tpu.memory_space<semaphore_mem>>)
        %mul3A_687 = arith.constant 24 : i32
        %mul3A_688 = arith.muli %sub3A_419, %mul3A_687 : i32
        %add3A_689 = arith.constant 12 : i32
        %add3A_690 = arith.addi %mul3A_688, %add3A_689 : i32
        %mul3A_691 = arith.constant 3 : i32
        %mul3A_692 = arith.muli %sub3A_419, %mul3A_691 : i32
        %mul3A_693 = arith.constant 1024 : i32
        %mul3A_694 = arith.muli %mul3A_692, %mul3A_693 : i32
        %add3A_695 = arith.constant 1536 : i32
        %add3A_696 = arith.addi %mul3A_694, %add3A_695 : i32
        %dma_start3A_697 = arith.constant 0 : i32
        %dma_start3A_698 = tpu.memref_slice %arg6[%add3A_696, %dma_start3A_697] : memref<6144x8xf32, #tpu.memory_space<vmem>> -> memref<128x8xf32, #tpu.memory_space<vmem>>
        %dma_start3A_699 = arith.constant 0 : i32
        %dma_start3A_700 = tpu.memref_slice %arg5[%add3A_690, %dma_start3A_699] : memref<48x128xi32, #tpu.memory_space<vmem>> -> memref<1x128xi32, #tpu.memory_space<vmem>>
        %dma_start3A_701 = tpu.memref_squeeze %dma_start3A_700 : memref<1x128xi32, #tpu.memory_space<vmem>> -> memref<128xi32, #tpu.memory_space<vmem>>
        %dma_start3A_702 = arith.constant 0 : i32
        %dma_start3A_703 = arith.constant 0 : i32
        %dma_start3A_704 = tpu.memref_slice %arg3[%dma_start3A_702, %dma_start3A_703] : memref<100000x8xf32, #tpu.memory_space<hbm>> -> memref<100000x8xf32, #tpu.memory_space<hbm>>
        %dma_start3A_705 = tpu.memref_slice %arg8[%sub3A_419] : memref<2x!tpu.dma_semaphore, #tpu.memory_space<semaphore_mem>> -> memref<1x!tpu.dma_semaphore, #tpu.memory_space<semaphore_mem>>
        %dma_start3A_706 = tpu.memref_squeeze %dma_start3A_705 : memref<1x!tpu.dma_semaphore, #tpu.memory_space<semaphore_mem>> -> memref<!tpu.dma_semaphore, #tpu.memory_space<semaphore_mem>>
        tpu.enqueue_indirect_dma source(%dma_start3A_704 : memref<100000x8xf32, #tpu.memory_space<hbm>>) target(%dma_start3A_698 : memref<128x8xf32, #tpu.memory_space<vmem>>) offsets(%dma_start3A_701 : memref<128xi32, #tpu.memory_space<vmem>>) semaphore(%dma_start3A_706 : memref<!tpu.dma_semaphore, #tpu.memory_space<semaphore_mem>>)
        %mul3A_707 = arith.constant 24 : i32
        %mul3A_708 = arith.muli %sub3A_419, %mul3A_707 : i32
        %add3A_709 = arith.constant 13 : i32
        %add3A_710 = arith.addi %mul3A_708, %add3A_709 : i32
        %mul3A_711 = arith.constant 3 : i32
        %mul3A_712 = arith.muli %sub3A_419, %mul3A_711 : i32
        %mul3A_713 = arith.constant 1024 : i32
        %mul3A_714 = arith.muli %mul3A_712, %mul3A_713 : i32
        %add3A_715 = arith.constant 1664 : i32
        %add3A_716 = arith.addi %mul3A_714, %add3A_715 : i32
        %dma_start3A_717 = arith.constant 0 : i32
        %dma_start3A_718 = tpu.memref_slice %arg6[%add3A_716, %dma_start3A_717] : memref<6144x8xf32, #tpu.memory_space<vmem>> -> memref<128x8xf32, #tpu.memory_space<vmem>>
        %dma_start3A_719 = arith.constant 0 : i32
        %dma_start3A_720 = tpu.memref_slice %arg5[%add3A_710, %dma_start3A_719] : memref<48x128xi32, #tpu.memory_space<vmem>> -> memref<1x128xi32, #tpu.memory_space<vmem>>
        %dma_start3A_721 = tpu.memref_squeeze %dma_start3A_720 : memref<1x128xi32, #tpu.memory_space<vmem>> -> memref<128xi32, #tpu.memory_space<vmem>>
        %dma_start3A_722 = arith.constant 0 : i32
        %dma_start3A_723 = arith.constant 0 : i32
        %dma_start3A_724 = tpu.memref_slice %arg3[%dma_start3A_722, %dma_start3A_723] : memref<100000x8xf32, #tpu.memory_space<hbm>> -> memref<100000x8xf32, #tpu.memory_space<hbm>>
        %dma_start3A_725 = tpu.memref_slice %arg8[%sub3A_419] : memref<2x!tpu.dma_semaphore, #tpu.memory_space<semaphore_mem>> -> memref<1x!tpu.dma_semaphore, #tpu.memory_space<semaphore_mem>>
        %dma_start3A_726 = tpu.memref_squeeze %dma_start3A_725 : memref<1x!tpu.dma_semaphore, #tpu.memory_space<semaphore_mem>> -> memref<!tpu.dma_semaphore, #tpu.memory_space<semaphore_mem>>
        tpu.enqueue_indirect_dma source(%dma_start3A_724 : memref<100000x8xf32, #tpu.memory_space<hbm>>) target(%dma_start3A_718 : memref<128x8xf32, #tpu.memory_space<vmem>>) offsets(%dma_start3A_721 : memref<128xi32, #tpu.memory_space<vmem>>) semaphore(%dma_start3A_726 : memref<!tpu.dma_semaphore, #tpu.memory_space<semaphore_mem>>)
        %mul3A_727 = arith.constant 24 : i32
        %mul3A_728 = arith.muli %sub3A_419, %mul3A_727 : i32
        %add3A_729 = arith.constant 14 : i32
        %add3A_730 = arith.addi %mul3A_728, %add3A_729 : i32
        %mul3A_731 = arith.constant 3 : i32
        %mul3A_732 = arith.muli %sub3A_419, %mul3A_731 : i32
        %mul3A_733 = arith.constant 1024 : i32
        %mul3A_734 = arith.muli %mul3A_732, %mul3A_733 : i32
        %add3A_735 = arith.constant 1792 : i32
        %add3A_736 = arith.addi %mul3A_734, %add3A_735 : i32
        %dma_start3A_737 = arith.constant 0 : i32
        %dma_start3A_738 = tpu.memref_slice %arg6[%add3A_736, %dma_start3A_737] : memref<6144x8xf32, #tpu.memory_space<vmem>> -> memref<128x8xf32, #tpu.memory_space<vmem>>
        %dma_start3A_739 = arith.constant 0 : i32
        %dma_start3A_740 = tpu.memref_slice %arg5[%add3A_730, %dma_start3A_739] : memref<48x128xi32, #tpu.memory_space<vmem>> -> memref<1x128xi32, #tpu.memory_space<vmem>>
        %dma_start3A_741 = tpu.memref_squeeze %dma_start3A_740 : memref<1x128xi32, #tpu.memory_space<vmem>> -> memref<128xi32, #tpu.memory_space<vmem>>
        %dma_start3A_742 = arith.constant 0 : i32
        %dma_start3A_743 = arith.constant 0 : i32
        %dma_start3A_744 = tpu.memref_slice %arg3[%dma_start3A_742, %dma_start3A_743] : memref<100000x8xf32, #tpu.memory_space<hbm>> -> memref<100000x8xf32, #tpu.memory_space<hbm>>
        %dma_start3A_745 = tpu.memref_slice %arg8[%sub3A_419] : memref<2x!tpu.dma_semaphore, #tpu.memory_space<semaphore_mem>> -> memref<1x!tpu.dma_semaphore, #tpu.memory_space<semaphore_mem>>
        %dma_start3A_746 = tpu.memref_squeeze %dma_start3A_745 : memref<1x!tpu.dma_semaphore, #tpu.memory_space<semaphore_mem>> -> memref<!tpu.dma_semaphore, #tpu.memory_space<semaphore_mem>>
        tpu.enqueue_indirect_dma source(%dma_start3A_744 : memref<100000x8xf32, #tpu.memory_space<hbm>>) target(%dma_start3A_738 : memref<128x8xf32, #tpu.memory_space<vmem>>) offsets(%dma_start3A_741 : memref<128xi32, #tpu.memory_space<vmem>>) semaphore(%dma_start3A_746 : memref<!tpu.dma_semaphore, #tpu.memory_space<semaphore_mem>>)
        %mul3A_747 = arith.constant 24 : i32
        %mul3A_748 = arith.muli %sub3A_419, %mul3A_747 : i32
        %add3A_749 = arith.constant 15 : i32
        %add3A_750 = arith.addi %mul3A_748, %add3A_749 : i32
        %mul3A_751 = arith.constant 3 : i32
        %mul3A_752 = arith.muli %sub3A_419, %mul3A_751 : i32
        %mul3A_753 = arith.constant 1024 : i32
        %mul3A_754 = arith.muli %mul3A_752, %mul3A_753 : i32
        %add3A_755 = arith.constant 1920 : i32
        %add3A_756 = arith.addi %mul3A_754, %add3A_755 : i32
        %dma_start3A_757 = arith.constant 0 : i32
        %dma_start3A_758 = tpu.memref_slice %arg6[%add3A_756, %dma_start3A_757] : memref<6144x8xf32, #tpu.memory_space<vmem>> -> memref<128x8xf32, #tpu.memory_space<vmem>>
        %dma_start3A_759 = arith.constant 0 : i32
        %dma_start3A_760 = tpu.memref_slice %arg5[%add3A_750, %dma_start3A_759] : memref<48x128xi32, #tpu.memory_space<vmem>> -> memref<1x128xi32, #tpu.memory_space<vmem>>
        %dma_start3A_761 = tpu.memref_squeeze %dma_start3A_760 : memref<1x128xi32, #tpu.memory_space<vmem>> -> memref<128xi32, #tpu.memory_space<vmem>>
        %dma_start3A_762 = arith.constant 0 : i32
        %dma_start3A_763 = arith.constant 0 : i32
        %dma_start3A_764 = tpu.memref_slice %arg3[%dma_start3A_762, %dma_start3A_763] : memref<100000x8xf32, #tpu.memory_space<hbm>> -> memref<100000x8xf32, #tpu.memory_space<hbm>>
        %dma_start3A_765 = tpu.memref_slice %arg8[%sub3A_419] : memref<2x!tpu.dma_semaphore, #tpu.memory_space<semaphore_mem>> -> memref<1x!tpu.dma_semaphore, #tpu.memory_space<semaphore_mem>>
        %dma_start3A_766 = tpu.memref_squeeze %dma_start3A_765 : memref<1x!tpu.dma_semaphore, #tpu.memory_space<semaphore_mem>> -> memref<!tpu.dma_semaphore, #tpu.memory_space<semaphore_mem>>
        tpu.enqueue_indirect_dma source(%dma_start3A_764 : memref<100000x8xf32, #tpu.memory_space<hbm>>) target(%dma_start3A_758 : memref<128x8xf32, #tpu.memory_space<vmem>>) offsets(%dma_start3A_761 : memref<128xi32, #tpu.memory_space<vmem>>) semaphore(%dma_start3A_766 : memref<!tpu.dma_semaphore, #tpu.memory_space<semaphore_mem>>)
        %mul3A_767 = arith.constant 24 : i32
        %mul3A_768 = arith.muli %sub3A_419, %mul3A_767 : i32
        %add3A_769 = arith.constant 16 : i32
        %add3A_770 = arith.addi %mul3A_768, %add3A_769 : i32
        %mul3A_771 = arith.constant 3 : i32
        %mul3A_772 = arith.muli %sub3A_419, %mul3A_771 : i32
        %mul3A_773 = arith.constant 1024 : i32
        %mul3A_774 = arith.muli %mul3A_772, %mul3A_773 : i32
        %add3A_775 = arith.constant 2048 : i32
        %add3A_776 = arith.addi %mul3A_774, %add3A_775 : i32
        %dma_start3A_777 = arith.constant 0 : i32
        %dma_start3A_778 = tpu.memref_slice %arg6[%add3A_776, %dma_start3A_777] : memref<6144x8xf32, #tpu.memory_space<vmem>> -> memref<128x8xf32, #tpu.memory_space<vmem>>
        %dma_start3A_779 = arith.constant 0 : i32
        %dma_start3A_780 = tpu.memref_slice %arg5[%add3A_770, %dma_start3A_779] : memref<48x128xi32, #tpu.memory_space<vmem>> -> memref<1x128xi32, #tpu.memory_space<vmem>>
        %dma_start3A_781 = tpu.memref_squeeze %dma_start3A_780 : memref<1x128xi32, #tpu.memory_space<vmem>> -> memref<128xi32, #tpu.memory_space<vmem>>
        %dma_start3A_782 = arith.constant 0 : i32
        %dma_start3A_783 = arith.constant 0 : i32
        %dma_start3A_784 = tpu.memref_slice %arg3[%dma_start3A_782, %dma_start3A_783] : memref<100000x8xf32, #tpu.memory_space<hbm>> -> memref<100000x8xf32, #tpu.memory_space<hbm>>
        %dma_start3A_785 = tpu.memref_slice %arg8[%sub3A_419] : memref<2x!tpu.dma_semaphore, #tpu.memory_space<semaphore_mem>> -> memref<1x!tpu.dma_semaphore, #tpu.memory_space<semaphore_mem>>
        %dma_start3A_786 = tpu.memref_squeeze %dma_start3A_785 : memref<1x!tpu.dma_semaphore, #tpu.memory_space<semaphore_mem>> -> memref<!tpu.dma_semaphore, #tpu.memory_space<semaphore_mem>>
        tpu.enqueue_indirect_dma source(%dma_start3A_784 : memref<100000x8xf32, #tpu.memory_space<hbm>>) target(%dma_start3A_778 : memref<128x8xf32, #tpu.memory_space<vmem>>) offsets(%dma_start3A_781 : memref<128xi32, #tpu.memory_space<vmem>>) semaphore(%dma_start3A_786 : memref<!tpu.dma_semaphore, #tpu.memory_space<semaphore_mem>>)
        %mul3A_787 = arith.constant 24 : i32
        %mul3A_788 = arith.muli %sub3A_419, %mul3A_787 : i32
        %add3A_789 = arith.constant 17 : i32
        %add3A_790 = arith.addi %mul3A_788, %add3A_789 : i32
        %mul3A_791 = arith.constant 3 : i32
        %mul3A_792 = arith.muli %sub3A_419, %mul3A_791 : i32
        %mul3A_793 = arith.constant 1024 : i32
        %mul3A_794 = arith.muli %mul3A_792, %mul3A_793 : i32
        %add3A_795 = arith.constant 2176 : i32
        %add3A_796 = arith.addi %mul3A_794, %add3A_795 : i32
        %dma_start3A_797 = arith.constant 0 : i32
        %dma_start3A_798 = tpu.memref_slice %arg6[%add3A_796, %dma_start3A_797] : memref<6144x8xf32, #tpu.memory_space<vmem>> -> memref<128x8xf32, #tpu.memory_space<vmem>>
        %dma_start3A_799 = arith.constant 0 : i32
        %dma_start3A_800 = tpu.memref_slice %arg5[%add3A_790, %dma_start3A_799] : memref<48x128xi32, #tpu.memory_space<vmem>> -> memref<1x128xi32, #tpu.memory_space<vmem>>
        %dma_start3A_801 = tpu.memref_squeeze %dma_start3A_800 : memref<1x128xi32, #tpu.memory_space<vmem>> -> memref<128xi32, #tpu.memory_space<vmem>>
        %dma_start3A_802 = arith.constant 0 : i32
        %dma_start3A_803 = arith.constant 0 : i32
        %dma_start3A_804 = tpu.memref_slice %arg3[%dma_start3A_802, %dma_start3A_803] : memref<100000x8xf32, #tpu.memory_space<hbm>> -> memref<100000x8xf32, #tpu.memory_space<hbm>>
        %dma_start3A_805 = tpu.memref_slice %arg8[%sub3A_419] : memref<2x!tpu.dma_semaphore, #tpu.memory_space<semaphore_mem>> -> memref<1x!tpu.dma_semaphore, #tpu.memory_space<semaphore_mem>>
        %dma_start3A_806 = tpu.memref_squeeze %dma_start3A_805 : memref<1x!tpu.dma_semaphore, #tpu.memory_space<semaphore_mem>> -> memref<!tpu.dma_semaphore, #tpu.memory_space<semaphore_mem>>
        tpu.enqueue_indirect_dma source(%dma_start3A_804 : memref<100000x8xf32, #tpu.memory_space<hbm>>) target(%dma_start3A_798 : memref<128x8xf32, #tpu.memory_space<vmem>>) offsets(%dma_start3A_801 : memref<128xi32, #tpu.memory_space<vmem>>) semaphore(%dma_start3A_806 : memref<!tpu.dma_semaphore, #tpu.memory_space<semaphore_mem>>)
        %mul3A_807 = arith.constant 24 : i32
        %mul3A_808 = arith.muli %sub3A_419, %mul3A_807 : i32
        %add3A_809 = arith.constant 18 : i32
        %add3A_810 = arith.addi %mul3A_808, %add3A_809 : i32
        %mul3A_811 = arith.constant 3 : i32
        %mul3A_812 = arith.muli %sub3A_419, %mul3A_811 : i32
        %mul3A_813 = arith.constant 1024 : i32
        %mul3A_814 = arith.muli %mul3A_812, %mul3A_813 : i32
        %add3A_815 = arith.constant 2304 : i32
        %add3A_816 = arith.addi %mul3A_814, %add3A_815 : i32
        %dma_start3A_817 = arith.constant 0 : i32
        %dma_start3A_818 = tpu.memref_slice %arg6[%add3A_816, %dma_start3A_817] : memref<6144x8xf32, #tpu.memory_space<vmem>> -> memref<128x8xf32, #tpu.memory_space<vmem>>
        %dma_start3A_819 = arith.constant 0 : i32
        %dma_start3A_820 = tpu.memref_slice %arg5[%add3A_810, %dma_start3A_819] : memref<48x128xi32, #tpu.memory_space<vmem>> -> memref<1x128xi32, #tpu.memory_space<vmem>>
        %dma_start3A_821 = tpu.memref_squeeze %dma_start3A_820 : memref<1x128xi32, #tpu.memory_space<vmem>> -> memref<128xi32, #tpu.memory_space<vmem>>
        %dma_start3A_822 = arith.constant 0 : i32
        %dma_start3A_823 = arith.constant 0 : i32
        %dma_start3A_824 = tpu.memref_slice %arg3[%dma_start3A_822, %dma_start3A_823] : memref<100000x8xf32, #tpu.memory_space<hbm>> -> memref<100000x8xf32, #tpu.memory_space<hbm>>
        %dma_start3A_825 = tpu.memref_slice %arg8[%sub3A_419] : memref<2x!tpu.dma_semaphore, #tpu.memory_space<semaphore_mem>> -> memref<1x!tpu.dma_semaphore, #tpu.memory_space<semaphore_mem>>
        %dma_start3A_826 = tpu.memref_squeeze %dma_start3A_825 : memref<1x!tpu.dma_semaphore, #tpu.memory_space<semaphore_mem>> -> memref<!tpu.dma_semaphore, #tpu.memory_space<semaphore_mem>>
        tpu.enqueue_indirect_dma source(%dma_start3A_824 : memref<100000x8xf32, #tpu.memory_space<hbm>>) target(%dma_start3A_818 : memref<128x8xf32, #tpu.memory_space<vmem>>) offsets(%dma_start3A_821 : memref<128xi32, #tpu.memory_space<vmem>>) semaphore(%dma_start3A_826 : memref<!tpu.dma_semaphore, #tpu.memory_space<semaphore_mem>>)
        %mul3A_827 = arith.constant 24 : i32
        %mul3A_828 = arith.muli %sub3A_419, %mul3A_827 : i32
        %add3A_829 = arith.constant 19 : i32
        %add3A_830 = arith.addi %mul3A_828, %add3A_829 : i32
        %mul3A_831 = arith.constant 3 : i32
        %mul3A_832 = arith.muli %sub3A_419, %mul3A_831 : i32
        %mul3A_833 = arith.constant 1024 : i32
        %mul3A_834 = arith.muli %mul3A_832, %mul3A_833 : i32
        %add3A_835 = arith.constant 2432 : i32
        %add3A_836 = arith.addi %mul3A_834, %add3A_835 : i32
        %dma_start3A_837 = arith.constant 0 : i32
        %dma_start3A_838 = tpu.memref_slice %arg6[%add3A_836, %dma_start3A_837] : memref<6144x8xf32, #tpu.memory_space<vmem>> -> memref<128x8xf32, #tpu.memory_space<vmem>>
        %dma_start3A_839 = arith.constant 0 : i32
        %dma_start3A_840 = tpu.memref_slice %arg5[%add3A_830, %dma_start3A_839] : memref<48x128xi32, #tpu.memory_space<vmem>> -> memref<1x128xi32, #tpu.memory_space<vmem>>
        %dma_start3A_841 = tpu.memref_squeeze %dma_start3A_840 : memref<1x128xi32, #tpu.memory_space<vmem>> -> memref<128xi32, #tpu.memory_space<vmem>>
        %dma_start3A_842 = arith.constant 0 : i32
        %dma_start3A_843 = arith.constant 0 : i32
        %dma_start3A_844 = tpu.memref_slice %arg3[%dma_start3A_842, %dma_start3A_843] : memref<100000x8xf32, #tpu.memory_space<hbm>> -> memref<100000x8xf32, #tpu.memory_space<hbm>>
        %dma_start3A_845 = tpu.memref_slice %arg8[%sub3A_419] : memref<2x!tpu.dma_semaphore, #tpu.memory_space<semaphore_mem>> -> memref<1x!tpu.dma_semaphore, #tpu.memory_space<semaphore_mem>>
        %dma_start3A_846 = tpu.memref_squeeze %dma_start3A_845 : memref<1x!tpu.dma_semaphore, #tpu.memory_space<semaphore_mem>> -> memref<!tpu.dma_semaphore, #tpu.memory_space<semaphore_mem>>
        tpu.enqueue_indirect_dma source(%dma_start3A_844 : memref<100000x8xf32, #tpu.memory_space<hbm>>) target(%dma_start3A_838 : memref<128x8xf32, #tpu.memory_space<vmem>>) offsets(%dma_start3A_841 : memref<128xi32, #tpu.memory_space<vmem>>) semaphore(%dma_start3A_846 : memref<!tpu.dma_semaphore, #tpu.memory_space<semaphore_mem>>)
        %mul3A_847 = arith.constant 24 : i32
        %mul3A_848 = arith.muli %sub3A_419, %mul3A_847 : i32
        %add3A_849 = arith.constant 20 : i32
        %add3A_850 = arith.addi %mul3A_848, %add3A_849 : i32
        %mul3A_851 = arith.constant 3 : i32
        %mul3A_852 = arith.muli %sub3A_419, %mul3A_851 : i32
        %mul3A_853 = arith.constant 1024 : i32
        %mul3A_854 = arith.muli %mul3A_852, %mul3A_853 : i32
        %add3A_855 = arith.constant 2560 : i32
        %add3A_856 = arith.addi %mul3A_854, %add3A_855 : i32
        %dma_start3A_857 = arith.constant 0 : i32
        %dma_start3A_858 = tpu.memref_slice %arg6[%add3A_856, %dma_start3A_857] : memref<6144x8xf32, #tpu.memory_space<vmem>> -> memref<128x8xf32, #tpu.memory_space<vmem>>
        %dma_start3A_859 = arith.constant 0 : i32
        %dma_start3A_860 = tpu.memref_slice %arg5[%add3A_850, %dma_start3A_859] : memref<48x128xi32, #tpu.memory_space<vmem>> -> memref<1x128xi32, #tpu.memory_space<vmem>>
        %dma_start3A_861 = tpu.memref_squeeze %dma_start3A_860 : memref<1x128xi32, #tpu.memory_space<vmem>> -> memref<128xi32, #tpu.memory_space<vmem>>
        %dma_start3A_862 = arith.constant 0 : i32
        %dma_start3A_863 = arith.constant 0 : i32
        %dma_start3A_864 = tpu.memref_slice %arg3[%dma_start3A_862, %dma_start3A_863] : memref<100000x8xf32, #tpu.memory_space<hbm>> -> memref<100000x8xf32, #tpu.memory_space<hbm>>
        %dma_start3A_865 = tpu.memref_slice %arg8[%sub3A_419] : memref<2x!tpu.dma_semaphore, #tpu.memory_space<semaphore_mem>> -> memref<1x!tpu.dma_semaphore, #tpu.memory_space<semaphore_mem>>
        %dma_start3A_866 = tpu.memref_squeeze %dma_start3A_865 : memref<1x!tpu.dma_semaphore, #tpu.memory_space<semaphore_mem>> -> memref<!tpu.dma_semaphore, #tpu.memory_space<semaphore_mem>>
        tpu.enqueue_indirect_dma source(%dma_start3A_864 : memref<100000x8xf32, #tpu.memory_space<hbm>>) target(%dma_start3A_858 : memref<128x8xf32, #tpu.memory_space<vmem>>) offsets(%dma_start3A_861 : memref<128xi32, #tpu.memory_space<vmem>>) semaphore(%dma_start3A_866 : memref<!tpu.dma_semaphore, #tpu.memory_space<semaphore_mem>>)
        %mul3A_867 = arith.constant 24 : i32
        %mul3A_868 = arith.muli %sub3A_419, %mul3A_867 : i32
        %add3A_869 = arith.constant 21 : i32
        %add3A_870 = arith.addi %mul3A_868, %add3A_869 : i32
        %mul3A_871 = arith.constant 3 : i32
        %mul3A_872 = arith.muli %sub3A_419, %mul3A_871 : i32
        %mul3A_873 = arith.constant 1024 : i32
        %mul3A_874 = arith.muli %mul3A_872, %mul3A_873 : i32
        %add3A_875 = arith.constant 2688 : i32
        %add3A_876 = arith.addi %mul3A_874, %add3A_875 : i32
        %dma_start3A_877 = arith.constant 0 : i32
        %dma_start3A_878 = tpu.memref_slice %arg6[%add3A_876, %dma_start3A_877] : memref<6144x8xf32, #tpu.memory_space<vmem>> -> memref<128x8xf32, #tpu.memory_space<vmem>>
        %dma_start3A_879 = arith.constant 0 : i32
        %dma_start3A_880 = tpu.memref_slice %arg5[%add3A_870, %dma_start3A_879] : memref<48x128xi32, #tpu.memory_space<vmem>> -> memref<1x128xi32, #tpu.memory_space<vmem>>
        %dma_start3A_881 = tpu.memref_squeeze %dma_start3A_880 : memref<1x128xi32, #tpu.memory_space<vmem>> -> memref<128xi32, #tpu.memory_space<vmem>>
        %dma_start3A_882 = arith.constant 0 : i32
        %dma_start3A_883 = arith.constant 0 : i32
        %dma_start3A_884 = tpu.memref_slice %arg3[%dma_start3A_882, %dma_start3A_883] : memref<100000x8xf32, #tpu.memory_space<hbm>> -> memref<100000x8xf32, #tpu.memory_space<hbm>>
        %dma_start3A_885 = tpu.memref_slice %arg8[%sub3A_419] : memref<2x!tpu.dma_semaphore, #tpu.memory_space<semaphore_mem>> -> memref<1x!tpu.dma_semaphore, #tpu.memory_space<semaphore_mem>>
        %dma_start3A_886 = tpu.memref_squeeze %dma_start3A_885 : memref<1x!tpu.dma_semaphore, #tpu.memory_space<semaphore_mem>> -> memref<!tpu.dma_semaphore, #tpu.memory_space<semaphore_mem>>
        tpu.enqueue_indirect_dma source(%dma_start3A_884 : memref<100000x8xf32, #tpu.memory_space<hbm>>) target(%dma_start3A_878 : memref<128x8xf32, #tpu.memory_space<vmem>>) offsets(%dma_start3A_881 : memref<128xi32, #tpu.memory_space<vmem>>) semaphore(%dma_start3A_886 : memref<!tpu.dma_semaphore, #tpu.memory_space<semaphore_mem>>)
        %mul3A_887 = arith.constant 24 : i32
        %mul3A_888 = arith.muli %sub3A_419, %mul3A_887 : i32
        %add3A_889 = arith.constant 22 : i32
        %add3A_890 = arith.addi %mul3A_888, %add3A_889 : i32
        %mul3A_891 = arith.constant 3 : i32
        %mul3A_892 = arith.muli %sub3A_419, %mul3A_891 : i32
        %mul3A_893 = arith.constant 1024 : i32
        %mul3A_894 = arith.muli %mul3A_892, %mul3A_893 : i32
        %add3A_895 = arith.constant 2816 : i32
        %add3A_896 = arith.addi %mul3A_894, %add3A_895 : i32
        %dma_start3A_897 = arith.constant 0 : i32
        %dma_start3A_898 = tpu.memref_slice %arg6[%add3A_896, %dma_start3A_897] : memref<6144x8xf32, #tpu.memory_space<vmem>> -> memref<128x8xf32, #tpu.memory_space<vmem>>
        %dma_start3A_899 = arith.constant 0 : i32
        %dma_start3A_900 = tpu.memref_slice %arg5[%add3A_890, %dma_start3A_899] : memref<48x128xi32, #tpu.memory_space<vmem>> -> memref<1x128xi32, #tpu.memory_space<vmem>>
        %dma_start3A_901 = tpu.memref_squeeze %dma_start3A_900 : memref<1x128xi32, #tpu.memory_space<vmem>> -> memref<128xi32, #tpu.memory_space<vmem>>
        %dma_start3A_902 = arith.constant 0 : i32
        %dma_start3A_903 = arith.constant 0 : i32
        %dma_start3A_904 = tpu.memref_slice %arg3[%dma_start3A_902, %dma_start3A_903] : memref<100000x8xf32, #tpu.memory_space<hbm>> -> memref<100000x8xf32, #tpu.memory_space<hbm>>
        %dma_start3A_905 = tpu.memref_slice %arg8[%sub3A_419] : memref<2x!tpu.dma_semaphore, #tpu.memory_space<semaphore_mem>> -> memref<1x!tpu.dma_semaphore, #tpu.memory_space<semaphore_mem>>
        %dma_start3A_906 = tpu.memref_squeeze %dma_start3A_905 : memref<1x!tpu.dma_semaphore, #tpu.memory_space<semaphore_mem>> -> memref<!tpu.dma_semaphore, #tpu.memory_space<semaphore_mem>>
        tpu.enqueue_indirect_dma source(%dma_start3A_904 : memref<100000x8xf32, #tpu.memory_space<hbm>>) target(%dma_start3A_898 : memref<128x8xf32, #tpu.memory_space<vmem>>) offsets(%dma_start3A_901 : memref<128xi32, #tpu.memory_space<vmem>>) semaphore(%dma_start3A_906 : memref<!tpu.dma_semaphore, #tpu.memory_space<semaphore_mem>>)
        %mul3A_907 = arith.constant 24 : i32
        %mul3A_908 = arith.muli %sub3A_419, %mul3A_907 : i32
        %add3A_909 = arith.constant 23 : i32
        %add3A_910 = arith.addi %mul3A_908, %add3A_909 : i32
        %mul3A_911 = arith.constant 3 : i32
        %mul3A_912 = arith.muli %sub3A_419, %mul3A_911 : i32
        %mul3A_913 = arith.constant 1024 : i32
        %mul3A_914 = arith.muli %mul3A_912, %mul3A_913 : i32
        %add3A_915 = arith.constant 2944 : i32
        %add3A_916 = arith.addi %mul3A_914, %add3A_915 : i32
        %dma_start3A_917 = arith.constant 0 : i32
        %dma_start3A_918 = tpu.memref_slice %arg6[%add3A_916, %dma_start3A_917] : memref<6144x8xf32, #tpu.memory_space<vmem>> -> memref<128x8xf32, #tpu.memory_space<vmem>>
        %dma_start3A_919 = arith.constant 0 : i32
        %dma_start3A_920 = tpu.memref_slice %arg5[%add3A_910, %dma_start3A_919] : memref<48x128xi32, #tpu.memory_space<vmem>> -> memref<1x128xi32, #tpu.memory_space<vmem>>
        %dma_start3A_921 = tpu.memref_squeeze %dma_start3A_920 : memref<1x128xi32, #tpu.memory_space<vmem>> -> memref<128xi32, #tpu.memory_space<vmem>>
        %dma_start3A_922 = arith.constant 0 : i32
        %dma_start3A_923 = arith.constant 0 : i32
        %dma_start3A_924 = tpu.memref_slice %arg3[%dma_start3A_922, %dma_start3A_923] : memref<100000x8xf32, #tpu.memory_space<hbm>> -> memref<100000x8xf32, #tpu.memory_space<hbm>>
        %dma_start3A_925 = tpu.memref_slice %arg8[%sub3A_419] : memref<2x!tpu.dma_semaphore, #tpu.memory_space<semaphore_mem>> -> memref<1x!tpu.dma_semaphore, #tpu.memory_space<semaphore_mem>>
        %dma_start3A_926 = tpu.memref_squeeze %dma_start3A_925 : memref<1x!tpu.dma_semaphore, #tpu.memory_space<semaphore_mem>> -> memref<!tpu.dma_semaphore, #tpu.memory_space<semaphore_mem>>
        tpu.enqueue_indirect_dma source(%dma_start3A_924 : memref<100000x8xf32, #tpu.memory_space<hbm>>) target(%dma_start3A_918 : memref<128x8xf32, #tpu.memory_space<vmem>>) offsets(%dma_start3A_921 : memref<128xi32, #tpu.memory_space<vmem>>) semaphore(%dma_start3A_926 : memref<!tpu.dma_semaphore, #tpu.memory_space<semaphore_mem>>)
      } else {
      }
      %mul3A_374 = arith.constant 3 : i32
      %mul3A_375 = arith.muli %and3A_371, %mul3A_374 : i32
      %mul3A_376 = arith.constant 1024 : i32
      %mul3A_377 = arith.muli %mul3A_375, %mul3A_376 : i32
      %dma_wait3A_378 = arith.constant 0 : i32
      %dma_wait3A_379 = tpu.memref_slice %arg6[%mul3A_377, %dma_wait3A_378] : memref<6144x8xf32, #tpu.memory_space<vmem>> -> memref<3072x8xf32, #tpu.memory_space<vmem>>
      %dma_wait3A_380 = arith.constant 0 : i32
      %dma_wait3A_381 = arith.constant 0 : i32
      %dma_wait3A_382 = tpu.memref_slice %arg3[%dma_wait3A_380, %dma_wait3A_381] : memref<100000x8xf32, #tpu.memory_space<hbm>> -> memref<3072x8xf32, #tpu.memory_space<hbm>>
      %dma_wait3A_383 = tpu.memref_slice %arg8[%and3A_371] : memref<2x!tpu.dma_semaphore, #tpu.memory_space<semaphore_mem>> -> memref<1x!tpu.dma_semaphore, #tpu.memory_space<semaphore_mem>>
      %dma_wait3A_384 = tpu.memref_squeeze %dma_wait3A_383 : memref<1x!tpu.dma_semaphore, #tpu.memory_space<semaphore_mem>> -> memref<!tpu.dma_semaphore, #tpu.memory_space<semaphore_mem>>
      %dma_wait3A_385 = arith.constant 0 : i32
      %dma_wait3A_386 = tpu.memref_slice %arg6[%mul3A_377, %dma_wait3A_385] : memref<6144x8xf32, #tpu.memory_space<vmem>> -> memref<3072x8xf32, #tpu.memory_space<vmem>>
      %dma_wait3A_387 = arith.constant 0 : i32
      %dma_wait3A_388 = arith.constant 0 : i32
      %dma_wait3A_389 = tpu.memref_slice %arg3[%dma_wait3A_387, %dma_wait3A_388] : memref<100000x8xf32, #tpu.memory_space<hbm>> -> memref<3072x8xf32, #tpu.memory_space<hbm>>
      tpu.wait_dma2 semaphore(%dma_wait3A_384 : memref<!tpu.dma_semaphore, #tpu.memory_space<semaphore_mem>>) src(%dma_wait3A_389 : memref<3072x8xf32, #tpu.memory_space<hbm>>) dst(%dma_wait3A_386 : memref<3072x8xf32, #tpu.memory_space<vmem>>)
      %ge3A = arith.constant 2 : i32
      %ge3A_390 = arith.cmpi sge, %scan3A_370, %ge3A : i32
      %convert_element_type3A_391 = arith.extui %ge3A_390 : i1 to i32
      %cond3A_392 = arith.constant 0 : i32
      %cond3A_393 = arith.cmpi ne, %convert_element_type3A_391, %cond3A_392 : i32
      scf.if %cond3A_393 {
        %mul3A_417 = arith.constant 7 : i32
        %mul3A_418 = arith.muli %add3A, %mul3A_417 : i32
        %sub3A = arith.constant 2 : i32
        %sub3A_419 = arith.subi %scan3A_370, %sub3A : i32
        %add3A_420 = arith.addi %mul3A_418, %sub3A_419 : i32
        %mul3A_421 = arith.constant 1024 : i32
        %mul3A_422 = arith.muli %and3A_371, %mul3A_421 : i32
        %mul3A_423 = arith.constant 1024 : i32
        %mul3A_424 = arith.muli %add3A_420, %mul3A_423 : i32
        %dma_wait3A_425 = arith.constant 0 : i32
        %dma_wait3A_426 = tpu.memref_slice %arg7[%mul3A_422, %dma_wait3A_425] : memref<2048x16xf32, #tpu.memory_space<vmem>> -> memref<1024x16xf32, #tpu.memory_space<vmem>>
        %dma_wait3A_427 = arith.constant 0 : i32
        %dma_wait3A_428 = tpu.memref_slice %arg4[%mul3A_424, %dma_wait3A_427] : memref<229376x16xf32, #tpu.memory_space<hbm>> -> memref<1024x16xf32, #tpu.memory_space<hbm>>
        %dma_wait3A_429 = tpu.memref_slice %arg9[%and3A_371] : memref<2x!tpu.dma_semaphore, #tpu.memory_space<semaphore_mem>> -> memref<1x!tpu.dma_semaphore, #tpu.memory_space<semaphore_mem>>
        %dma_wait3A_430 = tpu.memref_squeeze %dma_wait3A_429 : memref<1x!tpu.dma_semaphore, #tpu.memory_space<semaphore_mem>> -> memref<!tpu.dma_semaphore, #tpu.memory_space<semaphore_mem>>
        %dma_wait3A_431 = arith.constant 0 : i32
        %dma_wait3A_432 = tpu.memref_slice %arg4[%mul3A_424, %dma_wait3A_431] : memref<229376x16xf32, #tpu.memory_space<hbm>> -> memref<1024x16xf32, #tpu.memory_space<hbm>>
        %dma_wait3A_433 = arith.constant 0 : i32
        %dma_wait3A_434 = tpu.memref_slice %arg7[%mul3A_422, %dma_wait3A_433] : memref<2048x16xf32, #tpu.memory_space<vmem>> -> memref<1024x16xf32, #tpu.memory_space<vmem>>
        tpu.wait_dma2 semaphore(%dma_wait3A_430 : memref<!tpu.dma_semaphore, #tpu.memory_space<semaphore_mem>>) src(%dma_wait3A_434 : memref<1024x16xf32, #tpu.memory_space<vmem>>) dst(%dma_wait3A_432 : memref<1024x16xf32, #tpu.memory_space<hbm>>)
      } else {
      }
      %scan3A_394 = arith.constant 0 : i32
      %scan3A_395 = arith.constant 0 : i32
      %scan3A_396 = arith.constant 64 : i32
      %scan3A_397 = arith.addi %scan3A_395, %scan3A_396 : i32
      %scan3A_398 = arith.constant 1 : i32
      scf.for %scan3A_417 = %scan3A_395 to %scan3A_397 step %scan3A_398  : i32 {
        %mul3A_418 = arith.constant 16 : i32
        %mul3A_419 = arith.muli %scan3A_417, %mul3A_418 : i32
        %add3A_420 = vector.broadcast %mul3A_419 : i32 to vector<16xi32>
        %add3A_421 = arith.addi %add3A_420, %iota3A : vector<16xi32>
        %mul3A_422 = arith.constant 3 : i32
        %mul3A_423 = arith.muli %and3A_371, %mul3A_422 : i32
        %mul3A_424 = arith.constant 1024 : i32
        %mul3A_425 = arith.muli %mul3A_423, %mul3A_424 : i32
        %add3A_426 = arith.constant 0 : i32
        %add3A_427 = arith.addi %mul3A_425, %add3A_426 : i32
        %add3A_428 = vector.broadcast %add3A_427 : i32 to vector<16xi32>
        %add3A_429 = arith.addi %add3A_428, %add3A_421 : vector<16xi32>
        %broadcast_in_dim3A = arith.constant 0 : i32
        %broadcast_in_dim3A_430 = vector.broadcast %broadcast_in_dim3A : i32 to vector<16xi32>
        %gather3A = tpu.vector_load_idx %arg6[%add3A_429, %broadcast_in_dim3A_430] : memref<6144x8xf32, #tpu.memory_space<vmem>>[vector<16xi32>, vector<16xi32>], vector<16xf32>,
        %mul3A_431 = arith.constant 1024 : i32
        %mul3A_432 = arith.muli %and3A_371, %mul3A_431 : i32
        %add3A_433 = vector.broadcast %mul3A_432 : i32 to vector<16xi32>
        %add3A_434 = arith.addi %add3A_433, %add3A_421 : vector<16xi32>
        %broadcast_in_dim3A_435 = arith.constant 0 : i32
        %broadcast_in_dim3A_436 = vector.broadcast %broadcast_in_dim3A_435 : i32 to vector<16xi32>
        tpu.vector_store_idx %arg7[%add3A_434, %broadcast_in_dim3A_436], %gather3A : memref<2048x16xf32, #tpu.memory_space<vmem>>[vector<16xi32>, vector<16xi32>], vector<16xf32>,
        %broadcast_in_dim3A_437 = arith.constant 1 : i32
        %broadcast_in_dim3A_438 = vector.broadcast %broadcast_in_dim3A_437 : i32 to vector<16xi32>
        %gather3A_439 = tpu.vector_load_idx %arg6[%add3A_429, %broadcast_in_dim3A_438] : memref<6144x8xf32, #tpu.memory_space<vmem>>[vector<16xi32>, vector<16xi32>], vector<16xf32>,
        %mul3A_440 = arith.constant 1024 : i32
        %mul3A_441 = arith.muli %and3A_371, %mul3A_440 : i32
        %add3A_442 = vector.broadcast %mul3A_441 : i32 to vector<16xi32>
        %add3A_443 = arith.addi %add3A_442, %add3A_421 : vector<16xi32>
        %broadcast_in_dim3A_444 = arith.constant 1 : i32
        %broadcast_in_dim3A_445 = vector.broadcast %broadcast_in_dim3A_444 : i32 to vector<16xi32>
        tpu.vector_store_idx %arg7[%add3A_443, %broadcast_in_dim3A_445], %gather3A_439 : memref<2048x16xf32, #tpu.memory_space<vmem>>[vector<16xi32>, vector<16xi32>], vector<16xf32>,
        %broadcast_in_dim3A_446 = arith.constant 2 : i32
        %broadcast_in_dim3A_447 = vector.broadcast %broadcast_in_dim3A_446 : i32 to vector<16xi32>
        %gather3A_448 = tpu.vector_load_idx %arg6[%add3A_429, %broadcast_in_dim3A_447] : memref<6144x8xf32, #tpu.memory_space<vmem>>[vector<16xi32>, vector<16xi32>], vector<16xf32>,
        %mul3A_449 = arith.constant 1024 : i32
        %mul3A_450 = arith.muli %and3A_371, %mul3A_449 : i32
        %add3A_451 = vector.broadcast %mul3A_450 : i32 to vector<16xi32>
        %add3A_452 = arith.addi %add3A_451, %add3A_421 : vector<16xi32>
        %broadcast_in_dim3A_453 = arith.constant 2 : i32
        %broadcast_in_dim3A_454 = vector.broadcast %broadcast_in_dim3A_453 : i32 to vector<16xi32>
        tpu.vector_store_idx %arg7[%add3A_452, %broadcast_in_dim3A_454], %gather3A_448 : memref<2048x16xf32, #tpu.memory_space<vmem>>[vector<16xi32>, vector<16xi32>], vector<16xf32>,
        %mul3A_455 = arith.constant 3 : i32
        %mul3A_456 = arith.muli %and3A_371, %mul3A_455 : i32
        %mul3A_457 = arith.constant 1024 : i32
        %mul3A_458 = arith.muli %mul3A_456, %mul3A_457 : i32
        %add3A_459 = arith.constant 1024 : i32
        %add3A_460 = arith.addi %mul3A_458, %add3A_459 : i32
        %add3A_461 = vector.broadcast %add3A_460 : i32 to vector<16xi32>
        %add3A_462 = arith.addi %add3A_461, %add3A_421 : vector<16xi32>
        %broadcast_in_dim3A_463 = arith.constant 0 : i32
        %broadcast_in_dim3A_464 = vector.broadcast %broadcast_in_dim3A_463 : i32 to vector<16xi32>
        %gather3A_465 = tpu.vector_load_idx %arg6[%add3A_462, %broadcast_in_dim3A_464] : memref<6144x8xf32, #tpu.memory_space<vmem>>[vector<16xi32>, vector<16xi32>], vector<16xf32>,
        %mul3A_466 = arith.constant 1024 : i32
        %mul3A_467 = arith.muli %and3A_371, %mul3A_466 : i32
        %add3A_468 = vector.broadcast %mul3A_467 : i32 to vector<16xi32>
        %add3A_469 = arith.addi %add3A_468, %add3A_421 : vector<16xi32>
        %broadcast_in_dim3A_470 = arith.constant 3 : i32
        %broadcast_in_dim3A_471 = vector.broadcast %broadcast_in_dim3A_470 : i32 to vector<16xi32>
        tpu.vector_store_idx %arg7[%add3A_469, %broadcast_in_dim3A_471], %gather3A_465 : memref<2048x16xf32, #tpu.memory_space<vmem>>[vector<16xi32>, vector<16xi32>], vector<16xf32>,
        %broadcast_in_dim3A_472 = arith.constant 1 : i32
        %broadcast_in_dim3A_473 = vector.broadcast %broadcast_in_dim3A_472 : i32 to vector<16xi32>
        %gather3A_474 = tpu.vector_load_idx %arg6[%add3A_462, %broadcast_in_dim3A_473] : memref<6144x8xf32, #tpu.memory_space<vmem>>[vector<16xi32>, vector<16xi32>], vector<16xf32>,
        %mul3A_475 = arith.constant 1024 : i32
        %mul3A_476 = arith.muli %and3A_371, %mul3A_475 : i32
        %add3A_477 = vector.broadcast %mul3A_476 : i32 to vector<16xi32>
        %add3A_478 = arith.addi %add3A_477, %add3A_421 : vector<16xi32>
        %broadcast_in_dim3A_479 = arith.constant 4 : i32
        %broadcast_in_dim3A_480 = vector.broadcast %broadcast_in_dim3A_479 : i32 to vector<16xi32>
        tpu.vector_store_idx %arg7[%add3A_478, %broadcast_in_dim3A_480], %gather3A_474 : memref<2048x16xf32, #tpu.memory_space<vmem>>[vector<16xi32>, vector<16xi32>], vector<16xf32>,
        %broadcast_in_dim3A_481 = arith.constant 2 : i32
        %broadcast_in_dim3A_482 = vector.broadcast %broadcast_in_dim3A_481 : i32 to vector<16xi32>
        %gather3A_483 = tpu.vector_load_idx %arg6[%add3A_462, %broadcast_in_dim3A_482] : memref<6144x8xf32, #tpu.memory_space<vmem>>[vector<16xi32>, vector<16xi32>], vector<16xf32>,
        %mul3A_484 = arith.constant 1024 : i32
        %mul3A_485 = arith.muli %and3A_371, %mul3A_484 : i32
        %add3A_486 = vector.broadcast %mul3A_485 : i32 to vector<16xi32>
        %add3A_487 = arith.addi %add3A_486, %add3A_421 : vector<16xi32>
        %broadcast_in_dim3A_488 = arith.constant 5 : i32
        %broadcast_in_dim3A_489 = vector.broadcast %broadcast_in_dim3A_488 : i32 to vector<16xi32>
        tpu.vector_store_idx %arg7[%add3A_487, %broadcast_in_dim3A_489], %gather3A_483 : memref<2048x16xf32, #tpu.memory_space<vmem>>[vector<16xi32>, vector<16xi32>], vector<16xf32>,
        %mul3A_490 = arith.constant 3 : i32
        %mul3A_491 = arith.muli %and3A_371, %mul3A_490 : i32
        %mul3A_492 = arith.constant 1024 : i32
        %mul3A_493 = arith.muli %mul3A_491, %mul3A_492 : i32
        %add3A_494 = arith.constant 2048 : i32
        %add3A_495 = arith.addi %mul3A_493, %add3A_494 : i32
        %add3A_496 = vector.broadcast %add3A_495 : i32 to vector<16xi32>
        %add3A_497 = arith.addi %add3A_496, %add3A_421 : vector<16xi32>
        %broadcast_in_dim3A_498 = arith.constant 0 : i32
        %broadcast_in_dim3A_499 = vector.broadcast %broadcast_in_dim3A_498 : i32 to vector<16xi32>
        %gather3A_500 = tpu.vector_load_idx %arg6[%add3A_497, %broadcast_in_dim3A_499] : memref<6144x8xf32, #tpu.memory_space<vmem>>[vector<16xi32>, vector<16xi32>], vector<16xf32>,
        %mul3A_501 = arith.constant 1024 : i32
        %mul3A_502 = arith.muli %and3A_371, %mul3A_501 : i32
        %add3A_503 = vector.broadcast %mul3A_502 : i32 to vector<16xi32>
        %add3A_504 = arith.addi %add3A_503, %add3A_421 : vector<16xi32>
        %broadcast_in_dim3A_505 = arith.constant 6 : i32
        %broadcast_in_dim3A_506 = vector.broadcast %broadcast_in_dim3A_505 : i32 to vector<16xi32>
        tpu.vector_store_idx %arg7[%add3A_504, %broadcast_in_dim3A_506], %gather3A_500 : memref<2048x16xf32, #tpu.memory_space<vmem>>[vector<16xi32>, vector<16xi32>], vector<16xf32>,
        %broadcast_in_dim3A_507 = arith.constant 1 : i32
        %broadcast_in_dim3A_508 = vector.broadcast %broadcast_in_dim3A_507 : i32 to vector<16xi32>
        %gather3A_509 = tpu.vector_load_idx %arg6[%add3A_497, %broadcast_in_dim3A_508] : memref<6144x8xf32, #tpu.memory_space<vmem>>[vector<16xi32>, vector<16xi32>], vector<16xf32>,
        %mul3A_510 = arith.constant 1024 : i32
        %mul3A_511 = arith.muli %and3A_371, %mul3A_510 : i32
        %add3A_512 = vector.broadcast %mul3A_511 : i32 to vector<16xi32>
        %add3A_513 = arith.addi %add3A_512, %add3A_421 : vector<16xi32>
        %broadcast_in_dim3A_514 = arith.constant 7 : i32
        %broadcast_in_dim3A_515 = vector.broadcast %broadcast_in_dim3A_514 : i32 to vector<16xi32>
        tpu.vector_store_idx %arg7[%add3A_513, %broadcast_in_dim3A_515], %gather3A_509 : memref<2048x16xf32, #tpu.memory_space<vmem>>[vector<16xi32>, vector<16xi32>], vector<16xf32>,
        %broadcast_in_dim3A_516 = arith.constant 2 : i32
        %broadcast_in_dim3A_517 = vector.broadcast %broadcast_in_dim3A_516 : i32 to vector<16xi32>
        %gather3A_518 = tpu.vector_load_idx %arg6[%add3A_497, %broadcast_in_dim3A_517] : memref<6144x8xf32, #tpu.memory_space<vmem>>[vector<16xi32>, vector<16xi32>], vector<16xf32>,
        %mul3A_519 = arith.constant 1024 : i32
        %mul3A_520 = arith.muli %and3A_371, %mul3A_519 : i32
        %add3A_521 = vector.broadcast %mul3A_520 : i32 to vector<16xi32>
        %add3A_522 = arith.addi %add3A_521, %add3A_421 : vector<16xi32>
        %broadcast_in_dim3A_523 = arith.constant 8 : i32
        %broadcast_in_dim3A_524 = vector.broadcast %broadcast_in_dim3A_523 : i32 to vector<16xi32>
        tpu.vector_store_idx %arg7[%add3A_522, %broadcast_in_dim3A_524], %gather3A_518 : memref<2048x16xf32, #tpu.memory_space<vmem>>[vector<16xi32>, vector<16xi32>], vector<16xf32>,
      }
      %scan3A_399 = arith.constant 64 : i32
      %mul3A_400 = arith.constant 7 : i32
      %mul3A_401 = arith.muli %add3A, %mul3A_400 : i32
      %add3A_402 = arith.addi %mul3A_401, %scan3A_370 : i32
      %mul3A_403 = arith.constant 1024 : i32
      %mul3A_404 = arith.muli %and3A_371, %mul3A_403 : i32
      %mul3A_405 = arith.constant 1024 : i32
      %mul3A_406 = arith.muli %add3A_402, %mul3A_405 : i32
      %dma_start3A_407 = arith.constant 0 : i32
      %dma_start3A_408 = tpu.memref_slice %arg7[%mul3A_404, %dma_start3A_407] : memref<2048x16xf32, #tpu.memory_space<vmem>> -> memref<1024x16xf32, #tpu.memory_space<vmem>>
      %dma_start3A_409 = arith.constant 0 : i32
      %dma_start3A_410 = tpu.memref_slice %arg4[%mul3A_406, %dma_start3A_409] : memref<229376x16xf32, #tpu.memory_space<hbm>> -> memref<1024x16xf32, #tpu.memory_space<hbm>>
      %dma_start3A_411 = tpu.memref_slice %arg9[%and3A_371] : memref<2x!tpu.dma_semaphore, #tpu.memory_space<semaphore_mem>> -> memref<1x!tpu.dma_semaphore, #tpu.memory_space<semaphore_mem>>
      %dma_start3A_412 = tpu.memref_squeeze %dma_start3A_411 : memref<1x!tpu.dma_semaphore, #tpu.memory_space<semaphore_mem>> -> memref<!tpu.dma_semaphore, #tpu.memory_space<semaphore_mem>>
      %dma_start3A_413 = arith.constant 0 : i32
      %dma_start3A_414 = tpu.memref_slice %arg4[%mul3A_406, %dma_start3A_413] : memref<229376x16xf32, #tpu.memory_space<hbm>> -> memref<1024x16xf32, #tpu.memory_space<hbm>>
      %dma_start3A_415 = arith.constant 0 : i32
      %dma_start3A_416 = tpu.memref_slice %arg7[%mul3A_404, %dma_start3A_415] : memref<2048x16xf32, #tpu.memory_space<vmem>> -> memref<1024x16xf32, #tpu.memory_space<vmem>>
      tpu.enqueue_dma source(%dma_start3A_416 : memref<1024x16xf32, #tpu.memory_space<vmem>>) target(%dma_start3A_414 : memref<1024x16xf32, #tpu.memory_space<hbm>>) target_semaphore(%dma_start3A_412 : memref<!tpu.dma_semaphore, #tpu.memory_space<semaphore_mem>>)
    }
    %scan3A_332 = arith.constant 7 : i32
    %mul3A_333 = arith.constant 7 : i32
    %mul3A_334 = arith.muli %add3A, %mul3A_333 : i32
    %add3A_335 = arith.constant 5 : i32
    %add3A_336 = arith.addi %mul3A_334, %add3A_335 : i32
    %mul3A_337 = arith.constant 1024 : i32
    %mul3A_338 = arith.muli %add3A_336, %mul3A_337 : i32
    %dma_wait3A = arith.constant 1 : i32
    %dma_wait3A_339 = arith.constant 1024 : i32
    %dma_wait3A_340 = arith.constant 0 : i32
    %dma_wait3A_341 = tpu.memref_slice %arg7[%dma_wait3A_339, %dma_wait3A_340] : memref<2048x16xf32, #tpu.memory_space<vmem>> -> memref<1024x16xf32, #tpu.memory_space<vmem>>
    %dma_wait3A_342 = arith.constant 0 : i32
    %dma_wait3A_343 = tpu.memref_slice %arg4[%mul3A_338, %dma_wait3A_342] : memref<229376x16xf32, #tpu.memory_space<hbm>> -> memref<1024x16xf32, #tpu.memory_space<hbm>>
    %dma_wait3A_344 = tpu.memref_slice %arg9[%dma_wait3A] : memref<2x!tpu.dma_semaphore, #tpu.memory_space<semaphore_mem>> -> memref<1x!tpu.dma_semaphore, #tpu.memory_space<semaphore_mem>>
    %dma_wait3A_345 = tpu.memref_squeeze %dma_wait3A_344 : memref<1x!tpu.dma_semaphore, #tpu.memory_space<semaphore_mem>> -> memref<!tpu.dma_semaphore, #tpu.memory_space<semaphore_mem>>
    %dma_wait3A_346 = arith.constant 0 : i32
    %dma_wait3A_347 = tpu.memref_slice %arg4[%mul3A_338, %dma_wait3A_346] : memref<229376x16xf32, #tpu.memory_space<hbm>> -> memref<1024x16xf32, #tpu.memory_space<hbm>>
    %dma_wait3A_348 = arith.constant 1024 : i32
    %dma_wait3A_349 = arith.constant 0 : i32
    %dma_wait3A_350 = tpu.memref_slice %arg7[%dma_wait3A_348, %dma_wait3A_349] : memref<2048x16xf32, #tpu.memory_space<vmem>> -> memref<1024x16xf32, #tpu.memory_space<vmem>>
    tpu.wait_dma2 semaphore(%dma_wait3A_345 : memref<!tpu.dma_semaphore, #tpu.memory_space<semaphore_mem>>) src(%dma_wait3A_350 : memref<1024x16xf32, #tpu.memory_space<vmem>>) dst(%dma_wait3A_347 : memref<1024x16xf32, #tpu.memory_space<hbm>>)
    %mul3A_351 = arith.constant 7 : i32
    %mul3A_352 = arith.muli %add3A, %mul3A_351 : i32
    %add3A_353 = arith.constant 6 : i32
    %add3A_354 = arith.addi %mul3A_352, %add3A_353 : i32
    %mul3A_355 = arith.constant 1024 : i32
    %mul3A_356 = arith.muli %add3A_354, %mul3A_355 : i32
    %dma_wait3A_357 = arith.constant 0 : i32
    %dma_wait3A_358 = arith.constant 0 : i32
    %dma_wait3A_359 = arith.constant 0 : i32
    %dma_wait3A_360 = tpu.memref_slice %arg7[%dma_wait3A_358, %dma_wait3A_359] : memref<2048x16xf32, #tpu.memory_space<vmem>> -> memref<1024x16xf32, #tpu.memory_space<vmem>>
    %dma_wait3A_361 = arith.constant 0 : i32
    %dma_wait3A_362 = tpu.memref_slice %arg4[%mul3A_356, %dma_wait3A_361] : memref<229376x16xf32, #tpu.memory_space<hbm>> -> memref<1024x16xf32, #tpu.memory_space<hbm>>
    %dma_wait3A_363 = tpu.memref_slice %arg9[%dma_wait3A_357] : memref<2x!tpu.dma_semaphore, #tpu.memory_space<semaphore_mem>> -> memref<1x!tpu.dma_semaphore, #tpu.memory_space<semaphore_mem>>
    %dma_wait3A_364 = tpu.memref_squeeze %dma_wait3A_363 : memref<1x!tpu.dma_semaphore, #tpu.memory_space<semaphore_mem>> -> memref<!tpu.dma_semaphore, #tpu.memory_space<semaphore_mem>>
    %dma_wait3A_365 = arith.constant 0 : i32
    %dma_wait3A_366 = tpu.memref_slice %arg4[%mul3A_356, %dma_wait3A_365] : memref<229376x16xf32, #tpu.memory_space<hbm>> -> memref<1024x16xf32, #tpu.memory_space<hbm>>
    %dma_wait3A_367 = arith.constant 0 : i32
    %dma_wait3A_368 = arith.constant 0 : i32
    %dma_wait3A_369 = tpu.memref_slice %arg7[%dma_wait3A_367, %dma_wait3A_368] : memref<2048x16xf32, #tpu.memory_space<vmem>> -> memref<1024x16xf32, #tpu.memory_space<vmem>>
    tpu.wait_dma2 semaphore(%dma_wait3A_364 : memref<!tpu.dma_semaphore, #tpu.memory_space<semaphore_mem>>) src(%dma_wait3A_369 : memref<1024x16xf32, #tpu.memory_space<vmem>>) dst(%dma_wait3A_366 : memref<1024x16xf32, #tpu.memory_space<hbm>>)
    return
  }
}

#map = affine_map<(d0, d1) -> (0, 0)>
module attributes {stable_mosaic.version = 14 : i64} {
  func.func @_interp_body(%arg0: i32, %arg1: i32, %arg2: memref<8192x128xi32, #tpu.memory_space<hbm>>, %arg3: memref<6144x512xf32, #tpu.memory_space<hbm>>, %arg4: memref<229376x16xf32, #tpu.memory_space<hbm>>, %arg5: memref<6144x512xf32, #tpu.memory_space<hbm>>, %arg6: memref<32x128xi32, #tpu.memory_space<vmem>>, %arg7: memref<4096x16xf32, #tpu.memory_space<vmem>>, %arg8: memref<24x512xf32, #tpu.memory_space<vmem>>, %arg9: memref<24x512xf32, #tpu.memory_space<vmem>>, %arg10: memref<2x!tpu.dma_semaphore, #tpu.memory_space<semaphore_mem>>, %arg11: memref<2x!tpu.dma_semaphore, #tpu.memory_space<semaphore_mem>>) attributes {dimension_semantics = [#tpu.dimension_semantics<core_parallel>, #tpu.dimension_semantics<subcore_parallel>], iteration_bounds = array<i64: 2, 16>, scalar_prefetch = 0 : i64, scratch_operands = 6 : i64, tpu.core_type = #tpu.core_type<sc_vector_subcore>, window_params = [{transform_indices = #map}, {transform_indices = #map}, {transform_indices = #map}, {transform_indices = #map}]} {
    %mul3A = arith.constant 2 : i32
    %mul3A_0 = arith.muli %arg1, %mul3A : i32
    %add3A = arith.addi %mul3A_0, %arg0 : i32
    %iota3A = tpu.iota {dimensions = array<i32: 0>} : vector<16xi32>
    %mul3A_1 = arith.constant 16 : i32
    %mul3A_2 = arith.muli %add3A, %mul3A_1 : i32
    %add3A_3 = arith.constant 0 : i32
    %add3A_4 = arith.addi %mul3A_2, %add3A_3 : i32
    %mul3A_5 = arith.constant 16 : i32
    %mul3A_6 = arith.muli %add3A_4, %mul3A_5 : i32
    "tpu.region"() ({
      %run_scoped3A = tpu.sem_alloc : memref<!tpu.dma_semaphore, #tpu.memory_space<semaphore_mem>>
      %dma_start3A_361 = arith.constant 0 : i32
      %dma_start3A_362 = arith.constant 0 : i32
      %dma_start3A_363 = tpu.memref_slice %arg6[%dma_start3A_361, %dma_start3A_362] : memref<32x128xi32, #tpu.memory_space<vmem>> -> memref<16x128xi32, #tpu.memory_space<vmem>>
      %dma_start3A_364 = arith.constant 0 : i32
      %dma_start3A_365 = tpu.memref_slice %arg2[%mul3A_6, %dma_start3A_364] : memref<8192x128xi32, #tpu.memory_space<hbm>> -> memref<16x128xi32, #tpu.memory_space<hbm>>
      %dma_start3A_366 = arith.constant 0 : i32
      %dma_start3A_367 = arith.constant 0 : i32
      %dma_start3A_368 = tpu.memref_slice %arg6[%dma_start3A_366, %dma_start3A_367] : memref<32x128xi32, #tpu.memory_space<vmem>> -> memref<16x128xi32, #tpu.memory_space<vmem>>
      %dma_start3A_369 = arith.constant 0 : i32
      %dma_start3A_370 = tpu.memref_slice %arg2[%mul3A_6, %dma_start3A_369] : memref<8192x128xi32, #tpu.memory_space<hbm>> -> memref<16x128xi32, #tpu.memory_space<hbm>>
      tpu.enqueue_dma source(%dma_start3A_370 : memref<16x128xi32, #tpu.memory_space<hbm>>) target(%dma_start3A_368 : memref<16x128xi32, #tpu.memory_space<vmem>>) target_semaphore(%run_scoped3A : memref<!tpu.dma_semaphore, #tpu.memory_space<semaphore_mem>>)
      %dma_wait3A_371 = arith.constant 0 : i32
      %dma_wait3A_372 = arith.constant 0 : i32
      %dma_wait3A_373 = tpu.memref_slice %arg6[%dma_wait3A_371, %dma_wait3A_372] : memref<32x128xi32, #tpu.memory_space<vmem>> -> memref<16x128xi32, #tpu.memory_space<vmem>>
      %dma_wait3A_374 = arith.constant 0 : i32
      %dma_wait3A_375 = tpu.memref_slice %arg2[%mul3A_6, %dma_wait3A_374] : memref<8192x128xi32, #tpu.memory_space<hbm>> -> memref<16x128xi32, #tpu.memory_space<hbm>>
      %dma_wait3A_376 = arith.constant 0 : i32
      %dma_wait3A_377 = arith.constant 0 : i32
      %dma_wait3A_378 = tpu.memref_slice %arg6[%dma_wait3A_376, %dma_wait3A_377] : memref<32x128xi32, #tpu.memory_space<vmem>> -> memref<16x128xi32, #tpu.memory_space<vmem>>
      %dma_wait3A_379 = arith.constant 0 : i32
      %dma_wait3A_380 = tpu.memref_slice %arg2[%mul3A_6, %dma_wait3A_379] : memref<8192x128xi32, #tpu.memory_space<hbm>> -> memref<16x128xi32, #tpu.memory_space<hbm>>
      tpu.wait_dma2 semaphore(%run_scoped3A : memref<!tpu.dma_semaphore, #tpu.memory_space<semaphore_mem>>) src(%dma_wait3A_380 : memref<16x128xi32, #tpu.memory_space<hbm>>) dst(%dma_wait3A_378 : memref<16x128xi32, #tpu.memory_space<vmem>>)
      tpu.yield
    }) : () -> ()
    %dma_start3A = arith.constant 0 : i32
    %dma_start3A_7 = arith.constant 0 : i32
    %dma_start3A_8 = arith.constant 0 : i32
    %dma_start3A_9 = arith.constant 0 : i32
    %dma_start3A_10 = tpu.memref_slice %arg7[%dma_start3A_8, %dma_start3A_9] : memref<4096x16xf32, #tpu.memory_space<vmem>> -> memref<128x16xf32, #tpu.memory_space<vmem>>
    %dma_start3A_11 = arith.constant 0 : i32
    %dma_start3A_12 = tpu.memref_slice %arg6[%dma_start3A, %dma_start3A_11] : memref<32x128xi32, #tpu.memory_space<vmem>> -> memref<1x128xi32, #tpu.memory_space<vmem>>
    %dma_start3A_13 = tpu.memref_squeeze %dma_start3A_12 : memref<1x128xi32, #tpu.memory_space<vmem>> -> memref<128xi32, #tpu.memory_space<vmem>>
    %dma_start3A_14 = arith.constant 0 : i32
    %dma_start3A_15 = arith.constant 0 : i32
    %dma_start3A_16 = tpu.memref_slice %arg4[%dma_start3A_14, %dma_start3A_15] : memref<229376x16xf32, #tpu.memory_space<hbm>> -> memref<229376x16xf32, #tpu.memory_space<hbm>>
    %dma_start3A_17 = tpu.memref_slice %arg10[%dma_start3A_7] : memref<2x!tpu.dma_semaphore, #tpu.memory_space<semaphore_mem>> -> memref<1x!tpu.dma_semaphore, #tpu.memory_space<semaphore_mem>>
    %dma_start3A_18 = tpu.memref_squeeze %dma_start3A_17 : memref<1x!tpu.dma_semaphore, #tpu.memory_space<semaphore_mem>> -> memref<!tpu.dma_semaphore, #tpu.memory_space<semaphore_mem>>
    tpu.enqueue_indirect_dma source(%dma_start3A_16 : memref<229376x16xf32, #tpu.memory_space<hbm>>) target(%dma_start3A_10 : memref<128x16xf32, #tpu.memory_space<vmem>>) offsets(%dma_start3A_13 : memref<128xi32, #tpu.memory_space<vmem>>) semaphore(%dma_start3A_18 : memref<!tpu.dma_semaphore, #tpu.memory_space<semaphore_mem>>)
    %dma_start3A_19 = arith.constant 1 : i32
    %dma_start3A_20 = arith.constant 0 : i32
    %dma_start3A_21 = arith.constant 128 : i32
    %dma_start3A_22 = arith.constant 0 : i32
    %dma_start3A_23 = tpu.memref_slice %arg7[%dma_start3A_21, %dma_start3A_22] : memref<4096x16xf32, #tpu.memory_space<vmem>> -> memref<128x16xf32, #tpu.memory_space<vmem>>
    %dma_start3A_24 = arith.constant 0 : i32
    %dma_start3A_25 = tpu.memref_slice %arg6[%dma_start3A_19, %dma_start3A_24] : memref<32x128xi32, #tpu.memory_space<vmem>> -> memref<1x128xi32, #tpu.memory_space<vmem>>
    %dma_start3A_26 = tpu.memref_squeeze %dma_start3A_25 : memref<1x128xi32, #tpu.memory_space<vmem>> -> memref<128xi32, #tpu.memory_space<vmem>>
    %dma_start3A_27 = arith.constant 0 : i32
    %dma_start3A_28 = arith.constant 0 : i32
    %dma_start3A_29 = tpu.memref_slice %arg4[%dma_start3A_27, %dma_start3A_28] : memref<229376x16xf32, #tpu.memory_space<hbm>> -> memref<229376x16xf32, #tpu.memory_space<hbm>>
    %dma_start3A_30 = tpu.memref_slice %arg10[%dma_start3A_20] : memref<2x!tpu.dma_semaphore, #tpu.memory_space<semaphore_mem>> -> memref<1x!tpu.dma_semaphore, #tpu.memory_space<semaphore_mem>>
    %dma_start3A_31 = tpu.memref_squeeze %dma_start3A_30 : memref<1x!tpu.dma_semaphore, #tpu.memory_space<semaphore_mem>> -> memref<!tpu.dma_semaphore, #tpu.memory_space<semaphore_mem>>
    tpu.enqueue_indirect_dma source(%dma_start3A_29 : memref<229376x16xf32, #tpu.memory_space<hbm>>) target(%dma_start3A_23 : memref<128x16xf32, #tpu.memory_space<vmem>>) offsets(%dma_start3A_26 : memref<128xi32, #tpu.memory_space<vmem>>) semaphore(%dma_start3A_31 : memref<!tpu.dma_semaphore, #tpu.memory_space<semaphore_mem>>)
    %dma_start3A_32 = arith.constant 2 : i32
    %dma_start3A_33 = arith.constant 0 : i32
    %dma_start3A_34 = arith.constant 256 : i32
    %dma_start3A_35 = arith.constant 0 : i32
    %dma_start3A_36 = tpu.memref_slice %arg7[%dma_start3A_34, %dma_start3A_35] : memref<4096x16xf32, #tpu.memory_space<vmem>> -> memref<128x16xf32, #tpu.memory_space<vmem>>
    %dma_start3A_37 = arith.constant 0 : i32
    %dma_start3A_38 = tpu.memref_slice %arg6[%dma_start3A_32, %dma_start3A_37] : memref<32x128xi32, #tpu.memory_space<vmem>> -> memref<1x128xi32, #tpu.memory_space<vmem>>
    %dma_start3A_39 = tpu.memref_squeeze %dma_start3A_38 : memref<1x128xi32, #tpu.memory_space<vmem>> -> memref<128xi32, #tpu.memory_space<vmem>>
    %dma_start3A_40 = arith.constant 0 : i32
    %dma_start3A_41 = arith.constant 0 : i32
    %dma_start3A_42 = tpu.memref_slice %arg4[%dma_start3A_40, %dma_start3A_41] : memref<229376x16xf32, #tpu.memory_space<hbm>> -> memref<229376x16xf32, #tpu.memory_space<hbm>>
    %dma_start3A_43 = tpu.memref_slice %arg10[%dma_start3A_33] : memref<2x!tpu.dma_semaphore, #tpu.memory_space<semaphore_mem>> -> memref<1x!tpu.dma_semaphore, #tpu.memory_space<semaphore_mem>>
    %dma_start3A_44 = tpu.memref_squeeze %dma_start3A_43 : memref<1x!tpu.dma_semaphore, #tpu.memory_space<semaphore_mem>> -> memref<!tpu.dma_semaphore, #tpu.memory_space<semaphore_mem>>
    tpu.enqueue_indirect_dma source(%dma_start3A_42 : memref<229376x16xf32, #tpu.memory_space<hbm>>) target(%dma_start3A_36 : memref<128x16xf32, #tpu.memory_space<vmem>>) offsets(%dma_start3A_39 : memref<128xi32, #tpu.memory_space<vmem>>) semaphore(%dma_start3A_44 : memref<!tpu.dma_semaphore, #tpu.memory_space<semaphore_mem>>)
    %dma_start3A_45 = arith.constant 3 : i32
    %dma_start3A_46 = arith.constant 0 : i32
    %dma_start3A_47 = arith.constant 384 : i32
    %dma_start3A_48 = arith.constant 0 : i32
    %dma_start3A_49 = tpu.memref_slice %arg7[%dma_start3A_47, %dma_start3A_48] : memref<4096x16xf32, #tpu.memory_space<vmem>> -> memref<128x16xf32, #tpu.memory_space<vmem>>
    %dma_start3A_50 = arith.constant 0 : i32
    %dma_start3A_51 = tpu.memref_slice %arg6[%dma_start3A_45, %dma_start3A_50] : memref<32x128xi32, #tpu.memory_space<vmem>> -> memref<1x128xi32, #tpu.memory_space<vmem>>
    %dma_start3A_52 = tpu.memref_squeeze %dma_start3A_51 : memref<1x128xi32, #tpu.memory_space<vmem>> -> memref<128xi32, #tpu.memory_space<vmem>>
    %dma_start3A_53 = arith.constant 0 : i32
    %dma_start3A_54 = arith.constant 0 : i32
    %dma_start3A_55 = tpu.memref_slice %arg4[%dma_start3A_53, %dma_start3A_54] : memref<229376x16xf32, #tpu.memory_space<hbm>> -> memref<229376x16xf32, #tpu.memory_space<hbm>>
    %dma_start3A_56 = tpu.memref_slice %arg10[%dma_start3A_46] : memref<2x!tpu.dma_semaphore, #tpu.memory_space<semaphore_mem>> -> memref<1x!tpu.dma_semaphore, #tpu.memory_space<semaphore_mem>>
    %dma_start3A_57 = tpu.memref_squeeze %dma_start3A_56 : memref<1x!tpu.dma_semaphore, #tpu.memory_space<semaphore_mem>> -> memref<!tpu.dma_semaphore, #tpu.memory_space<semaphore_mem>>
    tpu.enqueue_indirect_dma source(%dma_start3A_55 : memref<229376x16xf32, #tpu.memory_space<hbm>>) target(%dma_start3A_49 : memref<128x16xf32, #tpu.memory_space<vmem>>) offsets(%dma_start3A_52 : memref<128xi32, #tpu.memory_space<vmem>>) semaphore(%dma_start3A_57 : memref<!tpu.dma_semaphore, #tpu.memory_space<semaphore_mem>>)
    %dma_start3A_58 = arith.constant 4 : i32
    %dma_start3A_59 = arith.constant 0 : i32
    %dma_start3A_60 = arith.constant 512 : i32
    %dma_start3A_61 = arith.constant 0 : i32
    %dma_start3A_62 = tpu.memref_slice %arg7[%dma_start3A_60, %dma_start3A_61] : memref<4096x16xf32, #tpu.memory_space<vmem>> -> memref<128x16xf32, #tpu.memory_space<vmem>>
    %dma_start3A_63 = arith.constant 0 : i32
    %dma_start3A_64 = tpu.memref_slice %arg6[%dma_start3A_58, %dma_start3A_63] : memref<32x128xi32, #tpu.memory_space<vmem>> -> memref<1x128xi32, #tpu.memory_space<vmem>>
    %dma_start3A_65 = tpu.memref_squeeze %dma_start3A_64 : memref<1x128xi32, #tpu.memory_space<vmem>> -> memref<128xi32, #tpu.memory_space<vmem>>
    %dma_start3A_66 = arith.constant 0 : i32
    %dma_start3A_67 = arith.constant 0 : i32
    %dma_start3A_68 = tpu.memref_slice %arg4[%dma_start3A_66, %dma_start3A_67] : memref<229376x16xf32, #tpu.memory_space<hbm>> -> memref<229376x16xf32, #tpu.memory_space<hbm>>
    %dma_start3A_69 = tpu.memref_slice %arg10[%dma_start3A_59] : memref<2x!tpu.dma_semaphore, #tpu.memory_space<semaphore_mem>> -> memref<1x!tpu.dma_semaphore, #tpu.memory_space<semaphore_mem>>
    %dma_start3A_70 = tpu.memref_squeeze %dma_start3A_69 : memref<1x!tpu.dma_semaphore, #tpu.memory_space<semaphore_mem>> -> memref<!tpu.dma_semaphore, #tpu.memory_space<semaphore_mem>>
    tpu.enqueue_indirect_dma source(%dma_start3A_68 : memref<229376x16xf32, #tpu.memory_space<hbm>>) target(%dma_start3A_62 : memref<128x16xf32, #tpu.memory_space<vmem>>) offsets(%dma_start3A_65 : memref<128xi32, #tpu.memory_space<vmem>>) semaphore(%dma_start3A_70 : memref<!tpu.dma_semaphore, #tpu.memory_space<semaphore_mem>>)
    %dma_start3A_71 = arith.constant 5 : i32
    %dma_start3A_72 = arith.constant 0 : i32
    %dma_start3A_73 = arith.constant 640 : i32
    %dma_start3A_74 = arith.constant 0 : i32
    %dma_start3A_75 = tpu.memref_slice %arg7[%dma_start3A_73, %dma_start3A_74] : memref<4096x16xf32, #tpu.memory_space<vmem>> -> memref<128x16xf32, #tpu.memory_space<vmem>>
    %dma_start3A_76 = arith.constant 0 : i32
    %dma_start3A_77 = tpu.memref_slice %arg6[%dma_start3A_71, %dma_start3A_76] : memref<32x128xi32, #tpu.memory_space<vmem>> -> memref<1x128xi32, #tpu.memory_space<vmem>>
    %dma_start3A_78 = tpu.memref_squeeze %dma_start3A_77 : memref<1x128xi32, #tpu.memory_space<vmem>> -> memref<128xi32, #tpu.memory_space<vmem>>
    %dma_start3A_79 = arith.constant 0 : i32
    %dma_start3A_80 = arith.constant 0 : i32
    %dma_start3A_81 = tpu.memref_slice %arg4[%dma_start3A_79, %dma_start3A_80] : memref<229376x16xf32, #tpu.memory_space<hbm>> -> memref<229376x16xf32, #tpu.memory_space<hbm>>
    %dma_start3A_82 = tpu.memref_slice %arg10[%dma_start3A_72] : memref<2x!tpu.dma_semaphore, #tpu.memory_space<semaphore_mem>> -> memref<1x!tpu.dma_semaphore, #tpu.memory_space<semaphore_mem>>
    %dma_start3A_83 = tpu.memref_squeeze %dma_start3A_82 : memref<1x!tpu.dma_semaphore, #tpu.memory_space<semaphore_mem>> -> memref<!tpu.dma_semaphore, #tpu.memory_space<semaphore_mem>>
    tpu.enqueue_indirect_dma source(%dma_start3A_81 : memref<229376x16xf32, #tpu.memory_space<hbm>>) target(%dma_start3A_75 : memref<128x16xf32, #tpu.memory_space<vmem>>) offsets(%dma_start3A_78 : memref<128xi32, #tpu.memory_space<vmem>>) semaphore(%dma_start3A_83 : memref<!tpu.dma_semaphore, #tpu.memory_space<semaphore_mem>>)
    %dma_start3A_84 = arith.constant 6 : i32
    %dma_start3A_85 = arith.constant 0 : i32
    %dma_start3A_86 = arith.constant 768 : i32
    %dma_start3A_87 = arith.constant 0 : i32
    %dma_start3A_88 = tpu.memref_slice %arg7[%dma_start3A_86, %dma_start3A_87] : memref<4096x16xf32, #tpu.memory_space<vmem>> -> memref<128x16xf32, #tpu.memory_space<vmem>>
    %dma_start3A_89 = arith.constant 0 : i32
    %dma_start3A_90 = tpu.memref_slice %arg6[%dma_start3A_84, %dma_start3A_89] : memref<32x128xi32, #tpu.memory_space<vmem>> -> memref<1x128xi32, #tpu.memory_space<vmem>>
    %dma_start3A_91 = tpu.memref_squeeze %dma_start3A_90 : memref<1x128xi32, #tpu.memory_space<vmem>> -> memref<128xi32, #tpu.memory_space<vmem>>
    %dma_start3A_92 = arith.constant 0 : i32
    %dma_start3A_93 = arith.constant 0 : i32
    %dma_start3A_94 = tpu.memref_slice %arg4[%dma_start3A_92, %dma_start3A_93] : memref<229376x16xf32, #tpu.memory_space<hbm>> -> memref<229376x16xf32, #tpu.memory_space<hbm>>
    %dma_start3A_95 = tpu.memref_slice %arg10[%dma_start3A_85] : memref<2x!tpu.dma_semaphore, #tpu.memory_space<semaphore_mem>> -> memref<1x!tpu.dma_semaphore, #tpu.memory_space<semaphore_mem>>
    %dma_start3A_96 = tpu.memref_squeeze %dma_start3A_95 : memref<1x!tpu.dma_semaphore, #tpu.memory_space<semaphore_mem>> -> memref<!tpu.dma_semaphore, #tpu.memory_space<semaphore_mem>>
    tpu.enqueue_indirect_dma source(%dma_start3A_94 : memref<229376x16xf32, #tpu.memory_space<hbm>>) target(%dma_start3A_88 : memref<128x16xf32, #tpu.memory_space<vmem>>) offsets(%dma_start3A_91 : memref<128xi32, #tpu.memory_space<vmem>>) semaphore(%dma_start3A_96 : memref<!tpu.dma_semaphore, #tpu.memory_space<semaphore_mem>>)
    %dma_start3A_97 = arith.constant 7 : i32
    %dma_start3A_98 = arith.constant 0 : i32
    %dma_start3A_99 = arith.constant 896 : i32
    %dma_start3A_100 = arith.constant 0 : i32
    %dma_start3A_101 = tpu.memref_slice %arg7[%dma_start3A_99, %dma_start3A_100] : memref<4096x16xf32, #tpu.memory_space<vmem>> -> memref<128x16xf32, #tpu.memory_space<vmem>>
    %dma_start3A_102 = arith.constant 0 : i32
    %dma_start3A_103 = tpu.memref_slice %arg6[%dma_start3A_97, %dma_start3A_102] : memref<32x128xi32, #tpu.memory_space<vmem>> -> memref<1x128xi32, #tpu.memory_space<vmem>>
    %dma_start3A_104 = tpu.memref_squeeze %dma_start3A_103 : memref<1x128xi32, #tpu.memory_space<vmem>> -> memref<128xi32, #tpu.memory_space<vmem>>
    %dma_start3A_105 = arith.constant 0 : i32
    %dma_start3A_106 = arith.constant 0 : i32
    %dma_start3A_107 = tpu.memref_slice %arg4[%dma_start3A_105, %dma_start3A_106] : memref<229376x16xf32, #tpu.memory_space<hbm>> -> memref<229376x16xf32, #tpu.memory_space<hbm>>
    %dma_start3A_108 = tpu.memref_slice %arg10[%dma_start3A_98] : memref<2x!tpu.dma_semaphore, #tpu.memory_space<semaphore_mem>> -> memref<1x!tpu.dma_semaphore, #tpu.memory_space<semaphore_mem>>
    %dma_start3A_109 = tpu.memref_squeeze %dma_start3A_108 : memref<1x!tpu.dma_semaphore, #tpu.memory_space<semaphore_mem>> -> memref<!tpu.dma_semaphore, #tpu.memory_space<semaphore_mem>>
    tpu.enqueue_indirect_dma source(%dma_start3A_107 : memref<229376x16xf32, #tpu.memory_space<hbm>>) target(%dma_start3A_101 : memref<128x16xf32, #tpu.memory_space<vmem>>) offsets(%dma_start3A_104 : memref<128xi32, #tpu.memory_space<vmem>>) semaphore(%dma_start3A_109 : memref<!tpu.dma_semaphore, #tpu.memory_space<semaphore_mem>>)
    %dma_start3A_110 = arith.constant 8 : i32
    %dma_start3A_111 = arith.constant 0 : i32
    %dma_start3A_112 = arith.constant 1024 : i32
    %dma_start3A_113 = arith.constant 0 : i32
    %dma_start3A_114 = tpu.memref_slice %arg7[%dma_start3A_112, %dma_start3A_113] : memref<4096x16xf32, #tpu.memory_space<vmem>> -> memref<128x16xf32, #tpu.memory_space<vmem>>
    %dma_start3A_115 = arith.constant 0 : i32
    %dma_start3A_116 = tpu.memref_slice %arg6[%dma_start3A_110, %dma_start3A_115] : memref<32x128xi32, #tpu.memory_space<vmem>> -> memref<1x128xi32, #tpu.memory_space<vmem>>
    %dma_start3A_117 = tpu.memref_squeeze %dma_start3A_116 : memref<1x128xi32, #tpu.memory_space<vmem>> -> memref<128xi32, #tpu.memory_space<vmem>>
    %dma_start3A_118 = arith.constant 0 : i32
    %dma_start3A_119 = arith.constant 0 : i32
    %dma_start3A_120 = tpu.memref_slice %arg4[%dma_start3A_118, %dma_start3A_119] : memref<229376x16xf32, #tpu.memory_space<hbm>> -> memref<229376x16xf32, #tpu.memory_space<hbm>>
    %dma_start3A_121 = tpu.memref_slice %arg10[%dma_start3A_111] : memref<2x!tpu.dma_semaphore, #tpu.memory_space<semaphore_mem>> -> memref<1x!tpu.dma_semaphore, #tpu.memory_space<semaphore_mem>>
    %dma_start3A_122 = tpu.memref_squeeze %dma_start3A_121 : memref<1x!tpu.dma_semaphore, #tpu.memory_space<semaphore_mem>> -> memref<!tpu.dma_semaphore, #tpu.memory_space<semaphore_mem>>
    tpu.enqueue_indirect_dma source(%dma_start3A_120 : memref<229376x16xf32, #tpu.memory_space<hbm>>) target(%dma_start3A_114 : memref<128x16xf32, #tpu.memory_space<vmem>>) offsets(%dma_start3A_117 : memref<128xi32, #tpu.memory_space<vmem>>) semaphore(%dma_start3A_122 : memref<!tpu.dma_semaphore, #tpu.memory_space<semaphore_mem>>)
    %dma_start3A_123 = arith.constant 9 : i32
    %dma_start3A_124 = arith.constant 0 : i32
    %dma_start3A_125 = arith.constant 1152 : i32
    %dma_start3A_126 = arith.constant 0 : i32
    %dma_start3A_127 = tpu.memref_slice %arg7[%dma_start3A_125, %dma_start3A_126] : memref<4096x16xf32, #tpu.memory_space<vmem>> -> memref<128x16xf32, #tpu.memory_space<vmem>>
    %dma_start3A_128 = arith.constant 0 : i32
    %dma_start3A_129 = tpu.memref_slice %arg6[%dma_start3A_123, %dma_start3A_128] : memref<32x128xi32, #tpu.memory_space<vmem>> -> memref<1x128xi32, #tpu.memory_space<vmem>>
    %dma_start3A_130 = tpu.memref_squeeze %dma_start3A_129 : memref<1x128xi32, #tpu.memory_space<vmem>> -> memref<128xi32, #tpu.memory_space<vmem>>
    %dma_start3A_131 = arith.constant 0 : i32
    %dma_start3A_132 = arith.constant 0 : i32
    %dma_start3A_133 = tpu.memref_slice %arg4[%dma_start3A_131, %dma_start3A_132] : memref<229376x16xf32, #tpu.memory_space<hbm>> -> memref<229376x16xf32, #tpu.memory_space<hbm>>
    %dma_start3A_134 = tpu.memref_slice %arg10[%dma_start3A_124] : memref<2x!tpu.dma_semaphore, #tpu.memory_space<semaphore_mem>> -> memref<1x!tpu.dma_semaphore, #tpu.memory_space<semaphore_mem>>
    %dma_start3A_135 = tpu.memref_squeeze %dma_start3A_134 : memref<1x!tpu.dma_semaphore, #tpu.memory_space<semaphore_mem>> -> memref<!tpu.dma_semaphore, #tpu.memory_space<semaphore_mem>>
    tpu.enqueue_indirect_dma source(%dma_start3A_133 : memref<229376x16xf32, #tpu.memory_space<hbm>>) target(%dma_start3A_127 : memref<128x16xf32, #tpu.memory_space<vmem>>) offsets(%dma_start3A_130 : memref<128xi32, #tpu.memory_space<vmem>>) semaphore(%dma_start3A_135 : memref<!tpu.dma_semaphore, #tpu.memory_space<semaphore_mem>>)
    %dma_start3A_136 = arith.constant 10 : i32
    %dma_start3A_137 = arith.constant 0 : i32
    %dma_start3A_138 = arith.constant 1280 : i32
    %dma_start3A_139 = arith.constant 0 : i32
    %dma_start3A_140 = tpu.memref_slice %arg7[%dma_start3A_138, %dma_start3A_139] : memref<4096x16xf32, #tpu.memory_space<vmem>> -> memref<128x16xf32, #tpu.memory_space<vmem>>
    %dma_start3A_141 = arith.constant 0 : i32
    %dma_start3A_142 = tpu.memref_slice %arg6[%dma_start3A_136, %dma_start3A_141] : memref<32x128xi32, #tpu.memory_space<vmem>> -> memref<1x128xi32, #tpu.memory_space<vmem>>
    %dma_start3A_143 = tpu.memref_squeeze %dma_start3A_142 : memref<1x128xi32, #tpu.memory_space<vmem>> -> memref<128xi32, #tpu.memory_space<vmem>>
    %dma_start3A_144 = arith.constant 0 : i32
    %dma_start3A_145 = arith.constant 0 : i32
    %dma_start3A_146 = tpu.memref_slice %arg4[%dma_start3A_144, %dma_start3A_145] : memref<229376x16xf32, #tpu.memory_space<hbm>> -> memref<229376x16xf32, #tpu.memory_space<hbm>>
    %dma_start3A_147 = tpu.memref_slice %arg10[%dma_start3A_137] : memref<2x!tpu.dma_semaphore, #tpu.memory_space<semaphore_mem>> -> memref<1x!tpu.dma_semaphore, #tpu.memory_space<semaphore_mem>>
    %dma_start3A_148 = tpu.memref_squeeze %dma_start3A_147 : memref<1x!tpu.dma_semaphore, #tpu.memory_space<semaphore_mem>> -> memref<!tpu.dma_semaphore, #tpu.memory_space<semaphore_mem>>
    tpu.enqueue_indirect_dma source(%dma_start3A_146 : memref<229376x16xf32, #tpu.memory_space<hbm>>) target(%dma_start3A_140 : memref<128x16xf32, #tpu.memory_space<vmem>>) offsets(%dma_start3A_143 : memref<128xi32, #tpu.memory_space<vmem>>) semaphore(%dma_start3A_148 : memref<!tpu.dma_semaphore, #tpu.memory_space<semaphore_mem>>)
    %dma_start3A_149 = arith.constant 11 : i32
    %dma_start3A_150 = arith.constant 0 : i32
    %dma_start3A_151 = arith.constant 1408 : i32
    %dma_start3A_152 = arith.constant 0 : i32
    %dma_start3A_153 = tpu.memref_slice %arg7[%dma_start3A_151, %dma_start3A_152] : memref<4096x16xf32, #tpu.memory_space<vmem>> -> memref<128x16xf32, #tpu.memory_space<vmem>>
    %dma_start3A_154 = arith.constant 0 : i32
    %dma_start3A_155 = tpu.memref_slice %arg6[%dma_start3A_149, %dma_start3A_154] : memref<32x128xi32, #tpu.memory_space<vmem>> -> memref<1x128xi32, #tpu.memory_space<vmem>>
    %dma_start3A_156 = tpu.memref_squeeze %dma_start3A_155 : memref<1x128xi32, #tpu.memory_space<vmem>> -> memref<128xi32, #tpu.memory_space<vmem>>
    %dma_start3A_157 = arith.constant 0 : i32
    %dma_start3A_158 = arith.constant 0 : i32
    %dma_start3A_159 = tpu.memref_slice %arg4[%dma_start3A_157, %dma_start3A_158] : memref<229376x16xf32, #tpu.memory_space<hbm>> -> memref<229376x16xf32, #tpu.memory_space<hbm>>
    %dma_start3A_160 = tpu.memref_slice %arg10[%dma_start3A_150] : memref<2x!tpu.dma_semaphore, #tpu.memory_space<semaphore_mem>> -> memref<1x!tpu.dma_semaphore, #tpu.memory_space<semaphore_mem>>
    %dma_start3A_161 = tpu.memref_squeeze %dma_start3A_160 : memref<1x!tpu.dma_semaphore, #tpu.memory_space<semaphore_mem>> -> memref<!tpu.dma_semaphore, #tpu.memory_space<semaphore_mem>>
    tpu.enqueue_indirect_dma source(%dma_start3A_159 : memref<229376x16xf32, #tpu.memory_space<hbm>>) target(%dma_start3A_153 : memref<128x16xf32, #tpu.memory_space<vmem>>) offsets(%dma_start3A_156 : memref<128xi32, #tpu.memory_space<vmem>>) semaphore(%dma_start3A_161 : memref<!tpu.dma_semaphore, #tpu.memory_space<semaphore_mem>>)
    %dma_start3A_162 = arith.constant 12 : i32
    %dma_start3A_163 = arith.constant 0 : i32
    %dma_start3A_164 = arith.constant 1536 : i32
    %dma_start3A_165 = arith.constant 0 : i32
    %dma_start3A_166 = tpu.memref_slice %arg7[%dma_start3A_164, %dma_start3A_165] : memref<4096x16xf32, #tpu.memory_space<vmem>> -> memref<128x16xf32, #tpu.memory_space<vmem>>
    %dma_start3A_167 = arith.constant 0 : i32
    %dma_start3A_168 = tpu.memref_slice %arg6[%dma_start3A_162, %dma_start3A_167] : memref<32x128xi32, #tpu.memory_space<vmem>> -> memref<1x128xi32, #tpu.memory_space<vmem>>
    %dma_start3A_169 = tpu.memref_squeeze %dma_start3A_168 : memref<1x128xi32, #tpu.memory_space<vmem>> -> memref<128xi32, #tpu.memory_space<vmem>>
    %dma_start3A_170 = arith.constant 0 : i32
    %dma_start3A_171 = arith.constant 0 : i32
    %dma_start3A_172 = tpu.memref_slice %arg4[%dma_start3A_170, %dma_start3A_171] : memref<229376x16xf32, #tpu.memory_space<hbm>> -> memref<229376x16xf32, #tpu.memory_space<hbm>>
    %dma_start3A_173 = tpu.memref_slice %arg10[%dma_start3A_163] : memref<2x!tpu.dma_semaphore, #tpu.memory_space<semaphore_mem>> -> memref<1x!tpu.dma_semaphore, #tpu.memory_space<semaphore_mem>>
    %dma_start3A_174 = tpu.memref_squeeze %dma_start3A_173 : memref<1x!tpu.dma_semaphore, #tpu.memory_space<semaphore_mem>> -> memref<!tpu.dma_semaphore, #tpu.memory_space<semaphore_mem>>
    tpu.enqueue_indirect_dma source(%dma_start3A_172 : memref<229376x16xf32, #tpu.memory_space<hbm>>) target(%dma_start3A_166 : memref<128x16xf32, #tpu.memory_space<vmem>>) offsets(%dma_start3A_169 : memref<128xi32, #tpu.memory_space<vmem>>) semaphore(%dma_start3A_174 : memref<!tpu.dma_semaphore, #tpu.memory_space<semaphore_mem>>)
    %dma_start3A_175 = arith.constant 13 : i32
    %dma_start3A_176 = arith.constant 0 : i32
    %dma_start3A_177 = arith.constant 1664 : i32
    %dma_start3A_178 = arith.constant 0 : i32
    %dma_start3A_179 = tpu.memref_slice %arg7[%dma_start3A_177, %dma_start3A_178] : memref<4096x16xf32, #tpu.memory_space<vmem>> -> memref<128x16xf32, #tpu.memory_space<vmem>>
    %dma_start3A_180 = arith.constant 0 : i32
    %dma_start3A_181 = tpu.memref_slice %arg6[%dma_start3A_175, %dma_start3A_180] : memref<32x128xi32, #tpu.memory_space<vmem>> -> memref<1x128xi32, #tpu.memory_space<vmem>>
    %dma_start3A_182 = tpu.memref_squeeze %dma_start3A_181 : memref<1x128xi32, #tpu.memory_space<vmem>> -> memref<128xi32, #tpu.memory_space<vmem>>
    %dma_start3A_183 = arith.constant 0 : i32
    %dma_start3A_184 = arith.constant 0 : i32
    %dma_start3A_185 = tpu.memref_slice %arg4[%dma_start3A_183, %dma_start3A_184] : memref<229376x16xf32, #tpu.memory_space<hbm>> -> memref<229376x16xf32, #tpu.memory_space<hbm>>
    %dma_start3A_186 = tpu.memref_slice %arg10[%dma_start3A_176] : memref<2x!tpu.dma_semaphore, #tpu.memory_space<semaphore_mem>> -> memref<1x!tpu.dma_semaphore, #tpu.memory_space<semaphore_mem>>
    %dma_start3A_187 = tpu.memref_squeeze %dma_start3A_186 : memref<1x!tpu.dma_semaphore, #tpu.memory_space<semaphore_mem>> -> memref<!tpu.dma_semaphore, #tpu.memory_space<semaphore_mem>>
    tpu.enqueue_indirect_dma source(%dma_start3A_185 : memref<229376x16xf32, #tpu.memory_space<hbm>>) target(%dma_start3A_179 : memref<128x16xf32, #tpu.memory_space<vmem>>) offsets(%dma_start3A_182 : memref<128xi32, #tpu.memory_space<vmem>>) semaphore(%dma_start3A_187 : memref<!tpu.dma_semaphore, #tpu.memory_space<semaphore_mem>>)
    %dma_start3A_188 = arith.constant 14 : i32
    %dma_start3A_189 = arith.constant 0 : i32
    %dma_start3A_190 = arith.constant 1792 : i32
    %dma_start3A_191 = arith.constant 0 : i32
    %dma_start3A_192 = tpu.memref_slice %arg7[%dma_start3A_190, %dma_start3A_191] : memref<4096x16xf32, #tpu.memory_space<vmem>> -> memref<128x16xf32, #tpu.memory_space<vmem>>
    %dma_start3A_193 = arith.constant 0 : i32
    %dma_start3A_194 = tpu.memref_slice %arg6[%dma_start3A_188, %dma_start3A_193] : memref<32x128xi32, #tpu.memory_space<vmem>> -> memref<1x128xi32, #tpu.memory_space<vmem>>
    %dma_start3A_195 = tpu.memref_squeeze %dma_start3A_194 : memref<1x128xi32, #tpu.memory_space<vmem>> -> memref<128xi32, #tpu.memory_space<vmem>>
    %dma_start3A_196 = arith.constant 0 : i32
    %dma_start3A_197 = arith.constant 0 : i32
    %dma_start3A_198 = tpu.memref_slice %arg4[%dma_start3A_196, %dma_start3A_197] : memref<229376x16xf32, #tpu.memory_space<hbm>> -> memref<229376x16xf32, #tpu.memory_space<hbm>>
    %dma_start3A_199 = tpu.memref_slice %arg10[%dma_start3A_189] : memref<2x!tpu.dma_semaphore, #tpu.memory_space<semaphore_mem>> -> memref<1x!tpu.dma_semaphore, #tpu.memory_space<semaphore_mem>>
    %dma_start3A_200 = tpu.memref_squeeze %dma_start3A_199 : memref<1x!tpu.dma_semaphore, #tpu.memory_space<semaphore_mem>> -> memref<!tpu.dma_semaphore, #tpu.memory_space<semaphore_mem>>
    tpu.enqueue_indirect_dma source(%dma_start3A_198 : memref<229376x16xf32, #tpu.memory_space<hbm>>) target(%dma_start3A_192 : memref<128x16xf32, #tpu.memory_space<vmem>>) offsets(%dma_start3A_195 : memref<128xi32, #tpu.memory_space<vmem>>) semaphore(%dma_start3A_200 : memref<!tpu.dma_semaphore, #tpu.memory_space<semaphore_mem>>)
    %dma_start3A_201 = arith.constant 15 : i32
    %dma_start3A_202 = arith.constant 0 : i32
    %dma_start3A_203 = arith.constant 1920 : i32
    %dma_start3A_204 = arith.constant 0 : i32
    %dma_start3A_205 = tpu.memref_slice %arg7[%dma_start3A_203, %dma_start3A_204] : memref<4096x16xf32, #tpu.memory_space<vmem>> -> memref<128x16xf32, #tpu.memory_space<vmem>>
    %dma_start3A_206 = arith.constant 0 : i32
    %dma_start3A_207 = tpu.memref_slice %arg6[%dma_start3A_201, %dma_start3A_206] : memref<32x128xi32, #tpu.memory_space<vmem>> -> memref<1x128xi32, #tpu.memory_space<vmem>>
    %dma_start3A_208 = tpu.memref_squeeze %dma_start3A_207 : memref<1x128xi32, #tpu.memory_space<vmem>> -> memref<128xi32, #tpu.memory_space<vmem>>
    %dma_start3A_209 = arith.constant 0 : i32
    %dma_start3A_210 = arith.constant 0 : i32
    %dma_start3A_211 = tpu.memref_slice %arg4[%dma_start3A_209, %dma_start3A_210] : memref<229376x16xf32, #tpu.memory_space<hbm>> -> memref<229376x16xf32, #tpu.memory_space<hbm>>
    %dma_start3A_212 = tpu.memref_slice %arg10[%dma_start3A_202] : memref<2x!tpu.dma_semaphore, #tpu.memory_space<semaphore_mem>> -> memref<1x!tpu.dma_semaphore, #tpu.memory_space<semaphore_mem>>
    %dma_start3A_213 = tpu.memref_squeeze %dma_start3A_212 : memref<1x!tpu.dma_semaphore, #tpu.memory_space<semaphore_mem>> -> memref<!tpu.dma_semaphore, #tpu.memory_space<semaphore_mem>>
    tpu.enqueue_indirect_dma source(%dma_start3A_211 : memref<229376x16xf32, #tpu.memory_space<hbm>>) target(%dma_start3A_205 : memref<128x16xf32, #tpu.memory_space<vmem>>) offsets(%dma_start3A_208 : memref<128xi32, #tpu.memory_space<vmem>>) semaphore(%dma_start3A_213 : memref<!tpu.dma_semaphore, #tpu.memory_space<semaphore_mem>>)
    %mul3A_214 = arith.constant 3 : i32
    %mul3A_215 = arith.muli %add3A_4, %mul3A_214 : i32
    %mul3A_216 = arith.constant 4 : i32
    %mul3A_217 = arith.muli %mul3A_215, %mul3A_216 : i32
    "tpu.region"() ({
      %run_scoped3A = tpu.sem_alloc : memref<!tpu.dma_semaphore, #tpu.memory_space<semaphore_mem>>
      %dma_start3A_361 = arith.constant 0 : i32
      %dma_start3A_362 = arith.constant 0 : i32
      %dma_start3A_363 = tpu.memref_slice %arg8[%dma_start3A_361, %dma_start3A_362] : memref<24x512xf32, #tpu.memory_space<vmem>> -> memref<12x512xf32, #tpu.memory_space<vmem>>
      %dma_start3A_364 = arith.constant 0 : i32
      %dma_start3A_365 = tpu.memref_slice %arg3[%mul3A_217, %dma_start3A_364] : memref<6144x512xf32, #tpu.memory_space<hbm>> -> memref<12x512xf32, #tpu.memory_space<hbm>>
      %dma_start3A_366 = arith.constant 0 : i32
      %dma_start3A_367 = arith.constant 0 : i32
      %dma_start3A_368 = tpu.memref_slice %arg8[%dma_start3A_366, %dma_start3A_367] : memref<24x512xf32, #tpu.memory_space<vmem>> -> memref<12x512xf32, #tpu.memory_space<vmem>>
      %dma_start3A_369 = arith.constant 0 : i32
      %dma_start3A_370 = tpu.memref_slice %arg3[%mul3A_217, %dma_start3A_369] : memref<6144x512xf32, #tpu.memory_space<hbm>> -> memref<12x512xf32, #tpu.memory_space<hbm>>
      tpu.enqueue_dma source(%dma_start3A_370 : memref<12x512xf32, #tpu.memory_space<hbm>>) target(%dma_start3A_368 : memref<12x512xf32, #tpu.memory_space<vmem>>) target_semaphore(%run_scoped3A : memref<!tpu.dma_semaphore, #tpu.memory_space<semaphore_mem>>)
      %dma_wait3A_371 = arith.constant 0 : i32
      %dma_wait3A_372 = arith.constant 0 : i32
      %dma_wait3A_373 = tpu.memref_slice %arg8[%dma_wait3A_371, %dma_wait3A_372] : memref<24x512xf32, #tpu.memory_space<vmem>> -> memref<12x512xf32, #tpu.memory_space<vmem>>
      %dma_wait3A_374 = arith.constant 0 : i32
      %dma_wait3A_375 = tpu.memref_slice %arg3[%mul3A_217, %dma_wait3A_374] : memref<6144x512xf32, #tpu.memory_space<hbm>> -> memref<12x512xf32, #tpu.memory_space<hbm>>
      %dma_wait3A_376 = arith.constant 0 : i32
      %dma_wait3A_377 = arith.constant 0 : i32
      %dma_wait3A_378 = tpu.memref_slice %arg8[%dma_wait3A_376, %dma_wait3A_377] : memref<24x512xf32, #tpu.memory_space<vmem>> -> memref<12x512xf32, #tpu.memory_space<vmem>>
      %dma_wait3A_379 = arith.constant 0 : i32
      %dma_wait3A_380 = tpu.memref_slice %arg3[%mul3A_217, %dma_wait3A_379] : memref<6144x512xf32, #tpu.memory_space<hbm>> -> memref<12x512xf32, #tpu.memory_space<hbm>>
      tpu.wait_dma2 semaphore(%run_scoped3A : memref<!tpu.dma_semaphore, #tpu.memory_space<semaphore_mem>>) src(%dma_wait3A_380 : memref<12x512xf32, #tpu.memory_space<hbm>>) dst(%dma_wait3A_378 : memref<12x512xf32, #tpu.memory_space<vmem>>)
      tpu.yield
    }) : () -> ()
    %scan3A = arith.constant 0 : i32
    %scan3A_218 = arith.constant 0.0039138943 : f32
    %scan3A_219 = arith.constant 0 : i32
    %scan3A_220 = arith.constant 16 : i32
    %scan3A_221 = arith.addi %scan3A_219, %scan3A_220 : i32
    %scan3A_222 = arith.constant 1 : i32
    scf.for %scan3A_361 = %scan3A_219 to %scan3A_221 step %scan3A_222  : i32 {
      %and3A_362 = arith.constant 1 : i32
      %and3A_363 = arith.andi %scan3A_361, %and3A_362 : i32
      %lt3A = arith.constant 15 : i32
      %lt3A_364 = arith.cmpi slt, %scan3A_361, %lt3A : i32
      %convert_element_type3A = arith.extui %lt3A_364 : i1 to i32
      %cond3A = arith.constant 0 : i32
      %cond3A_365 = arith.cmpi ne, %convert_element_type3A, %cond3A : i32
      scf.if %cond3A_365 {
        %add3A_473 = arith.constant 1 : i32
        %add3A_474 = arith.addi %scan3A_361, %add3A_473 : i32
        %sub3A = arith.constant 1 : i32
        %sub3A_475 = arith.subi %sub3A, %and3A_363 : i32
        %mul3A_476 = arith.constant 16 : i32
        %mul3A_477 = arith.muli %add3A, %mul3A_476 : i32
        %add3A_478 = arith.addi %mul3A_477, %add3A_474 : i32
        %mul3A_479 = arith.constant 16 : i32
        %mul3A_480 = arith.muli %add3A_478, %mul3A_479 : i32
        %mul3A_481 = arith.constant 16 : i32
        %mul3A_482 = arith.muli %sub3A_475, %mul3A_481 : i32
        "tpu.region"() ({
          %run_scoped3A = tpu.sem_alloc : memref<!tpu.dma_semaphore, #tpu.memory_space<semaphore_mem>>
          %dma_start3A_779 = arith.constant 0 : i32
          %dma_start3A_780 = tpu.memref_slice %arg6[%mul3A_482, %dma_start3A_779] : memref<32x128xi32, #tpu.memory_space<vmem>> -> memref<16x128xi32, #tpu.memory_space<vmem>>
          %dma_start3A_781 = arith.constant 0 : i32
          %dma_start3A_782 = tpu.memref_slice %arg2[%mul3A_480, %dma_start3A_781] : memref<8192x128xi32, #tpu.memory_space<hbm>> -> memref<16x128xi32, #tpu.memory_space<hbm>>
          %dma_start3A_783 = arith.constant 0 : i32
          %dma_start3A_784 = tpu.memref_slice %arg6[%mul3A_482, %dma_start3A_783] : memref<32x128xi32, #tpu.memory_space<vmem>> -> memref<16x128xi32, #tpu.memory_space<vmem>>
          %dma_start3A_785 = arith.constant 0 : i32
          %dma_start3A_786 = tpu.memref_slice %arg2[%mul3A_480, %dma_start3A_785] : memref<8192x128xi32, #tpu.memory_space<hbm>> -> memref<16x128xi32, #tpu.memory_space<hbm>>
          tpu.enqueue_dma source(%dma_start3A_786 : memref<16x128xi32, #tpu.memory_space<hbm>>) target(%dma_start3A_784 : memref<16x128xi32, #tpu.memory_space<vmem>>) target_semaphore(%run_scoped3A : memref<!tpu.dma_semaphore, #tpu.memory_space<semaphore_mem>>)
          %dma_wait3A_787 = arith.constant 0 : i32
          %dma_wait3A_788 = tpu.memref_slice %arg6[%mul3A_482, %dma_wait3A_787] : memref<32x128xi32, #tpu.memory_space<vmem>> -> memref<16x128xi32, #tpu.memory_space<vmem>>
          %dma_wait3A_789 = arith.constant 0 : i32
          %dma_wait3A_790 = tpu.memref_slice %arg2[%mul3A_480, %dma_wait3A_789] : memref<8192x128xi32, #tpu.memory_space<hbm>> -> memref<16x128xi32, #tpu.memory_space<hbm>>
          %dma_wait3A_791 = arith.constant 0 : i32
          %dma_wait3A_792 = tpu.memref_slice %arg6[%mul3A_482, %dma_wait3A_791] : memref<32x128xi32, #tpu.memory_space<vmem>> -> memref<16x128xi32, #tpu.memory_space<vmem>>
          %dma_wait3A_793 = arith.constant 0 : i32
          %dma_wait3A_794 = tpu.memref_slice %arg2[%mul3A_480, %dma_wait3A_793] : memref<8192x128xi32, #tpu.memory_space<hbm>> -> memref<16x128xi32, #tpu.memory_space<hbm>>
          tpu.wait_dma2 semaphore(%run_scoped3A : memref<!tpu.dma_semaphore, #tpu.memory_space<semaphore_mem>>) src(%dma_wait3A_794 : memref<16x128xi32, #tpu.memory_space<hbm>>) dst(%dma_wait3A_792 : memref<16x128xi32, #tpu.memory_space<vmem>>)
          tpu.yield
        }) : () -> ()
        %mul3A_483 = arith.constant 16 : i32
        %mul3A_484 = arith.muli %sub3A_475, %mul3A_483 : i32
        %add3A_485 = arith.constant 0 : i32
        %add3A_486 = arith.addi %mul3A_484, %add3A_485 : i32
        %mul3A_487 = arith.constant 2048 : i32
        %mul3A_488 = arith.muli %sub3A_475, %mul3A_487 : i32
        %add3A_489 = arith.constant 0 : i32
        %add3A_490 = arith.addi %mul3A_488, %add3A_489 : i32
        %dma_start3A_491 = arith.constant 0 : i32
        %dma_start3A_492 = tpu.memref_slice %arg7[%add3A_490, %dma_start3A_491] : memref<4096x16xf32, #tpu.memory_space<vmem>> -> memref<128x16xf32, #tpu.memory_space<vmem>>
        %dma_start3A_493 = arith.constant 0 : i32
        %dma_start3A_494 = tpu.memref_slice %arg6[%add3A_486, %dma_start3A_493] : memref<32x128xi32, #tpu.memory_space<vmem>> -> memref<1x128xi32, #tpu.memory_space<vmem>>
        %dma_start3A_495 = tpu.memref_squeeze %dma_start3A_494 : memref<1x128xi32, #tpu.memory_space<vmem>> -> memref<128xi32, #tpu.memory_space<vmem>>
        %dma_start3A_496 = arith.constant 0 : i32
        %dma_start3A_497 = arith.constant 0 : i32
        %dma_start3A_498 = tpu.memref_slice %arg4[%dma_start3A_496, %dma_start3A_497] : memref<229376x16xf32, #tpu.memory_space<hbm>> -> memref<229376x16xf32, #tpu.memory_space<hbm>>
        %dma_start3A_499 = tpu.memref_slice %arg10[%sub3A_475] : memref<2x!tpu.dma_semaphore, #tpu.memory_space<semaphore_mem>> -> memref<1x!tpu.dma_semaphore, #tpu.memory_space<semaphore_mem>>
        %dma_start3A_500 = tpu.memref_squeeze %dma_start3A_499 : memref<1x!tpu.dma_semaphore, #tpu.memory_space<semaphore_mem>> -> memref<!tpu.dma_semaphore, #tpu.memory_space<semaphore_mem>>
        tpu.enqueue_indirect_dma source(%dma_start3A_498 : memref<229376x16xf32, #tpu.memory_space<hbm>>) target(%dma_start3A_492 : memref<128x16xf32, #tpu.memory_space<vmem>>) offsets(%dma_start3A_495 : memref<128xi32, #tpu.memory_space<vmem>>) semaphore(%dma_start3A_500 : memref<!tpu.dma_semaphore, #tpu.memory_space<semaphore_mem>>)
        %mul3A_501 = arith.constant 16 : i32
        %mul3A_502 = arith.muli %sub3A_475, %mul3A_501 : i32
        %add3A_503 = arith.constant 1 : i32
        %add3A_504 = arith.addi %mul3A_502, %add3A_503 : i32
        %mul3A_505 = arith.constant 2048 : i32
        %mul3A_506 = arith.muli %sub3A_475, %mul3A_505 : i32
        %add3A_507 = arith.constant 128 : i32
        %add3A_508 = arith.addi %mul3A_506, %add3A_507 : i32
        %dma_start3A_509 = arith.constant 0 : i32
        %dma_start3A_510 = tpu.memref_slice %arg7[%add3A_508, %dma_start3A_509] : memref<4096x16xf32, #tpu.memory_space<vmem>> -> memref<128x16xf32, #tpu.memory_space<vmem>>
        %dma_start3A_511 = arith.constant 0 : i32
        %dma_start3A_512 = tpu.memref_slice %arg6[%add3A_504, %dma_start3A_511] : memref<32x128xi32, #tpu.memory_space<vmem>> -> memref<1x128xi32, #tpu.memory_space<vmem>>
        %dma_start3A_513 = tpu.memref_squeeze %dma_start3A_512 : memref<1x128xi32, #tpu.memory_space<vmem>> -> memref<128xi32, #tpu.memory_space<vmem>>
        %dma_start3A_514 = arith.constant 0 : i32
        %dma_start3A_515 = arith.constant 0 : i32
        %dma_start3A_516 = tpu.memref_slice %arg4[%dma_start3A_514, %dma_start3A_515] : memref<229376x16xf32, #tpu.memory_space<hbm>> -> memref<229376x16xf32, #tpu.memory_space<hbm>>
        %dma_start3A_517 = tpu.memref_slice %arg10[%sub3A_475] : memref<2x!tpu.dma_semaphore, #tpu.memory_space<semaphore_mem>> -> memref<1x!tpu.dma_semaphore, #tpu.memory_space<semaphore_mem>>
        %dma_start3A_518 = tpu.memref_squeeze %dma_start3A_517 : memref<1x!tpu.dma_semaphore, #tpu.memory_space<semaphore_mem>> -> memref<!tpu.dma_semaphore, #tpu.memory_space<semaphore_mem>>
        tpu.enqueue_indirect_dma source(%dma_start3A_516 : memref<229376x16xf32, #tpu.memory_space<hbm>>) target(%dma_start3A_510 : memref<128x16xf32, #tpu.memory_space<vmem>>) offsets(%dma_start3A_513 : memref<128xi32, #tpu.memory_space<vmem>>) semaphore(%dma_start3A_518 : memref<!tpu.dma_semaphore, #tpu.memory_space<semaphore_mem>>)
        %mul3A_519 = arith.constant 16 : i32
        %mul3A_520 = arith.muli %sub3A_475, %mul3A_519 : i32
        %add3A_521 = arith.constant 2 : i32
        %add3A_522 = arith.addi %mul3A_520, %add3A_521 : i32
        %mul3A_523 = arith.constant 2048 : i32
        %mul3A_524 = arith.muli %sub3A_475, %mul3A_523 : i32
        %add3A_525 = arith.constant 256 : i32
        %add3A_526 = arith.addi %mul3A_524, %add3A_525 : i32
        %dma_start3A_527 = arith.constant 0 : i32
        %dma_start3A_528 = tpu.memref_slice %arg7[%add3A_526, %dma_start3A_527] : memref<4096x16xf32, #tpu.memory_space<vmem>> -> memref<128x16xf32, #tpu.memory_space<vmem>>
        %dma_start3A_529 = arith.constant 0 : i32
        %dma_start3A_530 = tpu.memref_slice %arg6[%add3A_522, %dma_start3A_529] : memref<32x128xi32, #tpu.memory_space<vmem>> -> memref<1x128xi32, #tpu.memory_space<vmem>>
        %dma_start3A_531 = tpu.memref_squeeze %dma_start3A_530 : memref<1x128xi32, #tpu.memory_space<vmem>> -> memref<128xi32, #tpu.memory_space<vmem>>
        %dma_start3A_532 = arith.constant 0 : i32
        %dma_start3A_533 = arith.constant 0 : i32
        %dma_start3A_534 = tpu.memref_slice %arg4[%dma_start3A_532, %dma_start3A_533] : memref<229376x16xf32, #tpu.memory_space<hbm>> -> memref<229376x16xf32, #tpu.memory_space<hbm>>
        %dma_start3A_535 = tpu.memref_slice %arg10[%sub3A_475] : memref<2x!tpu.dma_semaphore, #tpu.memory_space<semaphore_mem>> -> memref<1x!tpu.dma_semaphore, #tpu.memory_space<semaphore_mem>>
        %dma_start3A_536 = tpu.memref_squeeze %dma_start3A_535 : memref<1x!tpu.dma_semaphore, #tpu.memory_space<semaphore_mem>> -> memref<!tpu.dma_semaphore, #tpu.memory_space<semaphore_mem>>
        tpu.enqueue_indirect_dma source(%dma_start3A_534 : memref<229376x16xf32, #tpu.memory_space<hbm>>) target(%dma_start3A_528 : memref<128x16xf32, #tpu.memory_space<vmem>>) offsets(%dma_start3A_531 : memref<128xi32, #tpu.memory_space<vmem>>) semaphore(%dma_start3A_536 : memref<!tpu.dma_semaphore, #tpu.memory_space<semaphore_mem>>)
        %mul3A_537 = arith.constant 16 : i32
        %mul3A_538 = arith.muli %sub3A_475, %mul3A_537 : i32
        %add3A_539 = arith.constant 3 : i32
        %add3A_540 = arith.addi %mul3A_538, %add3A_539 : i32
        %mul3A_541 = arith.constant 2048 : i32
        %mul3A_542 = arith.muli %sub3A_475, %mul3A_541 : i32
        %add3A_543 = arith.constant 384 : i32
        %add3A_544 = arith.addi %mul3A_542, %add3A_543 : i32
        %dma_start3A_545 = arith.constant 0 : i32
        %dma_start3A_546 = tpu.memref_slice %arg7[%add3A_544, %dma_start3A_545] : memref<4096x16xf32, #tpu.memory_space<vmem>> -> memref<128x16xf32, #tpu.memory_space<vmem>>
        %dma_start3A_547 = arith.constant 0 : i32
        %dma_start3A_548 = tpu.memref_slice %arg6[%add3A_540, %dma_start3A_547] : memref<32x128xi32, #tpu.memory_space<vmem>> -> memref<1x128xi32, #tpu.memory_space<vmem>>
        %dma_start3A_549 = tpu.memref_squeeze %dma_start3A_548 : memref<1x128xi32, #tpu.memory_space<vmem>> -> memref<128xi32, #tpu.memory_space<vmem>>
        %dma_start3A_550 = arith.constant 0 : i32
        %dma_start3A_551 = arith.constant 0 : i32
        %dma_start3A_552 = tpu.memref_slice %arg4[%dma_start3A_550, %dma_start3A_551] : memref<229376x16xf32, #tpu.memory_space<hbm>> -> memref<229376x16xf32, #tpu.memory_space<hbm>>
        %dma_start3A_553 = tpu.memref_slice %arg10[%sub3A_475] : memref<2x!tpu.dma_semaphore, #tpu.memory_space<semaphore_mem>> -> memref<1x!tpu.dma_semaphore, #tpu.memory_space<semaphore_mem>>
        %dma_start3A_554 = tpu.memref_squeeze %dma_start3A_553 : memref<1x!tpu.dma_semaphore, #tpu.memory_space<semaphore_mem>> -> memref<!tpu.dma_semaphore, #tpu.memory_space<semaphore_mem>>
        tpu.enqueue_indirect_dma source(%dma_start3A_552 : memref<229376x16xf32, #tpu.memory_space<hbm>>) target(%dma_start3A_546 : memref<128x16xf32, #tpu.memory_space<vmem>>) offsets(%dma_start3A_549 : memref<128xi32, #tpu.memory_space<vmem>>) semaphore(%dma_start3A_554 : memref<!tpu.dma_semaphore, #tpu.memory_space<semaphore_mem>>)
        %mul3A_555 = arith.constant 16 : i32
        %mul3A_556 = arith.muli %sub3A_475, %mul3A_555 : i32
        %add3A_557 = arith.constant 4 : i32
        %add3A_558 = arith.addi %mul3A_556, %add3A_557 : i32
        %mul3A_559 = arith.constant 2048 : i32
        %mul3A_560 = arith.muli %sub3A_475, %mul3A_559 : i32
        %add3A_561 = arith.constant 512 : i32
        %add3A_562 = arith.addi %mul3A_560, %add3A_561 : i32
        %dma_start3A_563 = arith.constant 0 : i32
        %dma_start3A_564 = tpu.memref_slice %arg7[%add3A_562, %dma_start3A_563] : memref<4096x16xf32, #tpu.memory_space<vmem>> -> memref<128x16xf32, #tpu.memory_space<vmem>>
        %dma_start3A_565 = arith.constant 0 : i32
        %dma_start3A_566 = tpu.memref_slice %arg6[%add3A_558, %dma_start3A_565] : memref<32x128xi32, #tpu.memory_space<vmem>> -> memref<1x128xi32, #tpu.memory_space<vmem>>
        %dma_start3A_567 = tpu.memref_squeeze %dma_start3A_566 : memref<1x128xi32, #tpu.memory_space<vmem>> -> memref<128xi32, #tpu.memory_space<vmem>>
        %dma_start3A_568 = arith.constant 0 : i32
        %dma_start3A_569 = arith.constant 0 : i32
        %dma_start3A_570 = tpu.memref_slice %arg4[%dma_start3A_568, %dma_start3A_569] : memref<229376x16xf32, #tpu.memory_space<hbm>> -> memref<229376x16xf32, #tpu.memory_space<hbm>>
        %dma_start3A_571 = tpu.memref_slice %arg10[%sub3A_475] : memref<2x!tpu.dma_semaphore, #tpu.memory_space<semaphore_mem>> -> memref<1x!tpu.dma_semaphore, #tpu.memory_space<semaphore_mem>>
        %dma_start3A_572 = tpu.memref_squeeze %dma_start3A_571 : memref<1x!tpu.dma_semaphore, #tpu.memory_space<semaphore_mem>> -> memref<!tpu.dma_semaphore, #tpu.memory_space<semaphore_mem>>
        tpu.enqueue_indirect_dma source(%dma_start3A_570 : memref<229376x16xf32, #tpu.memory_space<hbm>>) target(%dma_start3A_564 : memref<128x16xf32, #tpu.memory_space<vmem>>) offsets(%dma_start3A_567 : memref<128xi32, #tpu.memory_space<vmem>>) semaphore(%dma_start3A_572 : memref<!tpu.dma_semaphore, #tpu.memory_space<semaphore_mem>>)
        %mul3A_573 = arith.constant 16 : i32
        %mul3A_574 = arith.muli %sub3A_475, %mul3A_573 : i32
        %add3A_575 = arith.constant 5 : i32
        %add3A_576 = arith.addi %mul3A_574, %add3A_575 : i32
        %mul3A_577 = arith.constant 2048 : i32
        %mul3A_578 = arith.muli %sub3A_475, %mul3A_577 : i32
        %add3A_579 = arith.constant 640 : i32
        %add3A_580 = arith.addi %mul3A_578, %add3A_579 : i32
        %dma_start3A_581 = arith.constant 0 : i32
        %dma_start3A_582 = tpu.memref_slice %arg7[%add3A_580, %dma_start3A_581] : memref<4096x16xf32, #tpu.memory_space<vmem>> -> memref<128x16xf32, #tpu.memory_space<vmem>>
        %dma_start3A_583 = arith.constant 0 : i32
        %dma_start3A_584 = tpu.memref_slice %arg6[%add3A_576, %dma_start3A_583] : memref<32x128xi32, #tpu.memory_space<vmem>> -> memref<1x128xi32, #tpu.memory_space<vmem>>
        %dma_start3A_585 = tpu.memref_squeeze %dma_start3A_584 : memref<1x128xi32, #tpu.memory_space<vmem>> -> memref<128xi32, #tpu.memory_space<vmem>>
        %dma_start3A_586 = arith.constant 0 : i32
        %dma_start3A_587 = arith.constant 0 : i32
        %dma_start3A_588 = tpu.memref_slice %arg4[%dma_start3A_586, %dma_start3A_587] : memref<229376x16xf32, #tpu.memory_space<hbm>> -> memref<229376x16xf32, #tpu.memory_space<hbm>>
        %dma_start3A_589 = tpu.memref_slice %arg10[%sub3A_475] : memref<2x!tpu.dma_semaphore, #tpu.memory_space<semaphore_mem>> -> memref<1x!tpu.dma_semaphore, #tpu.memory_space<semaphore_mem>>
        %dma_start3A_590 = tpu.memref_squeeze %dma_start3A_589 : memref<1x!tpu.dma_semaphore, #tpu.memory_space<semaphore_mem>> -> memref<!tpu.dma_semaphore, #tpu.memory_space<semaphore_mem>>
        tpu.enqueue_indirect_dma source(%dma_start3A_588 : memref<229376x16xf32, #tpu.memory_space<hbm>>) target(%dma_start3A_582 : memref<128x16xf32, #tpu.memory_space<vmem>>) offsets(%dma_start3A_585 : memref<128xi32, #tpu.memory_space<vmem>>) semaphore(%dma_start3A_590 : memref<!tpu.dma_semaphore, #tpu.memory_space<semaphore_mem>>)
        %mul3A_591 = arith.constant 16 : i32
        %mul3A_592 = arith.muli %sub3A_475, %mul3A_591 : i32
        %add3A_593 = arith.constant 6 : i32
        %add3A_594 = arith.addi %mul3A_592, %add3A_593 : i32
        %mul3A_595 = arith.constant 2048 : i32
        %mul3A_596 = arith.muli %sub3A_475, %mul3A_595 : i32
        %add3A_597 = arith.constant 768 : i32
        %add3A_598 = arith.addi %mul3A_596, %add3A_597 : i32
        %dma_start3A_599 = arith.constant 0 : i32
        %dma_start3A_600 = tpu.memref_slice %arg7[%add3A_598, %dma_start3A_599] : memref<4096x16xf32, #tpu.memory_space<vmem>> -> memref<128x16xf32, #tpu.memory_space<vmem>>
        %dma_start3A_601 = arith.constant 0 : i32
        %dma_start3A_602 = tpu.memref_slice %arg6[%add3A_594, %dma_start3A_601] : memref<32x128xi32, #tpu.memory_space<vmem>> -> memref<1x128xi32, #tpu.memory_space<vmem>>
        %dma_start3A_603 = tpu.memref_squeeze %dma_start3A_602 : memref<1x128xi32, #tpu.memory_space<vmem>> -> memref<128xi32, #tpu.memory_space<vmem>>
        %dma_start3A_604 = arith.constant 0 : i32
        %dma_start3A_605 = arith.constant 0 : i32
        %dma_start3A_606 = tpu.memref_slice %arg4[%dma_start3A_604, %dma_start3A_605] : memref<229376x16xf32, #tpu.memory_space<hbm>> -> memref<229376x16xf32, #tpu.memory_space<hbm>>
        %dma_start3A_607 = tpu.memref_slice %arg10[%sub3A_475] : memref<2x!tpu.dma_semaphore, #tpu.memory_space<semaphore_mem>> -> memref<1x!tpu.dma_semaphore, #tpu.memory_space<semaphore_mem>>
        %dma_start3A_608 = tpu.memref_squeeze %dma_start3A_607 : memref<1x!tpu.dma_semaphore, #tpu.memory_space<semaphore_mem>> -> memref<!tpu.dma_semaphore, #tpu.memory_space<semaphore_mem>>
        tpu.enqueue_indirect_dma source(%dma_start3A_606 : memref<229376x16xf32, #tpu.memory_space<hbm>>) target(%dma_start3A_600 : memref<128x16xf32, #tpu.memory_space<vmem>>) offsets(%dma_start3A_603 : memref<128xi32, #tpu.memory_space<vmem>>) semaphore(%dma_start3A_608 : memref<!tpu.dma_semaphore, #tpu.memory_space<semaphore_mem>>)
        %mul3A_609 = arith.constant 16 : i32
        %mul3A_610 = arith.muli %sub3A_475, %mul3A_609 : i32
        %add3A_611 = arith.constant 7 : i32
        %add3A_612 = arith.addi %mul3A_610, %add3A_611 : i32
        %mul3A_613 = arith.constant 2048 : i32
        %mul3A_614 = arith.muli %sub3A_475, %mul3A_613 : i32
        %add3A_615 = arith.constant 896 : i32
        %add3A_616 = arith.addi %mul3A_614, %add3A_615 : i32
        %dma_start3A_617 = arith.constant 0 : i32
        %dma_start3A_618 = tpu.memref_slice %arg7[%add3A_616, %dma_start3A_617] : memref<4096x16xf32, #tpu.memory_space<vmem>> -> memref<128x16xf32, #tpu.memory_space<vmem>>
        %dma_start3A_619 = arith.constant 0 : i32
        %dma_start3A_620 = tpu.memref_slice %arg6[%add3A_612, %dma_start3A_619] : memref<32x128xi32, #tpu.memory_space<vmem>> -> memref<1x128xi32, #tpu.memory_space<vmem>>
        %dma_start3A_621 = tpu.memref_squeeze %dma_start3A_620 : memref<1x128xi32, #tpu.memory_space<vmem>> -> memref<128xi32, #tpu.memory_space<vmem>>
        %dma_start3A_622 = arith.constant 0 : i32
        %dma_start3A_623 = arith.constant 0 : i32
        %dma_start3A_624 = tpu.memref_slice %arg4[%dma_start3A_622, %dma_start3A_623] : memref<229376x16xf32, #tpu.memory_space<hbm>> -> memref<229376x16xf32, #tpu.memory_space<hbm>>
        %dma_start3A_625 = tpu.memref_slice %arg10[%sub3A_475] : memref<2x!tpu.dma_semaphore, #tpu.memory_space<semaphore_mem>> -> memref<1x!tpu.dma_semaphore, #tpu.memory_space<semaphore_mem>>
        %dma_start3A_626 = tpu.memref_squeeze %dma_start3A_625 : memref<1x!tpu.dma_semaphore, #tpu.memory_space<semaphore_mem>> -> memref<!tpu.dma_semaphore, #tpu.memory_space<semaphore_mem>>
        tpu.enqueue_indirect_dma source(%dma_start3A_624 : memref<229376x16xf32, #tpu.memory_space<hbm>>) target(%dma_start3A_618 : memref<128x16xf32, #tpu.memory_space<vmem>>) offsets(%dma_start3A_621 : memref<128xi32, #tpu.memory_space<vmem>>) semaphore(%dma_start3A_626 : memref<!tpu.dma_semaphore, #tpu.memory_space<semaphore_mem>>)
        %mul3A_627 = arith.constant 16 : i32
        %mul3A_628 = arith.muli %sub3A_475, %mul3A_627 : i32
        %add3A_629 = arith.constant 8 : i32
        %add3A_630 = arith.addi %mul3A_628, %add3A_629 : i32
        %mul3A_631 = arith.constant 2048 : i32
        %mul3A_632 = arith.muli %sub3A_475, %mul3A_631 : i32
        %add3A_633 = arith.constant 1024 : i32
        %add3A_634 = arith.addi %mul3A_632, %add3A_633 : i32
        %dma_start3A_635 = arith.constant 0 : i32
        %dma_start3A_636 = tpu.memref_slice %arg7[%add3A_634, %dma_start3A_635] : memref<4096x16xf32, #tpu.memory_space<vmem>> -> memref<128x16xf32, #tpu.memory_space<vmem>>
        %dma_start3A_637 = arith.constant 0 : i32
        %dma_start3A_638 = tpu.memref_slice %arg6[%add3A_630, %dma_start3A_637] : memref<32x128xi32, #tpu.memory_space<vmem>> -> memref<1x128xi32, #tpu.memory_space<vmem>>
        %dma_start3A_639 = tpu.memref_squeeze %dma_start3A_638 : memref<1x128xi32, #tpu.memory_space<vmem>> -> memref<128xi32, #tpu.memory_space<vmem>>
        %dma_start3A_640 = arith.constant 0 : i32
        %dma_start3A_641 = arith.constant 0 : i32
        %dma_start3A_642 = tpu.memref_slice %arg4[%dma_start3A_640, %dma_start3A_641] : memref<229376x16xf32, #tpu.memory_space<hbm>> -> memref<229376x16xf32, #tpu.memory_space<hbm>>
        %dma_start3A_643 = tpu.memref_slice %arg10[%sub3A_475] : memref<2x!tpu.dma_semaphore, #tpu.memory_space<semaphore_mem>> -> memref<1x!tpu.dma_semaphore, #tpu.memory_space<semaphore_mem>>
        %dma_start3A_644 = tpu.memref_squeeze %dma_start3A_643 : memref<1x!tpu.dma_semaphore, #tpu.memory_space<semaphore_mem>> -> memref<!tpu.dma_semaphore, #tpu.memory_space<semaphore_mem>>
        tpu.enqueue_indirect_dma source(%dma_start3A_642 : memref<229376x16xf32, #tpu.memory_space<hbm>>) target(%dma_start3A_636 : memref<128x16xf32, #tpu.memory_space<vmem>>) offsets(%dma_start3A_639 : memref<128xi32, #tpu.memory_space<vmem>>) semaphore(%dma_start3A_644 : memref<!tpu.dma_semaphore, #tpu.memory_space<semaphore_mem>>)
        %mul3A_645 = arith.constant 16 : i32
        %mul3A_646 = arith.muli %sub3A_475, %mul3A_645 : i32
        %add3A_647 = arith.constant 9 : i32
        %add3A_648 = arith.addi %mul3A_646, %add3A_647 : i32
        %mul3A_649 = arith.constant 2048 : i32
        %mul3A_650 = arith.muli %sub3A_475, %mul3A_649 : i32
        %add3A_651 = arith.constant 1152 : i32
        %add3A_652 = arith.addi %mul3A_650, %add3A_651 : i32
        %dma_start3A_653 = arith.constant 0 : i32
        %dma_start3A_654 = tpu.memref_slice %arg7[%add3A_652, %dma_start3A_653] : memref<4096x16xf32, #tpu.memory_space<vmem>> -> memref<128x16xf32, #tpu.memory_space<vmem>>
        %dma_start3A_655 = arith.constant 0 : i32
        %dma_start3A_656 = tpu.memref_slice %arg6[%add3A_648, %dma_start3A_655] : memref<32x128xi32, #tpu.memory_space<vmem>> -> memref<1x128xi32, #tpu.memory_space<vmem>>
        %dma_start3A_657 = tpu.memref_squeeze %dma_start3A_656 : memref<1x128xi32, #tpu.memory_space<vmem>> -> memref<128xi32, #tpu.memory_space<vmem>>
        %dma_start3A_658 = arith.constant 0 : i32
        %dma_start3A_659 = arith.constant 0 : i32
        %dma_start3A_660 = tpu.memref_slice %arg4[%dma_start3A_658, %dma_start3A_659] : memref<229376x16xf32, #tpu.memory_space<hbm>> -> memref<229376x16xf32, #tpu.memory_space<hbm>>
        %dma_start3A_661 = tpu.memref_slice %arg10[%sub3A_475] : memref<2x!tpu.dma_semaphore, #tpu.memory_space<semaphore_mem>> -> memref<1x!tpu.dma_semaphore, #tpu.memory_space<semaphore_mem>>
        %dma_start3A_662 = tpu.memref_squeeze %dma_start3A_661 : memref<1x!tpu.dma_semaphore, #tpu.memory_space<semaphore_mem>> -> memref<!tpu.dma_semaphore, #tpu.memory_space<semaphore_mem>>
        tpu.enqueue_indirect_dma source(%dma_start3A_660 : memref<229376x16xf32, #tpu.memory_space<hbm>>) target(%dma_start3A_654 : memref<128x16xf32, #tpu.memory_space<vmem>>) offsets(%dma_start3A_657 : memref<128xi32, #tpu.memory_space<vmem>>) semaphore(%dma_start3A_662 : memref<!tpu.dma_semaphore, #tpu.memory_space<semaphore_mem>>)
        %mul3A_663 = arith.constant 16 : i32
        %mul3A_664 = arith.muli %sub3A_475, %mul3A_663 : i32
        %add3A_665 = arith.constant 10 : i32
        %add3A_666 = arith.addi %mul3A_664, %add3A_665 : i32
        %mul3A_667 = arith.constant 2048 : i32
        %mul3A_668 = arith.muli %sub3A_475, %mul3A_667 : i32
        %add3A_669 = arith.constant 1280 : i32
        %add3A_670 = arith.addi %mul3A_668, %add3A_669 : i32
        %dma_start3A_671 = arith.constant 0 : i32
        %dma_start3A_672 = tpu.memref_slice %arg7[%add3A_670, %dma_start3A_671] : memref<4096x16xf32, #tpu.memory_space<vmem>> -> memref<128x16xf32, #tpu.memory_space<vmem>>
        %dma_start3A_673 = arith.constant 0 : i32
        %dma_start3A_674 = tpu.memref_slice %arg6[%add3A_666, %dma_start3A_673] : memref<32x128xi32, #tpu.memory_space<vmem>> -> memref<1x128xi32, #tpu.memory_space<vmem>>
        %dma_start3A_675 = tpu.memref_squeeze %dma_start3A_674 : memref<1x128xi32, #tpu.memory_space<vmem>> -> memref<128xi32, #tpu.memory_space<vmem>>
        %dma_start3A_676 = arith.constant 0 : i32
        %dma_start3A_677 = arith.constant 0 : i32
        %dma_start3A_678 = tpu.memref_slice %arg4[%dma_start3A_676, %dma_start3A_677] : memref<229376x16xf32, #tpu.memory_space<hbm>> -> memref<229376x16xf32, #tpu.memory_space<hbm>>
        %dma_start3A_679 = tpu.memref_slice %arg10[%sub3A_475] : memref<2x!tpu.dma_semaphore, #tpu.memory_space<semaphore_mem>> -> memref<1x!tpu.dma_semaphore, #tpu.memory_space<semaphore_mem>>
        %dma_start3A_680 = tpu.memref_squeeze %dma_start3A_679 : memref<1x!tpu.dma_semaphore, #tpu.memory_space<semaphore_mem>> -> memref<!tpu.dma_semaphore, #tpu.memory_space<semaphore_mem>>
        tpu.enqueue_indirect_dma source(%dma_start3A_678 : memref<229376x16xf32, #tpu.memory_space<hbm>>) target(%dma_start3A_672 : memref<128x16xf32, #tpu.memory_space<vmem>>) offsets(%dma_start3A_675 : memref<128xi32, #tpu.memory_space<vmem>>) semaphore(%dma_start3A_680 : memref<!tpu.dma_semaphore, #tpu.memory_space<semaphore_mem>>)
        %mul3A_681 = arith.constant 16 : i32
        %mul3A_682 = arith.muli %sub3A_475, %mul3A_681 : i32
        %add3A_683 = arith.constant 11 : i32
        %add3A_684 = arith.addi %mul3A_682, %add3A_683 : i32
        %mul3A_685 = arith.constant 2048 : i32
        %mul3A_686 = arith.muli %sub3A_475, %mul3A_685 : i32
        %add3A_687 = arith.constant 1408 : i32
        %add3A_688 = arith.addi %mul3A_686, %add3A_687 : i32
        %dma_start3A_689 = arith.constant 0 : i32
        %dma_start3A_690 = tpu.memref_slice %arg7[%add3A_688, %dma_start3A_689] : memref<4096x16xf32, #tpu.memory_space<vmem>> -> memref<128x16xf32, #tpu.memory_space<vmem>>
        %dma_start3A_691 = arith.constant 0 : i32
        %dma_start3A_692 = tpu.memref_slice %arg6[%add3A_684, %dma_start3A_691] : memref<32x128xi32, #tpu.memory_space<vmem>> -> memref<1x128xi32, #tpu.memory_space<vmem>>
        %dma_start3A_693 = tpu.memref_squeeze %dma_start3A_692 : memref<1x128xi32, #tpu.memory_space<vmem>> -> memref<128xi32, #tpu.memory_space<vmem>>
        %dma_start3A_694 = arith.constant 0 : i32
        %dma_start3A_695 = arith.constant 0 : i32
        %dma_start3A_696 = tpu.memref_slice %arg4[%dma_start3A_694, %dma_start3A_695] : memref<229376x16xf32, #tpu.memory_space<hbm>> -> memref<229376x16xf32, #tpu.memory_space<hbm>>
        %dma_start3A_697 = tpu.memref_slice %arg10[%sub3A_475] : memref<2x!tpu.dma_semaphore, #tpu.memory_space<semaphore_mem>> -> memref<1x!tpu.dma_semaphore, #tpu.memory_space<semaphore_mem>>
        %dma_start3A_698 = tpu.memref_squeeze %dma_start3A_697 : memref<1x!tpu.dma_semaphore, #tpu.memory_space<semaphore_mem>> -> memref<!tpu.dma_semaphore, #tpu.memory_space<semaphore_mem>>
        tpu.enqueue_indirect_dma source(%dma_start3A_696 : memref<229376x16xf32, #tpu.memory_space<hbm>>) target(%dma_start3A_690 : memref<128x16xf32, #tpu.memory_space<vmem>>) offsets(%dma_start3A_693 : memref<128xi32, #tpu.memory_space<vmem>>) semaphore(%dma_start3A_698 : memref<!tpu.dma_semaphore, #tpu.memory_space<semaphore_mem>>)
        %mul3A_699 = arith.constant 16 : i32
        %mul3A_700 = arith.muli %sub3A_475, %mul3A_699 : i32
        %add3A_701 = arith.constant 12 : i32
        %add3A_702 = arith.addi %mul3A_700, %add3A_701 : i32
        %mul3A_703 = arith.constant 2048 : i32
        %mul3A_704 = arith.muli %sub3A_475, %mul3A_703 : i32
        %add3A_705 = arith.constant 1536 : i32
        %add3A_706 = arith.addi %mul3A_704, %add3A_705 : i32
        %dma_start3A_707 = arith.constant 0 : i32
        %dma_start3A_708 = tpu.memref_slice %arg7[%add3A_706, %dma_start3A_707] : memref<4096x16xf32, #tpu.memory_space<vmem>> -> memref<128x16xf32, #tpu.memory_space<vmem>>
        %dma_start3A_709 = arith.constant 0 : i32
        %dma_start3A_710 = tpu.memref_slice %arg6[%add3A_702, %dma_start3A_709] : memref<32x128xi32, #tpu.memory_space<vmem>> -> memref<1x128xi32, #tpu.memory_space<vmem>>
        %dma_start3A_711 = tpu.memref_squeeze %dma_start3A_710 : memref<1x128xi32, #tpu.memory_space<vmem>> -> memref<128xi32, #tpu.memory_space<vmem>>
        %dma_start3A_712 = arith.constant 0 : i32
        %dma_start3A_713 = arith.constant 0 : i32
        %dma_start3A_714 = tpu.memref_slice %arg4[%dma_start3A_712, %dma_start3A_713] : memref<229376x16xf32, #tpu.memory_space<hbm>> -> memref<229376x16xf32, #tpu.memory_space<hbm>>
        %dma_start3A_715 = tpu.memref_slice %arg10[%sub3A_475] : memref<2x!tpu.dma_semaphore, #tpu.memory_space<semaphore_mem>> -> memref<1x!tpu.dma_semaphore, #tpu.memory_space<semaphore_mem>>
        %dma_start3A_716 = tpu.memref_squeeze %dma_start3A_715 : memref<1x!tpu.dma_semaphore, #tpu.memory_space<semaphore_mem>> -> memref<!tpu.dma_semaphore, #tpu.memory_space<semaphore_mem>>
        tpu.enqueue_indirect_dma source(%dma_start3A_714 : memref<229376x16xf32, #tpu.memory_space<hbm>>) target(%dma_start3A_708 : memref<128x16xf32, #tpu.memory_space<vmem>>) offsets(%dma_start3A_711 : memref<128xi32, #tpu.memory_space<vmem>>) semaphore(%dma_start3A_716 : memref<!tpu.dma_semaphore, #tpu.memory_space<semaphore_mem>>)
        %mul3A_717 = arith.constant 16 : i32
        %mul3A_718 = arith.muli %sub3A_475, %mul3A_717 : i32
        %add3A_719 = arith.constant 13 : i32
        %add3A_720 = arith.addi %mul3A_718, %add3A_719 : i32
        %mul3A_721 = arith.constant 2048 : i32
        %mul3A_722 = arith.muli %sub3A_475, %mul3A_721 : i32
        %add3A_723 = arith.constant 1664 : i32
        %add3A_724 = arith.addi %mul3A_722, %add3A_723 : i32
        %dma_start3A_725 = arith.constant 0 : i32
        %dma_start3A_726 = tpu.memref_slice %arg7[%add3A_724, %dma_start3A_725] : memref<4096x16xf32, #tpu.memory_space<vmem>> -> memref<128x16xf32, #tpu.memory_space<vmem>>
        %dma_start3A_727 = arith.constant 0 : i32
        %dma_start3A_728 = tpu.memref_slice %arg6[%add3A_720, %dma_start3A_727] : memref<32x128xi32, #tpu.memory_space<vmem>> -> memref<1x128xi32, #tpu.memory_space<vmem>>
        %dma_start3A_729 = tpu.memref_squeeze %dma_start3A_728 : memref<1x128xi32, #tpu.memory_space<vmem>> -> memref<128xi32, #tpu.memory_space<vmem>>
        %dma_start3A_730 = arith.constant 0 : i32
        %dma_start3A_731 = arith.constant 0 : i32
        %dma_start3A_732 = tpu.memref_slice %arg4[%dma_start3A_730, %dma_start3A_731] : memref<229376x16xf32, #tpu.memory_space<hbm>> -> memref<229376x16xf32, #tpu.memory_space<hbm>>
        %dma_start3A_733 = tpu.memref_slice %arg10[%sub3A_475] : memref<2x!tpu.dma_semaphore, #tpu.memory_space<semaphore_mem>> -> memref<1x!tpu.dma_semaphore, #tpu.memory_space<semaphore_mem>>
        %dma_start3A_734 = tpu.memref_squeeze %dma_start3A_733 : memref<1x!tpu.dma_semaphore, #tpu.memory_space<semaphore_mem>> -> memref<!tpu.dma_semaphore, #tpu.memory_space<semaphore_mem>>
        tpu.enqueue_indirect_dma source(%dma_start3A_732 : memref<229376x16xf32, #tpu.memory_space<hbm>>) target(%dma_start3A_726 : memref<128x16xf32, #tpu.memory_space<vmem>>) offsets(%dma_start3A_729 : memref<128xi32, #tpu.memory_space<vmem>>) semaphore(%dma_start3A_734 : memref<!tpu.dma_semaphore, #tpu.memory_space<semaphore_mem>>)
        %mul3A_735 = arith.constant 16 : i32
        %mul3A_736 = arith.muli %sub3A_475, %mul3A_735 : i32
        %add3A_737 = arith.constant 14 : i32
        %add3A_738 = arith.addi %mul3A_736, %add3A_737 : i32
        %mul3A_739 = arith.constant 2048 : i32
        %mul3A_740 = arith.muli %sub3A_475, %mul3A_739 : i32
        %add3A_741 = arith.constant 1792 : i32
        %add3A_742 = arith.addi %mul3A_740, %add3A_741 : i32
        %dma_start3A_743 = arith.constant 0 : i32
        %dma_start3A_744 = tpu.memref_slice %arg7[%add3A_742, %dma_start3A_743] : memref<4096x16xf32, #tpu.memory_space<vmem>> -> memref<128x16xf32, #tpu.memory_space<vmem>>
        %dma_start3A_745 = arith.constant 0 : i32
        %dma_start3A_746 = tpu.memref_slice %arg6[%add3A_738, %dma_start3A_745] : memref<32x128xi32, #tpu.memory_space<vmem>> -> memref<1x128xi32, #tpu.memory_space<vmem>>
        %dma_start3A_747 = tpu.memref_squeeze %dma_start3A_746 : memref<1x128xi32, #tpu.memory_space<vmem>> -> memref<128xi32, #tpu.memory_space<vmem>>
        %dma_start3A_748 = arith.constant 0 : i32
        %dma_start3A_749 = arith.constant 0 : i32
        %dma_start3A_750 = tpu.memref_slice %arg4[%dma_start3A_748, %dma_start3A_749] : memref<229376x16xf32, #tpu.memory_space<hbm>> -> memref<229376x16xf32, #tpu.memory_space<hbm>>
        %dma_start3A_751 = tpu.memref_slice %arg10[%sub3A_475] : memref<2x!tpu.dma_semaphore, #tpu.memory_space<semaphore_mem>> -> memref<1x!tpu.dma_semaphore, #tpu.memory_space<semaphore_mem>>
        %dma_start3A_752 = tpu.memref_squeeze %dma_start3A_751 : memref<1x!tpu.dma_semaphore, #tpu.memory_space<semaphore_mem>> -> memref<!tpu.dma_semaphore, #tpu.memory_space<semaphore_mem>>
        tpu.enqueue_indirect_dma source(%dma_start3A_750 : memref<229376x16xf32, #tpu.memory_space<hbm>>) target(%dma_start3A_744 : memref<128x16xf32, #tpu.memory_space<vmem>>) offsets(%dma_start3A_747 : memref<128xi32, #tpu.memory_space<vmem>>) semaphore(%dma_start3A_752 : memref<!tpu.dma_semaphore, #tpu.memory_space<semaphore_mem>>)
        %mul3A_753 = arith.constant 16 : i32
        %mul3A_754 = arith.muli %sub3A_475, %mul3A_753 : i32
        %add3A_755 = arith.constant 15 : i32
        %add3A_756 = arith.addi %mul3A_754, %add3A_755 : i32
        %mul3A_757 = arith.constant 2048 : i32
        %mul3A_758 = arith.muli %sub3A_475, %mul3A_757 : i32
        %add3A_759 = arith.constant 1920 : i32
        %add3A_760 = arith.addi %mul3A_758, %add3A_759 : i32
        %dma_start3A_761 = arith.constant 0 : i32
        %dma_start3A_762 = tpu.memref_slice %arg7[%add3A_760, %dma_start3A_761] : memref<4096x16xf32, #tpu.memory_space<vmem>> -> memref<128x16xf32, #tpu.memory_space<vmem>>
        %dma_start3A_763 = arith.constant 0 : i32
        %dma_start3A_764 = tpu.memref_slice %arg6[%add3A_756, %dma_start3A_763] : memref<32x128xi32, #tpu.memory_space<vmem>> -> memref<1x128xi32, #tpu.memory_space<vmem>>
        %dma_start3A_765 = tpu.memref_squeeze %dma_start3A_764 : memref<1x128xi32, #tpu.memory_space<vmem>> -> memref<128xi32, #tpu.memory_space<vmem>>
        %dma_start3A_766 = arith.constant 0 : i32
        %dma_start3A_767 = arith.constant 0 : i32
        %dma_start3A_768 = tpu.memref_slice %arg4[%dma_start3A_766, %dma_start3A_767] : memref<229376x16xf32, #tpu.memory_space<hbm>> -> memref<229376x16xf32, #tpu.memory_space<hbm>>
        %dma_start3A_769 = tpu.memref_slice %arg10[%sub3A_475] : memref<2x!tpu.dma_semaphore, #tpu.memory_space<semaphore_mem>> -> memref<1x!tpu.dma_semaphore, #tpu.memory_space<semaphore_mem>>
        %dma_start3A_770 = tpu.memref_squeeze %dma_start3A_769 : memref<1x!tpu.dma_semaphore, #tpu.memory_space<semaphore_mem>> -> memref<!tpu.dma_semaphore, #tpu.memory_space<semaphore_mem>>
        tpu.enqueue_indirect_dma source(%dma_start3A_768 : memref<229376x16xf32, #tpu.memory_space<hbm>>) target(%dma_start3A_762 : memref<128x16xf32, #tpu.memory_space<vmem>>) offsets(%dma_start3A_765 : memref<128xi32, #tpu.memory_space<vmem>>) semaphore(%dma_start3A_770 : memref<!tpu.dma_semaphore, #tpu.memory_space<semaphore_mem>>)
        %mul3A_771 = arith.constant 3 : i32
        %mul3A_772 = arith.muli %add3A_478, %mul3A_771 : i32
        %mul3A_773 = arith.constant 4 : i32
        %mul3A_774 = arith.muli %mul3A_772, %mul3A_773 : i32
        %mul3A_775 = arith.constant 3 : i32
        %mul3A_776 = arith.muli %sub3A_475, %mul3A_775 : i32
        %mul3A_777 = arith.constant 4 : i32
        %mul3A_778 = arith.muli %mul3A_776, %mul3A_777 : i32
        "tpu.region"() ({
          %run_scoped3A = tpu.sem_alloc : memref<!tpu.dma_semaphore, #tpu.memory_space<semaphore_mem>>
          %dma_start3A_779 = arith.constant 0 : i32
          %dma_start3A_780 = tpu.memref_slice %arg8[%mul3A_778, %dma_start3A_779] : memref<24x512xf32, #tpu.memory_space<vmem>> -> memref<12x512xf32, #tpu.memory_space<vmem>>
          %dma_start3A_781 = arith.constant 0 : i32
          %dma_start3A_782 = tpu.memref_slice %arg3[%mul3A_774, %dma_start3A_781] : memref<6144x512xf32, #tpu.memory_space<hbm>> -> memref<12x512xf32, #tpu.memory_space<hbm>>
          %dma_start3A_783 = arith.constant 0 : i32
          %dma_start3A_784 = tpu.memref_slice %arg8[%mul3A_778, %dma_start3A_783] : memref<24x512xf32, #tpu.memory_space<vmem>> -> memref<12x512xf32, #tpu.memory_space<vmem>>
          %dma_start3A_785 = arith.constant 0 : i32
          %dma_start3A_786 = tpu.memref_slice %arg3[%mul3A_774, %dma_start3A_785] : memref<6144x512xf32, #tpu.memory_space<hbm>> -> memref<12x512xf32, #tpu.memory_space<hbm>>
          tpu.enqueue_dma source(%dma_start3A_786 : memref<12x512xf32, #tpu.memory_space<hbm>>) target(%dma_start3A_784 : memref<12x512xf32, #tpu.memory_space<vmem>>) target_semaphore(%run_scoped3A : memref<!tpu.dma_semaphore, #tpu.memory_space<semaphore_mem>>)
          %dma_wait3A_787 = arith.constant 0 : i32
          %dma_wait3A_788 = tpu.memref_slice %arg8[%mul3A_778, %dma_wait3A_787] : memref<24x512xf32, #tpu.memory_space<vmem>> -> memref<12x512xf32, #tpu.memory_space<vmem>>
          %dma_wait3A_789 = arith.constant 0 : i32
          %dma_wait3A_790 = tpu.memref_slice %arg3[%mul3A_774, %dma_wait3A_789] : memref<6144x512xf32, #tpu.memory_space<hbm>> -> memref<12x512xf32, #tpu.memory_space<hbm>>
          %dma_wait3A_791 = arith.constant 0 : i32
          %dma_wait3A_792 = tpu.memref_slice %arg8[%mul3A_778, %dma_wait3A_791] : memref<24x512xf32, #tpu.memory_space<vmem>> -> memref<12x512xf32, #tpu.memory_space<vmem>>
          %dma_wait3A_793 = arith.constant 0 : i32
          %dma_wait3A_794 = tpu.memref_slice %arg3[%mul3A_774, %dma_wait3A_793] : memref<6144x512xf32, #tpu.memory_space<hbm>> -> memref<12x512xf32, #tpu.memory_space<hbm>>
          tpu.wait_dma2 semaphore(%run_scoped3A : memref<!tpu.dma_semaphore, #tpu.memory_space<semaphore_mem>>) src(%dma_wait3A_794 : memref<12x512xf32, #tpu.memory_space<hbm>>) dst(%dma_wait3A_792 : memref<12x512xf32, #tpu.memory_space<vmem>>)
          tpu.yield
        }) : () -> ()
      } else {
      }
      %mul3A_366 = arith.constant 2048 : i32
      %mul3A_367 = arith.muli %and3A_363, %mul3A_366 : i32
      %dma_wait3A_368 = arith.constant 0 : i32
      %dma_wait3A_369 = tpu.memref_slice %arg7[%mul3A_367, %dma_wait3A_368] : memref<4096x16xf32, #tpu.memory_space<vmem>> -> memref<2048x16xf32, #tpu.memory_space<vmem>>
      %dma_wait3A_370 = arith.constant 0 : i32
      %dma_wait3A_371 = arith.constant 0 : i32
      %dma_wait3A_372 = tpu.memref_slice %arg4[%dma_wait3A_370, %dma_wait3A_371] : memref<229376x16xf32, #tpu.memory_space<hbm>> -> memref<2048x16xf32, #tpu.memory_space<hbm>>
      %dma_wait3A_373 = tpu.memref_slice %arg10[%and3A_363] : memref<2x!tpu.dma_semaphore, #tpu.memory_space<semaphore_mem>> -> memref<1x!tpu.dma_semaphore, #tpu.memory_space<semaphore_mem>>
      %dma_wait3A_374 = tpu.memref_squeeze %dma_wait3A_373 : memref<1x!tpu.dma_semaphore, #tpu.memory_space<semaphore_mem>> -> memref<!tpu.dma_semaphore, #tpu.memory_space<semaphore_mem>>
      %dma_wait3A_375 = arith.constant 0 : i32
      %dma_wait3A_376 = tpu.memref_slice %arg7[%mul3A_367, %dma_wait3A_375] : memref<4096x16xf32, #tpu.memory_space<vmem>> -> memref<2048x16xf32, #tpu.memory_space<vmem>>
      %dma_wait3A_377 = arith.constant 0 : i32
      %dma_wait3A_378 = arith.constant 0 : i32
      %dma_wait3A_379 = tpu.memref_slice %arg4[%dma_wait3A_377, %dma_wait3A_378] : memref<229376x16xf32, #tpu.memory_space<hbm>> -> memref<2048x16xf32, #tpu.memory_space<hbm>>
      tpu.wait_dma2 semaphore(%dma_wait3A_374 : memref<!tpu.dma_semaphore, #tpu.memory_space<semaphore_mem>>) src(%dma_wait3A_379 : memref<2048x16xf32, #tpu.memory_space<hbm>>) dst(%dma_wait3A_376 : memref<2048x16xf32, #tpu.memory_space<vmem>>)
      %ge3A = arith.constant 2 : i32
      %ge3A_380 = arith.cmpi sge, %scan3A_361, %ge3A : i32
      %convert_element_type3A_381 = arith.extui %ge3A_380 : i1 to i32
      %cond3A_382 = arith.constant 0 : i32
      %cond3A_383 = arith.cmpi ne, %convert_element_type3A_381, %cond3A_382 : i32
      scf.if %cond3A_383 {
        %sub3A = arith.constant 2 : i32
        %sub3A_473 = arith.subi %scan3A_361, %sub3A : i32
        %mul3A_474 = arith.constant 16 : i32
        %mul3A_475 = arith.muli %add3A, %mul3A_474 : i32
        %add3A_476 = arith.addi %mul3A_475, %sub3A_473 : i32
        %shift_right_arithmetic3A_477 = arith.constant 7 : i32
        %shift_right_arithmetic3A_478 = arith.shrsi %add3A_476, %shift_right_arithmetic3A_477 : i32
        %and3A_479 = arith.constant 127 : i32
        %and3A_480 = arith.andi %add3A_476, %and3A_479 : i32
        %mul3A_481 = arith.constant 4 : i32
        %mul3A_482 = arith.muli %and3A_480, %mul3A_481 : i32
        %mul3A_483 = arith.constant 3 : i32
        %mul3A_484 = arith.muli %and3A_363, %mul3A_483 : i32
        %add3A_485 = arith.constant 0 : i32
        %add3A_486 = arith.addi %mul3A_484, %add3A_485 : i32
        %mul3A_487 = arith.constant 4 : i32
        %mul3A_488 = arith.muli %add3A_486, %mul3A_487 : i32
        %mul3A_489 = arith.constant 3 : i32
        %mul3A_490 = arith.muli %shift_right_arithmetic3A_478, %mul3A_489 : i32
        %add3A_491 = arith.constant 0 : i32
        %add3A_492 = arith.addi %mul3A_490, %add3A_491 : i32
        %mul3A_493 = arith.constant 512 : i32
        %mul3A_494 = arith.muli %add3A_492, %mul3A_493 : i32
        %add3A_495 = arith.addi %mul3A_494, %mul3A_482 : i32
        %dma_wait3A_496 = arith.constant 0 : i32
        %dma_wait3A_497 = tpu.memref_slice %arg9[%mul3A_488, %dma_wait3A_496] : memref<24x512xf32, #tpu.memory_space<vmem>> -> memref<4x512xf32, #tpu.memory_space<vmem>>
        %dma_wait3A_498 = arith.constant 0 : i32
        %dma_wait3A_499 = tpu.memref_slice %arg5[%add3A_495, %dma_wait3A_498] : memref<6144x512xf32, #tpu.memory_space<hbm>> -> memref<4x512xf32, #tpu.memory_space<hbm>>
        %dma_wait3A_500 = tpu.memref_slice %arg11[%and3A_363] : memref<2x!tpu.dma_semaphore, #tpu.memory_space<semaphore_mem>> -> memref<1x!tpu.dma_semaphore, #tpu.memory_space<semaphore_mem>>
        %dma_wait3A_501 = tpu.memref_squeeze %dma_wait3A_500 : memref<1x!tpu.dma_semaphore, #tpu.memory_space<semaphore_mem>> -> memref<!tpu.dma_semaphore, #tpu.memory_space<semaphore_mem>>
        %dma_wait3A_502 = arith.constant 0 : i32
        %dma_wait3A_503 = tpu.memref_slice %arg5[%add3A_495, %dma_wait3A_502] : memref<6144x512xf32, #tpu.memory_space<hbm>> -> memref<4x512xf32, #tpu.memory_space<hbm>>
        %dma_wait3A_504 = arith.constant 0 : i32
        %dma_wait3A_505 = tpu.memref_slice %arg9[%mul3A_488, %dma_wait3A_504] : memref<24x512xf32, #tpu.memory_space<vmem>> -> memref<4x512xf32, #tpu.memory_space<vmem>>
        tpu.wait_dma2 semaphore(%dma_wait3A_501 : memref<!tpu.dma_semaphore, #tpu.memory_space<semaphore_mem>>) src(%dma_wait3A_505 : memref<4x512xf32, #tpu.memory_space<vmem>>) dst(%dma_wait3A_503 : memref<4x512xf32, #tpu.memory_space<hbm>>)
        %mul3A_506 = arith.constant 3 : i32
        %mul3A_507 = arith.muli %and3A_363, %mul3A_506 : i32
        %add3A_508 = arith.constant 1 : i32
        %add3A_509 = arith.addi %mul3A_507, %add3A_508 : i32
        %mul3A_510 = arith.constant 4 : i32
        %mul3A_511 = arith.muli %add3A_509, %mul3A_510 : i32
        %mul3A_512 = arith.constant 3 : i32
        %mul3A_513 = arith.muli %shift_right_arithmetic3A_478, %mul3A_512 : i32
        %add3A_514 = arith.constant 1 : i32
        %add3A_515 = arith.addi %mul3A_513, %add3A_514 : i32
        %mul3A_516 = arith.constant 512 : i32
        %mul3A_517 = arith.muli %add3A_515, %mul3A_516 : i32
        %add3A_518 = arith.addi %mul3A_517, %mul3A_482 : i32
        %dma_wait3A_519 = arith.constant 0 : i32
        %dma_wait3A_520 = tpu.memref_slice %arg9[%mul3A_511, %dma_wait3A_519] : memref<24x512xf32, #tpu.memory_space<vmem>> -> memref<4x512xf32, #tpu.memory_space<vmem>>
        %dma_wait3A_521 = arith.constant 0 : i32
        %dma_wait3A_522 = tpu.memref_slice %arg5[%add3A_518, %dma_wait3A_521] : memref<6144x512xf32, #tpu.memory_space<hbm>> -> memref<4x512xf32, #tpu.memory_space<hbm>>
        %dma_wait3A_523 = tpu.memref_slice %arg11[%and3A_363] : memref<2x!tpu.dma_semaphore, #tpu.memory_space<semaphore_mem>> -> memref<1x!tpu.dma_semaphore, #tpu.memory_space<semaphore_mem>>
        %dma_wait3A_524 = tpu.memref_squeeze %dma_wait3A_523 : memref<1x!tpu.dma_semaphore, #tpu.memory_space<semaphore_mem>> -> memref<!tpu.dma_semaphore, #tpu.memory_space<semaphore_mem>>
        %dma_wait3A_525 = arith.constant 0 : i32
        %dma_wait3A_526 = tpu.memref_slice %arg5[%add3A_518, %dma_wait3A_525] : memref<6144x512xf32, #tpu.memory_space<hbm>> -> memref<4x512xf32, #tpu.memory_space<hbm>>
        %dma_wait3A_527 = arith.constant 0 : i32
        %dma_wait3A_528 = tpu.memref_slice %arg9[%mul3A_511, %dma_wait3A_527] : memref<24x512xf32, #tpu.memory_space<vmem>> -> memref<4x512xf32, #tpu.memory_space<vmem>>
        tpu.wait_dma2 semaphore(%dma_wait3A_524 : memref<!tpu.dma_semaphore, #tpu.memory_space<semaphore_mem>>) src(%dma_wait3A_528 : memref<4x512xf32, #tpu.memory_space<vmem>>) dst(%dma_wait3A_526 : memref<4x512xf32, #tpu.memory_space<hbm>>)
        %mul3A_529 = arith.constant 3 : i32
        %mul3A_530 = arith.muli %and3A_363, %mul3A_529 : i32
        %add3A_531 = arith.constant 2 : i32
        %add3A_532 = arith.addi %mul3A_530, %add3A_531 : i32
        %mul3A_533 = arith.constant 4 : i32
        %mul3A_534 = arith.muli %add3A_532, %mul3A_533 : i32
        %mul3A_535 = arith.constant 3 : i32
        %mul3A_536 = arith.muli %shift_right_arithmetic3A_478, %mul3A_535 : i32
        %add3A_537 = arith.constant 2 : i32
        %add3A_538 = arith.addi %mul3A_536, %add3A_537 : i32
        %mul3A_539 = arith.constant 512 : i32
        %mul3A_540 = arith.muli %add3A_538, %mul3A_539 : i32
        %add3A_541 = arith.addi %mul3A_540, %mul3A_482 : i32
        %dma_wait3A_542 = arith.constant 0 : i32
        %dma_wait3A_543 = tpu.memref_slice %arg9[%mul3A_534, %dma_wait3A_542] : memref<24x512xf32, #tpu.memory_space<vmem>> -> memref<4x512xf32, #tpu.memory_space<vmem>>
        %dma_wait3A_544 = arith.constant 0 : i32
        %dma_wait3A_545 = tpu.memref_slice %arg5[%add3A_541, %dma_wait3A_544] : memref<6144x512xf32, #tpu.memory_space<hbm>> -> memref<4x512xf32, #tpu.memory_space<hbm>>
        %dma_wait3A_546 = tpu.memref_slice %arg11[%and3A_363] : memref<2x!tpu.dma_semaphore, #tpu.memory_space<semaphore_mem>> -> memref<1x!tpu.dma_semaphore, #tpu.memory_space<semaphore_mem>>
        %dma_wait3A_547 = tpu.memref_squeeze %dma_wait3A_546 : memref<1x!tpu.dma_semaphore, #tpu.memory_space<semaphore_mem>> -> memref<!tpu.dma_semaphore, #tpu.memory_space<semaphore_mem>>
        %dma_wait3A_548 = arith.constant 0 : i32
        %dma_wait3A_549 = tpu.memref_slice %arg5[%add3A_541, %dma_wait3A_548] : memref<6144x512xf32, #tpu.memory_space<hbm>> -> memref<4x512xf32, #tpu.memory_space<hbm>>
        %dma_wait3A_550 = arith.constant 0 : i32
        %dma_wait3A_551 = tpu.memref_slice %arg9[%mul3A_534, %dma_wait3A_550] : memref<24x512xf32, #tpu.memory_space<vmem>> -> memref<4x512xf32, #tpu.memory_space<vmem>>
        tpu.wait_dma2 semaphore(%dma_wait3A_547 : memref<!tpu.dma_semaphore, #tpu.memory_space<semaphore_mem>>) src(%dma_wait3A_551 : memref<4x512xf32, #tpu.memory_space<vmem>>) dst(%dma_wait3A_549 : memref<4x512xf32, #tpu.memory_space<hbm>>)
      } else {
      }
      %mul3A_384 = arith.constant 16 : i32
      %mul3A_385 = arith.muli %add3A, %mul3A_384 : i32
      %add3A_386 = arith.addi %mul3A_385, %scan3A_361 : i32
      %mul3A_387 = arith.constant 2048 : i32
      %mul3A_388 = arith.muli %add3A_386, %mul3A_387 : i32
      %scan3A_389 = arith.constant 0 : i32
      %scan3A_390 = arith.constant 0 : i32
      %scan3A_391 = arith.constant 128 : i32
      %scan3A_392 = arith.addi %scan3A_390, %scan3A_391 : i32
      %scan3A_393 = arith.constant 1 : i32
      scf.for %scan3A_473 = %scan3A_390 to %scan3A_392 step %scan3A_393  : i32 {
        %shift_right_arithmetic3A_474 = arith.constant 5 : i32
        %shift_right_arithmetic3A_475 = arith.shrsi %scan3A_473, %shift_right_arithmetic3A_474 : i32
        %and3A_476 = arith.constant 31 : i32
        %and3A_477 = arith.andi %scan3A_473, %and3A_476 : i32
        %mul3A_478 = arith.constant 16 : i32
        %mul3A_479 = arith.muli %and3A_477, %mul3A_478 : i32
        %mul3A_480 = arith.constant 16 : i32
        %mul3A_481 = arith.muli %scan3A_473, %mul3A_480 : i32
        %add3A_482 = vector.broadcast %mul3A_481 : i32 to vector<16xi32>
        %add3A_483 = arith.addi %add3A_482, %iota3A : vector<16xi32>
        %mul3A_484 = arith.constant 3 : i32
        %mul3A_485 = arith.muli %and3A_363, %mul3A_484 : i32
        %mul3A_486 = arith.constant 4 : i32
        %mul3A_487 = arith.muli %mul3A_485, %mul3A_486 : i32
        %mul3A_488 = arith.constant 3 : i32
        %mul3A_489 = arith.muli %mul3A_488, %shift_right_arithmetic3A_475 : i32
        %add3A_490 = arith.addi %mul3A_487, %mul3A_489 : i32
        %add3A_491 = arith.constant 0 : i32
        %add3A_492 = arith.addi %add3A_490, %add3A_491 : i32
        %get3A = arith.index_cast %add3A_492 : i32 to index
        %get3A_493 = arith.index_cast %mul3A_479 : i32 to index
        %get3A_494 = tpu.vector_load %arg8[%get3A, %get3A_493] {strides = array<i32>} : memref<24x512xf32, #tpu.memory_space<vmem>>, vector<16xf32>,
        %mul3A_495 = arith.constant 3 : i32
        %mul3A_496 = arith.muli %and3A_363, %mul3A_495 : i32
        %mul3A_497 = arith.constant 4 : i32
        %mul3A_498 = arith.muli %mul3A_496, %mul3A_497 : i32
        %mul3A_499 = arith.constant 3 : i32
        %mul3A_500 = arith.muli %mul3A_499, %shift_right_arithmetic3A_475 : i32
        %add3A_501 = arith.addi %mul3A_498, %mul3A_500 : i32
        %add3A_502 = arith.constant 1 : i32
        %add3A_503 = arith.addi %add3A_501, %add3A_502 : i32
        %get3A_504 = arith.index_cast %add3A_503 : i32 to index
        %get3A_505 = arith.index_cast %mul3A_479 : i32 to index
        %get3A_506 = tpu.vector_load %arg8[%get3A_504, %get3A_505] {strides = array<i32>} : memref<24x512xf32, #tpu.memory_space<vmem>>, vector<16xf32>,
        %mul3A_507 = arith.constant 3 : i32
        %mul3A_508 = arith.muli %and3A_363, %mul3A_507 : i32
        %mul3A_509 = arith.constant 4 : i32
        %mul3A_510 = arith.muli %mul3A_508, %mul3A_509 : i32
        %mul3A_511 = arith.constant 3 : i32
        %mul3A_512 = arith.muli %mul3A_511, %shift_right_arithmetic3A_475 : i32
        %add3A_513 = arith.addi %mul3A_510, %mul3A_512 : i32
        %add3A_514 = arith.constant 2 : i32
        %add3A_515 = arith.addi %add3A_513, %add3A_514 : i32
        %get3A_516 = arith.index_cast %add3A_515 : i32 to index
        %get3A_517 = arith.index_cast %mul3A_479 : i32 to index
        %get3A_518 = tpu.vector_load %arg8[%get3A_516, %get3A_517] {strides = array<i32>} : memref<24x512xf32, #tpu.memory_space<vmem>>, vector<16xf32>,
        %add3A_519 = vector.broadcast %mul3A_479 : i32 to vector<16xi32>
        %add3A_520 = arith.addi %add3A_519, %iota3A : vector<16xi32>
        %convert_element_type3A_521 = arith.sitofp %add3A_520 : vector<16xi32> to vector<16xf32>
        %mul3A_522 = arith.constant 4 : i32
        %mul3A_523 = arith.muli %add3A_386, %mul3A_522 : i32
        %add3A_524 = arith.addi %mul3A_523, %shift_right_arithmetic3A_475 : i32
        %and3A_525 = arith.constant 511 : i32
        %and3A_526 = arith.andi %add3A_524, %and3A_525 : i32
        %convert_element_type3A_527 = arith.sitofp %and3A_526 : i32 to f32
        %mul3A_528 = vector.broadcast %scan3A_218 : f32 to vector<16xf32>
        %mul3A_529 = arith.mulf %convert_element_type3A_521, %mul3A_528 : vector<16xf32>
        %sub3A = arith.constant 1.000000e+00 : f32
        %sub3A_530 = vector.broadcast %sub3A : f32 to vector<16xf32>
        %sub3A_531 = arith.subf %mul3A_529, %sub3A_530 : vector<16xf32>
        %mul3A_532 = arith.mulf %convert_element_type3A_527, %scan3A_218 : f32
        %sub3A_533 = arith.constant 1.000000e+00 : f32
        %sub3A_534 = arith.subf %mul3A_532, %sub3A_533 : f32
        %mul3A_535 = arith.constant 2048 : i32
        %mul3A_536 = arith.muli %and3A_363, %mul3A_535 : i32
        %add3A_537 = vector.broadcast %mul3A_536 : i32 to vector<16xi32>
        %add3A_538 = arith.addi %add3A_537, %add3A_483 : vector<16xi32>
        %broadcast_in_dim3A = arith.constant 0 : i32
        %broadcast_in_dim3A_539 = vector.broadcast %broadcast_in_dim3A : i32 to vector<16xi32>
        %gather3A = tpu.vector_load_idx %arg7[%add3A_538, %broadcast_in_dim3A_539] : memref<4096x16xf32, #tpu.memory_space<vmem>>[vector<16xi32>, vector<16xi32>], vector<16xf32>,
        %mul3A_540 = arith.mulf %get3A_494, %gather3A : vector<16xf32>
        %broadcast_in_dim3A_541 = arith.constant 3 : i32
        %broadcast_in_dim3A_542 = vector.broadcast %broadcast_in_dim3A_541 : i32 to vector<16xi32>
        %gather3A_543 = tpu.vector_load_idx %arg7[%add3A_538, %broadcast_in_dim3A_542] : memref<4096x16xf32, #tpu.memory_space<vmem>>[vector<16xi32>, vector<16xi32>], vector<16xf32>,
        %mul3A_544 = arith.mulf %get3A_506, %gather3A_543 : vector<16xf32>
        %add3A_545 = arith.addf %mul3A_540, %mul3A_544 : vector<16xf32>
        %broadcast_in_dim3A_546 = arith.constant 6 : i32
        %broadcast_in_dim3A_547 = vector.broadcast %broadcast_in_dim3A_546 : i32 to vector<16xi32>
        %gather3A_548 = tpu.vector_load_idx %arg7[%add3A_538, %broadcast_in_dim3A_547] : memref<4096x16xf32, #tpu.memory_space<vmem>>[vector<16xi32>, vector<16xi32>], vector<16xf32>,
        %mul3A_549 = arith.mulf %get3A_518, %gather3A_548 : vector<16xf32>
        %add3A_550 = arith.addf %add3A_545, %mul3A_549 : vector<16xf32>
        %add3A_551 = arith.addf %add3A_550, %sub3A_531 : vector<16xf32>
        %mul3A_552 = arith.constant 3 : i32
        %mul3A_553 = arith.muli %and3A_363, %mul3A_552 : i32
        %add3A_554 = arith.constant 0 : i32
        %add3A_555 = arith.addi %mul3A_553, %add3A_554 : i32
        %mul3A_556 = arith.constant 4 : i32
        %mul3A_557 = arith.muli %add3A_555, %mul3A_556 : i32
        %add3A_558 = arith.addi %mul3A_557, %shift_right_arithmetic3A_475 : i32
        %swap3A = arith.index_cast %add3A_558 : i32 to index
        %swap3A_559 = arith.index_cast %mul3A_479 : i32 to index
        %swap3A_560 = tpu.vector_load %arg9[%swap3A, %swap3A_559] {strides = array<i32>} : memref<24x512xf32, #tpu.memory_space<vmem>>, vector<16xf32>,
        tpu.vector_store %arg9[%swap3A, %swap3A_559], %add3A_551 {strides = array<i32>} : memref<24x512xf32, #tpu.memory_space<vmem>>, vector<16xf32>,
        %broadcast_in_dim3A_561 = arith.constant 1 : i32
        %broadcast_in_dim3A_562 = vector.broadcast %broadcast_in_dim3A_561 : i32 to vector<16xi32>
        %gather3A_563 = tpu.vector_load_idx %arg7[%add3A_538, %broadcast_in_dim3A_562] : memref<4096x16xf32, #tpu.memory_space<vmem>>[vector<16xi32>, vector<16xi32>], vector<16xf32>,
        %mul3A_564 = arith.mulf %get3A_494, %gather3A_563 : vector<16xf32>
        %broadcast_in_dim3A_565 = arith.constant 4 : i32
        %broadcast_in_dim3A_566 = vector.broadcast %broadcast_in_dim3A_565 : i32 to vector<16xi32>
        %gather3A_567 = tpu.vector_load_idx %arg7[%add3A_538, %broadcast_in_dim3A_566] : memref<4096x16xf32, #tpu.memory_space<vmem>>[vector<16xi32>, vector<16xi32>], vector<16xf32>,
        %mul3A_568 = arith.mulf %get3A_506, %gather3A_567 : vector<16xf32>
        %add3A_569 = arith.addf %mul3A_564, %mul3A_568 : vector<16xf32>
        %broadcast_in_dim3A_570 = arith.constant 7 : i32
        %broadcast_in_dim3A_571 = vector.broadcast %broadcast_in_dim3A_570 : i32 to vector<16xi32>
        %gather3A_572 = tpu.vector_load_idx %arg7[%add3A_538, %broadcast_in_dim3A_571] : memref<4096x16xf32, #tpu.memory_space<vmem>>[vector<16xi32>, vector<16xi32>], vector<16xf32>,
        %mul3A_573 = arith.mulf %get3A_518, %gather3A_572 : vector<16xf32>
        %add3A_574 = arith.addf %add3A_569, %mul3A_573 : vector<16xf32>
        %add3A_575 = vector.broadcast %sub3A_534 : f32 to vector<16xf32>
        %add3A_576 = arith.addf %add3A_574, %add3A_575 : vector<16xf32>
        %mul3A_577 = arith.constant 3 : i32
        %mul3A_578 = arith.muli %and3A_363, %mul3A_577 : i32
        %add3A_579 = arith.constant 1 : i32
        %add3A_580 = arith.addi %mul3A_578, %add3A_579 : i32
        %mul3A_581 = arith.constant 4 : i32
        %mul3A_582 = arith.muli %add3A_580, %mul3A_581 : i32
        %add3A_583 = arith.addi %mul3A_582, %shift_right_arithmetic3A_475 : i32
        %swap3A_584 = arith.index_cast %add3A_583 : i32 to index
        %swap3A_585 = arith.index_cast %mul3A_479 : i32 to index
        %swap3A_586 = tpu.vector_load %arg9[%swap3A_584, %swap3A_585] {strides = array<i32>} : memref<24x512xf32, #tpu.memory_space<vmem>>, vector<16xf32>,
        tpu.vector_store %arg9[%swap3A_584, %swap3A_585], %add3A_576 {strides = array<i32>} : memref<24x512xf32, #tpu.memory_space<vmem>>, vector<16xf32>,
        %broadcast_in_dim3A_587 = arith.constant 2 : i32
        %broadcast_in_dim3A_588 = vector.broadcast %broadcast_in_dim3A_587 : i32 to vector<16xi32>
        %gather3A_589 = tpu.vector_load_idx %arg7[%add3A_538, %broadcast_in_dim3A_588] : memref<4096x16xf32, #tpu.memory_space<vmem>>[vector<16xi32>, vector<16xi32>], vector<16xf32>,
        %mul3A_590 = arith.mulf %get3A_494, %gather3A_589 : vector<16xf32>
        %broadcast_in_dim3A_591 = arith.constant 5 : i32
        %broadcast_in_dim3A_592 = vector.broadcast %broadcast_in_dim3A_591 : i32 to vector<16xi32>
        %gather3A_593 = tpu.vector_load_idx %arg7[%add3A_538, %broadcast_in_dim3A_592] : memref<4096x16xf32, #tpu.memory_space<vmem>>[vector<16xi32>, vector<16xi32>], vector<16xf32>,
        %mul3A_594 = arith.mulf %get3A_506, %gather3A_593 : vector<16xf32>
        %add3A_595 = arith.addf %mul3A_590, %mul3A_594 : vector<16xf32>
        %broadcast_in_dim3A_596 = arith.constant 8 : i32
        %broadcast_in_dim3A_597 = vector.broadcast %broadcast_in_dim3A_596 : i32 to vector<16xi32>
        %gather3A_598 = tpu.vector_load_idx %arg7[%add3A_538, %broadcast_in_dim3A_597] : memref<4096x16xf32, #tpu.memory_space<vmem>>[vector<16xi32>, vector<16xi32>], vector<16xf32>,
        %mul3A_599 = arith.mulf %get3A_518, %gather3A_598 : vector<16xf32>
        %add3A_600 = arith.addf %add3A_595, %mul3A_599 : vector<16xf32>
        %mul3A_601 = arith.constant 3 : i32
        %mul3A_602 = arith.muli %and3A_363, %mul3A_601 : i32
        %add3A_603 = arith.constant 2 : i32
        %add3A_604 = arith.addi %mul3A_602, %add3A_603 : i32
        %mul3A_605 = arith.constant 4 : i32
        %mul3A_606 = arith.muli %add3A_604, %mul3A_605 : i32
        %add3A_607 = arith.addi %mul3A_606, %shift_right_arithmetic3A_475 : i32
        %swap3A_608 = arith.index_cast %add3A_607 : i32 to index
        %swap3A_609 = arith.index_cast %mul3A_479 : i32 to index
        %swap3A_610 = tpu.vector_load %arg9[%swap3A_608, %swap3A_609] {strides = array<i32>} : memref<24x512xf32, #tpu.memory_space<vmem>>, vector<16xf32>,
        tpu.vector_store %arg9[%swap3A_608, %swap3A_609], %add3A_600 {strides = array<i32>} : memref<24x512xf32, #tpu.memory_space<vmem>>, vector<16xf32>,
      }
      %scan3A_394 = arith.constant 128 : i32
      %mul3A_395 = arith.constant 16 : i32
      %mul3A_396 = arith.muli %add3A, %mul3A_395 : i32
      %add3A_397 = arith.addi %mul3A_396, %scan3A_361 : i32
      %shift_right_arithmetic3A_398 = arith.constant 7 : i32
      %shift_right_arithmetic3A_399 = arith.shrsi %add3A_397, %shift_right_arithmetic3A_398 : i32
      %and3A_400 = arith.constant 127 : i32
      %and3A_401 = arith.andi %add3A_397, %and3A_400 : i32
      %mul3A_402 = arith.constant 4 : i32
      %mul3A_403 = arith.muli %and3A_401, %mul3A_402 : i32
      %mul3A_404 = arith.constant 3 : i32
      %mul3A_405 = arith.muli %and3A_363, %mul3A_404 : i32
      %add3A_406 = arith.constant 0 : i32
      %add3A_407 = arith.addi %mul3A_405, %add3A_406 : i32
      %mul3A_408 = arith.constant 4 : i32
      %mul3A_409 = arith.muli %add3A_407, %mul3A_408 : i32
      %mul3A_410 = arith.constant 3 : i32
      %mul3A_411 = arith.muli %shift_right_arithmetic3A_399, %mul3A_410 : i32
      %add3A_412 = arith.constant 0 : i32
      %add3A_413 = arith.addi %mul3A_411, %add3A_412 : i32
      %mul3A_414 = arith.constant 512 : i32
      %mul3A_415 = arith.muli %add3A_413, %mul3A_414 : i32
      %add3A_416 = arith.addi %mul3A_415, %mul3A_403 : i32
      %dma_start3A_417 = arith.constant 0 : i32
      %dma_start3A_418 = tpu.memref_slice %arg9[%mul3A_409, %dma_start3A_417] : memref<24x512xf32, #tpu.memory_space<vmem>> -> memref<4x512xf32, #tpu.memory_space<vmem>>
      %dma_start3A_419 = arith.constant 0 : i32
      %dma_start3A_420 = tpu.memref_slice %arg5[%add3A_416, %dma_start3A_419] : memref<6144x512xf32, #tpu.memory_space<hbm>> -> memref<4x512xf32, #tpu.memory_space<hbm>>
      %dma_start3A_421 = tpu.memref_slice %arg11[%and3A_363] : memref<2x!tpu.dma_semaphore, #tpu.memory_space<semaphore_mem>> -> memref<1x!tpu.dma_semaphore, #tpu.memory_space<semaphore_mem>>
      %dma_start3A_422 = tpu.memref_squeeze %dma_start3A_421 : memref<1x!tpu.dma_semaphore, #tpu.memory_space<semaphore_mem>> -> memref<!tpu.dma_semaphore, #tpu.memory_space<semaphore_mem>>
      %dma_start3A_423 = arith.constant 0 : i32
      %dma_start3A_424 = tpu.memref_slice %arg5[%add3A_416, %dma_start3A_423] : memref<6144x512xf32, #tpu.memory_space<hbm>> -> memref<4x512xf32, #tpu.memory_space<hbm>>
      %dma_start3A_425 = arith.constant 0 : i32
      %dma_start3A_426 = tpu.memref_slice %arg9[%mul3A_409, %dma_start3A_425] : memref<24x512xf32, #tpu.memory_space<vmem>> -> memref<4x512xf32, #tpu.memory_space<vmem>>
      tpu.enqueue_dma source(%dma_start3A_426 : memref<4x512xf32, #tpu.memory_space<vmem>>) target(%dma_start3A_424 : memref<4x512xf32, #tpu.memory_space<hbm>>) target_semaphore(%dma_start3A_422 : memref<!tpu.dma_semaphore, #tpu.memory_space<semaphore_mem>>)
      %mul3A_427 = arith.constant 3 : i32
      %mul3A_428 = arith.muli %and3A_363, %mul3A_427 : i32
      %add3A_429 = arith.constant 1 : i32
      %add3A_430 = arith.addi %mul3A_428, %add3A_429 : i32
      %mul3A_431 = arith.constant 4 : i32
      %mul3A_432 = arith.muli %add3A_430, %mul3A_431 : i32
      %mul3A_433 = arith.constant 3 : i32
      %mul3A_434 = arith.muli %shift_right_arithmetic3A_399, %mul3A_433 : i32
      %add3A_435 = arith.constant 1 : i32
      %add3A_436 = arith.addi %mul3A_434, %add3A_435 : i32
      %mul3A_437 = arith.constant 512 : i32
      %mul3A_438 = arith.muli %add3A_436, %mul3A_437 : i32
      %add3A_439 = arith.addi %mul3A_438, %mul3A_403 : i32
      %dma_start3A_440 = arith.constant 0 : i32
      %dma_start3A_441 = tpu.memref_slice %arg9[%mul3A_432, %dma_start3A_440] : memref<24x512xf32, #tpu.memory_space<vmem>> -> memref<4x512xf32, #tpu.memory_space<vmem>>
      %dma_start3A_442 = arith.constant 0 : i32
      %dma_start3A_443 = tpu.memref_slice %arg5[%add3A_439, %dma_start3A_442] : memref<6144x512xf32, #tpu.memory_space<hbm>> -> memref<4x512xf32, #tpu.memory_space<hbm>>
      %dma_start3A_444 = tpu.memref_slice %arg11[%and3A_363] : memref<2x!tpu.dma_semaphore, #tpu.memory_space<semaphore_mem>> -> memref<1x!tpu.dma_semaphore, #tpu.memory_space<semaphore_mem>>
      %dma_start3A_445 = tpu.memref_squeeze %dma_start3A_444 : memref<1x!tpu.dma_semaphore, #tpu.memory_space<semaphore_mem>> -> memref<!tpu.dma_semaphore, #tpu.memory_space<semaphore_mem>>
      %dma_start3A_446 = arith.constant 0 : i32
      %dma_start3A_447 = tpu.memref_slice %arg5[%add3A_439, %dma_start3A_446] : memref<6144x512xf32, #tpu.memory_space<hbm>> -> memref<4x512xf32, #tpu.memory_space<hbm>>
      %dma_start3A_448 = arith.constant 0 : i32
      %dma_start3A_449 = tpu.memref_slice %arg9[%mul3A_432, %dma_start3A_448] : memref<24x512xf32, #tpu.memory_space<vmem>> -> memref<4x512xf32, #tpu.memory_space<vmem>>
      tpu.enqueue_dma source(%dma_start3A_449 : memref<4x512xf32, #tpu.memory_space<vmem>>) target(%dma_start3A_447 : memref<4x512xf32, #tpu.memory_space<hbm>>) target_semaphore(%dma_start3A_445 : memref<!tpu.dma_semaphore, #tpu.memory_space<semaphore_mem>>)
      %mul3A_450 = arith.constant 3 : i32
      %mul3A_451 = arith.muli %and3A_363, %mul3A_450 : i32
      %add3A_452 = arith.constant 2 : i32
      %add3A_453 = arith.addi %mul3A_451, %add3A_452 : i32
      %mul3A_454 = arith.constant 4 : i32
      %mul3A_455 = arith.muli %add3A_453, %mul3A_454 : i32
      %mul3A_456 = arith.constant 3 : i32
      %mul3A_457 = arith.muli %shift_right_arithmetic3A_399, %mul3A_456 : i32
      %add3A_458 = arith.constant 2 : i32
      %add3A_459 = arith.addi %mul3A_457, %add3A_458 : i32
      %mul3A_460 = arith.constant 512 : i32
      %mul3A_461 = arith.muli %add3A_459, %mul3A_460 : i32
      %add3A_462 = arith.addi %mul3A_461, %mul3A_403 : i32
      %dma_start3A_463 = arith.constant 0 : i32
      %dma_start3A_464 = tpu.memref_slice %arg9[%mul3A_455, %dma_start3A_463] : memref<24x512xf32, #tpu.memory_space<vmem>> -> memref<4x512xf32, #tpu.memory_space<vmem>>
      %dma_start3A_465 = arith.constant 0 : i32
      %dma_start3A_466 = tpu.memref_slice %arg5[%add3A_462, %dma_start3A_465] : memref<6144x512xf32, #tpu.memory_space<hbm>> -> memref<4x512xf32, #tpu.memory_space<hbm>>
      %dma_start3A_467 = tpu.memref_slice %arg11[%and3A_363] : memref<2x!tpu.dma_semaphore, #tpu.memory_space<semaphore_mem>> -> memref<1x!tpu.dma_semaphore, #tpu.memory_space<semaphore_mem>>
      %dma_start3A_468 = tpu.memref_squeeze %dma_start3A_467 : memref<1x!tpu.dma_semaphore, #tpu.memory_space<semaphore_mem>> -> memref<!tpu.dma_semaphore, #tpu.memory_space<semaphore_mem>>
      %dma_start3A_469 = arith.constant 0 : i32
      %dma_start3A_470 = tpu.memref_slice %arg5[%add3A_462, %dma_start3A_469] : memref<6144x512xf32, #tpu.memory_space<hbm>> -> memref<4x512xf32, #tpu.memory_space<hbm>>
      %dma_start3A_471 = arith.constant 0 : i32
      %dma_start3A_472 = tpu.memref_slice %arg9[%mul3A_455, %dma_start3A_471] : memref<24x512xf32, #tpu.memory_space<vmem>> -> memref<4x512xf32, #tpu.memory_space<vmem>>
      tpu.enqueue_dma source(%dma_start3A_472 : memref<4x512xf32, #tpu.memory_space<vmem>>) target(%dma_start3A_470 : memref<4x512xf32, #tpu.memory_space<hbm>>) target_semaphore(%dma_start3A_468 : memref<!tpu.dma_semaphore, #tpu.memory_space<semaphore_mem>>)
    }
    %scan3A_223 = arith.constant 16 : i32
    %mul3A_224 = arith.constant 16 : i32
    %mul3A_225 = arith.muli %add3A, %mul3A_224 : i32
    %add3A_226 = arith.constant 14 : i32
    %add3A_227 = arith.addi %mul3A_225, %add3A_226 : i32
    %shift_right_arithmetic3A = arith.constant 7 : i32
    %shift_right_arithmetic3A_228 = arith.shrsi %add3A_227, %shift_right_arithmetic3A : i32
    %and3A = arith.constant 127 : i32
    %and3A_229 = arith.andi %add3A_227, %and3A : i32
    %mul3A_230 = arith.constant 4 : i32
    %mul3A_231 = arith.muli %and3A_229, %mul3A_230 : i32
    %mul3A_232 = arith.constant 3 : i32
    %mul3A_233 = arith.muli %shift_right_arithmetic3A_228, %mul3A_232 : i32
    %add3A_234 = arith.constant 0 : i32
    %add3A_235 = arith.addi %mul3A_233, %add3A_234 : i32
    %mul3A_236 = arith.constant 512 : i32
    %mul3A_237 = arith.muli %add3A_235, %mul3A_236 : i32
    %add3A_238 = arith.addi %mul3A_237, %mul3A_231 : i32
    %dma_wait3A = arith.constant 0 : i32
    %dma_wait3A_239 = arith.constant 0 : i32
    %dma_wait3A_240 = arith.constant 0 : i32
    %dma_wait3A_241 = tpu.memref_slice %arg9[%dma_wait3A_239, %dma_wait3A_240] : memref<24x512xf32, #tpu.memory_space<vmem>> -> memref<4x512xf32, #tpu.memory_space<vmem>>
    %dma_wait3A_242 = arith.constant 0 : i32
    %dma_wait3A_243 = tpu.memref_slice %arg5[%add3A_238, %dma_wait3A_242] : memref<6144x512xf32, #tpu.memory_space<hbm>> -> memref<4x512xf32, #tpu.memory_space<hbm>>
    %dma_wait3A_244 = tpu.memref_slice %arg11[%dma_wait3A] : memref<2x!tpu.dma_semaphore, #tpu.memory_space<semaphore_mem>> -> memref<1x!tpu.dma_semaphore, #tpu.memory_space<semaphore_mem>>
    %dma_wait3A_245 = tpu.memref_squeeze %dma_wait3A_244 : memref<1x!tpu.dma_semaphore, #tpu.memory_space<semaphore_mem>> -> memref<!tpu.dma_semaphore, #tpu.memory_space<semaphore_mem>>
    %dma_wait3A_246 = arith.constant 0 : i32
    %dma_wait3A_247 = tpu.memref_slice %arg5[%add3A_238, %dma_wait3A_246] : memref<6144x512xf32, #tpu.memory_space<hbm>> -> memref<4x512xf32, #tpu.memory_space<hbm>>
    %dma_wait3A_248 = arith.constant 0 : i32
    %dma_wait3A_249 = arith.constant 0 : i32
    %dma_wait3A_250 = tpu.memref_slice %arg9[%dma_wait3A_248, %dma_wait3A_249] : memref<24x512xf32, #tpu.memory_space<vmem>> -> memref<4x512xf32, #tpu.memory_space<vmem>>
    tpu.wait_dma2 semaphore(%dma_wait3A_245 : memref<!tpu.dma_semaphore, #tpu.memory_space<semaphore_mem>>) src(%dma_wait3A_250 : memref<4x512xf32, #tpu.memory_space<vmem>>) dst(%dma_wait3A_247 : memref<4x512xf32, #tpu.memory_space<hbm>>)
    %mul3A_251 = arith.constant 3 : i32
    %mul3A_252 = arith.muli %shift_right_arithmetic3A_228, %mul3A_251 : i32
    %add3A_253 = arith.constant 1 : i32
    %add3A_254 = arith.addi %mul3A_252, %add3A_253 : i32
    %mul3A_255 = arith.constant 512 : i32
    %mul3A_256 = arith.muli %add3A_254, %mul3A_255 : i32
    %add3A_257 = arith.addi %mul3A_256, %mul3A_231 : i32
    %dma_wait3A_258 = arith.constant 0 : i32
    %dma_wait3A_259 = arith.constant 4 : i32
    %dma_wait3A_260 = arith.constant 0 : i32
    %dma_wait3A_261 = tpu.memref_slice %arg9[%dma_wait3A_259, %dma_wait3A_260] : memref<24x512xf32, #tpu.memory_space<vmem>> -> memref<4x512xf32, #tpu.memory_space<vmem>>
    %dma_wait3A_262 = arith.constant 0 : i32
    %dma_wait3A_263 = tpu.memref_slice %arg5[%add3A_257, %dma_wait3A_262] : memref<6144x512xf32, #tpu.memory_space<hbm>> -> memref<4x512xf32, #tpu.memory_space<hbm>>
    %dma_wait3A_264 = tpu.memref_slice %arg11[%dma_wait3A_258] : memref<2x!tpu.dma_semaphore, #tpu.memory_space<semaphore_mem>> -> memref<1x!tpu.dma_semaphore, #tpu.memory_space<semaphore_mem>>
    %dma_wait3A_265 = tpu.memref_squeeze %dma_wait3A_264 : memref<1x!tpu.dma_semaphore, #tpu.memory_space<semaphore_mem>> -> memref<!tpu.dma_semaphore, #tpu.memory_space<semaphore_mem>>
    %dma_wait3A_266 = arith.constant 0 : i32
    %dma_wait3A_267 = tpu.memref_slice %arg5[%add3A_257, %dma_wait3A_266] : memref<6144x512xf32, #tpu.memory_space<hbm>> -> memref<4x512xf32, #tpu.memory_space<hbm>>
    %dma_wait3A_268 = arith.constant 4 : i32
    %dma_wait3A_269 = arith.constant 0 : i32
    %dma_wait3A_270 = tpu.memref_slice %arg9[%dma_wait3A_268, %dma_wait3A_269] : memref<24x512xf32, #tpu.memory_space<vmem>> -> memref<4x512xf32, #tpu.memory_space<vmem>>
    tpu.wait_dma2 semaphore(%dma_wait3A_265 : memref<!tpu.dma_semaphore, #tpu.memory_space<semaphore_mem>>) src(%dma_wait3A_270 : memref<4x512xf32, #tpu.memory_space<vmem>>) dst(%dma_wait3A_267 : memref<4x512xf32, #tpu.memory_space<hbm>>)
    %mul3A_271 = arith.constant 3 : i32
    %mul3A_272 = arith.muli %shift_right_arithmetic3A_228, %mul3A_271 : i32
    %add3A_273 = arith.constant 2 : i32
    %add3A_274 = arith.addi %mul3A_272, %add3A_273 : i32
    %mul3A_275 = arith.constant 512 : i32
    %mul3A_276 = arith.muli %add3A_274, %mul3A_275 : i32
    %add3A_277 = arith.addi %mul3A_276, %mul3A_231 : i32
    %dma_wait3A_278 = arith.constant 0 : i32
    %dma_wait3A_279 = arith.constant 8 : i32
    %dma_wait3A_280 = arith.constant 0 : i32
    %dma_wait3A_281 = tpu.memref_slice %arg9[%dma_wait3A_279, %dma_wait3A_280] : memref<24x512xf32, #tpu.memory_space<vmem>> -> memref<4x512xf32, #tpu.memory_space<vmem>>
    %dma_wait3A_282 = arith.constant 0 : i32
    %dma_wait3A_283 = tpu.memref_slice %arg5[%add3A_277, %dma_wait3A_282] : memref<6144x512xf32, #tpu.memory_space<hbm>> -> memref<4x512xf32, #tpu.memory_space<hbm>>
    %dma_wait3A_284 = tpu.memref_slice %arg11[%dma_wait3A_278] : memref<2x!tpu.dma_semaphore, #tpu.memory_space<semaphore_mem>> -> memref<1x!tpu.dma_semaphore, #tpu.memory_space<semaphore_mem>>
    %dma_wait3A_285 = tpu.memref_squeeze %dma_wait3A_284 : memref<1x!tpu.dma_semaphore, #tpu.memory_space<semaphore_mem>> -> memref<!tpu.dma_semaphore, #tpu.memory_space<semaphore_mem>>
    %dma_wait3A_286 = arith.constant 0 : i32
    %dma_wait3A_287 = tpu.memref_slice %arg5[%add3A_277, %dma_wait3A_286] : memref<6144x512xf32, #tpu.memory_space<hbm>> -> memref<4x512xf32, #tpu.memory_space<hbm>>
    %dma_wait3A_288 = arith.constant 8 : i32
    %dma_wait3A_289 = arith.constant 0 : i32
    %dma_wait3A_290 = tpu.memref_slice %arg9[%dma_wait3A_288, %dma_wait3A_289] : memref<24x512xf32, #tpu.memory_space<vmem>> -> memref<4x512xf32, #tpu.memory_space<vmem>>
    tpu.wait_dma2 semaphore(%dma_wait3A_285 : memref<!tpu.dma_semaphore, #tpu.memory_space<semaphore_mem>>) src(%dma_wait3A_290 : memref<4x512xf32, #tpu.memory_space<vmem>>) dst(%dma_wait3A_287 : memref<4x512xf32, #tpu.memory_space<hbm>>)
    %mul3A_291 = arith.constant 16 : i32
    %mul3A_292 = arith.muli %add3A, %mul3A_291 : i32
    %add3A_293 = arith.constant 15 : i32
    %add3A_294 = arith.addi %mul3A_292, %add3A_293 : i32
    %shift_right_arithmetic3A_295 = arith.constant 7 : i32
    %shift_right_arithmetic3A_296 = arith.shrsi %add3A_294, %shift_right_arithmetic3A_295 : i32
    %and3A_297 = arith.constant 127 : i32
    %and3A_298 = arith.andi %add3A_294, %and3A_297 : i32
    %mul3A_299 = arith.constant 4 : i32
    %mul3A_300 = arith.muli %and3A_298, %mul3A_299 : i32
    %mul3A_301 = arith.constant 3 : i32
    %mul3A_302 = arith.muli %shift_right_arithmetic3A_296, %mul3A_301 : i32
    %add3A_303 = arith.constant 0 : i32
    %add3A_304 = arith.addi %mul3A_302, %add3A_303 : i32
    %mul3A_305 = arith.constant 512 : i32
    %mul3A_306 = arith.muli %add3A_304, %mul3A_305 : i32
    %add3A_307 = arith.addi %mul3A_306, %mul3A_300 : i32
    %dma_wait3A_308 = arith.constant 1 : i32
    %dma_wait3A_309 = arith.constant 12 : i32
    %dma_wait3A_310 = arith.constant 0 : i32
    %dma_wait3A_311 = tpu.memref_slice %arg9[%dma_wait3A_309, %dma_wait3A_310] : memref<24x512xf32, #tpu.memory_space<vmem>> -> memref<4x512xf32, #tpu.memory_space<vmem>>
    %dma_wait3A_312 = arith.constant 0 : i32
    %dma_wait3A_313 = tpu.memref_slice %arg5[%add3A_307, %dma_wait3A_312] : memref<6144x512xf32, #tpu.memory_space<hbm>> -> memref<4x512xf32, #tpu.memory_space<hbm>>
    %dma_wait3A_314 = tpu.memref_slice %arg11[%dma_wait3A_308] : memref<2x!tpu.dma_semaphore, #tpu.memory_space<semaphore_mem>> -> memref<1x!tpu.dma_semaphore, #tpu.memory_space<semaphore_mem>>
    %dma_wait3A_315 = tpu.memref_squeeze %dma_wait3A_314 : memref<1x!tpu.dma_semaphore, #tpu.memory_space<semaphore_mem>> -> memref<!tpu.dma_semaphore, #tpu.memory_space<semaphore_mem>>
    %dma_wait3A_316 = arith.constant 0 : i32
    %dma_wait3A_317 = tpu.memref_slice %arg5[%add3A_307, %dma_wait3A_316] : memref<6144x512xf32, #tpu.memory_space<hbm>> -> memref<4x512xf32, #tpu.memory_space<hbm>>
    %dma_wait3A_318 = arith.constant 12 : i32
    %dma_wait3A_319 = arith.constant 0 : i32
    %dma_wait3A_320 = tpu.memref_slice %arg9[%dma_wait3A_318, %dma_wait3A_319] : memref<24x512xf32, #tpu.memory_space<vmem>> -> memref<4x512xf32, #tpu.memory_space<vmem>>
    tpu.wait_dma2 semaphore(%dma_wait3A_315 : memref<!tpu.dma_semaphore, #tpu.memory_space<semaphore_mem>>) src(%dma_wait3A_320 : memref<4x512xf32, #tpu.memory_space<vmem>>) dst(%dma_wait3A_317 : memref<4x512xf32, #tpu.memory_space<hbm>>)
    %mul3A_321 = arith.constant 3 : i32
    %mul3A_322 = arith.muli %shift_right_arithmetic3A_296, %mul3A_321 : i32
    %add3A_323 = arith.constant 1 : i32
    %add3A_324 = arith.addi %mul3A_322, %add3A_323 : i32
    %mul3A_325 = arith.constant 512 : i32
    %mul3A_326 = arith.muli %add3A_324, %mul3A_325 : i32
    %add3A_327 = arith.addi %mul3A_326, %mul3A_300 : i32
    %dma_wait3A_328 = arith.constant 1 : i32
    %dma_wait3A_329 = arith.constant 16 : i32
    %dma_wait3A_330 = arith.constant 0 : i32
    %dma_wait3A_331 = tpu.memref_slice %arg9[%dma_wait3A_329, %dma_wait3A_330] : memref<24x512xf32, #tpu.memory_space<vmem>> -> memref<4x512xf32, #tpu.memory_space<vmem>>
    %dma_wait3A_332 = arith.constant 0 : i32
    %dma_wait3A_333 = tpu.memref_slice %arg5[%add3A_327, %dma_wait3A_332] : memref<6144x512xf32, #tpu.memory_space<hbm>> -> memref<4x512xf32, #tpu.memory_space<hbm>>
    %dma_wait3A_334 = tpu.memref_slice %arg11[%dma_wait3A_328] : memref<2x!tpu.dma_semaphore, #tpu.memory_space<semaphore_mem>> -> memref<1x!tpu.dma_semaphore, #tpu.memory_space<semaphore_mem>>
    %dma_wait3A_335 = tpu.memref_squeeze %dma_wait3A_334 : memref<1x!tpu.dma_semaphore, #tpu.memory_space<semaphore_mem>> -> memref<!tpu.dma_semaphore, #tpu.memory_space<semaphore_mem>>
    %dma_wait3A_336 = arith.constant 0 : i32
    %dma_wait3A_337 = tpu.memref_slice %arg5[%add3A_327, %dma_wait3A_336] : memref<6144x512xf32, #tpu.memory_space<hbm>> -> memref<4x512xf32, #tpu.memory_space<hbm>>
    %dma_wait3A_338 = arith.constant 16 : i32
    %dma_wait3A_339 = arith.constant 0 : i32
    %dma_wait3A_340 = tpu.memref_slice %arg9[%dma_wait3A_338, %dma_wait3A_339] : memref<24x512xf32, #tpu.memory_space<vmem>> -> memref<4x512xf32, #tpu.memory_space<vmem>>
    tpu.wait_dma2 semaphore(%dma_wait3A_335 : memref<!tpu.dma_semaphore, #tpu.memory_space<semaphore_mem>>) src(%dma_wait3A_340 : memref<4x512xf32, #tpu.memory_space<vmem>>) dst(%dma_wait3A_337 : memref<4x512xf32, #tpu.memory_space<hbm>>)
    %mul3A_341 = arith.constant 3 : i32
    %mul3A_342 = arith.muli %shift_right_arithmetic3A_296, %mul3A_341 : i32
    %add3A_343 = arith.constant 2 : i32
    %add3A_344 = arith.addi %mul3A_342, %add3A_343 : i32
    %mul3A_345 = arith.constant 512 : i32
    %mul3A_346 = arith.muli %add3A_344, %mul3A_345 : i32
    %add3A_347 = arith.addi %mul3A_346, %mul3A_300 : i32
    %dma_wait3A_348 = arith.constant 1 : i32
    %dma_wait3A_349 = arith.constant 20 : i32
    %dma_wait3A_350 = arith.constant 0 : i32
    %dma_wait3A_351 = tpu.memref_slice %arg9[%dma_wait3A_349, %dma_wait3A_350] : memref<24x512xf32, #tpu.memory_space<vmem>> -> memref<4x512xf32, #tpu.memory_space<vmem>>
    %dma_wait3A_352 = arith.constant 0 : i32
    %dma_wait3A_353 = tpu.memref_slice %arg5[%add3A_347, %dma_wait3A_352] : memref<6144x512xf32, #tpu.memory_space<hbm>> -> memref<4x512xf32, #tpu.memory_space<hbm>>
    %dma_wait3A_354 = tpu.memref_slice %arg11[%dma_wait3A_348] : memref<2x!tpu.dma_semaphore, #tpu.memory_space<semaphore_mem>> -> memref<1x!tpu.dma_semaphore, #tpu.memory_space<semaphore_mem>>
    %dma_wait3A_355 = tpu.memref_squeeze %dma_wait3A_354 : memref<1x!tpu.dma_semaphore, #tpu.memory_space<semaphore_mem>> -> memref<!tpu.dma_semaphore, #tpu.memory_space<semaphore_mem>>
    %dma_wait3A_356 = arith.constant 0 : i32
    %dma_wait3A_357 = tpu.memref_slice %arg5[%add3A_347, %dma_wait3A_356] : memref<6144x512xf32, #tpu.memory_space<hbm>> -> memref<4x512xf32, #tpu.memory_space<hbm>>
    %dma_wait3A_358 = arith.constant 20 : i32
    %dma_wait3A_359 = arith.constant 0 : i32
    %dma_wait3A_360 = tpu.memref_slice %arg9[%dma_wait3A_358, %dma_wait3A_359] : memref<24x512xf32, #tpu.memory_space<vmem>> -> memref<4x512xf32, #tpu.memory_space<vmem>>
    tpu.wait_dma2 semaphore(%dma_wait3A_355 : memref<!tpu.dma_semaphore, #tpu.memory_space<semaphore_mem>>) src(%dma_wait3A_360 : memref<4x512xf32, #tpu.memory_space<vmem>>) dst(%dma_wait3A_357 : memref<4x512xf32, #tpu.memory_space<hbm>>)
    return
  }
}

</mosaic_0001>

<sc_bundles>
// kernel: kernel.4.cloned.1.call-start
scs
__scs_entry_jumppad:
0x0: {  	(pc) =	sbr.rel $0x88, $3  }
0x1: {  	(tag) =	ssettag $0x0;
	lr =	simm.s32 $0x1  }
0x2: {  	[smem:$0x3F9D] =	sst lr;
	_ =	strace $0xD0000000  }
0x3: {  	_ = 	snop  }
0x4: {  	_ = 	snop  }
0x5: {  	_ = 	snop  }
0x6: {  	_ = 	snop  }
0x7: {  	_ = 	snop  }
__scs_overlays_trampoline_lowered:
0x8: {  	[smem:$0x3FAC] =	sst s0  }
0x9: {  	[smem:$0x3FAD] =	sst s1  }
0xa: {  	[smem:$0x3FAE] =	sst s2  }
0xb: {  	[smem:$0x3FAF] =	sst s3  }
0xc: {  	[smem:$0x3FB0] =	sst s4  }
0xd: {  	[smem:$0x3FB1] =	sst s5  }
0xe: {  	[smem:$0x3FB2] =	sst s6  }
0xf: {  	[smem:$0x3FB3] =	sst s7  }
0x10: {  	[smem:$0x3FB4] =	sst s8  }
0x11: {  	[smem:$0x3FB5] =	sst s9;
	s0 =	simm.s32 @!p0 $0x0  }
0x12: {  	s1 =	sld [smem:$0x3F9B];
	s0 =	simm.s32 @p0 $0x1  }
0x13: {  	[smem:$0x3FB6] =	sst s0;
	s0 =	simm.s32 @!p1 $0x0  }
0x14: {  	s2 =	sld [smem:$0x3F9A];
	s0 =	simm.s32 @p1 $0x1  }
0x15: {  	[smem:$0x3FB7] =	sst s0;
	s0 =	simm.s32 @!p2 $0x0  }
0x16: {  	s3 =	sld [smem:$0x3FDB];
	s0 =	simm.s32 @p2 $0x1  }
0x17: {  	s4 =	simm.s32 $0x1BF5;
	[smem:$0x3FB9] =	sst s0  }
0x18: {  	s0 =	sld [smem:$0x3F9C];
	_ =	swait.ge [sflag:s4], $0x0  }
0x19: {  	s7 =	sld [smem:$0x3F9D]  }
0x1a: {  	s8 =	sadd.s32 $0xFFFFE003, lr  }
0x1b: {  	s9 =	sadd.s32 $0xFFFFFEF7, lr;
	s5 =	simm.s32 $0xFFFFFFFF;
	p2 =	slt.u32 s8, $0xFFFFF086  }
0x1c: {  	p1 =	slt.u32 s9, $0xF7A;
	s5 =	simm.s32 @!p2 $0x0  }
0x1d: {  	s5 =	simm.s32 @p1 $0x1;
	p0 =	seq.s32 s7, s2  }
0x1e: {  	s7 =	smul.u32 @!p0 $0xF7A, s2;
	p2 =	seq.s32 @!p0 s5, $0x0  }
0x1f: {  	s9 =	smul.u32 $0xF7A, s1;
	s8 =	simm.s32 @!p0 $0x1BF5;
	p2 =	por !p2, p0  }
0x20: {  	[sflag:s8] =	ssyncset.s32 @!p0 $0xFFFFF086;
	s6 =	sadd.s32 @!p0 s3, s7;
	s7 =	simm.s32 @!p0 $0x108  }
0x21: {  	s3 =	sadd.s32 s3, s9;
	s6 =	sadd.s32 @!p0 $0x88, s6;
	s7 =	simm.s32 @p2 $0x1082  }
0x22: {  	[simem:s7], [sflag:s8] =	dma.local @!p0 [hbm:s6], $0xF7A  }
0x23: {  	s9 =	sor.u32 $0xD0000000, s2;
	s6 =	simm.s32 $0x108;
	_ =	swait.ge @!p0 [sflag:s8], $0x0  }
0x24: {  	s3 =	sadd.s32 $0x88, s3;
	s6 =	simm.s32 @!p1 $0x1082;
	[sflag:s4] =	ssyncset.s32 $0xFFFFF086  }
0x25: {  	[simem:s6], [sflag:s4] =	dma.local [hbm:s3], $0xF7A  }
0x26: {  	[smem:$0x3F9D] =	sst s1;
	(tag) =	ssettag s2;
	_ =	strace s9  }
0x27: {  	s1 =	sld [smem:$0x3FAD]  }
0x28: {  	s2 =	sld [smem:$0x3FAE]  }
0x29: {  	s4 =	sld [smem:$0x3FB0]  }
0x2a: {  	p0 =	seq.s32 s5, $0x0;
	s5 =	sld [smem:$0x3FB1]  }
0x2b: {  	s6 =	sld [smem:$0x3FB2]  }
0x2c: {  	s7 =	sld [smem:$0x3FB3]  }
0x2d: {  	s3 =	simm.s32 $0x108;
	s8 =	sld [smem:$0x3FB4]  }
0x2e: {  	s3 =	simm.s32 @!p0 $0x1082;
	s9 =	sld [smem:$0x3FB5]  }
0x2f: {  	lr =	sadd.s32 s0, s3;
	s0 =	sld [smem:$0x3FAC]  }
0x30: {  	s3 =	sld [smem:$0x3FAF]  }
0x31: {  	[smem:$0x3FB8] =	sst s10  }
0x32: {  	s10 =	sld [smem:$0x3FB6];
	_ =	sdelay $0x3  }
0x33: {  	p0 =	seq.s32 s10, $0x1;
	s10 =	sld [smem:$0x3FB8];
	_ =	sdelay $0x3  }
0x34: {  	[smem:$0x3FB8] =	sst s10  }
0x35: {  	s10 =	sld [smem:$0x3FB7];
	_ =	sdelay $0x3  }
0x36: {  	p1 =	seq.s32 s10, $0x1;
	s10 =	sld [smem:$0x3FB8];
	_ =	sdelay $0x3  }
0x37: {  	[smem:$0x3FB8] =	sst s10  }
0x38: {  	s10 =	sld [smem:$0x3FB9]  }
0x39: {  	_ = 	snop;
	(pc) =	sbr.ind lr, $3  }
0x3a: {  	_ = 	snop  }
0x3b: {  	_ = 	snop  }
0x3c: {  	p2 =	seq.s32 s10, $0x1;
	s10 =	sld [smem:$0x3FB8]  }
0x3d: {  	_ =	shalt  }
0x3e: {  	_ =	shalt  }
0x3f: {  	_ =	shalt  }
0x40: {  	_ =	shalt  }
0x41: {  	_ =	shalt  }
0x42: {  	_ =	shalt  }
0x43: {  	_ =	shalt  }
0x44: {  	_ =	shalt  }
0x45: {  	_ =	shalt  }
0x46: {  	_ =	shalt  }
0x47: {  	_ =	shalt  }
0x48: {  	_ =	shalt  }
0x49: {  	_ =	shalt  }
0x4a: {  	_ =	shalt  }
0x4b: {  	_ =	shalt  }
0x4c: {  	_ =	shalt  }
0x4d: {  	_ =	shalt  }
0x4e: {  	_ =	shalt  }
0x4f: {  	_ =	shalt  }
0x50: {  	_ =	shalt  }
0x51: {  	_ =	shalt  }
0x52: {  	_ =	shalt  }
0x53: {  	_ =	shalt  }
0x54: {  	_ =	shalt  }
0x55: {  	_ =	shalt  }
0x56: {  	_ =	shalt  }
0x57: {  	_ =	shalt  }
0x58: {  	_ =	shalt  }
0x59: {  	_ =	shalt  }
0x5a: {  	_ =	shalt  }
0x5b: {  	_ =	shalt  }
0x5c: {  	_ =	shalt  }
0x5d: {  	_ =	shalt  }
0x5e: {  	_ =	shalt  }
0x5f: {  	_ =	shalt  }
0x60: {  	_ =	shalt  }
0x61: {  	_ =	shalt  }
0x62: {  	_ =	shalt  }
0x63: {  	_ =	shalt  }
0x64: {  	_ =	shalt  }
0x65: {  	_ =	shalt  }
0x66: {  	_ =	shalt  }
0x67: {  	_ =	shalt  }
0x68: {  	_ =	shalt  }
0x69: {  	_ =	shalt  }
0x6a: {  	_ =	shalt  }
0x6b: {  	_ =	shalt  }
0x6c: {  	_ =	shalt  }
0x6d: {  	_ =	shalt  }
0x6e: {  	_ =	shalt  }
0x6f: {  	_ =	shalt  }
0x70: {  	_ =	shalt  }
0x71: {  	_ =	shalt  }
0x72: {  	_ =	shalt  }
0x73: {  	_ =	shalt  }
0x74: {  	_ =	shalt  }
0x75: {  	_ =	shalt  }
0x76: {  	_ =	shalt  }
0x77: {  	_ =	shalt  }
0x78: {  	_ =	shalt  }
0x79: {  	_ =	shalt  }
0x7a: {  	_ =	shalt  }
0x7b: {  	_ =	shalt  }
0x7c: {  	_ =	shalt  }
0x7d: {  	_ =	shalt  }
0x7e: {  	_ =	shalt  }
0x7f: {  	_ =	shalt  }
0x80: {  	_ =	shalt  }
0x81: {  	_ =	shalt  }
0x82: {  	_ =	shalt  }
0x83: {  	_ =	shalt  }
0x84: {  	_ =	shalt  }
0x85: {  	_ =	shalt  }
0x86: {  	_ =	shalt  }
0x87: {  	_ =	shalt  }
.Lfunc_end0:
.L_simem_size_0:
called_computation_lowered:
.L_overlay_start_0:
0x88: {  	s2 =	sld [smem:$0x3FD9]  }
0x89: {  	s3 =	sld [smem:$0x3FFE];
	_ =	sdelay $0x1  }
0x8a: {  	s1 =	srdreg.scid  }
0x8b: {  	s0 =	sand.u32 $0x1, s1  }
0x8c: {  	s17 =	sshll.u32 s0, $0xA;
	s2 =	sadd.s32 s3, s2  }
0x8d: {  	s2 =	sadd.s32 s2, s17  }
0x8e: {  	[smem:$0x3FC4] =	sst s2  }
0x8f: {  	_ = 	snop  }
0x90: {  	s2 =	sld [smem:$0x3FD0];
	(tm) =	ssettm $0x1  }
0x91: {  	s18 =	sld [smem:$0x3FFB];
	_ =	sdelay $0x3  }
0x92: {  	_ =	strace s18  }
0x93: {  	s3 =	sld [smem:$0x3FFC];
	_ =	sdelay $0x3  }
0x94: {  	_ =	strace s3  }
0x95: {  	s3 =	sld [smem:$0x3FFD];
	_ =	sdelay $0x3  }
0x96: {  	_ =	strace s3  }
0x97: {  	_ =	strace $0x8FFFFFFF  }
0x98: {  	s19 =	sld [smem:$0x3FDB];
	_ =	sdelay $0x1  }
0x99: {  	s4 =	simm.s32 $_scs_section_size  }
0x9a: {  	s5 =	simm.s32 $_size__tile_overlayer_lowered;
	s6 =	simm.s32 $_tile_overlayer_lowered  }
0x9b: {  	s22 =	simm.s32 $0x1BFF;
	s21 =	sshll.u32 s6, $0x1;
	s3 =	sadd.s32 s4, s19  }
0x9c: {  	s7 =	simm.s32 $0x0;
	s20 =	sshll.u32 s5, $0x1;
	s5 =	sadd.s32 s21, s3  }
0x9d: {  	[timem:s7], [sflag:s22] =	dma.local [hbm:s5], s20  }
0x9e: {  	_ =	swait.ge [sflag:s22], s20  }
0x9f: {  	s4 =	ssub.s32 $0x0, s20;
	[sflag:s22] =	ssyncset.done $0x0  }
0xa0: {  	[sflag:s22] =	ssyncadd.s32 s4;
	_ =	sdelay $0x1  }
0xa1: {  	s23 =	simm.s32 $0x1B8B  }
0xa2: {  	_ =	swait.ge [sflag:s23], $0x1  }
0xa3: {  	[sflag:s23] =	ssyncset.done $0x0  }
0xa4: {  	s25 =	simm.s32 $0x1B8E;
	s24 =	sld [smem:$0x3FFE];
	[sflag:s23] =	ssyncadd.s32 $0xFFFFFFFF  }
0xa5: {  	s26 =	simm.s32 $execute0_lowered;
	[smem:$0x3FD2] =	sst s25  }
0xa6: {  	s5 =	sshll.u32 s26, $0x1;
	_ =	strace $0x80000046;
	[dreg:$0x1] =	wrdreg $0xFFFFFFFF  }
0xa7: {  	s28 =	simm.s32 $_size_execute0_lowered;
	s3 =	sadd.s32 s3, s5;
	[dreg:$0x0] =	wrdreg $0x0  }
0xa8: {  	s5 =	sshll.u32 s28, $0x1;
	[dreg:$0x2] =	wrdreg s3  }
0xa9: {  	[dreg:$0x3] =	wrdreg s5  }
0xaa: {  	[dreg:$0x4] =	wrdreg $0xC0  }
0xab: {  	_ =	task [dreg:s7], $0x5FFFF  }
0xac: {  	[dreg:$0x1] =	wrdreg $0xFFFFFFFF  }
0xad: {  	[dreg:$0x0] =	wrdreg $0x60  }
0xae: {  	[dreg:$0x2] =	wrdreg s24  }
0xaf: {  	[dreg:$0x3] =	wrdreg s2  }
0xb0: {  	[dreg:$0x4] =	wrdreg $0x9  }
0xb1: {  	_ =	task.clear_ibuf [dreg:s7], $0x5FFFF;
	_ =	strace $0x90000046  }
0xb2: {  	s29 =	simm.s32 $0x9;
	_ =	strace $0x80000048  }
0xb3: {  	_ =	swait.ge [sflag:s29], $0x1  }
0xb4: {  	[sflag:s29] =	ssyncadd.s32 $0xFFFFFFFF  }
0xb5: {  	_ =	strace $0x90000048  }
0xb6: {  	_ =	sfence  }
0xb7: {  	s30 =	sld [smem:$0x0];
	_ =	sdelay $0x2  }
0xb8: {  	s31 =	sshll.u32 s1, $0xD;
	s1 =	sshrl.u32 s1, $0x2  }
0xb9: {  	s3 =	sand.u32 $0x4000, s31;
	s1 =	sadd.s32 s1, s30  }
0xba: {  	s0 =	sor.u32 s3, s0;
	s1 =	sshll.u32 s1, $0x11  }
0xbb: {  	s0 =	sor.u32 s1, s0  }
0xbc: {  	s0 =	sadd.s32 $0x8F2B, s0  }
0xbd: {  	[sflag:s0] =	ssyncadd.remote.s32 $0x1  }
0xbe: {  	_ =	sfence.sel $0xFFFF  }
0xbf: {  	[dreg:$0x0] =	wrdreg $0xFFFFFFFF;
	(pc) =	sbr.abs _section_cstart, $3  }
0xc0: {  	[dreg:$0x1] =	wrdreg $0xFFFFFFFF  }
0xc1: {  	_ =	task.clear_ibuf [dreg:s7], $0x2FFFF;
	_ =	strace $0x9FFFFFFF  }
0xc2: {  	(tm) =	ssettm $0x7FFFFFFF  }
0xc3: {  	_ =	shalt  }
tec
execute0_lowered:
.L_overlay_start_1:
0x0: {  	(tag) =	ssettag $0x1  }
0x1: {  	s0 =	rddreg [dreg:$0x0];
	s1 =	srdreg.scid  }
0x2: {  	s3 =	stileid.u32;
	s2 =	rddreg [dreg:$0x1]  }
0x3: {  	s14 =	simm.s32 $0x5;
	s15 =	simm.s32 $0x400;
	s16 =	simm.s32 $0x800  }
0x4: {  	s17 =	simm.s32 $0x80;
	s18 =	simm.s32 $0x1800;
	s19 =	simm.s32 $0x7400  }
0x5: {  	s20 =	simm.s32 $0xD800;
	s21 =	simm.s32 $0x4;
	s22 =	simm.s32 $0x3  }
0x6: {  	s23 =	simm.s32 $0x0;
	s1 =	sand.u32 $0x1, s1;
	s4 =	sshll.u32 s3, $0x1  }
0x7: {  	s3 =	simm.s32 $0x0;
	s5 =	sadd.s32 $0x15A00, s0;
	s11 =	sadd.s32 $0x7A00, s0  }
0x8: {  	s12 =	sadd.s32 $0xEA00, s0;
	s6 =	sor.u32 s1, s4;
	[smem:$0x7FF] =	sst s3  }
0x9: {  	s4 =	sadd.s32 $0xA00, s0;
	s1 =	ssub.s32 $0x2, s1;
	s7 =	smul.u32 $0x1C00, s6  }
0xa: {  	_ =	strace $0x80000047;
	s8 =	smul.u32 $0x380, s6;
	s9 =	sshrl.u32 s1, $0x1  }
0xb: {  	s6 =	smul.u32 $0x7, s6;
	s1 =	ssub.s32 s1, s9;
	s7 =	sshrl.u32 s7, $0x3  }
0xc: {  	s13 =	smax.u32 s1, $0x1;
	s10 =	sadd.s32 s4, s7;
	s7 =	sadd.s32 s4, s8  }
0xd: {  	v0 =	vlaneseq.u32;
	s8 =	sadd.s32 $0x7000, s10;
	s9 =	sadd.s32 $0xE000, s10;
	s10 =	sadd.s32 $0x1, s6  }
.LBB2_1:
0xe: {  	[tilespmem:s3], [sflag:$0x5] =	stream.linear.gather [hbm4b:s7+s3], $0x400, $0x38;
	[tilespmem:$0x15800] =	vst v63  }
0xf: {  	_ =	swait.ge [sflag:s14], $0x400  }
0x10: {  	[sflag:s14] =	ssyncset.done $0x0  }
0x11: {  	[sflag:s14] =	ssyncadd.s32 $0xFFFFFC00  }
0x12: {  	[tilespmem:s15], [sflag:$0x5] =	stream.linear.gather [hbm4b:s8+s3], $0x400, $0x38;
	[tilespmem:$0x15800] =	vst v63  }
0x13: {  	_ =	swait.ge [sflag:s14], $0x400  }
0x14: {  	[sflag:s14] =	ssyncset.done $0x0  }
0x15: {  	[sflag:s14] =	ssyncadd.s32 $0xFFFFFC00  }
0x16: {  	[tilespmem:s16], [sflag:$0x5] =	stream.linear.gather [hbm4b:s9+s3], $0x400, $0x38;
	[tilespmem:$0x15800] =	vst v63  }
0x17: {  	_ =	swait.ge [sflag:s14], $0x400  }
0x18: {  	[sflag:s14] =	ssyncset.done $0x0  }
0x19: {  	[sflag:s14] =	ssyncadd.s32 $0xFFFFFC00  }
0x1a: {  	[tilespmem:s18], [sflag:$0x1] =	stream.indirect.gather [hbm4b:s2+s17], $0x8, s3, s17, $0xb8;
	[tilespmem:$0x15800] =	vst v63  }
0x1b: {  	s0 =	simm.s32 $0x1C00  }
0x1c: {  	[tilespmem:s0], [sflag:$0x1] =	stream.indirect.gather [hbm4b:s2+s17], $0x8, s17, s17, $0xb8;
	[tilespmem:$0x15800] =	vst v63  }
0x1d: {  	s29 =	simm.s32 $0x100;
	s1 =	simm.s32 $0x2000  }
0x1e: {  	[tilespmem:s1], [sflag:$0x1] =	stream.indirect.gather [hbm4b:s2+s17], $0x8, s29, s17, $0xb8;
	[tilespmem:$0x15800] =	vst v63  }
0x1f: {  	s30 =	simm.s32 $0x180;
	s31 =	simm.s32 $0x2400  }
0x20: {  	[tilespmem:s31], [sflag:$0x1] =	stream.indirect.gather [hbm4b:s2+s17], $0x8, s30, s17, $0xb8;
	[tilespmem:$0x15800] =	vst v63  }
0x21: {  	s24 =	simm.s32 $0x2800;
	s1 =	simm.s32 $0x200  }
0x22: {  	[tilespmem:s24], [sflag:$0x1] =	stream.indirect.gather [hbm4b:s2+s17], $0x8, s1, s17, $0xb8;
	[tilespmem:$0x15800] =	vst v63  }
0x23: {  	s25 =	simm.s32 $0x280;
	s26 =	simm.s32 $0x2C00  }
0x24: {  	[tilespmem:s26], [sflag:$0x1] =	stream.indirect.gather [hbm4b:s2+s17], $0x8, s25, s17, $0xb8;
	[tilespmem:$0x15800] =	vst v63  }
0x25: {  	s28 =	simm.s32 $0x300;
	s29 =	simm.s32 $0x3000  }
0x26: {  	[tilespmem:s29], [sflag:$0x1] =	stream.indirect.gather [hbm4b:s2+s17], $0x8, s28, s17, $0xb8;
	[tilespmem:$0x15800] =	vst v63  }
0x27: {  	s30 =	simm.s32 $0x380;
	s31 =	simm.s32 $0x3400  }
0x28: {  	[tilespmem:s31], [sflag:$0x1] =	stream.indirect.gather [hbm4b:s2+s17], $0x8, s30, s17, $0xb8;
	[tilespmem:$0x15800] =	vst v63  }
0x29: {  	s24 =	simm.s32 $0x3800  }
0x2a: {  	[tilespmem:s24], [sflag:$0x1] =	stream.indirect.gather [hbm4b:s2+s17], $0x8, s15, s17, $0xb8;
	[tilespmem:$0x15800] =	vst v63  }
0x2b: {  	s25 =	simm.s32 $0x480;
	s26 =	simm.s32 $0x3C00  }
0x2c: {  	[tilespmem:s26], [sflag:$0x1] =	stream.indirect.gather [hbm4b:s2+s17], $0x8, s25, s17, $0xb8;
	[tilespmem:$0x15800] =	vst v63  }
0x2d: {  	s28 =	simm.s32 $0x500;
	s29 =	simm.s32 $0x4000  }
0x2e: {  	[tilespmem:s29], [sflag:$0x1] =	stream.indirect.gather [hbm4b:s2+s17], $0x8, s28, s17, $0xb8;
	[tilespmem:$0x15800] =	vst v63  }
0x2f: {  	s30 =	simm.s32 $0x580;
	s31 =	simm.s32 $0x4400  }
0x30: {  	[tilespmem:s31], [sflag:$0x1] =	stream.indirect.gather [hbm4b:s2+s17], $0x8, s30, s17, $0xb8;
	[tilespmem:$0x15800] =	vst v63  }
0x31: {  	s1 =	simm.s32 $0x600;
	s24 =	simm.s32 $0x4800  }
0x32: {  	[tilespmem:s24], [sflag:$0x1] =	stream.indirect.gather [hbm4b:s2+s17], $0x8, s1, s17, $0xb8;
	[tilespmem:$0x15800] =	vst v63  }
0x33: {  	s25 =	simm.s32 $0x680;
	s26 =	simm.s32 $0x4C00  }
0x34: {  	[tilespmem:s26], [sflag:$0x1] =	stream.indirect.gather [hbm4b:s2+s17], $0x8, s25, s17, $0xb8;
	[tilespmem:$0x15800] =	vst v63  }
0x35: {  	s28 =	simm.s32 $0x700;
	s29 =	simm.s32 $0x5000  }
0x36: {  	[tilespmem:s29], [sflag:$0x1] =	stream.indirect.gather [hbm4b:s2+s17], $0x8, s28, s17, $0xb8;
	[tilespmem:$0x15800] =	vst v63  }
0x37: {  	s30 =	simm.s32 $0x780;
	s31 =	simm.s32 $0x5400  }
0x38: {  	[tilespmem:s31], [sflag:$0x1] =	stream.indirect.gather [hbm4b:s2+s17], $0x8, s30, s17, $0xb8;
	[tilespmem:$0x15800] =	vst v63  }
0x39: {  	s24 =	simm.s32 $0x5800  }
0x3a: {  	[tilespmem:s24], [sflag:$0x1] =	stream.indirect.gather [hbm4b:s2+s17], $0x8, s16, s17, $0xb8;
	[tilespmem:$0x15800] =	vst v63  }
0x3b: {  	s25 =	simm.s32 $0x880;
	s26 =	simm.s32 $0x5C00  }
0x3c: {  	[tilespmem:s26], [sflag:$0x1] =	stream.indirect.gather [hbm4b:s2+s17], $0x8, s25, s17, $0xb8;
	[tilespmem:$0x15800] =	vst v63  }
0x3d: {  	s28 =	simm.s32 $0x900;
	s29 =	simm.s32 $0x6000  }
0x3e: {  	[tilespmem:s29], [sflag:$0x1] =	stream.indirect.gather [hbm4b:s2+s17], $0x8, s28, s17, $0xb8;
	[tilespmem:$0x15800] =	vst v63  }
0x3f: {  	s30 =	simm.s32 $0x980;
	s31 =	simm.s32 $0x6400  }
0x40: {  	[tilespmem:s31], [sflag:$0x1] =	stream.indirect.gather [hbm4b:s2+s17], $0x8, s30, s17, $0xb8;
	[tilespmem:$0x15800] =	vst v63  }
0x41: {  	s24 =	simm.s32 $0xA00;
	s25 =	simm.s32 $0x6800  }
0x42: {  	[tilespmem:s25], [sflag:$0x1] =	stream.indirect.gather [hbm4b:s2+s17], $0x8, s24, s17, $0xb8;
	[tilespmem:$0x15800] =	vst v63  }
0x43: {  	s26 =	simm.s32 $0xA80;
	s28 =	simm.s32 $0x6C00  }
0x44: {  	[tilespmem:s28], [sflag:$0x1] =	stream.indirect.gather [hbm4b:s2+s17], $0x8, s26, s17, $0xb8;
	[tilespmem:$0x15800] =	vst v63  }
0x45: {  	s29 =	simm.s32 $0xB00;
	s30 =	simm.s32 $0x7000  }
0x46: {  	[tilespmem:s30], [sflag:$0x1] =	stream.indirect.gather [hbm4b:s2+s17], $0x8, s29, s17, $0xb8;
	[tilespmem:$0x15800] =	vst v63  }
0x47: {  	s31 =	simm.s32 $0xB80;
	s24 =	simm.s32 $0x0  }
0x48: {  	[tilespmem:s19], [sflag:$0x1] =	stream.indirect.gather [hbm4b:s2+s17], $0x8, s31, s17, $0xb8;
	[tilespmem:$0x15800] =	vst v63  }
.LBB2_2:
0x49: {  	p0 =	seq.s32 s24, $0x6  }
.Ltmp0:
0x4a: {  	_ = 	snop;
	(pc) =	sbr.rel @p0 .LBB2_4-.Ltmp0, $2  }
0x4b: {  	_ =	sdelay $0x2  }
0x4c: {  	s25 =	sand.u32 $0x1, s24  }
0x4d: {  	s29 =	sxor.u32 $0x1, s25;
	s26 =	sadd.s32 s24, s10  }
0x4e: {  	s28 =	sshll.u32 s26, $0x7;
	s31 =	smul.u32 $0x3000, s29  }
0x4f: {  	s30 =	sand.u32 $0x1FFFFF80, s28  }
0x50: {  	s26 =	sshrl.u32 s31, $0x2;
	s30 =	sadd.s32 s4, s30  }
0x51: {  	[tilespmem:s26], [sflag:$0x5] =	stream.linear.gather [hbm4b:s30+s3], $0x400, $0x38;
	[tilespmem:$0x15800] =	vst v63  }
0x52: {  	_ =	swait.ge [sflag:s14], $0x400  }
0x53: {  	[sflag:s14] =	ssyncset.done $0x0  }
0x54: {  	s31 =	sadd.s32 s28, s11;
	s30 =	sadd.s32 $0x400, s26;
	[sflag:s14] =	ssyncadd.s32 $0xFFFFFC00  }
0x55: {  	[tilespmem:s30], [sflag:$0x5] =	stream.linear.gather [hbm4b:s31+s3], $0x400, $0x38;
	[tilespmem:$0x15800] =	vst v63  }
0x56: {  	_ =	swait.ge [sflag:s14], $0x400  }
0x57: {  	s0 =	smul.u32 $0x18000, s29;
	[sflag:s14] =	ssyncset.done $0x0  }
0x58: {  	s28 =	sadd.s32 s28, s12;
	s31 =	sadd.s32 $0x800, s26;
	[sflag:s14] =	ssyncadd.s32 $0xFFFFFC00  }
0x59: {  	[tilespmem:s31], [sflag:$0x5] =	stream.linear.gather [hbm4b:s28+s3], $0x400, $0x38;
	[tilespmem:$0x15800] =	vst v63  }
0x5a: {  	_ =	swait.ge [sflag:s14], $0x400  }
0x5b: {  	s28 =	sshrl.u32 s0, $0x2;
	[sflag:s14] =	ssyncset.done $0x0  }
0x5c: {  	s29 =	sadd.s32 $0x1, s29;
	s1 =	sor.u32 $0x1800, s28;
	[sflag:s14] =	ssyncadd.s32 $0xFFFFFC00  }
0x5d: {  	[tilespmem:s1], [sflag:s29] =	stream.indirect.gather [hbm4b:s2+s17], $0x8, s26, s17, $0xb8;
	[tilespmem:$0x15800] =	vst v63  }
0x5e: {  	s0 =	sor.u32 $0x80, s26;
	s1 =	sor.u32 $0x1C00, s28  }
0x5f: {  	[tilespmem:s1], [sflag:s29] =	stream.indirect.gather [hbm4b:s2+s17], $0x8, s0, s17, $0xb8;
	[tilespmem:$0x15800] =	vst v63  }
0x60: {  	s0 =	sadd.s32 $0x2000, s28;
	s1 =	sor.u32 $0x100, s26  }
0x61: {  	[tilespmem:s0], [sflag:s29] =	stream.indirect.gather [hbm4b:s2+s17], $0x8, s1, s17, $0xb8;
	[tilespmem:$0x15800] =	vst v63  }
0x62: {  	s0 =	sadd.s32 $0x2400, s28;
	s1 =	sor.u32 $0x180, s26  }
0x63: {  	[tilespmem:s0], [sflag:s29] =	stream.indirect.gather [hbm4b:s2+s17], $0x8, s1, s17, $0xb8;
	[tilespmem:$0x15800] =	vst v63  }
0x64: {  	s0 =	sadd.s32 $0x2800, s28;
	s1 =	sor.u32 $0x200, s26  }
0x65: {  	[tilespmem:s0], [sflag:s29] =	stream.indirect.gather [hbm4b:s2+s17], $0x8, s1, s17, $0xb8;
	[tilespmem:$0x15800] =	vst v63  }
0x66: {  	s0 =	sadd.s32 $0x2C00, s28;
	s1 =	sor.u32 $0x280, s26  }
0x67: {  	[tilespmem:s0], [sflag:s29] =	stream.indirect.gather [hbm4b:s2+s17], $0x8, s1, s17, $0xb8;
	[tilespmem:$0x15800] =	vst v63  }
0x68: {  	s0 =	sadd.s32 $0x3000, s28;
	s1 =	sor.u32 $0x300, s26  }
0x69: {  	[tilespmem:s0], [sflag:s29] =	stream.indirect.gather [hbm4b:s2+s17], $0x8, s1, s17, $0xb8;
	[tilespmem:$0x15800] =	vst v63  }
0x6a: {  	s0 =	sadd.s32 $0x3400, s28;
	s1 =	sor.u32 $0x380, s26  }
0x6b: {  	[tilespmem:s0], [sflag:s29] =	stream.indirect.gather [hbm4b:s2+s17], $0x8, s1, s17, $0xb8;
	[tilespmem:$0x15800] =	vst v63  }
0x6c: {  	s1 =	sadd.s32 $0x3800, s28  }
0x6d: {  	[tilespmem:s1], [sflag:s29] =	stream.indirect.gather [hbm4b:s2+s17], $0x8, s30, s17, $0xb8;
	[tilespmem:$0x15800] =	vst v63  }
0x6e: {  	s1 =	sadd.s32 $0x3C00, s28;
	s30 =	sadd.s32 $0x480, s26  }
0x6f: {  	[tilespmem:s1], [sflag:s29] =	stream.indirect.gather [hbm4b:s2+s17], $0x8, s30, s17, $0xb8;
	[tilespmem:$0x15800] =	vst v63  }
0x70: {  	s1 =	sadd.s32 $0x4000, s28;
	s30 =	sadd.s32 $0x500, s26  }
0x71: {  	[tilespmem:s1], [sflag:s29] =	stream.indirect.gather [hbm4b:s2+s17], $0x8, s30, s17, $0xb8;
	[tilespmem:$0x15800] =	vst v63  }
0x72: {  	s1 =	sadd.s32 $0x4400, s28;
	s30 =	sadd.s32 $0x580, s26  }
0x73: {  	[tilespmem:s1], [sflag:s29] =	stream.indirect.gather [hbm4b:s2+s17], $0x8, s30, s17, $0xb8;
	[tilespmem:$0x15800] =	vst v63  }
0x74: {  	s1 =	sadd.s32 $0x4800, s28;
	s30 =	sadd.s32 $0x600, s26  }
0x75: {  	[tilespmem:s1], [sflag:s29] =	stream.indirect.gather [hbm4b:s2+s17], $0x8, s30, s17, $0xb8;
	[tilespmem:$0x15800] =	vst v63  }
0x76: {  	s1 =	sadd.s32 $0x4C00, s28;
	s30 =	sadd.s32 $0x680, s26  }
0x77: {  	[tilespmem:s1], [sflag:s29] =	stream.indirect.gather [hbm4b:s2+s17], $0x8, s30, s17, $0xb8;
	[tilespmem:$0x15800] =	vst v63  }
0x78: {  	s1 =	sadd.s32 $0x5000, s28;
	s30 =	sadd.s32 $0x700, s26  }
0x79: {  	[tilespmem:s1], [sflag:s29] =	stream.indirect.gather [hbm4b:s2+s17], $0x8, s30, s17, $0xb8;
	[tilespmem:$0x15800] =	vst v63  }
0x7a: {  	s1 =	sadd.s32 $0x5400, s28;
	s30 =	sadd.s32 $0x780, s26  }
0x7b: {  	[tilespmem:s1], [sflag:s29] =	stream.indirect.gather [hbm4b:s2+s17], $0x8, s30, s17, $0xb8;
	[tilespmem:$0x15800] =	vst v63  }
0x7c: {  	s1 =	sadd.s32 $0x5800, s28  }
0x7d: {  	[tilespmem:s1], [sflag:s29] =	stream.indirect.gather [hbm4b:s2+s17], $0x8, s31, s17, $0xb8;
	[tilespmem:$0x15800] =	vst v63  }
0x7e: {  	s30 =	sadd.s32 $0x5C00, s28;
	s31 =	sadd.s32 $0x880, s26  }
0x7f: {  	[tilespmem:s30], [sflag:s29] =	stream.indirect.gather [hbm4b:s2+s17], $0x8, s31, s17, $0xb8;
	[tilespmem:$0x15800] =	vst v63  }
0x80: {  	s30 =	sadd.s32 $0x6000, s28;
	s31 =	sadd.s32 $0x900, s26  }
0x81: {  	[tilespmem:s30], [sflag:s29] =	stream.indirect.gather [hbm4b:s2+s17], $0x8, s31, s17, $0xb8;
	[tilespmem:$0x15800] =	vst v63  }
0x82: {  	s30 =	sadd.s32 $0x6400, s28;
	s31 =	sadd.s32 $0x980, s26  }
0x83: {  	[tilespmem:s30], [sflag:s29] =	stream.indirect.gather [hbm4b:s2+s17], $0x8, s31, s17, $0xb8;
	[tilespmem:$0x15800] =	vst v63  }
0x84: {  	s30 =	sadd.s32 $0x6800, s28;
	s31 =	sadd.s32 $0xA00, s26  }
0x85: {  	[tilespmem:s30], [sflag:s29] =	stream.indirect.gather [hbm4b:s2+s17], $0x8, s31, s17, $0xb8;
	[tilespmem:$0x15800] =	vst v63  }
0x86: {  	s30 =	sadd.s32 $0x6C00, s28;
	s31 =	sadd.s32 $0xA80, s26  }
0x87: {  	[tilespmem:s30], [sflag:s29] =	stream.indirect.gather [hbm4b:s2+s17], $0x8, s31, s17, $0xb8;
	[tilespmem:$0x15800] =	vst v63  }
0x88: {  	s30 =	sadd.s32 $0x7000, s28;
	s31 =	sadd.s32 $0xB00, s26  }
0x89: {  	[tilespmem:s30], [sflag:s29] =	stream.indirect.gather [hbm4b:s2+s17], $0x8, s31, s17, $0xb8;
	[tilespmem:$0x15800] =	vst v63  }
0x8a: {  	s30 =	sadd.s32 $0x7400, s28;
	s31 =	sadd.s32 $0xB80, s26  }
0x8b: {  	[tilespmem:s30], [sflag:s29] =	stream.indirect.gather [hbm4b:s2+s17], $0x8, s31, s17, $0xb8;
	[tilespmem:$0x15800] =	vst v63  }
.LBB2_4:
0x8c: {  	s0 =	smul.u32 $0xC00, s25  }
0x8d: {  	s1 =	simm.s32 $0x0  }
0x8e: {  	s26 =	sadd.s32 $0x1, s25;
	v6 =	vor.u32 s1, v0;
	v1 =	vmov s0  }
0x8f: {  	_ =	swait.ge [sflag:s26], $0x6000;
	v2 =	vor.u32 v1, v6  }
0x90: {  	p0 =	slt.u32 s24, $0x2;
	[sflag:s26] =	ssyncset.done $0x0;
	v3 =	vshll.u32 v2, $0x3  }
0x91: {  	s1 =	sadd.s32 @!p0 $0x3, s25;
	[sflag:s26] =	ssyncadd.s32 $0xFFFFA000  }
0x92: {  	s29 =	sshll.u32 s25, $0xA;
	_ =	swait.ge @!p0 [sflag:s1], $0x4000  }
0x93: {  	v2 =	vmov s29;
	[sflag:s1] =	ssyncset.done @!p0 $0x0  }
0x94: {  	v4 =	vor.u32 v2, v6;
	[sflag:s1] =	ssyncadd.s32 @!p0 $0xFFFFC000  }
0x95: {  	v5 =	vshll.u32 v4, $0x4;
	v7 =	vld.idx.msk [tilespmem:v3+s18+$0x0], $0xffff  }
0x96: {  	v4 =	vor.u32 $0x1, v3;
	_ =	sdelay $0x3  }
0x97: {  	[tilespmem:v5+s20+$0x0] =	vst.idx.msk $0xffff, v7  }
0x98: {  	v7 =	vor.u32 $0x1, v5;
	v4 =	vld.idx.msk [tilespmem:v4+s18+$0x0], $0xffff  }
0x99: {  	v8 =	vor.u32 $0x2, v3;
	_ =	sdelay $0x2  }
0x9a: {  	s30 =	sadd.s32 $0x400, s0  }
0x9b: {  	v3 =	vmov s30;
	[tilespmem:v7+s20+$0x0] =	vst.idx.msk $0xffff, v4  }
0x9c: {  	v7 =	vor.u32 $0x2, v5;
	v4 =	vld.idx.msk [tilespmem:v8+s18+$0x0], $0xffff;
	v8 =	vor.u32 v3, v6  }
0x9d: {  	v8 =	vshll.u32 v8, $0x3;
	_ =	sdelay $0x3  }
0x9e: {  	[tilespmem:v7+s20+$0x0] =	vst.idx.msk $0xffff, v4  }
0x9f: {  	v7 =	vor.u32 $0x3, v5;
	v4 =	vld.idx.msk [tilespmem:v8+s18+$0x0], $0xffff  }
0xa0: {  	v9 =	vor.u32 $0x1, v8;
	_ =	sdelay $0x3  }
0xa1: {  	[tilespmem:v7+s20+$0x0] =	vst.idx.msk $0xffff, v4  }
0xa2: {  	v61 =	vor.u32 $0x4, v5;
	v7 =	vld.idx.msk [tilespmem:v9+s18+$0x0], $0xffff  }
0xa3: {  	v8 =	vor.u32 $0x2, v8;
	_ =	sdelay $0x2  }
0xa4: {  	s0 =	sadd.s32 $0x800, s0  }
0xa5: {  	v4 =	vmov s0;
	[tilespmem:v61+s20+$0x0] =	vst.idx.msk $0xffff, v7  }
0xa6: {  	v6 =	vor.u32 v4, v6;
	v7 =	vld.idx.msk [tilespmem:v8+s18+$0x0], $0xffff;
	v8 =	vor.u32 $0x5, v5  }
0xa7: {  	v6 =	vshll.u32 v6, $0x3;
	_ =	sdelay $0x3  }
0xa8: {  	[tilespmem:v8+s20+$0x0] =	vst.idx.msk $0xffff, v7  }
0xa9: {  	v8 =	vor.u32 $0x6, v5;
	v7 =	vld.idx.msk [tilespmem:v6+s18+$0x0], $0xffff  }
0xaa: {  	v62 =	vor.u32 $0x1, v6;
	_ =	sdelay $0x3  }
0xab: {  	[tilespmem:v8+s20+$0x0] =	vst.idx.msk $0xffff, v7  }
0xac: {  	v8 =	vor.u32 $0x7, v5;
	v7 =	vld.idx.msk [tilespmem:v62+s18+$0x0], $0xffff  }
0xad: {  	v63 =	vor.u32 $0x2, v6;
	_ =	sdelay $0x3  }
0xae: {  	s31 =	simm.s32 $0x10;
	[tilespmem:v8+s20+$0x0] =	vst.idx.msk $0xffff, v7  }
0xaf: {  	s26 =	simm.s32 $0x20;
	v6 =	vor.u32 s31, v0;
	v7 =	vld.idx.msk [tilespmem:v63+s18+$0x0], $0xffff  }
.LBB2_5:
0xb0: {  	p0 =	sne.s32 s26, $0x3F0;
	v8 =	vor.u32 v1, v6;
	v5 =	vor.u32 $0x8, v5  }
0xb1: {  	v8 =	vshll.u32 v8, $0x3;
	_ =	sdelay $0x3  }
0xb2: {  	[tilespmem:v5+s20+$0x0] =	vst.idx.msk $0xffff, v7  }
0xb3: {  	v5 =	vor.u32 v2, v6;
	v7 =	vld.idx.msk [tilespmem:v8+s18+$0x0], $0xffff  }
0xb4: {  	v5 =	vshll.u32 v5, $0x4  }
0xb5: {  	v9 =	vor.u32 $0x1, v8;
	_ =	sdelay $0x3  }
0xb6: {  	[tilespmem:v5+s20+$0x0] =	vst.idx.msk $0xffff, v7  }
0xb7: {  	v7 =	vld.idx.msk [tilespmem:v9+s18+$0x0], $0xffff  }
0xb8: {  	v9 =	vor.u32 $0x1, v5  }
0xb9: {  	v8 =	vor.u32 $0x2, v8;
	_ =	sdelay $0x3  }
0xba: {  	[tilespmem:v9+s20+$0x0] =	vst.idx.msk $0xffff, v7  }
0xbb: {  	v7 =	vld.idx.msk [tilespmem:v8+s18+$0x0], $0xffff  }
0xbc: {  	v9 =	vor.u32 v3, v6;
	v8 =	vor.u32 $0x2, v5  }
0xbd: {  	v9 =	vshll.u32 v9, $0x3;
	_ =	sdelay $0x3  }
0xbe: {  	[tilespmem:v8+s20+$0x0] =	vst.idx.msk $0xffff, v7  }
0xbf: {  	v7 =	vld.idx.msk [tilespmem:v9+s18+$0x0], $0xffff  }
0xc0: {  	v8 =	vor.u32 $0x3, v5  }
0xc1: {  	v10 =	vor.u32 $0x1, v9;
	_ =	sdelay $0x3  }
0xc2: {  	[tilespmem:v8+s20+$0x0] =	vst.idx.msk $0xffff, v7  }
0xc3: {  	v7 =	vld.idx.msk [tilespmem:v10+s18+$0x0], $0xffff  }
0xc4: {  	v8 =	vor.u32 $0x4, v5  }
0xc5: {  	v9 =	vor.u32 $0x2, v9;
	_ =	sdelay $0x3  }
0xc6: {  	[tilespmem:v8+s20+$0x0] =	vst.idx.msk $0xffff, v7  }
0xc7: {  	v7 =	vld.idx.msk [tilespmem:v9+s18+$0x0], $0xffff  }
0xc8: {  	v6 =	vor.u32 v4, v6;
	v8 =	vor.u32 $0x5, v5  }
0xc9: {  	v6 =	vshll.u32 v6, $0x3;
	_ =	sdelay $0x3  }
0xca: {  	[tilespmem:v8+s20+$0x0] =	vst.idx.msk $0xffff, v7  }
0xcb: {  	v7 =	vld.idx.msk [tilespmem:v6+s18+$0x0], $0xffff  }
0xcc: {  	v8 =	vor.u32 $0x6, v5  }
0xcd: {  	v9 =	vor.u32 $0x1, v6;
	_ =	sdelay $0x3  }
0xce: {  	[tilespmem:v8+s20+$0x0] =	vst.idx.msk $0xffff, v7  }
0xcf: {  	v7 =	vld.idx.msk [tilespmem:v9+s18+$0x0], $0xffff  }
0xd0: {  	v8 =	vor.u32 $0x7, v5  }
0xd1: {  	v9 =	vor.u32 $0x2, v6  }
.Ltmp1:
0xd2: {  	(pc) =	sbr.rel @p0 .LBB2_5-.Ltmp1, $3  }
0xd3: {  	_ =	sdelay $0x1  }
0xd4: {  	[tilespmem:v8+s20+$0x0] =	vst.idx.msk $0xffff, v7  }
0xd5: {  	v6 =	vor.u32 s26, v0;
	s26 =	sadd.s32 $0x10, s26;
	v7 =	vld.idx.msk [tilespmem:v9+s18+$0x0], $0xffff  }
0xd6: {  	v1 =	vor.u32 v1, v6;
	v5 =	vor.u32 $0x8, v5  }
0xd7: {  	v1 =	vshll.u32 v1, $0x3;
	_ =	sdelay $0x3  }
0xd8: {  	v2 =	vor.u32 v2, v6;
	[tilespmem:v5+s20+$0x0] =	vst.idx.msk $0xffff, v7  }
0xd9: {  	v2 =	vshll.u32 v2, $0x4;
	v5 =	vld.idx.msk [tilespmem:v1+s18+$0x0], $0xffff  }
0xda: {  	v57 =	vor.u32 $0x1, v1;
	_ =	sdelay $0x3  }
0xdb: {  	[tilespmem:v2+s20+$0x0] =	vst.idx.msk $0xffff, v5  }
0xdc: {  	v58 =	vor.u32 $0x1, v2;
	v5 =	vld.idx.msk [tilespmem:v57+s18+$0x0], $0xffff  }
0xdd: {  	v1 =	vor.u32 $0x2, v1;
	_ =	sdelay $0x3  }
0xde: {  	[tilespmem:v58+s20+$0x0] =	vst.idx.msk $0xffff, v5  }
0xdf: {  	v3 =	vor.u32 v3, v6;
	v59 =	vor.u32 $0x2, v2;
	v1 =	vld.idx.msk [tilespmem:v1+s18+$0x0], $0xffff  }
0xe0: {  	v3 =	vshll.u32 v3, $0x3;
	_ =	sdelay $0x3  }
0xe1: {  	[tilespmem:v59+s20+$0x0] =	vst.idx.msk $0xffff, v1  }
0xe2: {  	v60 =	vor.u32 $0x3, v2;
	v1 =	vld.idx.msk [tilespmem:v3+s18+$0x0], $0xffff  }
0xe3: {  	v61 =	vor.u32 $0x1, v3;
	_ =	sdelay $0x3  }
0xe4: {  	[tilespmem:v60+s20+$0x0] =	vst.idx.msk $0xffff, v1  }
0xe5: {  	v62 =	vor.u32 $0x4, v2;
	v1 =	vld.idx.msk [tilespmem:v61+s18+$0x0], $0xffff  }
0xe6: {  	v3 =	vor.u32 $0x2, v3;
	_ =	sdelay $0x3  }
0xe7: {  	[tilespmem:v62+s20+$0x0] =	vst.idx.msk $0xffff, v1  }
0xe8: {  	v4 =	vor.u32 v4, v6;
	v1 =	vld.idx.msk [tilespmem:v3+s18+$0x0], $0xffff;
	v3 =	vor.u32 $0x5, v2  }
0xe9: {  	v4 =	vshll.u32 v4, $0x3;
	_ =	sdelay $0x3  }
0xea: {  	[tilespmem:v3+s20+$0x0] =	vst.idx.msk $0xffff, v1  }
0xeb: {  	v3 =	vor.u32 $0x6, v2;
	v1 =	vld.idx.msk [tilespmem:v4+s18+$0x0], $0xffff  }
0xec: {  	v63 =	vor.u32 $0x1, v4;
	_ =	sdelay $0x3  }
0xed: {  	[tilespmem:v3+s20+$0x0] =	vst.idx.msk $0xffff, v1  }
0xee: {  	v3 =	vor.u32 $0x7, v2;
	v1 =	vld.idx.msk [tilespmem:v63+s18+$0x0], $0xffff  }
0xef: {  	v4 =	vor.u32 $0x2, v4;
	_ =	sdelay $0x3  }
0xf0: {  	[tilespmem:v3+s20+$0x0] =	vst.idx.msk $0xffff, v1  }
0xf1: {  	s0 =	sadd.s32 s6, s24;
	s24 =	sadd.s32 $0x1, s24;
	v2 =	vor.u32 $0x8, v2;
	v1 =	vld.idx.msk [tilespmem:v4+s18+$0x0], $0xffff  }
0xf2: {  	p0 =	sne.s32 s24, $0x7  }
.Ltmp2:
0xf3: {  	_ = 	snop;
	(pc) =	sbr.rel @p0 .LBB2_2-.Ltmp2, $4  }
0xf4: {  	_ = 	snop  }
0xf5: {  	s1 =	sshll.u32 s25, $0xE;
	s0 =	sshll.u32 s0, $0xB  }
0xf6: {  	s31 =	sadd.s32 $0x3, s25;
	s1 =	sadd.s32 $0xD800, s1;
	s0 =	sadd.s32 s5, s0;
	[tilespmem:v2+s20+$0x0] =	vst.idx.msk $0xffff, v1  }
0xf7: {  	[hbm4b:s0+s3] =	stream.linear.scatter [tilespmem:s1], [sflag:s31], $0x4000, $0x38;
	[tilespmem:$0x15800] =	vst v63  }
0xf8: {  	s23 =	sadd.s32 $0x1, s23  }
0xf9: {  	_ =	swait.ge [sflag:s21], $0x4000;
	p0 =	sne.s32 s23, s13  }
.Ltmp3:
0xfa: {  	[sflag:s21] =	ssyncset.done $0x0;
	(pc) =	sbr.rel @p0 .LBB2_1-.Ltmp3, $4  }
0xfb: {  	[sflag:s21] =	ssyncadd.s32 $0xFFFFC000  }
0xfc: {  	_ =	swait.ge [sflag:s22], $0x4000  }
0xfd: {  	[sflag:s22] =	ssyncset.done $0x0  }
0xfe: {  	[sflag:s22] =	ssyncadd.s32 $0xFFFFC000  }
0xff: {  	_ =	sfence.sel $0x180000  }
0x100: {  	[bflag:$0x0] =	sbarrier.arrive $0xFFFF  }
0x101: {  	_ =	strace $0x90000047  }
0x102: {  	s0 =	stileid.u32;
	[bflag:$0x2] =	sbarrier.arrive $0xFFFF  }
0x103: {  	p0 =	sne.s32 s0, $0x0;
	s0 =	rddreg [dreg:$0x2]  }
0x104: {  	s0 =	sadd.s32 @!p0 $0x100000, s0  }
0x105: {  	[sflag:s0] =	ssyncadd.tile.s32 @!p0 $0x1;
	_ =	shalt  }
.Lfunc_end2:
_tile_overlayer_lowered:
.L_overlay_start_2:
0x106: {  	(tag) =	ssettag $0x2  }
0x107: {  	s0 =	rddreg [dreg:$0x0];
	s2 =	stileid.u32  }
0x108: {  	s1 =	rddreg [dreg:$0x1];
	p0 =	sne.s32 s2, $0x0  }
0x109: {  	s3 =	rddreg [dreg:$0x2];
	[bflag:$0x3] =	sbarrier.arrive $0xFFFF;
	s2 =	simm.s32 @!p0 $0x1C05  }
0x10a: {  	[timem:s3], [sflag:s2] =	dma.local @!p0 [hbm:s0], s1  }
0x10b: {  	s0 =	simm.s32 @!p0 $0x5  }
0x10c: {  	_ =	swait.ge @!p0 [sflag:s0], s1  }
0x10d: {  	s1 =	ssub.s32 @!p0 $0x0, s1;
	[sflag:s0] =	ssyncset.done @!p0 $0x0  }
0x10e: {  	[sflag:s0] =	ssyncadd.s32 @!p0 s1  }
0x10f: {  	[bflag:$0x3] =	sbarrier.arrive $0xFFFF  }
0x110: {  	_ =	shalt  }

// kernel: kernel.7.cloned.1.call-start
scs
__scs_entry_jumppad:
0x0: {  	(pc) =	sbr.rel $0x88, $3  }
0x1: {  	(tag) =	ssettag $0x0;
	lr =	simm.s32 $0x1  }
0x2: {  	[smem:$0x3F9D] =	sst lr;
	_ =	strace $0xD0000000  }
0x3: {  	_ = 	snop  }
0x4: {  	_ = 	snop  }
0x5: {  	_ = 	snop  }
0x6: {  	_ = 	snop  }
0x7: {  	_ = 	snop  }
__scs_overlays_trampoline_lowered:
0x8: {  	[smem:$0x3FAC] =	sst s0  }
0x9: {  	[smem:$0x3FAD] =	sst s1  }
0xa: {  	[smem:$0x3FAE] =	sst s2  }
0xb: {  	[smem:$0x3FAF] =	sst s3  }
0xc: {  	[smem:$0x3FB0] =	sst s4  }
0xd: {  	[smem:$0x3FB1] =	sst s5  }
0xe: {  	[smem:$0x3FB2] =	sst s6  }
0xf: {  	[smem:$0x3FB3] =	sst s7  }
0x10: {  	[smem:$0x3FB4] =	sst s8  }
0x11: {  	[smem:$0x3FB5] =	sst s9;
	s0 =	simm.s32 @!p0 $0x0  }
0x12: {  	s1 =	sld [smem:$0x3F9B];
	s0 =	simm.s32 @p0 $0x1  }
0x13: {  	[smem:$0x3FB6] =	sst s0;
	s0 =	simm.s32 @!p1 $0x0  }
0x14: {  	s2 =	sld [smem:$0x3F9A];
	s0 =	simm.s32 @p1 $0x1  }
0x15: {  	[smem:$0x3FB7] =	sst s0;
	s0 =	simm.s32 @!p2 $0x0  }
0x16: {  	s3 =	sld [smem:$0x3FDB];
	s0 =	simm.s32 @p2 $0x1  }
0x17: {  	s4 =	simm.s32 $0x1BF5;
	[smem:$0x3FB9] =	sst s0  }
0x18: {  	s0 =	sld [smem:$0x3F9C];
	_ =	swait.ge [sflag:s4], $0x0  }
0x19: {  	s7 =	sld [smem:$0x3F9D]  }
0x1a: {  	s8 =	sadd.s32 $0xFFFFE003, lr  }
0x1b: {  	s9 =	sadd.s32 $0xFFFFFEF7, lr;
	s5 =	simm.s32 $0xFFFFFFFF;
	p2 =	slt.u32 s8, $0xFFFFF086  }
0x1c: {  	p1 =	slt.u32 s9, $0xF7A;
	s5 =	simm.s32 @!p2 $0x0  }
0x1d: {  	s5 =	simm.s32 @p1 $0x1;
	p0 =	seq.s32 s7, s2  }
0x1e: {  	s7 =	smul.u32 @!p0 $0xF7A, s2;
	p2 =	seq.s32 @!p0 s5, $0x0  }
0x1f: {  	s9 =	smul.u32 $0xF7A, s1;
	s8 =	simm.s32 @!p0 $0x1BF5;
	p2 =	por !p2, p0  }
0x20: {  	[sflag:s8] =	ssyncset.s32 @!p0 $0xFFFFF086;
	s6 =	sadd.s32 @!p0 s3, s7;
	s7 =	simm.s32 @!p0 $0x108  }
0x21: {  	s3 =	sadd.s32 s3, s9;
	s6 =	sadd.s32 @!p0 $0x88, s6;
	s7 =	simm.s32 @p2 $0x1082  }
0x22: {  	[simem:s7], [sflag:s8] =	dma.local @!p0 [hbm:s6], $0xF7A  }
0x23: {  	s9 =	sor.u32 $0xD0000000, s2;
	s6 =	simm.s32 $0x108;
	_ =	swait.ge @!p0 [sflag:s8], $0x0  }
0x24: {  	s3 =	sadd.s32 $0x88, s3;
	s6 =	simm.s32 @!p1 $0x1082;
	[sflag:s4] =	ssyncset.s32 $0xFFFFF086  }
0x25: {  	[simem:s6], [sflag:s4] =	dma.local [hbm:s3], $0xF7A  }
0x26: {  	[smem:$0x3F9D] =	sst s1;
	(tag) =	ssettag s2;
	_ =	strace s9  }
0x27: {  	s1 =	sld [smem:$0x3FAD]  }
0x28: {  	s2 =	sld [smem:$0x3FAE]  }
0x29: {  	s4 =	sld [smem:$0x3FB0]  }
0x2a: {  	p0 =	seq.s32 s5, $0x0;
	s5 =	sld [smem:$0x3FB1]  }
0x2b: {  	s6 =	sld [smem:$0x3FB2]  }
0x2c: {  	s7 =	sld [smem:$0x3FB3]  }
0x2d: {  	s3 =	simm.s32 $0x108;
	s8 =	sld [smem:$0x3FB4]  }
0x2e: {  	s3 =	simm.s32 @!p0 $0x1082;
	s9 =	sld [smem:$0x3FB5]  }
0x2f: {  	lr =	sadd.s32 s0, s3;
	s0 =	sld [smem:$0x3FAC]  }
0x30: {  	s3 =	sld [smem:$0x3FAF]  }
0x31: {  	[smem:$0x3FB8] =	sst s10  }
0x32: {  	s10 =	sld [smem:$0x3FB6];
	_ =	sdelay $0x3  }
0x33: {  	p0 =	seq.s32 s10, $0x1;
	s10 =	sld [smem:$0x3FB8];
	_ =	sdelay $0x3  }
0x34: {  	[smem:$0x3FB8] =	sst s10  }
0x35: {  	s10 =	sld [smem:$0x3FB7];
	_ =	sdelay $0x3  }
0x36: {  	p1 =	seq.s32 s10, $0x1;
	s10 =	sld [smem:$0x3FB8];
	_ =	sdelay $0x3  }
0x37: {  	[smem:$0x3FB8] =	sst s10  }
0x38: {  	s10 =	sld [smem:$0x3FB9]  }
0x39: {  	_ = 	snop;
	(pc) =	sbr.ind lr, $3  }
0x3a: {  	_ = 	snop  }
0x3b: {  	_ = 	snop  }
0x3c: {  	p2 =	seq.s32 s10, $0x1;
	s10 =	sld [smem:$0x3FB8]  }
0x3d: {  	_ =	shalt  }
0x3e: {  	_ =	shalt  }
0x3f: {  	_ =	shalt  }
0x40: {  	_ =	shalt  }
0x41: {  	_ =	shalt  }
0x42: {  	_ =	shalt  }
0x43: {  	_ =	shalt  }
0x44: {  	_ =	shalt  }
0x45: {  	_ =	shalt  }
0x46: {  	_ =	shalt  }
0x47: {  	_ =	shalt  }
0x48: {  	_ =	shalt  }
0x49: {  	_ =	shalt  }
0x4a: {  	_ =	shalt  }
0x4b: {  	_ =	shalt  }
0x4c: {  	_ =	shalt  }
0x4d: {  	_ =	shalt  }
0x4e: {  	_ =	shalt  }
0x4f: {  	_ =	shalt  }
0x50: {  	_ =	shalt  }
0x51: {  	_ =	shalt  }
0x52: {  	_ =	shalt  }
0x53: {  	_ =	shalt  }
0x54: {  	_ =	shalt  }
0x55: {  	_ =	shalt  }
0x56: {  	_ =	shalt  }
0x57: {  	_ =	shalt  }
0x58: {  	_ =	shalt  }
0x59: {  	_ =	shalt  }
0x5a: {  	_ =	shalt  }
0x5b: {  	_ =	shalt  }
0x5c: {  	_ =	shalt  }
0x5d: {  	_ =	shalt  }
0x5e: {  	_ =	shalt  }
0x5f: {  	_ =	shalt  }
0x60: {  	_ =	shalt  }
0x61: {  	_ =	shalt  }
0x62: {  	_ =	shalt  }
0x63: {  	_ =	shalt  }
0x64: {  	_ =	shalt  }
0x65: {  	_ =	shalt  }
0x66: {  	_ =	shalt  }
0x67: {  	_ =	shalt  }
0x68: {  	_ =	shalt  }
0x69: {  	_ =	shalt  }
0x6a: {  	_ =	shalt  }
0x6b: {  	_ =	shalt  }
0x6c: {  	_ =	shalt  }
0x6d: {  	_ =	shalt  }
0x6e: {  	_ =	shalt  }
0x6f: {  	_ =	shalt  }
0x70: {  	_ =	shalt  }
0x71: {  	_ =	shalt  }
0x72: {  	_ =	shalt  }
0x73: {  	_ =	shalt  }
0x74: {  	_ =	shalt  }
0x75: {  	_ =	shalt  }
0x76: {  	_ =	shalt  }
0x77: {  	_ =	shalt  }
0x78: {  	_ =	shalt  }
0x79: {  	_ =	shalt  }
0x7a: {  	_ =	shalt  }
0x7b: {  	_ =	shalt  }
0x7c: {  	_ =	shalt  }
0x7d: {  	_ =	shalt  }
0x7e: {  	_ =	shalt  }
0x7f: {  	_ =	shalt  }
0x80: {  	_ =	shalt  }
0x81: {  	_ =	shalt  }
0x82: {  	_ =	shalt  }
0x83: {  	_ =	shalt  }
0x84: {  	_ =	shalt  }
0x85: {  	_ =	shalt  }
0x86: {  	_ =	shalt  }
0x87: {  	_ =	shalt  }
.Lfunc_end0:
.L_simem_size_0:
called_computation.1_lowered:
.L_overlay_start_0:
0x88: {  	s2 =	sld [smem:$0x3FD9]  }
0x89: {  	s3 =	sld [smem:$0x3FFE];
	_ =	sdelay $0x1  }
0x8a: {  	s1 =	srdreg.scid  }
0x8b: {  	s0 =	sand.u32 $0x1, s1  }
0x8c: {  	s17 =	sshll.u32 s0, $0xA;
	s2 =	sadd.s32 s3, s2  }
0x8d: {  	s2 =	sadd.s32 s2, s17  }
0x8e: {  	[smem:$0x3FC4] =	sst s2  }
0x8f: {  	_ = 	snop  }
0x90: {  	s2 =	sld [smem:$0x3FC9]  }
0x91: {  	s18 =	sld [smem:$0x3FC8];
	(tm) =	ssettm $0x1  }
0x92: {  	s4 =	sld [smem:$0x3FFB];
	_ =	sdelay $0x3  }
0x93: {  	_ =	strace s4  }
0x94: {  	s4 =	sld [smem:$0x3FFC];
	_ =	sdelay $0x3  }
0x95: {  	_ =	strace s4  }
0x96: {  	s4 =	sld [smem:$0x3FFD];
	_ =	sdelay $0x3  }
0x97: {  	_ =	strace s4  }
0x98: {  	_ =	strace $0x8FFFFFFF  }
0x99: {  	s19 =	sld [smem:$0x3FDB];
	_ =	sdelay $0x1  }
0x9a: {  	s5 =	simm.s32 $_scs_section_size  }
0x9b: {  	s6 =	simm.s32 $_size__tile_overlayer_lowered;
	s7 =	simm.s32 $_tile_overlayer_lowered  }
0x9c: {  	s22 =	simm.s32 $0x1BFF;
	s21 =	sshll.u32 s7, $0x1;
	s4 =	sadd.s32 s5, s19  }
0x9d: {  	s8 =	simm.s32 $0x0;
	s20 =	sshll.u32 s6, $0x1;
	s6 =	sadd.s32 s21, s4  }
0x9e: {  	[timem:s8], [sflag:s22] =	dma.local [hbm:s6], s20  }
0x9f: {  	_ =	swait.ge [sflag:s22], s20  }
0xa0: {  	s5 =	ssub.s32 $0x0, s20;
	[sflag:s22] =	ssyncset.done $0x0  }
0xa1: {  	[sflag:s22] =	ssyncadd.s32 s5;
	_ =	sdelay $0x1  }
0xa2: {  	s23 =	simm.s32 $0x1B8B  }
0xa3: {  	_ =	swait.ge [sflag:s23], $0x1  }
0xa4: {  	[sflag:s23] =	ssyncset.done $0x0  }
0xa5: {  	s25 =	simm.s32 $0x1B8E;
	s24 =	sld [smem:$0x3FFE];
	[sflag:s23] =	ssyncadd.s32 $0xFFFFFFFF  }
0xa6: {  	s26 =	simm.s32 $execute0_lowered;
	[smem:$0x3FD2] =	sst s25  }
0xa7: {  	s6 =	sshll.u32 s26, $0x1;
	_ =	strace $0x80000049;
	[dreg:$0x1] =	wrdreg $0xFFFFFFFF  }
0xa8: {  	s28 =	simm.s32 $_size_execute0_lowered;
	s4 =	sadd.s32 s4, s6;
	[dreg:$0x0] =	wrdreg $0x0  }
0xa9: {  	s6 =	sshll.u32 s28, $0x1;
	[dreg:$0x2] =	wrdreg s4  }
0xaa: {  	[dreg:$0x3] =	wrdreg s6  }
0xab: {  	[dreg:$0x4] =	wrdreg $0xC0  }
0xac: {  	_ =	task [dreg:s8], $0x5FFFF  }
0xad: {  	[dreg:$0x1] =	wrdreg $0xFFFFFFFF  }
0xae: {  	[dreg:$0x0] =	wrdreg $0x60  }
0xaf: {  	[dreg:$0x2] =	wrdreg s2  }
0xb0: {  	[dreg:$0x3] =	wrdreg s18  }
0xb1: {  	[dreg:$0x4] =	wrdreg s24  }
0xb2: {  	[dreg:$0x5] =	wrdreg $0x9  }
0xb3: {  	_ =	task.clear_ibuf [dreg:s8], $0x6FFFF;
	_ =	strace $0x90000049  }
0xb4: {  	s29 =	simm.s32 $0x9;
	_ =	strace $0x8000004B  }
0xb5: {  	_ =	swait.ge [sflag:s29], $0x1  }
0xb6: {  	[sflag:s29] =	ssyncadd.s32 $0xFFFFFFFF  }
0xb7: {  	_ =	strace $0x9000004B  }
0xb8: {  	_ =	sfence  }
0xb9: {  	s30 =	sld [smem:$0x0];
	_ =	sdelay $0x2  }
0xba: {  	s31 =	sshll.u32 s1, $0xD;
	s1 =	sshrl.u32 s1, $0x2  }
0xbb: {  	s3 =	sand.u32 $0x4000, s31;
	s1 =	sadd.s32 s1, s30  }
0xbc: {  	s0 =	sor.u32 s3, s0;
	s1 =	sshll.u32 s1, $0x11  }
0xbd: {  	s0 =	sor.u32 s1, s0  }
0xbe: {  	s0 =	sadd.s32 $0x8F2B, s0  }
0xbf: {  	[sflag:s0] =	ssyncadd.remote.s32 $0x1  }
0xc0: {  	_ =	sfence.sel $0xFFFF  }
0xc1: {  	[dreg:$0x0] =	wrdreg $0xFFFFFFFF;
	(pc) =	sbr.abs _section_cstart, $3  }
0xc2: {  	[dreg:$0x1] =	wrdreg $0xFFFFFFFF  }
0xc3: {  	_ =	task.clear_ibuf [dreg:s8], $0x2FFFF;
	_ =	strace $0x9FFFFFFF  }
0xc4: {  	(tm) =	ssettm $0x7FFFFFFF  }
0xc5: {  	_ =	shalt  }
tec
execute0_lowered:
.L_overlay_start_1:
0x0: {  	(tag) =	ssettag $0x1  }
0x1: {  	s1 =	rddreg [dreg:$0x0]  }
0x2: {  	s2 =	rddreg [dreg:$0x1]  }
0x3: {  	s0 =	rddreg [dreg:$0x2];
	s4 =	simm.s32 $0x0  }
0x4: {  	s3 =	srdreg.scid;
	s10 =	stileid.u32;
	s15 =	simm.s32 $0x5  }
0x5: {  	s16 =	simm.s32 $0x80;
	s17 =	simm.s32 $0x1000;
	[smem:$0x7FF] =	sst s4  }
0x6: {  	s3 =	sand.u32 $0x1, s3;
	s5 =	sadd.s32 $0x15A00, s0;
	s8 =	sshll.u32 s10, $0x1  }
0x7: {  	s6 =	sadd.s32 $0x85A00, s0;
	s29 =	sshrl.u32 s10, $0x2;
	_ =	strace $0x8000004A  }
0x8: {  	s7 =	ssub.s32 $0x2, s3;
	s3 =	sor.u32 s3, s8;
	s8 =	smul.u32 $0x600, s29  }
0x9: {  	s28 =	sshrl.u32 s7, $0x1;
	s9 =	smul.u32 $0x3000, s3;
	s30 =	sshll.u32 s3, $0xC  }
0xa: {  	s0 =	ssub.s32 s7, s28;
	s7 =	sshll.u32 s3, $0x4;
	s1 =	sadd.s32 s1, s30  }
0xb: {  	s12 =	sadd.s32 $0x200, s8;
	[dreg:$0x4] =	wrdreg s1;
	s31 =	sadd.s32 s2, s9  }
0xc: {  	v0 =	vlaneseq.u32;
	s13 =	sadd.s32 $0x400, s8;
	s0 =	smax.u32 s0, $0x1;
	[dreg:$0x5] =	wrdreg s31  }
0xd: {  	v1 =	vmul.u32 $0x10, v0;
	s11 =	sor.u32 $0x1, s7;
	s2 =	simm.s32 $0x0;
	[dreg:$0x6] =	wrdreg s0  }
.LBB2_1:
0xe: {  	[dreg:$0x7] =	wrdreg s2  }
0xf: {  	s0 =	rddreg [dreg:$0x4]  }
0x10: {  	[tilespmem:s4], [sflag:$0x5] =	stream.linear.gather [hbm4b:s0+s4], $0x800, $0x38;
	[tilespmem:$0x17000] =	vst v63  }
0x11: {  	_ =	swait.ge [sflag:s15], $0x800  }
0x12: {  	[sflag:s15] =	ssyncset.done $0x0  }
0x13: {  	[sflag:s15] =	ssyncadd.s32 $0xFFFFF800  }
0x14: {  	[tilespmem:s17], [sflag:$0x1] =	stream.indirect.gather [hbm4b:s5+s16], $0x10, s4, s16, $0xb8;
	[tilespmem:$0x17000] =	vst v63  }
0x15: {  	s19 =	simm.s32 $0x1800  }
0x16: {  	[tilespmem:s19], [sflag:$0x1] =	stream.indirect.gather [hbm4b:s5+s16], $0x10, s16, s16, $0xb8;
	[tilespmem:$0x17000] =	vst v63  }
0x17: {  	s20 =	simm.s32 $0x100;
	s1 =	simm.s32 $0x2000  }
0x18: {  	[tilespmem:s1], [sflag:$0x1] =	stream.indirect.gather [hbm4b:s5+s16], $0x10, s20, s16, $0xb8;
	[tilespmem:$0x17000] =	vst v63  }
0x19: {  	s21 =	simm.s32 $0x180;
	s22 =	simm.s32 $0x2800  }
0x1a: {  	[tilespmem:s22], [sflag:$0x1] =	stream.indirect.gather [hbm4b:s5+s16], $0x10, s21, s16, $0xb8;
	[tilespmem:$0x17000] =	vst v63  }
0x1b: {  	s23 =	simm.s32 $0x200;
	s24 =	simm.s32 $0x3000  }
0x1c: {  	[tilespmem:s24], [sflag:$0x1] =	stream.indirect.gather [hbm4b:s5+s16], $0x10, s23, s16, $0xb8;
	[tilespmem:$0x17000] =	vst v63  }
0x1d: {  	s25 =	simm.s32 $0x280;
	s26 =	simm.s32 $0x3800  }
0x1e: {  	[tilespmem:s26], [sflag:$0x1] =	stream.indirect.gather [hbm4b:s5+s16], $0x10, s25, s16, $0xb8;
	[tilespmem:$0x17000] =	vst v63  }
0x1f: {  	s28 =	simm.s32 $0x300;
	s29 =	simm.s32 $0x4000  }
0x20: {  	[tilespmem:s29], [sflag:$0x1] =	stream.indirect.gather [hbm4b:s5+s16], $0x10, s28, s16, $0xb8;
	[tilespmem:$0x17000] =	vst v63  }
0x21: {  	s30 =	simm.s32 $0x380;
	s31 =	simm.s32 $0x4800  }
0x22: {  	[tilespmem:s31], [sflag:$0x1] =	stream.indirect.gather [hbm4b:s5+s16], $0x10, s30, s16, $0xb8;
	[tilespmem:$0x17000] =	vst v63  }
0x23: {  	s2 =	simm.s32 $0x400;
	s3 =	simm.s32 $0x5000  }
0x24: {  	[tilespmem:s3], [sflag:$0x1] =	stream.indirect.gather [hbm4b:s5+s16], $0x10, s2, s16, $0xb8;
	[tilespmem:$0x17000] =	vst v63  }
0x25: {  	s9 =	simm.s32 $0x480;
	s10 =	simm.s32 $0x5800  }
0x26: {  	[tilespmem:s10], [sflag:$0x1] =	stream.indirect.gather [hbm4b:s5+s16], $0x10, s9, s16, $0xb8;
	[tilespmem:$0x17000] =	vst v63  }
0x27: {  	s14 =	simm.s32 $0x500;
	s18 =	simm.s32 $0x6000  }
0x28: {  	[tilespmem:s18], [sflag:$0x1] =	stream.indirect.gather [hbm4b:s5+s16], $0x10, s14, s16, $0xb8;
	[tilespmem:$0x17000] =	vst v63  }
0x29: {  	s19 =	simm.s32 $0x580;
	s20 =	simm.s32 $0x6800  }
0x2a: {  	[tilespmem:s20], [sflag:$0x1] =	stream.indirect.gather [hbm4b:s5+s16], $0x10, s19, s16, $0xb8;
	[tilespmem:$0x17000] =	vst v63  }
0x2b: {  	s21 =	simm.s32 $0x600;
	s22 =	simm.s32 $0x7000  }
0x2c: {  	[tilespmem:s22], [sflag:$0x1] =	stream.indirect.gather [hbm4b:s5+s16], $0x10, s21, s16, $0xb8;
	[tilespmem:$0x17000] =	vst v63  }
0x2d: {  	s23 =	simm.s32 $0x680;
	s24 =	simm.s32 $0x7800  }
0x2e: {  	[tilespmem:s24], [sflag:$0x1] =	stream.indirect.gather [hbm4b:s5+s16], $0x10, s23, s16, $0xb8;
	[tilespmem:$0x17000] =	vst v63  }
0x2f: {  	s25 =	simm.s32 $0x700;
	s26 =	simm.s32 $0x8000  }
0x30: {  	[tilespmem:s26], [sflag:$0x1] =	stream.indirect.gather [hbm4b:s5+s16], $0x10, s25, s16, $0xb8;
	[tilespmem:$0x17000] =	vst v63  }
0x31: {  	s28 =	simm.s32 $0x780;
	s29 =	simm.s32 $0x8800  }
0x32: {  	[tilespmem:s29], [sflag:$0x1] =	stream.indirect.gather [hbm4b:s5+s16], $0x10, s28, s16, $0xb8;
	[tilespmem:$0x17000] =	vst v63  }
0x33: {  	s30 =	rddreg [dreg:$0x5];
	s31 =	simm.s32 $0x11000  }
0x34: {  	[tilespmem:s31], [sflag:$0x5] =	stream.linear.gather [hbm4b:s30+s4], $0x1800, $0x38;
	[tilespmem:$0x17000] =	vst v63  }
0x35: {  	_ =	swait.ge [sflag:s15], $0x1800  }
0x36: {  	[sflag:s15] =	ssyncset.done $0x0  }
0x37: {  	s21 =	simm.s32 $0x0;
	[sflag:s15] =	ssyncadd.s32 $0xFFFFE800  }
.LBB2_2:
0x38: {  	p0 =	seq.s32 s21, $0xF  }
.Ltmp0:
0x39: {  	_ = 	snop;
	(pc) =	sbr.rel @p0 .LBB2_4-.Ltmp0, $2  }
0x3a: {  	_ =	sdelay $0x2  }
0x3b: {  	s22 =	sand.u32 $0x1, s21  }
0x3c: {  	s0 =	sadd.s32 s21, s11  }
0x3d: {  	s3 =	sshll.u32 s0, $0x8  }
0x3e: {  	s9 =	sxor.u32 $0x1, s22;
	s1 =	rddreg [dreg:$0x0];
	s3 =	sand.u32 $0x1FFFFF00, s3  }
0x3f: {  	s10 =	sshll.u32 s9, $0xB;
	s3 =	sadd.s32 s1, s3  }
0x40: {  	[tilespmem:s10], [sflag:$0x5] =	stream.linear.gather [hbm4b:s3+s4], $0x800, $0x38;
	[tilespmem:$0x17000] =	vst v63  }
0x41: {  	_ =	swait.ge [sflag:s15], $0x800  }
0x42: {  	s3 =	sshll.u32 s9, $0xF;
	[sflag:s15] =	ssyncset.done $0x0  }
0x43: {  	s18 =	sadd.s32 $0x1, s9;
	s14 =	sor.u32 $0x1000, s3;
	[sflag:s15] =	ssyncadd.s32 $0xFFFFF800  }
0x44: {  	[tilespmem:s14], [sflag:s18] =	stream.indirect.gather [hbm4b:s5+s16], $0x10, s10, s16, $0xb8;
	[tilespmem:$0x17000] =	vst v63  }
0x45: {  	s19 =	sor.u32 $0x80, s10;
	s26 =	sor.u32 $0x1800, s3  }
0x46: {  	[tilespmem:s26], [sflag:s18] =	stream.indirect.gather [hbm4b:s5+s16], $0x10, s19, s16, $0xb8;
	[tilespmem:$0x17000] =	vst v63  }
0x47: {  	s29 =	sor.u32 $0x100, s10;
	s28 =	sor.u32 $0x2000, s3  }
0x48: {  	[tilespmem:s28], [sflag:s18] =	stream.indirect.gather [hbm4b:s5+s16], $0x10, s29, s16, $0xb8;
	[tilespmem:$0x17000] =	vst v63  }
0x49: {  	s31 =	sor.u32 $0x180, s10;
	s30 =	sor.u32 $0x2800, s3  }
0x4a: {  	[tilespmem:s30], [sflag:s18] =	stream.indirect.gather [hbm4b:s5+s16], $0x10, s31, s16, $0xb8;
	[tilespmem:$0x17000] =	vst v63  }
0x4b: {  	s2 =	sor.u32 $0x200, s10;
	s1 =	sor.u32 $0x3000, s3  }
0x4c: {  	[tilespmem:s1], [sflag:s18] =	stream.indirect.gather [hbm4b:s5+s16], $0x10, s2, s16, $0xb8;
	[tilespmem:$0x17000] =	vst v63  }
0x4d: {  	s20 =	sor.u32 $0x280, s10;
	s19 =	sor.u32 $0x3800, s3  }
0x4e: {  	[tilespmem:s19], [sflag:s18] =	stream.indirect.gather [hbm4b:s5+s16], $0x10, s20, s16, $0xb8;
	[tilespmem:$0x17000] =	vst v63  }
0x4f: {  	s24 =	sor.u32 $0x300, s10;
	s23 =	sor.u32 $0x4000, s3  }
0x50: {  	[tilespmem:s23], [sflag:s18] =	stream.indirect.gather [hbm4b:s5+s16], $0x10, s24, s16, $0xb8;
	[tilespmem:$0x17000] =	vst v63  }
0x51: {  	s25 =	sor.u32 $0x4800, s3;
	s26 =	sor.u32 $0x380, s10  }
0x52: {  	[tilespmem:s25], [sflag:s18] =	stream.indirect.gather [hbm4b:s5+s16], $0x10, s26, s16, $0xb8;
	[tilespmem:$0x17000] =	vst v63  }
0x53: {  	s28 =	sor.u32 $0x5000, s3;
	s29 =	sor.u32 $0x400, s10  }
0x54: {  	[tilespmem:s28], [sflag:s18] =	stream.indirect.gather [hbm4b:s5+s16], $0x10, s29, s16, $0xb8;
	[tilespmem:$0x17000] =	vst v63  }
0x55: {  	s30 =	sor.u32 $0x5800, s3;
	s31 =	sor.u32 $0x480, s10  }
0x56: {  	[tilespmem:s30], [sflag:s18] =	stream.indirect.gather [hbm4b:s5+s16], $0x10, s31, s16, $0xb8;
	[tilespmem:$0x17000] =	vst v63  }
0x57: {  	s1 =	sor.u32 $0x6000, s3;
	s2 =	sor.u32 $0x500, s10  }
0x58: {  	[tilespmem:s1], [sflag:s18] =	stream.indirect.gather [hbm4b:s5+s16], $0x10, s2, s16, $0xb8;
	[tilespmem:$0x17000] =	vst v63  }
0x59: {  	s19 =	sor.u32 $0x6800, s3;
	s20 =	sor.u32 $0x580, s10  }
0x5a: {  	[tilespmem:s19], [sflag:s18] =	stream.indirect.gather [hbm4b:s5+s16], $0x10, s20, s16, $0xb8;
	[tilespmem:$0x17000] =	vst v63  }
0x5b: {  	s23 =	sor.u32 $0x7000, s3;
	s24 =	sor.u32 $0x600, s10  }
0x5c: {  	[tilespmem:s23], [sflag:s18] =	stream.indirect.gather [hbm4b:s5+s16], $0x10, s24, s16, $0xb8;
	[tilespmem:$0x17000] =	vst v63  }
0x5d: {  	s25 =	sor.u32 $0x7800, s3;
	s26 =	sor.u32 $0x680, s10  }
0x5e: {  	[tilespmem:s25], [sflag:s18] =	stream.indirect.gather [hbm4b:s5+s16], $0x10, s26, s16, $0xb8;
	[tilespmem:$0x17000] =	vst v63  }
0x5f: {  	s0 =	smul.u32 $0x300, s0;
	s28 =	sadd.s32 $0x8000, s3;
	s29 =	sor.u32 $0x700, s10  }
0x60: {  	[tilespmem:s28], [sflag:s18] =	stream.indirect.gather [hbm4b:s5+s16], $0x10, s29, s16, $0xb8;
	[tilespmem:$0x17000] =	vst v63  }
0x61: {  	s3 =	sadd.s32 $0x8800, s3;
	s10 =	sor.u32 $0x780, s10;
	s30 =	smul.u32 $0x6000, s9  }
0x62: {  	[tilespmem:s3], [sflag:s18] =	stream.indirect.gather [hbm4b:s5+s16], $0x10, s10, s16, $0xb8;
	[tilespmem:$0x17000] =	vst v63  }
0x63: {  	s31 =	rddreg [dreg:$0x1];
	s3 =	sshrl.u32 s30, $0x2  }
0x64: {  	s0 =	sadd.s32 s31, s0;
	s3 =	sadd.s32 $0x11000, s3  }
0x65: {  	[tilespmem:s3], [sflag:$0x5] =	stream.linear.gather [hbm4b:s0+s4], $0x1800, $0x38;
	[tilespmem:$0x17000] =	vst v63  }
0x66: {  	_ =	swait.ge [sflag:s15], $0x1800  }
0x67: {  	[sflag:s15] =	ssyncset.done $0x0  }
0x68: {  	[sflag:s15] =	ssyncadd.s32 $0xFFFFE800  }
.LBB2_4:
0x69: {  	s0 =	sadd.s32 $0x1, s22  }
0x6a: {  	_ =	swait.ge [sflag:s0], $0x8000  }
0x6b: {  	p0 =	slt.u32 s21, $0x2;
	[sflag:s0] =	ssyncset.done $0x0  }
0x6c: {  	[sflag:s0] =	ssyncadd.s32 $0xFFFF8000;
	s0 =	sadd.s32 @!p0 $0x3, s22  }
0x6d: {  	s25 =	sshll.u32 s22, $0xB;
	_ =	swait.ge @!p0 [sflag:s0], $0x800  }
0x6e: {  	s3 =	simm.s32 $0x0;
	s24 =	smul.u32 $0xC, s22;
	[sflag:s0] =	ssyncset.done @!p0 $0x0  }
0x6f: {  	s10 =	simm.s32 $0x0;
	s9 =	sor.u32 s25, s3;
	[sflag:s0] =	ssyncadd.s32 @!p0 $0xFFFFF800  }
0x70: {  	s1 =	smul.u32 $0x3, s10;
	v2 =	vmov s9;
	_ =	swait.ge @!p0 [sflag:s0], $0x800  }
0x71: {  	v2 =	vshll.u32 v2, $0x4;
	[sflag:s0] =	ssyncset.done @!p0 $0x0  }
0x72: {  	s9 =	sadd.s32 s24, s1;
	v2 =	vor.u32 v1, v2;
	[sflag:s0] =	ssyncadd.s32 @!p0 $0xFFFFF800  }
0x73: {  	s9 =	sshll.u32 s9, $0x9;
	v3 =	vor.u32 $0x3, v2;
	_ =	swait.ge @!p0 [sflag:s0], $0x800  }
0x74: {  	s26 =	sand.u32 $0x1F0, s3;
	s2 =	sand.u32 $0x3FFFFE00, s9;
	[sflag:s0] =	ssyncset.done @!p0 $0x0  }
0x75: {  	v4 =	vor.u32 $0x6, v2;
	s3 =	sor.u32 s26, s2;
	[sflag:s0] =	ssyncadd.s32 @!p0 $0xFFFFF800  }
0x76: {  	v5 =	vld [tilespmem:s3+$0x11000]  }
0x77: {  	v6 =	vld.idx.msk [tilespmem:v2+s17+$0x0], $0xffff  }
0x78: {  	v3 =	vld.idx.msk [tilespmem:v3+s17+$0x0], $0xffff  }
0x79: {  	v7 =	vld [tilespmem:s3+$0x11200]  }
0x7a: {  	v4 =	vld.idx.msk [tilespmem:v4+s17+$0x0], $0xffff  }
0x7b: {  	v8 =	vld [tilespmem:s3+$0x11400]  }
0x7c: {  	v9 =	vor.u32 s26, v0  }
0x7d: {  	v9 =	vcvt.s32.f32 v9  }
0x7e: {  	v6 =	vmul.f32 v6, v5;
	v3 =	vmul.f32 v3, v7;
	_ =	sdelay $0x1  }
0x7f: {  	v9 =	vmul.f32 $3.913894300e-03, v9;
	v4 =	vmul.f32 v4, v8;
	v3 =	vadd.f32 v3, v6;
	_ =	sdelay $0x1  }
0x80: {  	s9 =	sadd.s32 $0x0, s24;
	v6 =	vadd.f32 $-1.000000000e+00, v9;
	v3 =	vadd.f32 v4, v3;
	v4 =	vor.u32 $0x1, v2  }
0x81: {  	v63 =	vor.u32 $0x4, v2;
	s0 =	sshll.u32 s9, $0x9  }
0x82: {  	s0 =	sand.u32 $0x3FFFFE00, s0;
	v3 =	vadd.f32 v3, v6  }
0x83: {  	s0 =	sor.u32 s26, s0;
	v6 =	vor.u32 $0x7, v2  }
0x84: {  	[tilespmem:s0+$0x14000] =	vst v3  }
0x85: {  	v3 =	vld.idx.msk [tilespmem:v4+s17+$0x0], $0xffff  }
0x86: {  	v4 =	vld.idx.msk [tilespmem:v63+s17+$0x0], $0xffff  }
0x87: {  	s14 =	sadd.s32 s7, s21  }
0x88: {  	s0 =	sshll.u32 s14, $0x2;
	v6 =	vld.idx.msk [tilespmem:v6+s17+$0x0], $0xffff  }
0x89: {  	s23 =	sand.u32 $0x1FC, s0  }
0x8a: {  	s0 =	sor.u32 s23, s10  }
0x8b: {  	s0 =	scvt.s32.f32 s0;
	v3 =	vmul.f32 v3, v5;
	v4 =	vmul.f32 v4, v7;
	_ =	sdelay $0x1  }
0x8c: {  	s0 =	smul.f32 $3.913894300e-03, s0;
	v3 =	vadd.f32 v4, v3;
	v4 =	vmul.f32 v6, v8  }
0x8d: {  	s28 =	sadd.s32 $0x4, s24  }
0x8e: {  	s18 =	sadd.s32 $0x0, s28;
	s0 =	sadd.f32 $-1.000000000e+00, s0;
	v3 =	vadd.f32 v4, v3;
	v4 =	vor.u32 $0x2, v2  }
0x8f: {  	s3 =	sshll.u32 s18, $0x9;
	v6 =	vor.u32 $0x5, v2  }
0x90: {  	s19 =	sand.u32 $0x3FFFFE00, s3;
	v3 =	vadd.f32 s0, v3  }
0x91: {  	v2 =	vor.u32 $0x8, v2;
	s0 =	sor.u32 s26, s19  }
0x92: {  	[tilespmem:s0+$0x14000] =	vst v3  }
0x93: {  	v3 =	vld.idx.msk [tilespmem:v4+s17+$0x0], $0xffff  }
0x94: {  	v4 =	vld.idx.msk [tilespmem:v6+s17+$0x0], $0xffff;
	_ =	sdelay $0x1  }
0x95: {  	v6 =	vld.idx.msk [tilespmem:v2+s17+$0x0], $0xffff  }
0x96: {  	s29 =	simm.s32 $0x10  }
0x97: {  	s20 =	sor.u32 s25, s29;
	s9 =	simm.s32 $0x0  }
0x98: {  	s31 =	sadd.s32 $0x8, s24;
	s3 =	simm.s32 $0x2;
	s14 =	sor.u32 s23, s9;
	v2 =	vmov s20;
	v3 =	vmul.f32 v3, v5;
	v4 =	vmul.f32 v4, v7  }
0x99: {  	s10 =	smul.u32 $0x3, s9;
	s18 =	scvt.s32.f32 s14;
	s19 =	sadd.s32 $0x0, s28;
	v2 =	vshll.u32 v2, $0x4  }
0x9a: {  	s14 =	sadd.s32 $0x0, s31;
	s30 =	sshll.u32 s19, $0x9;
	s0 =	sadd.s32 $0x0, s31;
	v2 =	vor.u32 v1, v2;
	v3 =	vadd.f32 v4, v3;
	v4 =	vmul.f32 v6, v8  }
.LBB2_5:
0x9b: {  	s20 =	sadd.s32 s24, s10;
	s1 =	sshll.u32 s0, $0x9  }
0x9c: {  	v5 =	vor.u32 $0x3, v2;
	s10 =	smov.u32 s3;
	s19 =	sadd.s32 $0x1, s3;
	s0 =	smov.u32 s14  }
0x9d: {  	s2 =	sand.u32 $0x1F0, s29;
	s14 =	sshll.u32 s20, $0x9;
	v3 =	vadd.f32 v4, v3;
	s1 =	sand.u32 $0x3FFFFE00, s1  }
0x9e: {  	v6 =	vor.u32 $0x6, v2;
	v4 =	vor.u32 s2, v0;
	s20 =	sand.u32 $0x3FFFFE00, s14;
	s14 =	smul.f32 $3.913894300e-03, s18;
	s1 =	sor.u32 s26, s1  }
0x9f: {  	p0 =	sne.s32 s3, $0x7F;
	v4 =	vcvt.s32.f32 v4;
	s26 =	smov.u32 s2;
	s3 =	sor.u32 s2, s20;
	[tilespmem:s1+$0x14000] =	vst v3  }
0xa0: {  	v3 =	vld [tilespmem:s3+$0x11000]  }
0xa1: {  	v4 =	vmul.f32 $3.913894300e-03, v4;
	v7 =	vld.idx.msk [tilespmem:v2+s17+$0x0], $0xffff  }
0xa2: {  	v5 =	vld.idx.msk [tilespmem:v5+s17+$0x0], $0xffff  }
0xa3: {  	v8 =	vld [tilespmem:s3+$0x11200]  }
0xa4: {  	v6 =	vld.idx.msk [tilespmem:v6+s17+$0x0], $0xffff  }
0xa5: {  	v9 =	vld [tilespmem:s3+$0x11400];
	_ =	sdelay $0x1  }
0xa6: {  	v7 =	vmul.f32 v7, v3  }
0xa7: {  	v5 =	vmul.f32 v5, v8;
	_ =	sdelay $0x1  }
0xa8: {  	v5 =	vadd.f32 v5, v7;
	v6 =	vmul.f32 v6, v9;
	_ =	sdelay $0x1  }
0xa9: {  	s1 =	sadd.s32 s24, s9;
	v4 =	vadd.f32 $-1.000000000e+00, v4;
	v5 =	vadd.f32 v6, v5;
	v6 =	vor.u32 $0x1, v2  }
0xaa: {  	s1 =	sshll.u32 s1, $0x9;
	v7 =	vor.u32 $0x4, v2  }
0xab: {  	s1 =	sand.u32 $0x3FFFFE00, s1;
	v4 =	vadd.f32 v5, v4  }
0xac: {  	s1 =	sor.u32 s26, s1;
	v5 =	vor.u32 $0x7, v2  }
0xad: {  	[tilespmem:s1+$0x14000] =	vst v4  }
0xae: {  	v4 =	vld.idx.msk [tilespmem:v6+s17+$0x0], $0xffff  }
0xaf: {  	v6 =	vld.idx.msk [tilespmem:v7+s17+$0x0], $0xffff;
	_ =	sdelay $0x1  }
0xb0: {  	v5 =	vld.idx.msk [tilespmem:v5+s17+$0x0], $0xffff;
	_ =	sdelay $0x2  }
0xb1: {  	v4 =	vmul.f32 v4, v3  }
0xb2: {  	v6 =	vmul.f32 v6, v8;
	_ =	sdelay $0x1  }
0xb3: {  	v4 =	vadd.f32 v6, v4;
	v5 =	vmul.f32 v5, v9;
	_ =	sdelay $0x1  }
0xb4: {  	s1 =	sadd.f32 $-1.000000000e+00, s14;
	v4 =	vadd.f32 v5, v4;
	v5 =	vor.u32 $0x2, v2  }
0xb5: {  	v6 =	vor.u32 $0x5, v2  }
0xb6: {  	v2 =	vor.u32 $0x8, v2;
	v4 =	vadd.f32 s1, v4;
	s1 =	sand.u32 $0x3FFFFE00, s30  }
0xb7: {  	s1 =	sor.u32 s26, s1  }
0xb8: {  	[tilespmem:s1+$0x14000] =	vst v4  }
0xb9: {  	v4 =	vld.idx.msk [tilespmem:v5+s17+$0x0], $0xffff  }
0xba: {  	v5 =	vld.idx.msk [tilespmem:v6+s17+$0x0], $0xffff  }
0xbb: {  	v6 =	vld.idx.msk [tilespmem:v2+s17+$0x0], $0xffff;
	_ =	sdelay $0x2  }
.Ltmp1:
0xbc: {  	s29 =	sadd.s32 $0x10, s29;
	(pc) =	sbr.rel @p0 .LBB2_5-.Ltmp1, $4  }
0xbd: {  	s9 =	sshrl.u32 s10, $0x5;
	s1 =	sor.u32 s25, s29;
	v3 =	vmul.f32 v4, v3  }
0xbe: {  	s10 =	smul.u32 $0x3, s9;
	v2 =	vmov s1;
	v4 =	vmul.f32 v5, v8  }
0xbf: {  	s2 =	sadd.s32 s28, s9;
	s3 =	smov.u32 s19;
	s1 =	sor.u32 s23, s9;
	v2 =	vshll.u32 v2, $0x4  }
0xc0: {  	s14 =	sadd.s32 s31, s9;
	s30 =	sshll.u32 s2, $0x9;
	s18 =	scvt.s32.f32 s1;
	v2 =	vor.u32 v1, v2;
	v3 =	vadd.f32 v4, v3;
	v4 =	vmul.f32 v6, v9  }
0xc1: {  	s1 =	sadd.s32 s24, s10;
	s0 =	sshll.u32 s0, $0x9  }
0xc2: {  	s1 =	sshll.u32 s1, $0x9;
	v3 =	vadd.f32 v4, v3;
	s0 =	sand.u32 $0x3FFFFE00, s0  }
0xc3: {  	v5 =	vor.u32 $0x3, v2;
	s2 =	sand.u32 $0x1F0, s29;
	s1 =	sand.u32 $0x3FFFFE00, s1;
	s0 =	sor.u32 s26, s0  }
0xc4: {  	s1 =	sor.u32 s2, s1;
	[tilespmem:s0+$0x14000] =	vst v3  }
0xc5: {  	v53 =	vor.u32 $0x6, v2;
	v3 =	vld [tilespmem:s1+$0x11000]  }
0xc6: {  	v6 =	vld.idx.msk [tilespmem:v2+s17+$0x0], $0xffff  }
0xc7: {  	v7 =	vld [tilespmem:s1+$0x11200]  }
0xc8: {  	v5 =	vld.idx.msk [tilespmem:v5+s17+$0x0], $0xffff  }
0xc9: {  	v8 =	vld [tilespmem:s1+$0x11400]  }
0xca: {  	v4 =	vld.idx.msk [tilespmem:v53+s17+$0x0], $0xffff  }
0xcb: {  	v9 =	vor.u32 s2, v0  }
0xcc: {  	v9 =	vcvt.s32.f32 v9  }
0xcd: {  	v6 =	vmul.f32 v6, v3;
	v5 =	vmul.f32 v5, v7;
	_ =	sdelay $0x1  }
0xce: {  	v9 =	vmul.f32 $3.913894300e-03, v9;
	v4 =	vmul.f32 v4, v8;
	v5 =	vadd.f32 v5, v6;
	_ =	sdelay $0x1  }
0xcf: {  	s10 =	sadd.s32 s24, s9;
	v55 =	vor.u32 $0x1, v2;
	v54 =	vadd.f32 $-1.000000000e+00, v9;
	v4 =	vadd.f32 v4, v5  }
0xd0: {  	v56 =	vor.u32 $0x4, v2;
	s0 =	sshll.u32 s10, $0x9  }
0xd1: {  	s0 =	sand.u32 $0x3FFFFE00, s0;
	v4 =	vadd.f32 v4, v54  }
0xd2: {  	v57 =	vor.u32 $0x7, v2;
	s0 =	sor.u32 s2, s0  }
0xd3: {  	[tilespmem:s0+$0x14000] =	vst v4  }
0xd4: {  	v4 =	vld.idx.msk [tilespmem:v55+s17+$0x0], $0xffff  }
0xd5: {  	v58 =	vld.idx.msk [tilespmem:v56+s17+$0x0], $0xffff;
	_ =	sdelay $0x1  }
0xd6: {  	v6 =	vld.idx.msk [tilespmem:v57+s17+$0x0], $0xffff;
	_ =	sdelay $0x2  }
0xd7: {  	v4 =	vmul.f32 v4, v3;
	v5 =	vmul.f32 v58, v7;
	_ =	sdelay $0x1  }
0xd8: {  	s18 =	smul.f32 $3.913894300e-03, s18;
	v59 =	vmul.f32 v6, v8;
	v4 =	vadd.f32 v5, v4;
	_ =	sdelay $0x1  }
0xd9: {  	v60 =	vor.u32 $0x2, v2;
	s0 =	sadd.f32 $-1.000000000e+00, s18;
	v4 =	vadd.f32 v59, v4  }
0xda: {  	v61 =	vor.u32 $0x5, v2  }
0xdb: {  	s19 =	sand.u32 $0x3FFFFE00, s30;
	v4 =	vadd.f32 s0, v4  }
0xdc: {  	v2 =	vor.u32 $0x8, v2;
	s0 =	sor.u32 s2, s19  }
0xdd: {  	[tilespmem:s0+$0x14000] =	vst v4  }
0xde: {  	v4 =	vld.idx.msk [tilespmem:v60+s17+$0x0], $0xffff  }
0xdf: {  	v62 =	vld.idx.msk [tilespmem:v61+s17+$0x0], $0xffff;
	_ =	sdelay $0x1  }
0xe0: {  	v2 =	vld.idx.msk [tilespmem:v2+s17+$0x0], $0xffff;
	_ =	sdelay $0x2  }
0xe1: {  	v3 =	vmul.f32 v4, v3;
	v63 =	vmul.f32 v62, v7;
	_ =	sdelay $0x1  }
0xe2: {  	v2 =	vmul.f32 v2, v8;
	v3 =	vadd.f32 v63, v3  }
0xe3: {  	s20 =	sshll.u32 s14, $0x9;
	s24 =	smul.u32 $0x6000, s22  }
0xe4: {  	s3 =	sor.u32 s8, s23;
	s29 =	sor.u32 s12, s23;
	s0 =	sand.u32 $0x3FFFFE00, s20;
	v2 =	vadd.f32 v2, v3  }
0xe5: {  	s25 =	sshll.u32 s3, $0x6;
	s1 =	sshrl.u32 s24, $0x2;
	s0 =	sor.u32 s2, s0  }
0xe6: {  	s26 =	sadd.s32 $0x3, s22;
	s28 =	sor.u32 $0x14000, s1;
	s2 =	sadd.s32 s6, s25;
	[tilespmem:s0+$0x14000] =	vst v2  }
0xe7: {  	[hbm4b:s2+s4] =	stream.linear.scatter [tilespmem:s28], [sflag:s26], $0x800, $0x38;
	[tilespmem:$0x17000] =	vst v63  }
0xe8: {  	s2 =	sshll.u32 s29, $0x6  }
0xe9: {  	s21 =	sadd.s32 $0x1, s21;
	s2 =	sand.u32 $0xFFF00, s2  }
0xea: {  	p0 =	sne.s32 s21, $0x10;
	s30 =	sadd.s32 $0x14800, s1;
	s2 =	sadd.s32 s6, s2  }
0xeb: {  	[hbm4b:s2+s4] =	stream.linear.scatter [tilespmem:s30], [sflag:s26], $0x800, $0x38;
	[tilespmem:$0x17000] =	vst v63  }
.Ltmp2:
0xec: {  	s31 =	sor.u32 s13, s23;
	(pc) =	sbr.rel @p0 .LBB2_2-.Ltmp2, $4  }
0xed: {  	s2 =	sshll.u32 s31, $0x6  }
0xee: {  	s2 =	sand.u32 $0xFFF00, s2  }
0xef: {  	s1 =	sadd.s32 $0x15000, s1;
	s2 =	sadd.s32 s6, s2  }
0xf0: {  	[hbm4b:s2+s4] =	stream.linear.scatter [tilespmem:s1], [sflag:s26], $0x800, $0x38;
	[tilespmem:$0x17000] =	vst v63  }
0xf1: {  	s0 =	simm.s32 $0x3  }
0xf2: {  	_ =	swait.ge [sflag:s0], $0x800  }
0xf3: {  	[sflag:s0] =	ssyncset.done $0x0  }
0xf4: {  	[sflag:s0] =	ssyncadd.s32 $0xFFFFF800  }
0xf5: {  	_ =	swait.ge [sflag:s0], $0x800  }
0xf6: {  	[sflag:s0] =	ssyncset.done $0x0  }
0xf7: {  	[sflag:s0] =	ssyncadd.s32 $0xFFFFF800  }
0xf8: {  	_ =	swait.ge [sflag:s0], $0x800  }
0xf9: {  	[sflag:s0] =	ssyncset.done $0x0  }
0xfa: {  	s1 =	simm.s32 $0x4;
	[sflag:s0] =	ssyncadd.s32 $0xFFFFF800  }
0xfb: {  	_ =	swait.ge [sflag:s1], $0x800  }
0xfc: {  	[sflag:s1] =	ssyncset.done $0x0  }
0xfd: {  	[sflag:s1] =	ssyncadd.s32 $0xFFFFF800  }
0xfe: {  	_ =	swait.ge [sflag:s1], $0x800  }
0xff: {  	[sflag:s1] =	ssyncset.done $0x0  }
0x100: {  	[sflag:s1] =	ssyncadd.s32 $0xFFFFF800  }
0x101: {  	_ =	swait.ge [sflag:s1], $0x800  }
0x102: {  	s2 =	rddreg [dreg:$0x7]  }
0x103: {  	s31 =	rddreg [dreg:$0x6];
	s2 =	sadd.s32 $0x1, s2  }
0x104: {  	p0 =	sne.s32 s2, s31  }
.Ltmp3:
0x105: {  	_ = 	snop;
	(pc) =	sbr.rel @p0 .LBB2_1-.Ltmp3, $3  }
0x106: {  	_ =	sdelay $0x1  }
0x107: {  	[sflag:s1] =	ssyncset.done $0x0  }
0x108: {  	[sflag:s1] =	ssyncadd.s32 $0xFFFFF800  }
0x109: {  	_ =	sfence.sel $0x180000  }
0x10a: {  	[bflag:$0x0] =	sbarrier.arrive $0xFFFF  }
0x10b: {  	_ =	strace $0x9000004A  }
0x10c: {  	s0 =	stileid.u32;
	[bflag:$0x2] =	sbarrier.arrive $0xFFFF  }
0x10d: {  	p0 =	sne.s32 s0, $0x0;
	s0 =	rddreg [dreg:$0x3]  }
0x10e: {  	s0 =	sadd.s32 @!p0 $0x100000, s0  }
0x10f: {  	[sflag:s0] =	ssyncadd.tile.s32 @!p0 $0x1;
	_ =	shalt  }
.Lfunc_end2:
_tile_overlayer_lowered:
.L_overlay_start_2:
0x110: {  	(tag) =	ssettag $0x2  }
0x111: {  	s0 =	rddreg [dreg:$0x0];
	s2 =	stileid.u32  }
0x112: {  	s1 =	rddreg [dreg:$0x1];
	p0 =	sne.s32 s2, $0x0  }
0x113: {  	s3 =	rddreg [dreg:$0x2];
	[bflag:$0x3] =	sbarrier.arrive $0xFFFF;
	s2 =	simm.s32 @!p0 $0x1C05  }
0x114: {  	[timem:s3], [sflag:s2] =	dma.local @!p0 [hbm:s0], s1  }
0x115: {  	s0 =	simm.s32 @!p0 $0x5  }
0x116: {  	_ =	swait.ge @!p0 [sflag:s0], s1  }
0x117: {  	s1 =	ssub.s32 @!p0 $0x0, s1;
	[sflag:s0] =	ssyncset.done @!p0 $0x0  }
0x118: {  	[sflag:s0] =	ssyncadd.s32 @!p0 s1  }
0x119: {  	[bflag:$0x3] =	sbarrier.arrive $0xFFFF  }
0x11a: {  	_ =	shalt  }

</sc_bundles>
